<compile_context>
chip_gen: v7x
topology: tpu7x:2x2x1
jax: 0.10.2.dev20260603
libtpu: 0.0.44.dev20260713+nightly
codegen_flags: <defaults>
</compile_context>

<pallas_src>
import functools

import jax
import jax.numpy as jnp
from jax import lax
from jax.experimental import pallas as pl
from jax.experimental.pallas import tpu as pltpu
from jax.experimental.pallas import tpu_sc as plsc

N = 10000
E = 320000
G = 64
IN_FEAT = 128
F = 192
TW = 128
WROW = 144
DEN_COL = 128
TW3 = 32
WROW3 = 48
DEN_COL3 = 32
NC = 2
NS = 16
NW = NC * NS
CH = 80
RPT = N // NS
BN = 1000


def _edge_kernel(featsplit):
  if featsplit:
    ns, sv, tw, wrow, den_col, ept = 2, 4, TW, WROW, DEN_COL, E // NS
  else:
    ns, sv, tw, wrow, den_col, ept = 1, 2, TW3, WROW3, DEN_COL3, E // NW
  nf = ns * sv
  nchunk = ept // CH
  att_shape = (NC, tw) if featsplit else (tw,)
  mesh = plsc.VectorSubcoreMesh(core_axis_name="c", subcore_axis_name="s")

  scratch = [
      pltpu.VMEM((CH,), jnp.int32),
      pltpu.VMEM((CH,), jnp.int32),
      pltpu.VMEM((CH,), jnp.int32),
      pltpu.VMEM((CH,), jnp.int32),
      pltpu.VMEM((CH, tw), jnp.float32),
      pltpu.VMEM((CH, tw), jnp.float32),
      pltpu.VMEM((CH, wrow), jnp.float32),
      pltpu.VMEM((tw,), jnp.float32),
      pltpu.VMEM_SHARED((N, wrow), jnp.float32),
      pltpu.SemaphoreType.DMA,
      pltpu.SemaphoreType.DMA,
  ]

  @functools.partial(
      pl.kernel, mesh=mesh,
      compiler_params=pltpu.CompilerParams(
          use_tc_tiling_on_sc=False, needs_layout_passes=False),
      out_type=jax.ShapeDtypeStruct((NC, N, wrow), jnp.float32),
      scratch_types=scratch,
  )
  def body(tl_hbm, tr_hbm, src_hbm, dst_hbm, att_hbm, out_hbm,
           src_v, dst_v, sidx_v, didx_v, xlt, xrt, wbuf, att_v,
           acc_sh, sem1, sem2):
    cid = lax.axis_index("c")
    sid = lax.axis_index("s")

    if featsplit:
      pltpu.sync_copy(att_hbm.at[cid], att_v)
    else:
      pltpu.sync_copy(att_hbm, att_v)

    zeros16 = jnp.zeros((16,), jnp.float32)

    def zrow(r, carry):
      for j in range(wrow // 16):
        wbuf[r, pl.ds(16 * j, 16)] = zeros16
      return carry
    lax.fori_loop(0, CH, zrow, 0)
    for q in range(RPT // CH):
      pltpu.sync_copy(wbuf, acc_sh.at[pl.ds(sid * RPT + q * CH, CH)])
    pltpu.sync_copy(wbuf.at[pl.ds(0, RPT % CH)],
                    acc_sh.at[pl.ds(sid * RPT + RPT - RPT % CH, RPT % CH)])
    plsc.subcore_barrier()

    att_regs = [att_v[pl.ds(16 * j, 16)] for j in range(nf)]
    lane = lax.broadcasted_iota(jnp.int32, (16,), 0)

    def chunk_body(k, carry):
      if featsplit:
        base = sid * ept + k * CH
      else:
        base = (sid * NC + cid) * ept + k * CH
      i1 = pltpu.async_copy(src_hbm.at[pl.ds(base, CH)], src_v, sem1)
      i2 = pltpu.async_copy(dst_hbm.at[pl.ds(base, CH)], dst_v, sem2)
      i1.wait()
      i2.wait()
      if featsplit:
        off = cid * N
        for g in range(CH // 16):
          sl = pl.ds(16 * g, 16)
          sidx_v[sl] = src_v[sl] + off
          didx_v[sl] = dst_v[sl] + off
        c1 = pltpu.async_copy(tl_hbm.at[sidx_v], xlt, sem1)
        c2 = pltpu.async_copy(tr_hbm.at[didx_v], xrt, sem2)
        c1.wait()
        c2.wait()
      else:
        c1 = pltpu.async_copy(tl_hbm.at[src_v], xlt, sem1)
        c2 = pltpu.async_copy(tr_hbm.at[dst_v], xrt, sem2)
        c1.wait()
        c2.wait()

      def edge_body(e, c2):
        dvec = zeros16
        for s in range(ns):
          acc = zeros16
          xls = []
          for t in range(sv):
            j = s * sv + t
            a = xlt[e, pl.ds(16 * j, 16)]
            b = xrt[e, pl.ds(16 * j, 16)]
            u = a + b
            lr = jnp.maximum(u, 0.2 * u)
            acc = acc + lr * att_regs[j]
            xls.append(a)
          logit = jnp.sum(acc)
          exv = jnp.exp(jnp.full((16,), logit, jnp.float32))
          for t in range(sv):
            j = s * sv + t
            wbuf[e, pl.ds(16 * j, 16)] = xls[t] * exv
          if featsplit:
            den_lane = cid * ns + s
          else:
            den_lane = s
          dvec = dvec + jnp.where(lane == den_lane, exv, 0.0)
        wbuf[e, pl.ds(den_col, 16)] = dvec
        return c2

      lax.fori_loop(0, CH, edge_body, 0)
      pltpu.sync_copy(wbuf, acc_sh.at[dst_v], add=True)
      return carry

    lax.fori_loop(0, nchunk, chunk_body, 0)

    plsc.subcore_barrier()
    pltpu.sync_copy(acc_sh.at[pl.ds(sid * RPT, RPT)],
                    out_hbm.at[cid, pl.ds(sid * RPT, RPT)])

  return body


_edge_cache = {}


def _edge(featsplit):
  if featsplit not in _edge_cache:
    _edge_cache[featsplit] = _edge_kernel(featsplit)
  return _edge_cache[featsplit]


def _split_tables(y_ref, o_ref):
  y = y_ref
  o_ref[0] = y[:, :TW]
  o_ref[1] = jnp.concatenate(
      [y[:, TW:F], jnp.zeros((y.shape[0], 2 * TW - F), jnp.float32)], axis=1)


def _mm0_body(x_ref, wl_ref, wr_ref, ol_ref, or_ref):
  xb = x_ref[...]
  _split_tables(jnp.dot(xb, wl_ref[...], preferred_element_type=jnp.float32),
                ol_ref)
  _split_tables(jnp.dot(xb, wr_ref[...], preferred_element_type=jnp.float32),
                or_ref)


def _mm0(x, wl, wr):
  return pl.pallas_call(
      _mm0_body,
      grid=(N // BN,),
      in_specs=[
          pl.BlockSpec((BN, IN_FEAT), lambda i: (i, 0)),
          pl.BlockSpec((IN_FEAT, F), lambda i: (0, 0)),
          pl.BlockSpec((IN_FEAT, F), lambda i: (0, 0)),
      ],
      out_specs=[
          pl.BlockSpec((NC, BN, TW), lambda i: (0, i, 0)),
          pl.BlockSpec((NC, BN, TW), lambda i: (0, i, 0)),
      ],
      out_shape=[
          jax.ShapeDtypeStruct((NC, N, TW), jnp.float32),
          jax.ShapeDtypeStruct((NC, N, TW), jnp.float32),
      ],
  )(x, wl, wr)


def _normalize(acc_ref, b_ref):
  a0 = acc_ref[0]
  a1 = acc_ref[1]
  f = jnp.concatenate([a0[:, :TW], a1[:, :F - TW]], axis=1)
  d3 = a0[:, DEN_COL:DEN_COL + 3] + a1[:, DEN_COL:DEN_COL + 3]
  r3 = lax.broadcasted_iota(jnp.int32, (3, F), 0)
  c3 = lax.broadcasted_iota(jnp.int32, (3, F), 1) // 64
  sel = (r3 == c3).astype(jnp.float32)
  den = jnp.dot(d3, sel, preferred_element_type=jnp.float32)
  return f / (den + 1e-16) + b_ref[...]


def _comb_mm_body(acc_ref, b_ref, wl_ref, wr_ref, ol_ref, or_ref):
  xb = _normalize(acc_ref, b_ref)
  _split_tables(jnp.dot(xb, wl_ref[...], preferred_element_type=jnp.float32),
                ol_ref)
  _split_tables(jnp.dot(xb, wr_ref[...], preferred_element_type=jnp.float32),
                or_ref)


def _comb_mm(acc, b, wl, wr):
  return pl.pallas_call(
      _comb_mm_body,
      grid=(N // BN,),
      in_specs=[
          pl.BlockSpec((NC, BN, WROW), lambda i: (0, i, 0)),
          pl.BlockSpec((1, F), lambda i: (0, 0)),
          pl.BlockSpec((F, F), lambda i: (0, 0)),
          pl.BlockSpec((F, F), lambda i: (0, 0)),
      ],
      out_specs=[
          pl.BlockSpec((NC, BN, TW), lambda i: (0, i, 0)),
          pl.BlockSpec((NC, BN, TW), lambda i: (0, i, 0)),
      ],
      out_shape=[
          jax.ShapeDtypeStruct((NC, N, TW), jnp.float32),
          jax.ShapeDtypeStruct((NC, N, TW), jnp.float32),
      ],
  )(acc, b, wl, wr)


def _comb_mm3_body(acc_ref, b_ref, wl_ref, wr_ref, ol_ref, or_ref):
  xb = _normalize(acc_ref, b_ref)
  ol_ref[...] = jnp.dot(xb, wl_ref[...], preferred_element_type=jnp.float32)
  or_ref[...] = jnp.dot(xb, wr_ref[...], preferred_element_type=jnp.float32)


def _comb_mm3(acc, b, wl, wr):
  return pl.pallas_call(
      _comb_mm3_body,
      grid=(N // BN,),
      in_specs=[
          pl.BlockSpec((NC, BN, WROW), lambda i: (0, i, 0)),
          pl.BlockSpec((1, F), lambda i: (0, 0)),
          pl.BlockSpec((F, TW3), lambda i: (0, 0)),
          pl.BlockSpec((F, TW3), lambda i: (0, 0)),
      ],
      out_specs=[
          pl.BlockSpec((BN, TW3), lambda i: (i, 0)),
          pl.BlockSpec((BN, TW3), lambda i: (i, 0)),
      ],
      out_shape=[
          jax.ShapeDtypeStruct((N, TW3), jnp.float32),
          jax.ShapeDtypeStruct((N, TW3), jnp.float32),
      ],
  )(acc, b, wl, wr)


def _final_body(acc_ref, b_ref, batch_ref, out_ref):
  i = pl.program_id(0)
  a0 = acc_ref[0]
  a1 = acc_ref[1]
  f = a0[:, :20] + a1[:, :20]
  den = a0[:, DEN_COL3:DEN_COL3 + 1] + a1[:, DEN_COL3:DEN_COL3 + 1]
  h = f / (den + 1e-16) + b_ref[...]
  bt = batch_ref[0]
  oh = (lax.broadcasted_iota(jnp.int32, (G, BN), 0) == bt).astype(jnp.float32)
  p = jnp.dot(oh, h, preferred_element_type=jnp.float32)

  @pl.when(i == 0)
  def _():
    out_ref[...] = jnp.zeros_like(out_ref)

  out_ref[...] += p


def _final(acc, b, batch_r):
  return pl.pallas_call(
      _final_body,
      grid=(N // BN,),
      in_specs=[
          pl.BlockSpec((NC, BN, WROW3), lambda i: (0, i, 0)),
          pl.BlockSpec((1, 20), lambda i: (0, 0)),
          pl.BlockSpec((1, 1, BN), lambda i: (i, 0, 0)),
      ],
      out_specs=pl.BlockSpec((G, 20), lambda i: (0, 0)),
      out_shape=jax.ShapeDtypeStruct((G, 20), jnp.float32),
  )(acc, b, batch_r)


def _att_split(att):
  a = att.reshape(-1)
  return jnp.stack([a[:TW], jnp.pad(a[TW:], (0, 2 * TW - F))])


def kernel(x, edge_index, batch, Wl0, Wr0, att0, b0, Wl1, Wr1, att1, b1,
           Wl2, Wr2, att2, b2, Wl3, Wr3, att3, b3):
  src = edge_index[0]
  dst = edge_index[1]

  tl0, tr0 = _mm0(x, Wl0, Wr0)
  acc0 = _edge(True)(tl0.reshape(NC * N, TW), tr0.reshape(NC * N, TW),
                src, dst, _att_split(att0))

  tl1, tr1 = _comb_mm(acc0, b0.reshape(1, -1), Wl1, Wr1)
  acc1 = _edge(True)(tl1.reshape(NC * N, TW), tr1.reshape(NC * N, TW),
                src, dst, _att_split(att1))

  tl2, tr2 = _comb_mm(acc1, b1.reshape(1, -1), Wl2, Wr2)
  acc2 = _edge(True)(tl2.reshape(NC * N, TW), tr2.reshape(NC * N, TW),
                src, dst, _att_split(att2))

  wl3 = jnp.pad(Wl3, ((0, 0), (0, TW3 - 20)))
  wr3 = jnp.pad(Wr3, ((0, 0), (0, TW3 - 20)))
  xl3, xr3 = _comb_mm3(acc2, b2.reshape(1, -1), wl3, wr3)
  att3p = jnp.pad(att3.reshape(-1), (0, TW3 - 20))
  acc3 = _edge(False)(xl3, xr3, src, dst, att3p)

  return _final(acc3, b3.reshape(1, -1), batch.reshape(N // BN, 1, BN))

# --- scband reference (transcript-rebuilt; emitter-appended) ---
"""Pipeline reference for scband-gatencoder-48799418417430 (READ-ONLY COPY).

The authoritative reference and input builder live on the scoring server;
editing this copy changes nothing except your own understanding.
"""

import jax, jax.numpy as jnp
import numpy as np

N = 10000
E = 320000
NUM_GRAPHS = 64
IN_FEAT = 128
HIDD = 64
HEADS = 3
OUT_FEAT = 20


def _gatv2(x, src, dst, Wl, Wr, att, b, heads, out_ch):
    xl = (x @ Wl).reshape(-1, heads, out_ch)
    xr = (x @ Wr).reshape(-1, heads, out_ch)
    e = jax.nn.leaky_relu(xl[src] + xr[dst], 0.2)
    logits = jnp.sum(e * att[None, :, :], axis=-1)
    m = jax.ops.segment_max(logits, dst, num_segments=N)
    m = jnp.where(jnp.isfinite(m), m, 0.0)
    m = jax.lax.stop_gradient(m)
    ex = jnp.exp(logits - m[dst])
    denom = jax.ops.segment_sum(ex, dst, num_segments=N)
    alpha = ex / (denom[dst] + 1e-16)
    out = jax.ops.segment_sum(xl[src] * alpha[..., None], dst, num_segments=N)
    return out.reshape(N, heads * out_ch) + b


def setup_inputs(seed: int = 0):
    key = jax.random.key(seed)
    ks = jax.random.split(key, 24)
    inp = {}
    inp['x'] = jax.random.normal(ks[0], (N, IN_FEAT), dtype=jnp.float32)
    inp['edge_index'] = jax.random.randint(ks[1], (2, E), 0, N)
    inp['batch'] = jnp.sort(jax.random.randint(ks[2], (N,), 0, NUM_GRAPHS))
    dims = [(IN_FEAT, HIDD, HEADS), (HIDD * HEADS, HIDD, HEADS), (HIDD * HEADS, HIDD, HEADS), (HIDD * HEADS, OUT_FEAT, 1)]
    for i, (din, dout, h) in enumerate(dims):
        inp['Wl%d' % i] = jax.random.normal(ks[3 + 4 * i], (din, h * dout), dtype=jnp.float32) * (1.0 / np.sqrt(din))
        inp['Wr%d' % i] = jax.random.normal(ks[4 + 4 * i], (din, h * dout), dtype=jnp.float32) * (1.0 / np.sqrt(din))
        inp['att%d' % i] = jax.random.normal(ks[5 + 4 * i], (h, dout), dtype=jnp.float32) * 0.1
        inp['b%d' % i] = jnp.zeros((h * dout,), dtype=jnp.float32)
    return inp


def reference(x, edge_index, batch, Wl0, Wr0, att0, b0, Wl1, Wr1, att1, b1, Wl2, Wr2, att2, b2, Wl3, Wr3, att3, b3):
    src, dst = edge_index[0], edge_index[1]
    h = _gatv2(x, src, dst, Wl0, Wr0, att0, b0, HEADS, HIDD)
    h = _gatv2(h, src, dst, Wl1, Wr1, att1, b1, HEADS, HIDD)
    h = _gatv2(h, src, dst, Wl2, Wr2, att2, b2, HEADS, HIDD)
    h = _gatv2(h, src, dst, Wl3, Wr3, att3, b3, 1, OUT_FEAT)
    return jax.ops.segment_sum(h, batch, num_segments=NUM_GRAPHS)

if __name__ == "__main__":
    import jax
    _d = setup_inputs()
    print(jax.jit(kernel)(*tuple(_d.values())))

</pallas_src>

<mosaic_0001>
#map = affine_map<(d0, d1) -> (0, 0)>
#map1 = affine_map<(d0, d1) -> (0)>
#map2 = affine_map<(d0, d1) -> (0, 0, 0)>
module attributes {stable_mosaic.version = 14 : i64} {
  func.func @body(%arg0: i32, %arg1: i32, %arg2: memref<20000x128xf32, #tpu.memory_space<hbm>>, %arg3: memref<20000x128xf32, #tpu.memory_space<hbm>>, %arg4: memref<320000xi32, #tpu.memory_space<hbm>>, %arg5: memref<320000xi32, #tpu.memory_space<hbm>>, %arg6: memref<2x128xf32, #tpu.memory_space<hbm>>, %arg7: memref<2x10000x144xf32, #tpu.memory_space<hbm>>, %arg8: memref<80xi32, #tpu.memory_space<vmem>>, %arg9: memref<80xi32, #tpu.memory_space<vmem>>, %arg10: memref<80xi32, #tpu.memory_space<vmem>>, %arg11: memref<80xi32, #tpu.memory_space<vmem>>, %arg12: memref<80x128xf32, #tpu.memory_space<vmem>>, %arg13: memref<80x128xf32, #tpu.memory_space<vmem>>, %arg14: memref<80x144xf32, #tpu.memory_space<vmem>>, %arg15: memref<128xf32, #tpu.memory_space<vmem>>, %arg16: memref<10000x144xf32, #tpu.memory_space<vmem_shared>>, %arg17: memref<!tpu.dma_semaphore, #tpu.memory_space<semaphore_mem>>, %arg18: memref<!tpu.dma_semaphore, #tpu.memory_space<semaphore_mem>>) attributes {dimension_semantics = [#tpu.dimension_semantics<core_parallel>, #tpu.dimension_semantics<subcore_parallel>], iteration_bounds = array<i64: 2, 16>, scalar_prefetch = 0 : i64, scratch_operands = 11 : i64, tpu.core_type = #tpu.core_type<sc_vector_subcore>, window_params = [{transform_indices = #map}, {transform_indices = #map}, {transform_indices = #map1}, {transform_indices = #map1}, {transform_indices = #map}, {transform_indices = #map2}]} {
    "tpu.region"() ({
      %run_scoped3A = tpu.sem_alloc : memref<!tpu.dma_semaphore, #tpu.memory_space<semaphore_mem>>
      %dma_start3A = arith.constant 0 : i32
      %dma_start3A_63 = tpu.memref_slice %arg6[%arg0, %dma_start3A] : memref<2x128xf32, #tpu.memory_space<hbm>> -> memref<1x128xf32, #tpu.memory_space<hbm>>
      %dma_start3A_64 = tpu.memref_squeeze %dma_start3A_63 : memref<1x128xf32, #tpu.memory_space<hbm>> -> memref<128xf32, #tpu.memory_space<hbm>>
      %dma_start3A_65 = arith.constant 0 : i32
      %dma_start3A_66 = tpu.memref_slice %arg6[%arg0, %dma_start3A_65] : memref<2x128xf32, #tpu.memory_space<hbm>> -> memref<1x128xf32, #tpu.memory_space<hbm>>
      %dma_start3A_67 = tpu.memref_squeeze %dma_start3A_66 : memref<1x128xf32, #tpu.memory_space<hbm>> -> memref<128xf32, #tpu.memory_space<hbm>>
      tpu.enqueue_dma source(%dma_start3A_67 : memref<128xf32, #tpu.memory_space<hbm>>) target(%arg15 : memref<128xf32, #tpu.memory_space<vmem>>) target_semaphore(%run_scoped3A : memref<!tpu.dma_semaphore, #tpu.memory_space<semaphore_mem>>)
      %dma_wait3A = arith.constant 0 : i32
      %dma_wait3A_68 = tpu.memref_slice %arg6[%arg0, %dma_wait3A] : memref<2x128xf32, #tpu.memory_space<hbm>> -> memref<1x128xf32, #tpu.memory_space<hbm>>
      %dma_wait3A_69 = tpu.memref_squeeze %dma_wait3A_68 : memref<1x128xf32, #tpu.memory_space<hbm>> -> memref<128xf32, #tpu.memory_space<hbm>>
      %dma_wait3A_70 = arith.constant 0 : i32
      %dma_wait3A_71 = tpu.memref_slice %arg6[%arg0, %dma_wait3A_70] : memref<2x128xf32, #tpu.memory_space<hbm>> -> memref<1x128xf32, #tpu.memory_space<hbm>>
      %dma_wait3A_72 = tpu.memref_squeeze %dma_wait3A_71 : memref<1x128xf32, #tpu.memory_space<hbm>> -> memref<128xf32, #tpu.memory_space<hbm>>
      tpu.wait_dma2 semaphore(%run_scoped3A : memref<!tpu.dma_semaphore, #tpu.memory_space<semaphore_mem>>) src(%dma_wait3A_72 : memref<128xf32, #tpu.memory_space<hbm>>) dst(%arg15 : memref<128xf32, #tpu.memory_space<vmem>>)
      tpu.yield
    }) : () -> ()
    %broadcast_in_dim3A = arith.constant 0.000000e+00 : f32
    %broadcast_in_dim3A_0 = vector.broadcast %broadcast_in_dim3A : f32 to vector<16xf32>
    %scan3A = arith.constant 0 : i32
    %scan3A_1 = arith.constant 0 : i32
    %scan3A_2 = arith.constant 80 : i32
    %scan3A_3 = arith.addi %scan3A_1, %scan3A_2 : i32
    %scan3A_4 = arith.constant 1 : i32
    scf.for %scan3A_63 = %scan3A_1 to %scan3A_3 step %scan3A_4  : i32 {
      %swap3A = arith.index_cast %scan3A_63 : i32 to index
      %swap3A_64 = arith.constant 0 : index
      %swap3A_65 = tpu.vector_load %arg14[%swap3A, %swap3A_64] {strides = array<i32>} : memref<80x144xf32, #tpu.memory_space<vmem>>, vector<16xf32>,
      tpu.vector_store %arg14[%swap3A, %swap3A_64], %broadcast_in_dim3A_0 {strides = array<i32>} : memref<80x144xf32, #tpu.memory_space<vmem>>, vector<16xf32>,
      %swap3A_66 = arith.index_cast %scan3A_63 : i32 to index
      %swap3A_67 = arith.constant 16 : index
      %swap3A_68 = tpu.vector_load %arg14[%swap3A_66, %swap3A_67] {strides = array<i32>} : memref<80x144xf32, #tpu.memory_space<vmem>>, vector<16xf32>,
      tpu.vector_store %arg14[%swap3A_66, %swap3A_67], %broadcast_in_dim3A_0 {strides = array<i32>} : memref<80x144xf32, #tpu.memory_space<vmem>>, vector<16xf32>,
      %swap3A_69 = arith.index_cast %scan3A_63 : i32 to index
      %swap3A_70 = arith.constant 32 : index
      %swap3A_71 = tpu.vector_load %arg14[%swap3A_69, %swap3A_70] {strides = array<i32>} : memref<80x144xf32, #tpu.memory_space<vmem>>, vector<16xf32>,
      tpu.vector_store %arg14[%swap3A_69, %swap3A_70], %broadcast_in_dim3A_0 {strides = array<i32>} : memref<80x144xf32, #tpu.memory_space<vmem>>, vector<16xf32>,
      %swap3A_72 = arith.index_cast %scan3A_63 : i32 to index
      %swap3A_73 = arith.constant 48 : index
      %swap3A_74 = tpu.vector_load %arg14[%swap3A_72, %swap3A_73] {strides = array<i32>} : memref<80x144xf32, #tpu.memory_space<vmem>>, vector<16xf32>,
      tpu.vector_store %arg14[%swap3A_72, %swap3A_73], %broadcast_in_dim3A_0 {strides = array<i32>} : memref<80x144xf32, #tpu.memory_space<vmem>>, vector<16xf32>,
      %swap3A_75 = arith.index_cast %scan3A_63 : i32 to index
      %swap3A_76 = arith.constant 64 : index
      %swap3A_77 = tpu.vector_load %arg14[%swap3A_75, %swap3A_76] {strides = array<i32>} : memref<80x144xf32, #tpu.memory_space<vmem>>, vector<16xf32>,
      tpu.vector_store %arg14[%swap3A_75, %swap3A_76], %broadcast_in_dim3A_0 {strides = array<i32>} : memref<80x144xf32, #tpu.memory_space<vmem>>, vector<16xf32>,
      %swap3A_78 = arith.index_cast %scan3A_63 : i32 to index
      %swap3A_79 = arith.constant 80 : index
      %swap3A_80 = tpu.vector_load %arg14[%swap3A_78, %swap3A_79] {strides = array<i32>} : memref<80x144xf32, #tpu.memory_space<vmem>>, vector<16xf32>,
      tpu.vector_store %arg14[%swap3A_78, %swap3A_79], %broadcast_in_dim3A_0 {strides = array<i32>} : memref<80x144xf32, #tpu.memory_space<vmem>>, vector<16xf32>,
      %swap3A_81 = arith.index_cast %scan3A_63 : i32 to index
      %swap3A_82 = arith.constant 96 : index
      %swap3A_83 = tpu.vector_load %arg14[%swap3A_81, %swap3A_82] {strides = array<i32>} : memref<80x144xf32, #tpu.memory_space<vmem>>, vector<16xf32>,
      tpu.vector_store %arg14[%swap3A_81, %swap3A_82], %broadcast_in_dim3A_0 {strides = array<i32>} : memref<80x144xf32, #tpu.memory_space<vmem>>, vector<16xf32>,
      %swap3A_84 = arith.index_cast %scan3A_63 : i32 to index
      %swap3A_85 = arith.constant 112 : index
      %swap3A_86 = tpu.vector_load %arg14[%swap3A_84, %swap3A_85] {strides = array<i32>} : memref<80x144xf32, #tpu.memory_space<vmem>>, vector<16xf32>,
      tpu.vector_store %arg14[%swap3A_84, %swap3A_85], %broadcast_in_dim3A_0 {strides = array<i32>} : memref<80x144xf32, #tpu.memory_space<vmem>>, vector<16xf32>,
      %swap3A_87 = arith.index_cast %scan3A_63 : i32 to index
      %swap3A_88 = arith.constant 128 : index
      %swap3A_89 = tpu.vector_load %arg14[%swap3A_87, %swap3A_88] {strides = array<i32>} : memref<80x144xf32, #tpu.memory_space<vmem>>, vector<16xf32>,
      tpu.vector_store %arg14[%swap3A_87, %swap3A_88], %broadcast_in_dim3A_0 {strides = array<i32>} : memref<80x144xf32, #tpu.memory_space<vmem>>, vector<16xf32>,
    }
    %scan3A_5 = arith.constant 80 : i32
    %mul3A = arith.constant 625 : i32
    %mul3A_6 = arith.muli %arg1, %mul3A : i32
    %add3A = arith.constant 0 : i32
    %add3A_7 = arith.addi %mul3A_6, %add3A : i32
    "tpu.region"() ({
      %run_scoped3A = tpu.sem_alloc : memref<!tpu.dma_semaphore, #tpu.memory_space<semaphore_mem>>
      %dma_start3A = arith.constant 0 : i32
      %dma_start3A_63 = tpu.memref_slice %arg16[%add3A_7, %dma_start3A] : memref<10000x144xf32, #tpu.memory_space<vmem_shared>> -> memref<80x144xf32, #tpu.memory_space<vmem_shared>>
      %dma_start3A_64 = arith.constant 0 : i32
      %dma_start3A_65 = tpu.memref_slice %arg16[%add3A_7, %dma_start3A_64] : memref<10000x144xf32, #tpu.memory_space<vmem_shared>> -> memref<80x144xf32, #tpu.memory_space<vmem_shared>>
      tpu.enqueue_dma source(%arg14 : memref<80x144xf32, #tpu.memory_space<vmem>>) target(%dma_start3A_65 : memref<80x144xf32, #tpu.memory_space<vmem_shared>>) target_semaphore(%run_scoped3A : memref<!tpu.dma_semaphore, #tpu.memory_space<semaphore_mem>>)
      %dma_wait3A = arith.constant 0 : i32
      %dma_wait3A_66 = tpu.memref_slice %arg16[%add3A_7, %dma_wait3A] : memref<10000x144xf32, #tpu.memory_space<vmem_shared>> -> memref<80x144xf32, #tpu.memory_space<vmem_shared>>
      %dma_wait3A_67 = arith.constant 0 : i32
      %dma_wait3A_68 = tpu.memref_slice %arg16[%add3A_7, %dma_wait3A_67] : memref<10000x144xf32, #tpu.memory_space<vmem_shared>> -> memref<80x144xf32, #tpu.memory_space<vmem_shared>>
      tpu.wait_dma2 semaphore(%run_scoped3A : memref<!tpu.dma_semaphore, #tpu.memory_space<semaphore_mem>>) src(%arg14 : memref<80x144xf32, #tpu.memory_space<vmem>>) dst(%dma_wait3A_68 : memref<80x144xf32, #tpu.memory_space<vmem_shared>>)
      tpu.yield
    }) : () -> ()
    %mul3A_8 = arith.constant 625 : i32
    %mul3A_9 = arith.muli %arg1, %mul3A_8 : i32
    %add3A_10 = arith.constant 80 : i32
    %add3A_11 = arith.addi %mul3A_9, %add3A_10 : i32
    "tpu.region"() ({
      %run_scoped3A = tpu.sem_alloc : memref<!tpu.dma_semaphore, #tpu.memory_space<semaphore_mem>>
      %dma_start3A = arith.constant 0 : i32
      %dma_start3A_63 = tpu.memref_slice %arg16[%add3A_11, %dma_start3A] : memref<10000x144xf32, #tpu.memory_space<vmem_shared>> -> memref<80x144xf32, #tpu.memory_space<vmem_shared>>
      %dma_start3A_64 = arith.constant 0 : i32
      %dma_start3A_65 = tpu.memref_slice %arg16[%add3A_11, %dma_start3A_64] : memref<10000x144xf32, #tpu.memory_space<vmem_shared>> -> memref<80x144xf32, #tpu.memory_space<vmem_shared>>
      tpu.enqueue_dma source(%arg14 : memref<80x144xf32, #tpu.memory_space<vmem>>) target(%dma_start3A_65 : memref<80x144xf32, #tpu.memory_space<vmem_shared>>) target_semaphore(%run_scoped3A : memref<!tpu.dma_semaphore, #tpu.memory_space<semaphore_mem>>)
      %dma_wait3A = arith.constant 0 : i32
      %dma_wait3A_66 = tpu.memref_slice %arg16[%add3A_11, %dma_wait3A] : memref<10000x144xf32, #tpu.memory_space<vmem_shared>> -> memref<80x144xf32, #tpu.memory_space<vmem_shared>>
      %dma_wait3A_67 = arith.constant 0 : i32
      %dma_wait3A_68 = tpu.memref_slice %arg16[%add3A_11, %dma_wait3A_67] : memref<10000x144xf32, #tpu.memory_space<vmem_shared>> -> memref<80x144xf32, #tpu.memory_space<vmem_shared>>
      tpu.wait_dma2 semaphore(%run_scoped3A : memref<!tpu.dma_semaphore, #tpu.memory_space<semaphore_mem>>) src(%arg14 : memref<80x144xf32, #tpu.memory_space<vmem>>) dst(%dma_wait3A_68 : memref<80x144xf32, #tpu.memory_space<vmem_shared>>)
      tpu.yield
    }) : () -> ()
    %mul3A_12 = arith.constant 625 : i32
    %mul3A_13 = arith.muli %arg1, %mul3A_12 : i32
    %add3A_14 = arith.constant 160 : i32
    %add3A_15 = arith.addi %mul3A_13, %add3A_14 : i32
    "tpu.region"() ({
      %run_scoped3A = tpu.sem_alloc : memref<!tpu.dma_semaphore, #tpu.memory_space<semaphore_mem>>
      %dma_start3A = arith.constant 0 : i32
      %dma_start3A_63 = tpu.memref_slice %arg16[%add3A_15, %dma_start3A] : memref<10000x144xf32, #tpu.memory_space<vmem_shared>> -> memref<80x144xf32, #tpu.memory_space<vmem_shared>>
      %dma_start3A_64 = arith.constant 0 : i32
      %dma_start3A_65 = tpu.memref_slice %arg16[%add3A_15, %dma_start3A_64] : memref<10000x144xf32, #tpu.memory_space<vmem_shared>> -> memref<80x144xf32, #tpu.memory_space<vmem_shared>>
      tpu.enqueue_dma source(%arg14 : memref<80x144xf32, #tpu.memory_space<vmem>>) target(%dma_start3A_65 : memref<80x144xf32, #tpu.memory_space<vmem_shared>>) target_semaphore(%run_scoped3A : memref<!tpu.dma_semaphore, #tpu.memory_space<semaphore_mem>>)
      %dma_wait3A = arith.constant 0 : i32
      %dma_wait3A_66 = tpu.memref_slice %arg16[%add3A_15, %dma_wait3A] : memref<10000x144xf32, #tpu.memory_space<vmem_shared>> -> memref<80x144xf32, #tpu.memory_space<vmem_shared>>
      %dma_wait3A_67 = arith.constant 0 : i32
      %dma_wait3A_68 = tpu.memref_slice %arg16[%add3A_15, %dma_wait3A_67] : memref<10000x144xf32, #tpu.memory_space<vmem_shared>> -> memref<80x144xf32, #tpu.memory_space<vmem_shared>>
      tpu.wait_dma2 semaphore(%run_scoped3A : memref<!tpu.dma_semaphore, #tpu.memory_space<semaphore_mem>>) src(%arg14 : memref<80x144xf32, #tpu.memory_space<vmem>>) dst(%dma_wait3A_68 : memref<80x144xf32, #tpu.memory_space<vmem_shared>>)
      tpu.yield
    }) : () -> ()
    %mul3A_16 = arith.constant 625 : i32
    %mul3A_17 = arith.muli %arg1, %mul3A_16 : i32
    %add3A_18 = arith.constant 240 : i32
    %add3A_19 = arith.addi %mul3A_17, %add3A_18 : i32
    "tpu.region"() ({
      %run_scoped3A = tpu.sem_alloc : memref<!tpu.dma_semaphore, #tpu.memory_space<semaphore_mem>>
      %dma_start3A = arith.constant 0 : i32
      %dma_start3A_63 = tpu.memref_slice %arg16[%add3A_19, %dma_start3A] : memref<10000x144xf32, #tpu.memory_space<vmem_shared>> -> memref<80x144xf32, #tpu.memory_space<vmem_shared>>
      %dma_start3A_64 = arith.constant 0 : i32
      %dma_start3A_65 = tpu.memref_slice %arg16[%add3A_19, %dma_start3A_64] : memref<10000x144xf32, #tpu.memory_space<vmem_shared>> -> memref<80x144xf32, #tpu.memory_space<vmem_shared>>
      tpu.enqueue_dma source(%arg14 : memref<80x144xf32, #tpu.memory_space<vmem>>) target(%dma_start3A_65 : memref<80x144xf32, #tpu.memory_space<vmem_shared>>) target_semaphore(%run_scoped3A : memref<!tpu.dma_semaphore, #tpu.memory_space<semaphore_mem>>)
      %dma_wait3A = arith.constant 0 : i32
      %dma_wait3A_66 = tpu.memref_slice %arg16[%add3A_19, %dma_wait3A] : memref<10000x144xf32, #tpu.memory_space<vmem_shared>> -> memref<80x144xf32, #tpu.memory_space<vmem_shared>>
      %dma_wait3A_67 = arith.constant 0 : i32
      %dma_wait3A_68 = tpu.memref_slice %arg16[%add3A_19, %dma_wait3A_67] : memref<10000x144xf32, #tpu.memory_space<vmem_shared>> -> memref<80x144xf32, #tpu.memory_space<vmem_shared>>
      tpu.wait_dma2 semaphore(%run_scoped3A : memref<!tpu.dma_semaphore, #tpu.memory_space<semaphore_mem>>) src(%arg14 : memref<80x144xf32, #tpu.memory_space<vmem>>) dst(%dma_wait3A_68 : memref<80x144xf32, #tpu.memory_space<vmem_shared>>)
      tpu.yield
    }) : () -> ()
    %mul3A_20 = arith.constant 625 : i32
    %mul3A_21 = arith.muli %arg1, %mul3A_20 : i32
    %add3A_22 = arith.constant 320 : i32
    %add3A_23 = arith.addi %mul3A_21, %add3A_22 : i32
    "tpu.region"() ({
      %run_scoped3A = tpu.sem_alloc : memref<!tpu.dma_semaphore, #tpu.memory_space<semaphore_mem>>
      %dma_start3A = arith.constant 0 : i32
      %dma_start3A_63 = tpu.memref_slice %arg16[%add3A_23, %dma_start3A] : memref<10000x144xf32, #tpu.memory_space<vmem_shared>> -> memref<80x144xf32, #tpu.memory_space<vmem_shared>>
      %dma_start3A_64 = arith.constant 0 : i32
      %dma_start3A_65 = tpu.memref_slice %arg16[%add3A_23, %dma_start3A_64] : memref<10000x144xf32, #tpu.memory_space<vmem_shared>> -> memref<80x144xf32, #tpu.memory_space<vmem_shared>>
      tpu.enqueue_dma source(%arg14 : memref<80x144xf32, #tpu.memory_space<vmem>>) target(%dma_start3A_65 : memref<80x144xf32, #tpu.memory_space<vmem_shared>>) target_semaphore(%run_scoped3A : memref<!tpu.dma_semaphore, #tpu.memory_space<semaphore_mem>>)
      %dma_wait3A = arith.constant 0 : i32
      %dma_wait3A_66 = tpu.memref_slice %arg16[%add3A_23, %dma_wait3A] : memref<10000x144xf32, #tpu.memory_space<vmem_shared>> -> memref<80x144xf32, #tpu.memory_space<vmem_shared>>
      %dma_wait3A_67 = arith.constant 0 : i32
      %dma_wait3A_68 = tpu.memref_slice %arg16[%add3A_23, %dma_wait3A_67] : memref<10000x144xf32, #tpu.memory_space<vmem_shared>> -> memref<80x144xf32, #tpu.memory_space<vmem_shared>>
      tpu.wait_dma2 semaphore(%run_scoped3A : memref<!tpu.dma_semaphore, #tpu.memory_space<semaphore_mem>>) src(%arg14 : memref<80x144xf32, #tpu.memory_space<vmem>>) dst(%dma_wait3A_68 : memref<80x144xf32, #tpu.memory_space<vmem_shared>>)
      tpu.yield
    }) : () -> ()
    %mul3A_24 = arith.constant 625 : i32
    %mul3A_25 = arith.muli %arg1, %mul3A_24 : i32
    %add3A_26 = arith.constant 400 : i32
    %add3A_27 = arith.addi %mul3A_25, %add3A_26 : i32
    "tpu.region"() ({
      %run_scoped3A = tpu.sem_alloc : memref<!tpu.dma_semaphore, #tpu.memory_space<semaphore_mem>>
      %dma_start3A = arith.constant 0 : i32
      %dma_start3A_63 = tpu.memref_slice %arg16[%add3A_27, %dma_start3A] : memref<10000x144xf32, #tpu.memory_space<vmem_shared>> -> memref<80x144xf32, #tpu.memory_space<vmem_shared>>
      %dma_start3A_64 = arith.constant 0 : i32
      %dma_start3A_65 = tpu.memref_slice %arg16[%add3A_27, %dma_start3A_64] : memref<10000x144xf32, #tpu.memory_space<vmem_shared>> -> memref<80x144xf32, #tpu.memory_space<vmem_shared>>
      tpu.enqueue_dma source(%arg14 : memref<80x144xf32, #tpu.memory_space<vmem>>) target(%dma_start3A_65 : memref<80x144xf32, #tpu.memory_space<vmem_shared>>) target_semaphore(%run_scoped3A : memref<!tpu.dma_semaphore, #tpu.memory_space<semaphore_mem>>)
      %dma_wait3A = arith.constant 0 : i32
      %dma_wait3A_66 = tpu.memref_slice %arg16[%add3A_27, %dma_wait3A] : memref<10000x144xf32, #tpu.memory_space<vmem_shared>> -> memref<80x144xf32, #tpu.memory_space<vmem_shared>>
      %dma_wait3A_67 = arith.constant 0 : i32
      %dma_wait3A_68 = tpu.memref_slice %arg16[%add3A_27, %dma_wait3A_67] : memref<10000x144xf32, #tpu.memory_space<vmem_shared>> -> memref<80x144xf32, #tpu.memory_space<vmem_shared>>
      tpu.wait_dma2 semaphore(%run_scoped3A : memref<!tpu.dma_semaphore, #tpu.memory_space<semaphore_mem>>) src(%arg14 : memref<80x144xf32, #tpu.memory_space<vmem>>) dst(%dma_wait3A_68 : memref<80x144xf32, #tpu.memory_space<vmem_shared>>)
      tpu.yield
    }) : () -> ()
    %mul3A_28 = arith.constant 625 : i32
    %mul3A_29 = arith.muli %arg1, %mul3A_28 : i32
    %add3A_30 = arith.constant 480 : i32
    %add3A_31 = arith.addi %mul3A_29, %add3A_30 : i32
    "tpu.region"() ({
      %run_scoped3A = tpu.sem_alloc : memref<!tpu.dma_semaphore, #tpu.memory_space<semaphore_mem>>
      %dma_start3A = arith.constant 0 : i32
      %dma_start3A_63 = tpu.memref_slice %arg16[%add3A_31, %dma_start3A] : memref<10000x144xf32, #tpu.memory_space<vmem_shared>> -> memref<80x144xf32, #tpu.memory_space<vmem_shared>>
      %dma_start3A_64 = arith.constant 0 : i32
      %dma_start3A_65 = tpu.memref_slice %arg16[%add3A_31, %dma_start3A_64] : memref<10000x144xf32, #tpu.memory_space<vmem_shared>> -> memref<80x144xf32, #tpu.memory_space<vmem_shared>>
      tpu.enqueue_dma source(%arg14 : memref<80x144xf32, #tpu.memory_space<vmem>>) target(%dma_start3A_65 : memref<80x144xf32, #tpu.memory_space<vmem_shared>>) target_semaphore(%run_scoped3A : memref<!tpu.dma_semaphore, #tpu.memory_space<semaphore_mem>>)
      %dma_wait3A = arith.constant 0 : i32
      %dma_wait3A_66 = tpu.memref_slice %arg16[%add3A_31, %dma_wait3A] : memref<10000x144xf32, #tpu.memory_space<vmem_shared>> -> memref<80x144xf32, #tpu.memory_space<vmem_shared>>
      %dma_wait3A_67 = arith.constant 0 : i32
      %dma_wait3A_68 = tpu.memref_slice %arg16[%add3A_31, %dma_wait3A_67] : memref<10000x144xf32, #tpu.memory_space<vmem_shared>> -> memref<80x144xf32, #tpu.memory_space<vmem_shared>>
      tpu.wait_dma2 semaphore(%run_scoped3A : memref<!tpu.dma_semaphore, #tpu.memory_space<semaphore_mem>>) src(%arg14 : memref<80x144xf32, #tpu.memory_space<vmem>>) dst(%dma_wait3A_68 : memref<80x144xf32, #tpu.memory_space<vmem_shared>>)
      tpu.yield
    }) : () -> ()
    %mul3A_32 = arith.constant 625 : i32
    %mul3A_33 = arith.muli %arg1, %mul3A_32 : i32
    %add3A_34 = arith.constant 625 : i32
    %add3A_35 = arith.addi %mul3A_33, %add3A_34 : i32
    %sub3A = arith.constant 65 : i32
    %sub3A_36 = arith.subi %add3A_35, %sub3A : i32
    "tpu.region"() ({
      %run_scoped3A = tpu.sem_alloc : memref<!tpu.dma_semaphore, #tpu.memory_space<semaphore_mem>>
      %dma_start3A = arith.constant 0 : i32
      %dma_start3A_63 = arith.constant 0 : i32
      %dma_start3A_64 = tpu.memref_slice %arg14[%dma_start3A, %dma_start3A_63] : memref<80x144xf32, #tpu.memory_space<vmem>> -> memref<65x144xf32, #tpu.memory_space<vmem>>
      %dma_start3A_65 = arith.constant 0 : i32
      %dma_start3A_66 = tpu.memref_slice %arg16[%sub3A_36, %dma_start3A_65] : memref<10000x144xf32, #tpu.memory_space<vmem_shared>> -> memref<65x144xf32, #tpu.memory_space<vmem_shared>>
      %dma_start3A_67 = arith.constant 0 : i32
      %dma_start3A_68 = tpu.memref_slice %arg16[%sub3A_36, %dma_start3A_67] : memref<10000x144xf32, #tpu.memory_space<vmem_shared>> -> memref<65x144xf32, #tpu.memory_space<vmem_shared>>
      %dma_start3A_69 = arith.constant 0 : i32
      %dma_start3A_70 = arith.constant 0 : i32
      %dma_start3A_71 = tpu.memref_slice %arg14[%dma_start3A_69, %dma_start3A_70] : memref<80x144xf32, #tpu.memory_space<vmem>> -> memref<65x144xf32, #tpu.memory_space<vmem>>
      tpu.enqueue_dma source(%dma_start3A_71 : memref<65x144xf32, #tpu.memory_space<vmem>>) target(%dma_start3A_68 : memref<65x144xf32, #tpu.memory_space<vmem_shared>>) target_semaphore(%run_scoped3A : memref<!tpu.dma_semaphore, #tpu.memory_space<semaphore_mem>>)
      %dma_wait3A = arith.constant 0 : i32
      %dma_wait3A_72 = arith.constant 0 : i32
      %dma_wait3A_73 = tpu.memref_slice %arg14[%dma_wait3A, %dma_wait3A_72] : memref<80x144xf32, #tpu.memory_space<vmem>> -> memref<65x144xf32, #tpu.memory_space<vmem>>
      %dma_wait3A_74 = arith.constant 0 : i32
      %dma_wait3A_75 = tpu.memref_slice %arg16[%sub3A_36, %dma_wait3A_74] : memref<10000x144xf32, #tpu.memory_space<vmem_shared>> -> memref<65x144xf32, #tpu.memory_space<vmem_shared>>
      %dma_wait3A_76 = arith.constant 0 : i32
      %dma_wait3A_77 = tpu.memref_slice %arg16[%sub3A_36, %dma_wait3A_76] : memref<10000x144xf32, #tpu.memory_space<vmem_shared>> -> memref<65x144xf32, #tpu.memory_space<vmem_shared>>
      %dma_wait3A_78 = arith.constant 0 : i32
      %dma_wait3A_79 = arith.constant 0 : i32
      %dma_wait3A_80 = tpu.memref_slice %arg14[%dma_wait3A_78, %dma_wait3A_79] : memref<80x144xf32, #tpu.memory_space<vmem>> -> memref<65x144xf32, #tpu.memory_space<vmem>>
      tpu.wait_dma2 semaphore(%run_scoped3A : memref<!tpu.dma_semaphore, #tpu.memory_space<semaphore_mem>>) src(%dma_wait3A_80 : memref<65x144xf32, #tpu.memory_space<vmem>>) dst(%dma_wait3A_77 : memref<65x144xf32, #tpu.memory_space<vmem_shared>>)
      tpu.yield
    }) : () -> ()
    %barrier3A = arith.constant 0 : index
    tpu.barrier barrier_id(%barrier3A)
    %get3A = arith.constant 0 : index
    %get3A_37 = tpu.vector_load %arg15[%get3A] {strides = array<i32>} : memref<128xf32, #tpu.memory_space<vmem>>, vector<16xf32>,
    %get3A_38 = arith.constant 16 : index
    %get3A_39 = tpu.vector_load %arg15[%get3A_38] {strides = array<i32>} : memref<128xf32, #tpu.memory_space<vmem>>, vector<16xf32>,
    %get3A_40 = arith.constant 32 : index
    %get3A_41 = tpu.vector_load %arg15[%get3A_40] {strides = array<i32>} : memref<128xf32, #tpu.memory_space<vmem>>, vector<16xf32>,
    %get3A_42 = arith.constant 48 : index
    %get3A_43 = tpu.vector_load %arg15[%get3A_42] {strides = array<i32>} : memref<128xf32, #tpu.memory_space<vmem>>, vector<16xf32>,
    %get3A_44 = arith.constant 64 : index
    %get3A_45 = tpu.vector_load %arg15[%get3A_44] {strides = array<i32>} : memref<128xf32, #tpu.memory_space<vmem>>, vector<16xf32>,
    %get3A_46 = arith.constant 80 : index
    %get3A_47 = tpu.vector_load %arg15[%get3A_46] {strides = array<i32>} : memref<128xf32, #tpu.memory_space<vmem>>, vector<16xf32>,
    %get3A_48 = arith.constant 96 : index
    %get3A_49 = tpu.vector_load %arg15[%get3A_48] {strides = array<i32>} : memref<128xf32, #tpu.memory_space<vmem>>, vector<16xf32>,
    %get3A_50 = arith.constant 112 : index
    %get3A_51 = tpu.vector_load %arg15[%get3A_50] {strides = array<i32>} : memref<128xf32, #tpu.memory_space<vmem>>, vector<16xf32>,
    %iota3A = tpu.iota {dimensions = array<i32: 0>} : vector<16xi32>
    %scan3A_52 = arith.constant 0 : i32
    %scan3A_53 = arith.constant 0 : i32
    %scan3A_54 = arith.constant 250 : i32
    %scan3A_55 = arith.addi %scan3A_53, %scan3A_54 : i32
    %scan3A_56 = arith.constant 1 : i32
    scf.for %scan3A_63 = %scan3A_53 to %scan3A_55 step %scan3A_56  : i32 {
      %mul3A_64 = arith.constant 20000 : i32
      %mul3A_65 = arith.muli %arg1, %mul3A_64 : i32
      %mul3A_66 = arith.constant 80 : i32
      %mul3A_67 = arith.muli %scan3A_63, %mul3A_66 : i32
      %add3A_68 = arith.addi %mul3A_65, %mul3A_67 : i32
      %dma_start3A = tpu.memref_slice %arg4[%add3A_68] : memref<320000xi32, #tpu.memory_space<hbm>> -> memref<80xi32, #tpu.memory_space<hbm>>
      %dma_start3A_69 = tpu.memref_slice %arg4[%add3A_68] : memref<320000xi32, #tpu.memory_space<hbm>> -> memref<80xi32, #tpu.memory_space<hbm>>
      tpu.enqueue_dma source(%dma_start3A_69 : memref<80xi32, #tpu.memory_space<hbm>>) target(%arg8 : memref<80xi32, #tpu.memory_space<vmem>>) target_semaphore(%arg17 : memref<!tpu.dma_semaphore, #tpu.memory_space<semaphore_mem>>)
      %dma_start3A_70 = tpu.memref_slice %arg5[%add3A_68] : memref<320000xi32, #tpu.memory_space<hbm>> -> memref<80xi32, #tpu.memory_space<hbm>>
      %dma_start3A_71 = tpu.memref_slice %arg5[%add3A_68] : memref<320000xi32, #tpu.memory_space<hbm>> -> memref<80xi32, #tpu.memory_space<hbm>>
      tpu.enqueue_dma source(%dma_start3A_71 : memref<80xi32, #tpu.memory_space<hbm>>) target(%arg9 : memref<80xi32, #tpu.memory_space<vmem>>) target_semaphore(%arg18 : memref<!tpu.dma_semaphore, #tpu.memory_space<semaphore_mem>>)
      %dma_wait3A = tpu.memref_slice %arg4[%add3A_68] : memref<320000xi32, #tpu.memory_space<hbm>> -> memref<80xi32, #tpu.memory_space<hbm>>
      %dma_wait3A_72 = tpu.memref_slice %arg4[%add3A_68] : memref<320000xi32, #tpu.memory_space<hbm>> -> memref<80xi32, #tpu.memory_space<hbm>>
      tpu.wait_dma2 semaphore(%arg17 : memref<!tpu.dma_semaphore, #tpu.memory_space<semaphore_mem>>) src(%dma_wait3A_72 : memref<80xi32, #tpu.memory_space<hbm>>) dst(%arg8 : memref<80xi32, #tpu.memory_space<vmem>>)
      %dma_wait3A_73 = tpu.memref_slice %arg5[%add3A_68] : memref<320000xi32, #tpu.memory_space<hbm>> -> memref<80xi32, #tpu.memory_space<hbm>>
      %dma_wait3A_74 = tpu.memref_slice %arg5[%add3A_68] : memref<320000xi32, #tpu.memory_space<hbm>> -> memref<80xi32, #tpu.memory_space<hbm>>
      tpu.wait_dma2 semaphore(%arg18 : memref<!tpu.dma_semaphore, #tpu.memory_space<semaphore_mem>>) src(%dma_wait3A_74 : memref<80xi32, #tpu.memory_space<hbm>>) dst(%arg9 : memref<80xi32, #tpu.memory_space<vmem>>)
      %mul3A_75 = arith.constant 10000 : i32
      %mul3A_76 = arith.muli %arg0, %mul3A_75 : i32
      %get3A_77 = arith.constant 0 : index
      %get3A_78 = tpu.vector_load %arg8[%get3A_77] {strides = array<i32>} : memref<80xi32, #tpu.memory_space<vmem>>, vector<16xi32>,
      %add3A_79 = vector.broadcast %mul3A_76 : i32 to vector<16xi32>
      %add3A_80 = arith.addi %get3A_78, %add3A_79 : vector<16xi32>
      %swap3A = arith.constant 0 : index
      %swap3A_81 = tpu.vector_load %arg10[%swap3A] {strides = array<i32>} : memref<80xi32, #tpu.memory_space<vmem>>, vector<16xi32>,
      tpu.vector_store %arg10[%swap3A], %add3A_80 {strides = array<i32>} : memref<80xi32, #tpu.memory_space<vmem>>, vector<16xi32>,
      %get3A_82 = arith.constant 0 : index
      %get3A_83 = tpu.vector_load %arg9[%get3A_82] {strides = array<i32>} : memref<80xi32, #tpu.memory_space<vmem>>, vector<16xi32>,
      %add3A_84 = vector.broadcast %mul3A_76 : i32 to vector<16xi32>
      %add3A_85 = arith.addi %get3A_83, %add3A_84 : vector<16xi32>
      %swap3A_86 = arith.constant 0 : index
      %swap3A_87 = tpu.vector_load %arg11[%swap3A_86] {strides = array<i32>} : memref<80xi32, #tpu.memory_space<vmem>>, vector<16xi32>,
      tpu.vector_store %arg11[%swap3A_86], %add3A_85 {strides = array<i32>} : memref<80xi32, #tpu.memory_space<vmem>>, vector<16xi32>,
      %get3A_88 = arith.constant 16 : index
      %get3A_89 = tpu.vector_load %arg8[%get3A_88] {strides = array<i32>} : memref<80xi32, #tpu.memory_space<vmem>>, vector<16xi32>,
      %add3A_90 = vector.broadcast %mul3A_76 : i32 to vector<16xi32>
      %add3A_91 = arith.addi %get3A_89, %add3A_90 : vector<16xi32>
      %swap3A_92 = arith.constant 16 : index
      %swap3A_93 = tpu.vector_load %arg10[%swap3A_92] {strides = array<i32>} : memref<80xi32, #tpu.memory_space<vmem>>, vector<16xi32>,
      tpu.vector_store %arg10[%swap3A_92], %add3A_91 {strides = array<i32>} : memref<80xi32, #tpu.memory_space<vmem>>, vector<16xi32>,
      %get3A_94 = arith.constant 16 : index
      %get3A_95 = tpu.vector_load %arg9[%get3A_94] {strides = array<i32>} : memref<80xi32, #tpu.memory_space<vmem>>, vector<16xi32>,
      %add3A_96 = vector.broadcast %mul3A_76 : i32 to vector<16xi32>
      %add3A_97 = arith.addi %get3A_95, %add3A_96 : vector<16xi32>
      %swap3A_98 = arith.constant 16 : index
      %swap3A_99 = tpu.vector_load %arg11[%swap3A_98] {strides = array<i32>} : memref<80xi32, #tpu.memory_space<vmem>>, vector<16xi32>,
      tpu.vector_store %arg11[%swap3A_98], %add3A_97 {strides = array<i32>} : memref<80xi32, #tpu.memory_space<vmem>>, vector<16xi32>,
      %get3A_100 = arith.constant 32 : index
      %get3A_101 = tpu.vector_load %arg8[%get3A_100] {strides = array<i32>} : memref<80xi32, #tpu.memory_space<vmem>>, vector<16xi32>,
      %add3A_102 = vector.broadcast %mul3A_76 : i32 to vector<16xi32>
      %add3A_103 = arith.addi %get3A_101, %add3A_102 : vector<16xi32>
      %swap3A_104 = arith.constant 32 : index
      %swap3A_105 = tpu.vector_load %arg10[%swap3A_104] {strides = array<i32>} : memref<80xi32, #tpu.memory_space<vmem>>, vector<16xi32>,
      tpu.vector_store %arg10[%swap3A_104], %add3A_103 {strides = array<i32>} : memref<80xi32, #tpu.memory_space<vmem>>, vector<16xi32>,
      %get3A_106 = arith.constant 32 : index
      %get3A_107 = tpu.vector_load %arg9[%get3A_106] {strides = array<i32>} : memref<80xi32, #tpu.memory_space<vmem>>, vector<16xi32>,
      %add3A_108 = vector.broadcast %mul3A_76 : i32 to vector<16xi32>
      %add3A_109 = arith.addi %get3A_107, %add3A_108 : vector<16xi32>
      %swap3A_110 = arith.constant 32 : index
      %swap3A_111 = tpu.vector_load %arg11[%swap3A_110] {strides = array<i32>} : memref<80xi32, #tpu.memory_space<vmem>>, vector<16xi32>,
      tpu.vector_store %arg11[%swap3A_110], %add3A_109 {strides = array<i32>} : memref<80xi32, #tpu.memory_space<vmem>>, vector<16xi32>,
      %get3A_112 = arith.constant 48 : index
      %get3A_113 = tpu.vector_load %arg8[%get3A_112] {strides = array<i32>} : memref<80xi32, #tpu.memory_space<vmem>>, vector<16xi32>,
      %add3A_114 = vector.broadcast %mul3A_76 : i32 to vector<16xi32>
      %add3A_115 = arith.addi %get3A_113, %add3A_114 : vector<16xi32>
      %swap3A_116 = arith.constant 48 : index
      %swap3A_117 = tpu.vector_load %arg10[%swap3A_116] {strides = array<i32>} : memref<80xi32, #tpu.memory_space<vmem>>, vector<16xi32>,
      tpu.vector_store %arg10[%swap3A_116], %add3A_115 {strides = array<i32>} : memref<80xi32, #tpu.memory_space<vmem>>, vector<16xi32>,
      %get3A_118 = arith.constant 48 : index
      %get3A_119 = tpu.vector_load %arg9[%get3A_118] {strides = array<i32>} : memref<80xi32, #tpu.memory_space<vmem>>, vector<16xi32>,
      %add3A_120 = vector.broadcast %mul3A_76 : i32 to vector<16xi32>
      %add3A_121 = arith.addi %get3A_119, %add3A_120 : vector<16xi32>
      %swap3A_122 = arith.constant 48 : index
      %swap3A_123 = tpu.vector_load %arg11[%swap3A_122] {strides = array<i32>} : memref<80xi32, #tpu.memory_space<vmem>>, vector<16xi32>,
      tpu.vector_store %arg11[%swap3A_122], %add3A_121 {strides = array<i32>} : memref<80xi32, #tpu.memory_space<vmem>>, vector<16xi32>,
      %get3A_124 = arith.constant 64 : index
      %get3A_125 = tpu.vector_load %arg8[%get3A_124] {strides = array<i32>} : memref<80xi32, #tpu.memory_space<vmem>>, vector<16xi32>,
      %add3A_126 = vector.broadcast %mul3A_76 : i32 to vector<16xi32>
      %add3A_127 = arith.addi %get3A_125, %add3A_126 : vector<16xi32>
      %swap3A_128 = arith.constant 64 : index
      %swap3A_129 = tpu.vector_load %arg10[%swap3A_128] {strides = array<i32>} : memref<80xi32, #tpu.memory_space<vmem>>, vector<16xi32>,
      tpu.vector_store %arg10[%swap3A_128], %add3A_127 {strides = array<i32>} : memref<80xi32, #tpu.memory_space<vmem>>, vector<16xi32>,
      %get3A_130 = arith.constant 64 : index
      %get3A_131 = tpu.vector_load %arg9[%get3A_130] {strides = array<i32>} : memref<80xi32, #tpu.memory_space<vmem>>, vector<16xi32>,
      %add3A_132 = vector.broadcast %mul3A_76 : i32 to vector<16xi32>
      %add3A_133 = arith.addi %get3A_131, %add3A_132 : vector<16xi32>
      %swap3A_134 = arith.constant 64 : index
      %swap3A_135 = tpu.vector_load %arg11[%swap3A_134] {strides = array<i32>} : memref<80xi32, #tpu.memory_space<vmem>>, vector<16xi32>,
      tpu.vector_store %arg11[%swap3A_134], %add3A_133 {strides = array<i32>} : memref<80xi32, #tpu.memory_space<vmem>>, vector<16xi32>,
      %dma_start3A_136 = arith.constant 0 : i32
      %dma_start3A_137 = arith.constant 0 : i32
      %dma_start3A_138 = tpu.memref_slice %arg2[%dma_start3A_136, %dma_start3A_137] : memref<20000x128xf32, #tpu.memory_space<hbm>> -> memref<20000x128xf32, #tpu.memory_space<hbm>>
      tpu.enqueue_indirect_dma source(%dma_start3A_138 : memref<20000x128xf32, #tpu.memory_space<hbm>>) target(%arg12 : memref<80x128xf32, #tpu.memory_space<vmem>>) offsets(%arg10 : memref<80xi32, #tpu.memory_space<vmem>>) semaphore(%arg17 : memref<!tpu.dma_semaphore, #tpu.memory_space<semaphore_mem>>)
      %dma_start3A_139 = arith.constant 0 : i32
      %dma_start3A_140 = arith.constant 0 : i32
      %dma_start3A_141 = tpu.memref_slice %arg3[%dma_start3A_139, %dma_start3A_140] : memref<20000x128xf32, #tpu.memory_space<hbm>> -> memref<20000x128xf32, #tpu.memory_space<hbm>>
      tpu.enqueue_indirect_dma source(%dma_start3A_141 : memref<20000x128xf32, #tpu.memory_space<hbm>>) target(%arg13 : memref<80x128xf32, #tpu.memory_space<vmem>>) offsets(%arg11 : memref<80xi32, #tpu.memory_space<vmem>>) semaphore(%arg18 : memref<!tpu.dma_semaphore, #tpu.memory_space<semaphore_mem>>)
      %dma_wait3A_142 = arith.constant 0 : i32
      %dma_wait3A_143 = arith.constant 0 : i32
      %dma_wait3A_144 = tpu.memref_slice %arg2[%dma_wait3A_142, %dma_wait3A_143] : memref<20000x128xf32, #tpu.memory_space<hbm>> -> memref<20000x128xf32, #tpu.memory_space<hbm>>
      tpu.wait_indirect_dma semaphore(%arg17 : memref<!tpu.dma_semaphore, #tpu.memory_space<semaphore_mem>>) src(%dma_wait3A_144 : memref<20000x128xf32, #tpu.memory_space<hbm>>) dst(%arg12 : memref<80x128xf32, #tpu.memory_space<vmem>>)
      %dma_wait3A_145 = arith.constant 0 : i32
      %dma_wait3A_146 = arith.constant 0 : i32
      %dma_wait3A_147 = tpu.memref_slice %arg3[%dma_wait3A_145, %dma_wait3A_146] : memref<20000x128xf32, #tpu.memory_space<hbm>> -> memref<20000x128xf32, #tpu.memory_space<hbm>>
      tpu.wait_indirect_dma semaphore(%arg18 : memref<!tpu.dma_semaphore, #tpu.memory_space<semaphore_mem>>) src(%dma_wait3A_147 : memref<20000x128xf32, #tpu.memory_space<hbm>>) dst(%arg13 : memref<80x128xf32, #tpu.memory_space<vmem>>)
      %scan3A_148 = arith.constant 0 : i32
      %scan3A_149 = arith.constant 0 : i32
      %scan3A_150 = arith.constant 80 : i32
      %scan3A_151 = arith.addi %scan3A_149, %scan3A_150 : i32
      %scan3A_152 = arith.constant 1 : i32
      scf.for %scan3A_154 = %scan3A_149 to %scan3A_151 step %scan3A_152  : i32 {
        %get3A_155 = arith.index_cast %scan3A_154 : i32 to index
        %get3A_156 = arith.constant 0 : index
        %get3A_157 = tpu.vector_load %arg12[%get3A_155, %get3A_156] {strides = array<i32>} : memref<80x128xf32, #tpu.memory_space<vmem>>, vector<16xf32>,
        %get3A_158 = arith.index_cast %scan3A_154 : i32 to index
        %get3A_159 = arith.constant 0 : index
        %get3A_160 = tpu.vector_load %arg13[%get3A_158, %get3A_159] {strides = array<i32>} : memref<80x128xf32, #tpu.memory_space<vmem>>, vector<16xf32>,
        %add3A_161 = arith.addf %get3A_157, %get3A_160 : vector<16xf32>
        %mul3A_162 = arith.constant 2.000000e-01 : f32
        %mul3A_163 = vector.broadcast %mul3A_162 : f32 to vector<16xf32>
        %mul3A_164 = arith.mulf %mul3A_163, %add3A_161 : vector<16xf32>
        %max3A = arith.maximumf %add3A_161, %mul3A_164 : vector<16xf32>
        %mul3A_165 = arith.mulf %max3A, %get3A_37 : vector<16xf32>
        %add3A_166 = arith.addf %broadcast_in_dim3A_0, %mul3A_165 : vector<16xf32>
        %get3A_167 = arith.index_cast %scan3A_154 : i32 to index
        %get3A_168 = arith.constant 16 : index
        %get3A_169 = tpu.vector_load %arg12[%get3A_167, %get3A_168] {strides = array<i32>} : memref<80x128xf32, #tpu.memory_space<vmem>>, vector<16xf32>,
        %get3A_170 = arith.index_cast %scan3A_154 : i32 to index
        %get3A_171 = arith.constant 16 : index
        %get3A_172 = tpu.vector_load %arg13[%get3A_170, %get3A_171] {strides = array<i32>} : memref<80x128xf32, #tpu.memory_space<vmem>>, vector<16xf32>,
        %add3A_173 = arith.addf %get3A_169, %get3A_172 : vector<16xf32>
        %mul3A_174 = arith.constant 2.000000e-01 : f32
        %mul3A_175 = vector.broadcast %mul3A_174 : f32 to vector<16xf32>
        %mul3A_176 = arith.mulf %mul3A_175, %add3A_173 : vector<16xf32>
        %max3A_177 = arith.maximumf %add3A_173, %mul3A_176 : vector<16xf32>
        %mul3A_178 = arith.mulf %max3A_177, %get3A_39 : vector<16xf32>
        %add3A_179 = arith.addf %add3A_166, %mul3A_178 : vector<16xf32>
        %get3A_180 = arith.index_cast %scan3A_154 : i32 to index
        %get3A_181 = arith.constant 32 : index
        %get3A_182 = tpu.vector_load %arg12[%get3A_180, %get3A_181] {strides = array<i32>} : memref<80x128xf32, #tpu.memory_space<vmem>>, vector<16xf32>,
        %get3A_183 = arith.index_cast %scan3A_154 : i32 to index
        %get3A_184 = arith.constant 32 : index
        %get3A_185 = tpu.vector_load %arg13[%get3A_183, %get3A_184] {strides = array<i32>} : memref<80x128xf32, #tpu.memory_space<vmem>>, vector<16xf32>,
        %add3A_186 = arith.addf %get3A_182, %get3A_185 : vector<16xf32>
        %mul3A_187 = arith.constant 2.000000e-01 : f32
        %mul3A_188 = vector.broadcast %mul3A_187 : f32 to vector<16xf32>
        %mul3A_189 = arith.mulf %mul3A_188, %add3A_186 : vector<16xf32>
        %max3A_190 = arith.maximumf %add3A_186, %mul3A_189 : vector<16xf32>
        %mul3A_191 = arith.mulf %max3A_190, %get3A_41 : vector<16xf32>
        %add3A_192 = arith.addf %add3A_179, %mul3A_191 : vector<16xf32>
        %get3A_193 = arith.index_cast %scan3A_154 : i32 to index
        %get3A_194 = arith.constant 48 : index
        %get3A_195 = tpu.vector_load %arg12[%get3A_193, %get3A_194] {strides = array<i32>} : memref<80x128xf32, #tpu.memory_space<vmem>>, vector<16xf32>,
        %get3A_196 = arith.index_cast %scan3A_154 : i32 to index
        %get3A_197 = arith.constant 48 : index
        %get3A_198 = tpu.vector_load %arg13[%get3A_196, %get3A_197] {strides = array<i32>} : memref<80x128xf32, #tpu.memory_space<vmem>>, vector<16xf32>,
        %add3A_199 = arith.addf %get3A_195, %get3A_198 : vector<16xf32>
        %mul3A_200 = arith.constant 2.000000e-01 : f32
        %mul3A_201 = vector.broadcast %mul3A_200 : f32 to vector<16xf32>
        %mul3A_202 = arith.mulf %mul3A_201, %add3A_199 : vector<16xf32>
        %max3A_203 = arith.maximumf %add3A_199, %mul3A_202 : vector<16xf32>
        %mul3A_204 = arith.mulf %max3A_203, %get3A_43 : vector<16xf32>
        %add3A_205 = arith.addf %add3A_192, %mul3A_204 : vector<16xf32>
        %reduce_sum3A = arith.constant true
        %reduce_sum3A_206 = vector.broadcast %reduce_sum3A : i1 to vector<16xi1>
        %reduce_sum3A_207 = tpu.scan <sum>, %add3A_205 masked %reduce_sum3A_206 : vector<16xf32>, vector<16xi1> -> vector<16xf32>
        %reduce_sum3A_208 = vector.extract %reduce_sum3A_207[15] : f32 from vector<16xf32>
        %broadcast_in_dim3A_209 = vector.broadcast %reduce_sum3A_208 : f32 to vector<16xf32>
        %exp3A = math.exp %broadcast_in_dim3A_209 : vector<16xf32>
        %mul3A_210 = arith.mulf %get3A_157, %exp3A : vector<16xf32>
        %swap3A_211 = arith.index_cast %scan3A_154 : i32 to index
        %swap3A_212 = arith.constant 0 : index
        %swap3A_213 = tpu.vector_load %arg14[%swap3A_211, %swap3A_212] {strides = array<i32>} : memref<80x144xf32, #tpu.memory_space<vmem>>, vector<16xf32>,
        tpu.vector_store %arg14[%swap3A_211, %swap3A_212], %mul3A_210 {strides = array<i32>} : memref<80x144xf32, #tpu.memory_space<vmem>>, vector<16xf32>,
        %mul3A_214 = arith.mulf %get3A_169, %exp3A : vector<16xf32>
        %swap3A_215 = arith.index_cast %scan3A_154 : i32 to index
        %swap3A_216 = arith.constant 16 : index
        %swap3A_217 = tpu.vector_load %arg14[%swap3A_215, %swap3A_216] {strides = array<i32>} : memref<80x144xf32, #tpu.memory_space<vmem>>, vector<16xf32>,
        tpu.vector_store %arg14[%swap3A_215, %swap3A_216], %mul3A_214 {strides = array<i32>} : memref<80x144xf32, #tpu.memory_space<vmem>>, vector<16xf32>,
        %mul3A_218 = arith.mulf %get3A_182, %exp3A : vector<16xf32>
        %swap3A_219 = arith.index_cast %scan3A_154 : i32 to index
        %swap3A_220 = arith.constant 32 : index
        %swap3A_221 = tpu.vector_load %arg14[%swap3A_219, %swap3A_220] {strides = array<i32>} : memref<80x144xf32, #tpu.memory_space<vmem>>, vector<16xf32>,
        tpu.vector_store %arg14[%swap3A_219, %swap3A_220], %mul3A_218 {strides = array<i32>} : memref<80x144xf32, #tpu.memory_space<vmem>>, vector<16xf32>,
        %mul3A_222 = arith.mulf %get3A_195, %exp3A : vector<16xf32>
        %swap3A_223 = arith.index_cast %scan3A_154 : i32 to index
        %swap3A_224 = arith.constant 48 : index
        %swap3A_225 = tpu.vector_load %arg14[%swap3A_223, %swap3A_224] {strides = array<i32>} : memref<80x144xf32, #tpu.memory_space<vmem>>, vector<16xf32>,
        tpu.vector_store %arg14[%swap3A_223, %swap3A_224], %mul3A_222 {strides = array<i32>} : memref<80x144xf32, #tpu.memory_space<vmem>>, vector<16xf32>,
        %mul3A_226 = arith.constant 2 : i32
        %mul3A_227 = arith.muli %arg0, %mul3A_226 : i32
        %add3A_228 = arith.constant 0 : i32
        %add3A_229 = arith.addi %mul3A_227, %add3A_228 : i32
        %eq3A = vector.broadcast %add3A_229 : i32 to vector<16xi32>
        %eq3A_230 = arith.cmpi eq, %iota3A, %eq3A : vector<16xi32>
        %jit3A = arith.constant 0.000000e+00 : f32
        %broadcast_in_dim3A_231 = vector.broadcast %jit3A : f32 to vector<16xf32>
        %select_n3A = arith.select %eq3A_230, %exp3A, %broadcast_in_dim3A_231 : vector<16xi1>, vector<16xf32>
        %add3A_232 = arith.addf %broadcast_in_dim3A_0, %select_n3A : vector<16xf32>
        %get3A_233 = arith.index_cast %scan3A_154 : i32 to index
        %get3A_234 = arith.constant 64 : index
        %get3A_235 = tpu.vector_load %arg12[%get3A_233, %get3A_234] {strides = array<i32>} : memref<80x128xf32, #tpu.memory_space<vmem>>, vector<16xf32>,
        %get3A_236 = arith.index_cast %scan3A_154 : i32 to index
        %get3A_237 = arith.constant 64 : index
        %get3A_238 = tpu.vector_load %arg13[%get3A_236, %get3A_237] {strides = array<i32>} : memref<80x128xf32, #tpu.memory_space<vmem>>, vector<16xf32>,
        %add3A_239 = arith.addf %get3A_235, %get3A_238 : vector<16xf32>
        %mul3A_240 = arith.constant 2.000000e-01 : f32
        %mul3A_241 = vector.broadcast %mul3A_240 : f32 to vector<16xf32>
        %mul3A_242 = arith.mulf %mul3A_241, %add3A_239 : vector<16xf32>
        %max3A_243 = arith.maximumf %add3A_239, %mul3A_242 : vector<16xf32>
        %mul3A_244 = arith.mulf %max3A_243, %get3A_45 : vector<16xf32>
        %add3A_245 = arith.addf %broadcast_in_dim3A_0, %mul3A_244 : vector<16xf32>
        %get3A_246 = arith.index_cast %scan3A_154 : i32 to index
        %get3A_247 = arith.constant 80 : index
        %get3A_248 = tpu.vector_load %arg12[%get3A_246, %get3A_247] {strides = array<i32>} : memref<80x128xf32, #tpu.memory_space<vmem>>, vector<16xf32>,
        %get3A_249 = arith.index_cast %scan3A_154 : i32 to index
        %get3A_250 = arith.constant 80 : index
        %get3A_251 = tpu.vector_load %arg13[%get3A_249, %get3A_250] {strides = array<i32>} : memref<80x128xf32, #tpu.memory_space<vmem>>, vector<16xf32>,
        %add3A_252 = arith.addf %get3A_248, %get3A_251 : vector<16xf32>
        %mul3A_253 = arith.constant 2.000000e-01 : f32
        %mul3A_254 = vector.broadcast %mul3A_253 : f32 to vector<16xf32>
        %mul3A_255 = arith.mulf %mul3A_254, %add3A_252 : vector<16xf32>
        %max3A_256 = arith.maximumf %add3A_252, %mul3A_255 : vector<16xf32>
        %mul3A_257 = arith.mulf %max3A_256, %get3A_47 : vector<16xf32>
        %add3A_258 = arith.addf %add3A_245, %mul3A_257 : vector<16xf32>
        %get3A_259 = arith.index_cast %scan3A_154 : i32 to index
        %get3A_260 = arith.constant 96 : index
        %get3A_261 = tpu.vector_load %arg12[%get3A_259, %get3A_260] {strides = array<i32>} : memref<80x128xf32, #tpu.memory_space<vmem>>, vector<16xf32>,
        %get3A_262 = arith.index_cast %scan3A_154 : i32 to index
        %get3A_263 = arith.constant 96 : index
        %get3A_264 = tpu.vector_load %arg13[%get3A_262, %get3A_263] {strides = array<i32>} : memref<80x128xf32, #tpu.memory_space<vmem>>, vector<16xf32>,
        %add3A_265 = arith.addf %get3A_261, %get3A_264 : vector<16xf32>
        %mul3A_266 = arith.constant 2.000000e-01 : f32
        %mul3A_267 = vector.broadcast %mul3A_266 : f32 to vector<16xf32>
        %mul3A_268 = arith.mulf %mul3A_267, %add3A_265 : vector<16xf32>
        %max3A_269 = arith.maximumf %add3A_265, %mul3A_268 : vector<16xf32>
        %mul3A_270 = arith.mulf %max3A_269, %get3A_49 : vector<16xf32>
        %add3A_271 = arith.addf %add3A_258, %mul3A_270 : vector<16xf32>
        %get3A_272 = arith.index_cast %scan3A_154 : i32 to index
        %get3A_273 = arith.constant 112 : index
        %get3A_274 = tpu.vector_load %arg12[%get3A_272, %get3A_273] {strides = array<i32>} : memref<80x128xf32, #tpu.memory_space<vmem>>, vector<16xf32>,
        %get3A_275 = arith.index_cast %scan3A_154 : i32 to index
        %get3A_276 = arith.constant 112 : index
        %get3A_277 = tpu.vector_load %arg13[%get3A_275, %get3A_276] {strides = array<i32>} : memref<80x128xf32, #tpu.memory_space<vmem>>, vector<16xf32>,
        %add3A_278 = arith.addf %get3A_274, %get3A_277 : vector<16xf32>
        %mul3A_279 = arith.constant 2.000000e-01 : f32
        %mul3A_280 = vector.broadcast %mul3A_279 : f32 to vector<16xf32>
        %mul3A_281 = arith.mulf %mul3A_280, %add3A_278 : vector<16xf32>
        %max3A_282 = arith.maximumf %add3A_278, %mul3A_281 : vector<16xf32>
        %mul3A_283 = arith.mulf %max3A_282, %get3A_51 : vector<16xf32>
        %add3A_284 = arith.addf %add3A_271, %mul3A_283 : vector<16xf32>
        %reduce_sum3A_285 = arith.constant true
        %reduce_sum3A_286 = vector.broadcast %reduce_sum3A_285 : i1 to vector<16xi1>
        %reduce_sum3A_287 = tpu.scan <sum>, %add3A_284 masked %reduce_sum3A_286 : vector<16xf32>, vector<16xi1> -> vector<16xf32>
        %reduce_sum3A_288 = vector.extract %reduce_sum3A_287[15] : f32 from vector<16xf32>
        %broadcast_in_dim3A_289 = vector.broadcast %reduce_sum3A_288 : f32 to vector<16xf32>
        %exp3A_290 = math.exp %broadcast_in_dim3A_289 : vector<16xf32>
        %mul3A_291 = arith.mulf %get3A_235, %exp3A_290 : vector<16xf32>
        %swap3A_292 = arith.index_cast %scan3A_154 : i32 to index
        %swap3A_293 = arith.constant 64 : index
        %swap3A_294 = tpu.vector_load %arg14[%swap3A_292, %swap3A_293] {strides = array<i32>} : memref<80x144xf32, #tpu.memory_space<vmem>>, vector<16xf32>,
        tpu.vector_store %arg14[%swap3A_292, %swap3A_293], %mul3A_291 {strides = array<i32>} : memref<80x144xf32, #tpu.memory_space<vmem>>, vector<16xf32>,
        %mul3A_295 = arith.mulf %get3A_248, %exp3A_290 : vector<16xf32>
        %swap3A_296 = arith.index_cast %scan3A_154 : i32 to index
        %swap3A_297 = arith.constant 80 : index
        %swap3A_298 = tpu.vector_load %arg14[%swap3A_296, %swap3A_297] {strides = array<i32>} : memref<80x144xf32, #tpu.memory_space<vmem>>, vector<16xf32>,
        tpu.vector_store %arg14[%swap3A_296, %swap3A_297], %mul3A_295 {strides = array<i32>} : memref<80x144xf32, #tpu.memory_space<vmem>>, vector<16xf32>,
        %mul3A_299 = arith.mulf %get3A_261, %exp3A_290 : vector<16xf32>
        %swap3A_300 = arith.index_cast %scan3A_154 : i32 to index
        %swap3A_301 = arith.constant 96 : index
        %swap3A_302 = tpu.vector_load %arg14[%swap3A_300, %swap3A_301] {strides = array<i32>} : memref<80x144xf32, #tpu.memory_space<vmem>>, vector<16xf32>,
        tpu.vector_store %arg14[%swap3A_300, %swap3A_301], %mul3A_299 {strides = array<i32>} : memref<80x144xf32, #tpu.memory_space<vmem>>, vector<16xf32>,
        %mul3A_303 = arith.mulf %get3A_274, %exp3A_290 : vector<16xf32>
        %swap3A_304 = arith.index_cast %scan3A_154 : i32 to index
        %swap3A_305 = arith.constant 112 : index
        %swap3A_306 = tpu.vector_load %arg14[%swap3A_304, %swap3A_305] {strides = array<i32>} : memref<80x144xf32, #tpu.memory_space<vmem>>, vector<16xf32>,
        tpu.vector_store %arg14[%swap3A_304, %swap3A_305], %mul3A_303 {strides = array<i32>} : memref<80x144xf32, #tpu.memory_space<vmem>>, vector<16xf32>,
        %mul3A_307 = arith.constant 2 : i32
        %mul3A_308 = arith.muli %arg0, %mul3A_307 : i32
        %add3A_309 = arith.constant 1 : i32
        %add3A_310 = arith.addi %mul3A_308, %add3A_309 : i32
        %eq3A_311 = vector.broadcast %add3A_310 : i32 to vector<16xi32>
        %eq3A_312 = arith.cmpi eq, %iota3A, %eq3A_311 : vector<16xi32>
        %jit3A_313 = arith.constant 0.000000e+00 : f32
        %broadcast_in_dim3A_314 = vector.broadcast %jit3A_313 : f32 to vector<16xf32>
        %select_n3A_315 = arith.select %eq3A_312, %exp3A_290, %broadcast_in_dim3A_314 : vector<16xi1>, vector<16xf32>
        %add3A_316 = arith.addf %add3A_232, %select_n3A_315 : vector<16xf32>
        %swap3A_317 = arith.index_cast %scan3A_154 : i32 to index
        %swap3A_318 = arith.constant 128 : index
        %swap3A_319 = tpu.vector_load %arg14[%swap3A_317, %swap3A_318] {strides = array<i32>} : memref<80x144xf32, #tpu.memory_space<vmem>>, vector<16xf32>,
        tpu.vector_store %arg14[%swap3A_317, %swap3A_318], %add3A_316 {strides = array<i32>} : memref<80x144xf32, #tpu.memory_space<vmem>>, vector<16xf32>,
      }
      %scan3A_153 = arith.constant 80 : i32
      "tpu.region"() ({
        %run_scoped3A = tpu.sem_alloc : memref<!tpu.dma_semaphore, #tpu.memory_space<semaphore_mem>>
        %dma_start3A_154 = arith.constant 0 : i32
        %dma_start3A_155 = arith.constant 0 : i32
        %dma_start3A_156 = tpu.memref_slice %arg16[%dma_start3A_154, %dma_start3A_155] : memref<10000x144xf32, #tpu.memory_space<vmem_shared>> -> memref<10000x144xf32, #tpu.memory_space<vmem_shared>>
        tpu.enqueue_indirect_dma source(%arg14 : memref<80x144xf32, #tpu.memory_space<vmem>>) target(%dma_start3A_156 : memref<10000x144xf32, #tpu.memory_space<vmem_shared>>) offsets(%arg9 : memref<80xi32, #tpu.memory_space<vmem>>) semaphore(%run_scoped3A : memref<!tpu.dma_semaphore, #tpu.memory_space<semaphore_mem>>) {add = true}
        %dma_wait3A_157 = arith.constant 0 : i32
        %dma_wait3A_158 = arith.constant 0 : i32
        %dma_wait3A_159 = tpu.memref_slice %arg16[%dma_wait3A_157, %dma_wait3A_158] : memref<10000x144xf32, #tpu.memory_space<vmem_shared>> -> memref<10000x144xf32, #tpu.memory_space<vmem_shared>>
        tpu.wait_indirect_dma semaphore(%run_scoped3A : memref<!tpu.dma_semaphore, #tpu.memory_space<semaphore_mem>>) src(%arg14 : memref<80x144xf32, #tpu.memory_space<vmem>>) dst(%dma_wait3A_159 : memref<10000x144xf32, #tpu.memory_space<vmem_shared>>)
        tpu.yield
      }) : () -> ()
    }
    %scan3A_57 = arith.constant 250 : i32
    %barrier3A_58 = arith.constant 0 : index
    tpu.barrier barrier_id(%barrier3A_58)
    %mul3A_59 = arith.constant 625 : i32
    %mul3A_60 = arith.muli %arg1, %mul3A_59 : i32
    %mul3A_61 = arith.constant 625 : i32
    %mul3A_62 = arith.muli %arg1, %mul3A_61 : i32
    "tpu.region"() ({
      %run_scoped3A = tpu.sem_alloc : memref<!tpu.dma_semaphore, #tpu.memory_space<semaphore_mem>>
      %dma_start3A = arith.constant 0 : i32
      %dma_start3A_63 = tpu.memref_slice %arg7[%arg0, %mul3A_62, %dma_start3A] : memref<2x10000x144xf32, #tpu.memory_space<hbm>> -> memref<1x625x144xf32, #tpu.memory_space<hbm>>
      %dma_start3A_64 = tpu.memref_squeeze %dma_start3A_63 : memref<1x625x144xf32, #tpu.memory_space<hbm>> -> memref<625x144xf32, #tpu.memory_space<hbm>>
      %dma_start3A_65 = arith.constant 0 : i32
      %dma_start3A_66 = tpu.memref_slice %arg16[%mul3A_60, %dma_start3A_65] : memref<10000x144xf32, #tpu.memory_space<vmem_shared>> -> memref<625x144xf32, #tpu.memory_space<vmem_shared>>
      tpu.enqueue_dma source(%dma_start3A_66 : memref<625x144xf32, #tpu.memory_space<vmem_shared>>) target(%dma_start3A_64 : memref<625x144xf32, #tpu.memory_space<hbm>>) target_semaphore(%run_scoped3A : memref<!tpu.dma_semaphore, #tpu.memory_space<semaphore_mem>>)
      %dma_wait3A = arith.constant 0 : i32
      %dma_wait3A_67 = tpu.memref_slice %arg7[%arg0, %mul3A_62, %dma_wait3A] : memref<2x10000x144xf32, #tpu.memory_space<hbm>> -> memref<1x625x144xf32, #tpu.memory_space<hbm>>
      %dma_wait3A_68 = tpu.memref_squeeze %dma_wait3A_67 : memref<1x625x144xf32, #tpu.memory_space<hbm>> -> memref<625x144xf32, #tpu.memory_space<hbm>>
      %dma_wait3A_69 = arith.constant 0 : i32
      %dma_wait3A_70 = tpu.memref_slice %arg16[%mul3A_60, %dma_wait3A_69] : memref<10000x144xf32, #tpu.memory_space<vmem_shared>> -> memref<625x144xf32, #tpu.memory_space<vmem_shared>>
      tpu.wait_dma2 semaphore(%run_scoped3A : memref<!tpu.dma_semaphore, #tpu.memory_space<semaphore_mem>>) src(%dma_wait3A_70 : memref<625x144xf32, #tpu.memory_space<vmem_shared>>) dst(%dma_wait3A_68 : memref<625x144xf32, #tpu.memory_space<hbm>>)
      tpu.yield
    }) : () -> ()
    return
  }
}

#map = affine_map<(d0, d1) -> (0, 0)>
#map1 = affine_map<(d0, d1) -> (0)>
#map2 = affine_map<(d0, d1) -> (0, 0, 0)>
module attributes {stable_mosaic.version = 14 : i64} {
  func.func @body(%arg0: i32, %arg1: i32, %arg2: memref<20000x128xf32, #tpu.memory_space<hbm>>, %arg3: memref<20000x128xf32, #tpu.memory_space<hbm>>, %arg4: memref<320000xi32, #tpu.memory_space<hbm>>, %arg5: memref<320000xi32, #tpu.memory_space<hbm>>, %arg6: memref<2x128xf32, #tpu.memory_space<hbm>>, %arg7: memref<2x10000x144xf32, #tpu.memory_space<hbm>>, %arg8: memref<80xi32, #tpu.memory_space<vmem>>, %arg9: memref<80xi32, #tpu.memory_space<vmem>>, %arg10: memref<80xi32, #tpu.memory_space<vmem>>, %arg11: memref<80xi32, #tpu.memory_space<vmem>>, %arg12: memref<80x128xf32, #tpu.memory_space<vmem>>, %arg13: memref<80x128xf32, #tpu.memory_space<vmem>>, %arg14: memref<80x144xf32, #tpu.memory_space<vmem>>, %arg15: memref<128xf32, #tpu.memory_space<vmem>>, %arg16: memref<10000x144xf32, #tpu.memory_space<vmem_shared>>, %arg17: memref<!tpu.dma_semaphore, #tpu.memory_space<semaphore_mem>>, %arg18: memref<!tpu.dma_semaphore, #tpu.memory_space<semaphore_mem>>) attributes {dimension_semantics = [#tpu.dimension_semantics<core_parallel>, #tpu.dimension_semantics<subcore_parallel>], iteration_bounds = array<i64: 2, 16>, scalar_prefetch = 0 : i64, scratch_operands = 11 : i64, tpu.core_type = #tpu.core_type<sc_vector_subcore>, window_params = [{transform_indices = #map}, {transform_indices = #map}, {transform_indices = #map1}, {transform_indices = #map1}, {transform_indices = #map}, {transform_indices = #map2}]} {
    "tpu.region"() ({
      %run_scoped3A = tpu.sem_alloc : memref<!tpu.dma_semaphore, #tpu.memory_space<semaphore_mem>>
      %dma_start3A = arith.constant 0 : i32
      %dma_start3A_63 = tpu.memref_slice %arg6[%arg0, %dma_start3A] : memref<2x128xf32, #tpu.memory_space<hbm>> -> memref<1x128xf32, #tpu.memory_space<hbm>>
      %dma_start3A_64 = tpu.memref_squeeze %dma_start3A_63 : memref<1x128xf32, #tpu.memory_space<hbm>> -> memref<128xf32, #tpu.memory_space<hbm>>
      %dma_start3A_65 = arith.constant 0 : i32
      %dma_start3A_66 = tpu.memref_slice %arg6[%arg0, %dma_start3A_65] : memref<2x128xf32, #tpu.memory_space<hbm>> -> memref<1x128xf32, #tpu.memory_space<hbm>>
      %dma_start3A_67 = tpu.memref_squeeze %dma_start3A_66 : memref<1x128xf32, #tpu.memory_space<hbm>> -> memref<128xf32, #tpu.memory_space<hbm>>
      tpu.enqueue_dma source(%dma_start3A_67 : memref<128xf32, #tpu.memory_space<hbm>>) target(%arg15 : memref<128xf32, #tpu.memory_space<vmem>>) target_semaphore(%run_scoped3A : memref<!tpu.dma_semaphore, #tpu.memory_space<semaphore_mem>>)
      %dma_wait3A = arith.constant 0 : i32
      %dma_wait3A_68 = tpu.memref_slice %arg6[%arg0, %dma_wait3A] : memref<2x128xf32, #tpu.memory_space<hbm>> -> memref<1x128xf32, #tpu.memory_space<hbm>>
      %dma_wait3A_69 = tpu.memref_squeeze %dma_wait3A_68 : memref<1x128xf32, #tpu.memory_space<hbm>> -> memref<128xf32, #tpu.memory_space<hbm>>
      %dma_wait3A_70 = arith.constant 0 : i32
      %dma_wait3A_71 = tpu.memref_slice %arg6[%arg0, %dma_wait3A_70] : memref<2x128xf32, #tpu.memory_space<hbm>> -> memref<1x128xf32, #tpu.memory_space<hbm>>
      %dma_wait3A_72 = tpu.memref_squeeze %dma_wait3A_71 : memref<1x128xf32, #tpu.memory_space<hbm>> -> memref<128xf32, #tpu.memory_space<hbm>>
      tpu.wait_dma2 semaphore(%run_scoped3A : memref<!tpu.dma_semaphore, #tpu.memory_space<semaphore_mem>>) src(%dma_wait3A_72 : memref<128xf32, #tpu.memory_space<hbm>>) dst(%arg15 : memref<128xf32, #tpu.memory_space<vmem>>)
      tpu.yield
    }) : () -> ()
    %broadcast_in_dim3A = arith.constant 0.000000e+00 : f32
    %broadcast_in_dim3A_0 = vector.broadcast %broadcast_in_dim3A : f32 to vector<16xf32>
    %scan3A = arith.constant 0 : i32
    %scan3A_1 = arith.constant 0 : i32
    %scan3A_2 = arith.constant 80 : i32
    %scan3A_3 = arith.addi %scan3A_1, %scan3A_2 : i32
    %scan3A_4 = arith.constant 1 : i32
    scf.for %scan3A_63 = %scan3A_1 to %scan3A_3 step %scan3A_4  : i32 {
      %swap3A = arith.index_cast %scan3A_63 : i32 to index
      %swap3A_64 = arith.constant 0 : index
      %swap3A_65 = tpu.vector_load %arg14[%swap3A, %swap3A_64] {strides = array<i32>} : memref<80x144xf32, #tpu.memory_space<vmem>>, vector<16xf32>,
      tpu.vector_store %arg14[%swap3A, %swap3A_64], %broadcast_in_dim3A_0 {strides = array<i32>} : memref<80x144xf32, #tpu.memory_space<vmem>>, vector<16xf32>,
      %swap3A_66 = arith.index_cast %scan3A_63 : i32 to index
      %swap3A_67 = arith.constant 16 : index
      %swap3A_68 = tpu.vector_load %arg14[%swap3A_66, %swap3A_67] {strides = array<i32>} : memref<80x144xf32, #tpu.memory_space<vmem>>, vector<16xf32>,
      tpu.vector_store %arg14[%swap3A_66, %swap3A_67], %broadcast_in_dim3A_0 {strides = array<i32>} : memref<80x144xf32, #tpu.memory_space<vmem>>, vector<16xf32>,
      %swap3A_69 = arith.index_cast %scan3A_63 : i32 to index
      %swap3A_70 = arith.constant 32 : index
      %swap3A_71 = tpu.vector_load %arg14[%swap3A_69, %swap3A_70] {strides = array<i32>} : memref<80x144xf32, #tpu.memory_space<vmem>>, vector<16xf32>,
      tpu.vector_store %arg14[%swap3A_69, %swap3A_70], %broadcast_in_dim3A_0 {strides = array<i32>} : memref<80x144xf32, #tpu.memory_space<vmem>>, vector<16xf32>,
      %swap3A_72 = arith.index_cast %scan3A_63 : i32 to index
      %swap3A_73 = arith.constant 48 : index
      %swap3A_74 = tpu.vector_load %arg14[%swap3A_72, %swap3A_73] {strides = array<i32>} : memref<80x144xf32, #tpu.memory_space<vmem>>, vector<16xf32>,
      tpu.vector_store %arg14[%swap3A_72, %swap3A_73], %broadcast_in_dim3A_0 {strides = array<i32>} : memref<80x144xf32, #tpu.memory_space<vmem>>, vector<16xf32>,
      %swap3A_75 = arith.index_cast %scan3A_63 : i32 to index
      %swap3A_76 = arith.constant 64 : index
      %swap3A_77 = tpu.vector_load %arg14[%swap3A_75, %swap3A_76] {strides = array<i32>} : memref<80x144xf32, #tpu.memory_space<vmem>>, vector<16xf32>,
      tpu.vector_store %arg14[%swap3A_75, %swap3A_76], %broadcast_in_dim3A_0 {strides = array<i32>} : memref<80x144xf32, #tpu.memory_space<vmem>>, vector<16xf32>,
      %swap3A_78 = arith.index_cast %scan3A_63 : i32 to index
      %swap3A_79 = arith.constant 80 : index
      %swap3A_80 = tpu.vector_load %arg14[%swap3A_78, %swap3A_79] {strides = array<i32>} : memref<80x144xf32, #tpu.memory_space<vmem>>, vector<16xf32>,
      tpu.vector_store %arg14[%swap3A_78, %swap3A_79], %broadcast_in_dim3A_0 {strides = array<i32>} : memref<80x144xf32, #tpu.memory_space<vmem>>, vector<16xf32>,
      %swap3A_81 = arith.index_cast %scan3A_63 : i32 to index
      %swap3A_82 = arith.constant 96 : index
      %swap3A_83 = tpu.vector_load %arg14[%swap3A_81, %swap3A_82] {strides = array<i32>} : memref<80x144xf32, #tpu.memory_space<vmem>>, vector<16xf32>,
      tpu.vector_store %arg14[%swap3A_81, %swap3A_82], %broadcast_in_dim3A_0 {strides = array<i32>} : memref<80x144xf32, #tpu.memory_space<vmem>>, vector<16xf32>,
      %swap3A_84 = arith.index_cast %scan3A_63 : i32 to index
      %swap3A_85 = arith.constant 112 : index
      %swap3A_86 = tpu.vector_load %arg14[%swap3A_84, %swap3A_85] {strides = array<i32>} : memref<80x144xf32, #tpu.memory_space<vmem>>, vector<16xf32>,
      tpu.vector_store %arg14[%swap3A_84, %swap3A_85], %broadcast_in_dim3A_0 {strides = array<i32>} : memref<80x144xf32, #tpu.memory_space<vmem>>, vector<16xf32>,
      %swap3A_87 = arith.index_cast %scan3A_63 : i32 to index
      %swap3A_88 = arith.constant 128 : index
      %swap3A_89 = tpu.vector_load %arg14[%swap3A_87, %swap3A_88] {strides = array<i32>} : memref<80x144xf32, #tpu.memory_space<vmem>>, vector<16xf32>,
      tpu.vector_store %arg14[%swap3A_87, %swap3A_88], %broadcast_in_dim3A_0 {strides = array<i32>} : memref<80x144xf32, #tpu.memory_space<vmem>>, vector<16xf32>,
    }
    %scan3A_5 = arith.constant 80 : i32
    %mul3A = arith.constant 625 : i32
    %mul3A_6 = arith.muli %arg1, %mul3A : i32
    %add3A = arith.constant 0 : i32
    %add3A_7 = arith.addi %mul3A_6, %add3A : i32
    "tpu.region"() ({
      %run_scoped3A = tpu.sem_alloc : memref<!tpu.dma_semaphore, #tpu.memory_space<semaphore_mem>>
      %dma_start3A = arith.constant 0 : i32
      %dma_start3A_63 = tpu.memref_slice %arg16[%add3A_7, %dma_start3A] : memref<10000x144xf32, #tpu.memory_space<vmem_shared>> -> memref<80x144xf32, #tpu.memory_space<vmem_shared>>
      %dma_start3A_64 = arith.constant 0 : i32
      %dma_start3A_65 = tpu.memref_slice %arg16[%add3A_7, %dma_start3A_64] : memref<10000x144xf32, #tpu.memory_space<vmem_shared>> -> memref<80x144xf32, #tpu.memory_space<vmem_shared>>
      tpu.enqueue_dma source(%arg14 : memref<80x144xf32, #tpu.memory_space<vmem>>) target(%dma_start3A_65 : memref<80x144xf32, #tpu.memory_space<vmem_shared>>) target_semaphore(%run_scoped3A : memref<!tpu.dma_semaphore, #tpu.memory_space<semaphore_mem>>)
      %dma_wait3A = arith.constant 0 : i32
      %dma_wait3A_66 = tpu.memref_slice %arg16[%add3A_7, %dma_wait3A] : memref<10000x144xf32, #tpu.memory_space<vmem_shared>> -> memref<80x144xf32, #tpu.memory_space<vmem_shared>>
      %dma_wait3A_67 = arith.constant 0 : i32
      %dma_wait3A_68 = tpu.memref_slice %arg16[%add3A_7, %dma_wait3A_67] : memref<10000x144xf32, #tpu.memory_space<vmem_shared>> -> memref<80x144xf32, #tpu.memory_space<vmem_shared>>
      tpu.wait_dma2 semaphore(%run_scoped3A : memref<!tpu.dma_semaphore, #tpu.memory_space<semaphore_mem>>) src(%arg14 : memref<80x144xf32, #tpu.memory_space<vmem>>) dst(%dma_wait3A_68 : memref<80x144xf32, #tpu.memory_space<vmem_shared>>)
      tpu.yield
    }) : () -> ()
    %mul3A_8 = arith.constant 625 : i32
    %mul3A_9 = arith.muli %arg1, %mul3A_8 : i32
    %add3A_10 = arith.constant 80 : i32
    %add3A_11 = arith.addi %mul3A_9, %add3A_10 : i32
    "tpu.region"() ({
      %run_scoped3A = tpu.sem_alloc : memref<!tpu.dma_semaphore, #tpu.memory_space<semaphore_mem>>
      %dma_start3A = arith.constant 0 : i32
      %dma_start3A_63 = tpu.memref_slice %arg16[%add3A_11, %dma_start3A] : memref<10000x144xf32, #tpu.memory_space<vmem_shared>> -> memref<80x144xf32, #tpu.memory_space<vmem_shared>>
      %dma_start3A_64 = arith.constant 0 : i32
      %dma_start3A_65 = tpu.memref_slice %arg16[%add3A_11, %dma_start3A_64] : memref<10000x144xf32, #tpu.memory_space<vmem_shared>> -> memref<80x144xf32, #tpu.memory_space<vmem_shared>>
      tpu.enqueue_dma source(%arg14 : memref<80x144xf32, #tpu.memory_space<vmem>>) target(%dma_start3A_65 : memref<80x144xf32, #tpu.memory_space<vmem_shared>>) target_semaphore(%run_scoped3A : memref<!tpu.dma_semaphore, #tpu.memory_space<semaphore_mem>>)
      %dma_wait3A = arith.constant 0 : i32
      %dma_wait3A_66 = tpu.memref_slice %arg16[%add3A_11, %dma_wait3A] : memref<10000x144xf32, #tpu.memory_space<vmem_shared>> -> memref<80x144xf32, #tpu.memory_space<vmem_shared>>
      %dma_wait3A_67 = arith.constant 0 : i32
      %dma_wait3A_68 = tpu.memref_slice %arg16[%add3A_11, %dma_wait3A_67] : memref<10000x144xf32, #tpu.memory_space<vmem_shared>> -> memref<80x144xf32, #tpu.memory_space<vmem_shared>>
      tpu.wait_dma2 semaphore(%run_scoped3A : memref<!tpu.dma_semaphore, #tpu.memory_space<semaphore_mem>>) src(%arg14 : memref<80x144xf32, #tpu.memory_space<vmem>>) dst(%dma_wait3A_68 : memref<80x144xf32, #tpu.memory_space<vmem_shared>>)
      tpu.yield
    }) : () -> ()
    %mul3A_12 = arith.constant 625 : i32
    %mul3A_13 = arith.muli %arg1, %mul3A_12 : i32
    %add3A_14 = arith.constant 160 : i32
    %add3A_15 = arith.addi %mul3A_13, %add3A_14 : i32
    "tpu.region"() ({
      %run_scoped3A = tpu.sem_alloc : memref<!tpu.dma_semaphore, #tpu.memory_space<semaphore_mem>>
      %dma_start3A = arith.constant 0 : i32
      %dma_start3A_63 = tpu.memref_slice %arg16[%add3A_15, %dma_start3A] : memref<10000x144xf32, #tpu.memory_space<vmem_shared>> -> memref<80x144xf32, #tpu.memory_space<vmem_shared>>
      %dma_start3A_64 = arith.constant 0 : i32
      %dma_start3A_65 = tpu.memref_slice %arg16[%add3A_15, %dma_start3A_64] : memref<10000x144xf32, #tpu.memory_space<vmem_shared>> -> memref<80x144xf32, #tpu.memory_space<vmem_shared>>
      tpu.enqueue_dma source(%arg14 : memref<80x144xf32, #tpu.memory_space<vmem>>) target(%dma_start3A_65 : memref<80x144xf32, #tpu.memory_space<vmem_shared>>) target_semaphore(%run_scoped3A : memref<!tpu.dma_semaphore, #tpu.memory_space<semaphore_mem>>)
      %dma_wait3A = arith.constant 0 : i32
      %dma_wait3A_66 = tpu.memref_slice %arg16[%add3A_15, %dma_wait3A] : memref<10000x144xf32, #tpu.memory_space<vmem_shared>> -> memref<80x144xf32, #tpu.memory_space<vmem_shared>>
      %dma_wait3A_67 = arith.constant 0 : i32
      %dma_wait3A_68 = tpu.memref_slice %arg16[%add3A_15, %dma_wait3A_67] : memref<10000x144xf32, #tpu.memory_space<vmem_shared>> -> memref<80x144xf32, #tpu.memory_space<vmem_shared>>
      tpu.wait_dma2 semaphore(%run_scoped3A : memref<!tpu.dma_semaphore, #tpu.memory_space<semaphore_mem>>) src(%arg14 : memref<80x144xf32, #tpu.memory_space<vmem>>) dst(%dma_wait3A_68 : memref<80x144xf32, #tpu.memory_space<vmem_shared>>)
      tpu.yield
    }) : () -> ()
    %mul3A_16 = arith.constant 625 : i32
    %mul3A_17 = arith.muli %arg1, %mul3A_16 : i32
    %add3A_18 = arith.constant 240 : i32
    %add3A_19 = arith.addi %mul3A_17, %add3A_18 : i32
    "tpu.region"() ({
      %run_scoped3A = tpu.sem_alloc : memref<!tpu.dma_semaphore, #tpu.memory_space<semaphore_mem>>
      %dma_start3A = arith.constant 0 : i32
      %dma_start3A_63 = tpu.memref_slice %arg16[%add3A_19, %dma_start3A] : memref<10000x144xf32, #tpu.memory_space<vmem_shared>> -> memref<80x144xf32, #tpu.memory_space<vmem_shared>>
      %dma_start3A_64 = arith.constant 0 : i32
      %dma_start3A_65 = tpu.memref_slice %arg16[%add3A_19, %dma_start3A_64] : memref<10000x144xf32, #tpu.memory_space<vmem_shared>> -> memref<80x144xf32, #tpu.memory_space<vmem_shared>>
      tpu.enqueue_dma source(%arg14 : memref<80x144xf32, #tpu.memory_space<vmem>>) target(%dma_start3A_65 : memref<80x144xf32, #tpu.memory_space<vmem_shared>>) target_semaphore(%run_scoped3A : memref<!tpu.dma_semaphore, #tpu.memory_space<semaphore_mem>>)
      %dma_wait3A = arith.constant 0 : i32
      %dma_wait3A_66 = tpu.memref_slice %arg16[%add3A_19, %dma_wait3A] : memref<10000x144xf32, #tpu.memory_space<vmem_shared>> -> memref<80x144xf32, #tpu.memory_space<vmem_shared>>
      %dma_wait3A_67 = arith.constant 0 : i32
      %dma_wait3A_68 = tpu.memref_slice %arg16[%add3A_19, %dma_wait3A_67] : memref<10000x144xf32, #tpu.memory_space<vmem_shared>> -> memref<80x144xf32, #tpu.memory_space<vmem_shared>>
      tpu.wait_dma2 semaphore(%run_scoped3A : memref<!tpu.dma_semaphore, #tpu.memory_space<semaphore_mem>>) src(%arg14 : memref<80x144xf32, #tpu.memory_space<vmem>>) dst(%dma_wait3A_68 : memref<80x144xf32, #tpu.memory_space<vmem_shared>>)
      tpu.yield
    }) : () -> ()
    %mul3A_20 = arith.constant 625 : i32
    %mul3A_21 = arith.muli %arg1, %mul3A_20 : i32
    %add3A_22 = arith.constant 320 : i32
    %add3A_23 = arith.addi %mul3A_21, %add3A_22 : i32
    "tpu.region"() ({
      %run_scoped3A = tpu.sem_alloc : memref<!tpu.dma_semaphore, #tpu.memory_space<semaphore_mem>>
      %dma_start3A = arith.constant 0 : i32
      %dma_start3A_63 = tpu.memref_slice %arg16[%add3A_23, %dma_start3A] : memref<10000x144xf32, #tpu.memory_space<vmem_shared>> -> memref<80x144xf32, #tpu.memory_space<vmem_shared>>
      %dma_start3A_64 = arith.constant 0 : i32
      %dma_start3A_65 = tpu.memref_slice %arg16[%add3A_23, %dma_start3A_64] : memref<10000x144xf32, #tpu.memory_space<vmem_shared>> -> memref<80x144xf32, #tpu.memory_space<vmem_shared>>
      tpu.enqueue_dma source(%arg14 : memref<80x144xf32, #tpu.memory_space<vmem>>) target(%dma_start3A_65 : memref<80x144xf32, #tpu.memory_space<vmem_shared>>) target_semaphore(%run_scoped3A : memref<!tpu.dma_semaphore, #tpu.memory_space<semaphore_mem>>)
      %dma_wait3A = arith.constant 0 : i32
      %dma_wait3A_66 = tpu.memref_slice %arg16[%add3A_23, %dma_wait3A] : memref<10000x144xf32, #tpu.memory_space<vmem_shared>> -> memref<80x144xf32, #tpu.memory_space<vmem_shared>>
      %dma_wait3A_67 = arith.constant 0 : i32
      %dma_wait3A_68 = tpu.memref_slice %arg16[%add3A_23, %dma_wait3A_67] : memref<10000x144xf32, #tpu.memory_space<vmem_shared>> -> memref<80x144xf32, #tpu.memory_space<vmem_shared>>
      tpu.wait_dma2 semaphore(%run_scoped3A : memref<!tpu.dma_semaphore, #tpu.memory_space<semaphore_mem>>) src(%arg14 : memref<80x144xf32, #tpu.memory_space<vmem>>) dst(%dma_wait3A_68 : memref<80x144xf32, #tpu.memory_space<vmem_shared>>)
      tpu.yield
    }) : () -> ()
    %mul3A_24 = arith.constant 625 : i32
    %mul3A_25 = arith.muli %arg1, %mul3A_24 : i32
    %add3A_26 = arith.constant 400 : i32
    %add3A_27 = arith.addi %mul3A_25, %add3A_26 : i32
    "tpu.region"() ({
      %run_scoped3A = tpu.sem_alloc : memref<!tpu.dma_semaphore, #tpu.memory_space<semaphore_mem>>
      %dma_start3A = arith.constant 0 : i32
      %dma_start3A_63 = tpu.memref_slice %arg16[%add3A_27, %dma_start3A] : memref<10000x144xf32, #tpu.memory_space<vmem_shared>> -> memref<80x144xf32, #tpu.memory_space<vmem_shared>>
      %dma_start3A_64 = arith.constant 0 : i32
      %dma_start3A_65 = tpu.memref_slice %arg16[%add3A_27, %dma_start3A_64] : memref<10000x144xf32, #tpu.memory_space<vmem_shared>> -> memref<80x144xf32, #tpu.memory_space<vmem_shared>>
      tpu.enqueue_dma source(%arg14 : memref<80x144xf32, #tpu.memory_space<vmem>>) target(%dma_start3A_65 : memref<80x144xf32, #tpu.memory_space<vmem_shared>>) target_semaphore(%run_scoped3A : memref<!tpu.dma_semaphore, #tpu.memory_space<semaphore_mem>>)
      %dma_wait3A = arith.constant 0 : i32
      %dma_wait3A_66 = tpu.memref_slice %arg16[%add3A_27, %dma_wait3A] : memref<10000x144xf32, #tpu.memory_space<vmem_shared>> -> memref<80x144xf32, #tpu.memory_space<vmem_shared>>
      %dma_wait3A_67 = arith.constant 0 : i32
      %dma_wait3A_68 = tpu.memref_slice %arg16[%add3A_27, %dma_wait3A_67] : memref<10000x144xf32, #tpu.memory_space<vmem_shared>> -> memref<80x144xf32, #tpu.memory_space<vmem_shared>>
      tpu.wait_dma2 semaphore(%run_scoped3A : memref<!tpu.dma_semaphore, #tpu.memory_space<semaphore_mem>>) src(%arg14 : memref<80x144xf32, #tpu.memory_space<vmem>>) dst(%dma_wait3A_68 : memref<80x144xf32, #tpu.memory_space<vmem_shared>>)
      tpu.yield
    }) : () -> ()
    %mul3A_28 = arith.constant 625 : i32
    %mul3A_29 = arith.muli %arg1, %mul3A_28 : i32
    %add3A_30 = arith.constant 480 : i32
    %add3A_31 = arith.addi %mul3A_29, %add3A_30 : i32
    "tpu.region"() ({
      %run_scoped3A = tpu.sem_alloc : memref<!tpu.dma_semaphore, #tpu.memory_space<semaphore_mem>>
      %dma_start3A = arith.constant 0 : i32
      %dma_start3A_63 = tpu.memref_slice %arg16[%add3A_31, %dma_start3A] : memref<10000x144xf32, #tpu.memory_space<vmem_shared>> -> memref<80x144xf32, #tpu.memory_space<vmem_shared>>
      %dma_start3A_64 = arith.constant 0 : i32
      %dma_start3A_65 = tpu.memref_slice %arg16[%add3A_31, %dma_start3A_64] : memref<10000x144xf32, #tpu.memory_space<vmem_shared>> -> memref<80x144xf32, #tpu.memory_space<vmem_shared>>
      tpu.enqueue_dma source(%arg14 : memref<80x144xf32, #tpu.memory_space<vmem>>) target(%dma_start3A_65 : memref<80x144xf32, #tpu.memory_space<vmem_shared>>) target_semaphore(%run_scoped3A : memref<!tpu.dma_semaphore, #tpu.memory_space<semaphore_mem>>)
      %dma_wait3A = arith.constant 0 : i32
      %dma_wait3A_66 = tpu.memref_slice %arg16[%add3A_31, %dma_wait3A] : memref<10000x144xf32, #tpu.memory_space<vmem_shared>> -> memref<80x144xf32, #tpu.memory_space<vmem_shared>>
      %dma_wait3A_67 = arith.constant 0 : i32
      %dma_wait3A_68 = tpu.memref_slice %arg16[%add3A_31, %dma_wait3A_67] : memref<10000x144xf32, #tpu.memory_space<vmem_shared>> -> memref<80x144xf32, #tpu.memory_space<vmem_shared>>
      tpu.wait_dma2 semaphore(%run_scoped3A : memref<!tpu.dma_semaphore, #tpu.memory_space<semaphore_mem>>) src(%arg14 : memref<80x144xf32, #tpu.memory_space<vmem>>) dst(%dma_wait3A_68 : memref<80x144xf32, #tpu.memory_space<vmem_shared>>)
      tpu.yield
    }) : () -> ()
    %mul3A_32 = arith.constant 625 : i32
    %mul3A_33 = arith.muli %arg1, %mul3A_32 : i32
    %add3A_34 = arith.constant 625 : i32
    %add3A_35 = arith.addi %mul3A_33, %add3A_34 : i32
    %sub3A = arith.constant 65 : i32
    %sub3A_36 = arith.subi %add3A_35, %sub3A : i32
    "tpu.region"() ({
      %run_scoped3A = tpu.sem_alloc : memref<!tpu.dma_semaphore, #tpu.memory_space<semaphore_mem>>
      %dma_start3A = arith.constant 0 : i32
      %dma_start3A_63 = arith.constant 0 : i32
      %dma_start3A_64 = tpu.memref_slice %arg14[%dma_start3A, %dma_start3A_63] : memref<80x144xf32, #tpu.memory_space<vmem>> -> memref<65x144xf32, #tpu.memory_space<vmem>>
      %dma_start3A_65 = arith.constant 0 : i32
      %dma_start3A_66 = tpu.memref_slice %arg16[%sub3A_36, %dma_start3A_65] : memref<10000x144xf32, #tpu.memory_space<vmem_shared>> -> memref<65x144xf32, #tpu.memory_space<vmem_shared>>
      %dma_start3A_67 = arith.constant 0 : i32
      %dma_start3A_68 = tpu.memref_slice %arg16[%sub3A_36, %dma_start3A_67] : memref<10000x144xf32, #tpu.memory_space<vmem_shared>> -> memref<65x144xf32, #tpu.memory_space<vmem_shared>>
      %dma_start3A_69 = arith.constant 0 : i32
      %dma_start3A_70 = arith.constant 0 : i32
      %dma_start3A_71 = tpu.memref_slice %arg14[%dma_start3A_69, %dma_start3A_70] : memref<80x144xf32, #tpu.memory_space<vmem>> -> memref<65x144xf32, #tpu.memory_space<vmem>>
      tpu.enqueue_dma source(%dma_start3A_71 : memref<65x144xf32, #tpu.memory_space<vmem>>) target(%dma_start3A_68 : memref<65x144xf32, #tpu.memory_space<vmem_shared>>) target_semaphore(%run_scoped3A : memref<!tpu.dma_semaphore, #tpu.memory_space<semaphore_mem>>)
      %dma_wait3A = arith.constant 0 : i32
      %dma_wait3A_72 = arith.constant 0 : i32
      %dma_wait3A_73 = tpu.memref_slice %arg14[%dma_wait3A, %dma_wait3A_72] : memref<80x144xf32, #tpu.memory_space<vmem>> -> memref<65x144xf32, #tpu.memory_space<vmem>>
      %dma_wait3A_74 = arith.constant 0 : i32
      %dma_wait3A_75 = tpu.memref_slice %arg16[%sub3A_36, %dma_wait3A_74] : memref<10000x144xf32, #tpu.memory_space<vmem_shared>> -> memref<65x144xf32, #tpu.memory_space<vmem_shared>>
      %dma_wait3A_76 = arith.constant 0 : i32
      %dma_wait3A_77 = tpu.memref_slice %arg16[%sub3A_36, %dma_wait3A_76] : memref<10000x144xf32, #tpu.memory_space<vmem_shared>> -> memref<65x144xf32, #tpu.memory_space<vmem_shared>>
      %dma_wait3A_78 = arith.constant 0 : i32
      %dma_wait3A_79 = arith.constant 0 : i32
      %dma_wait3A_80 = tpu.memref_slice %arg14[%dma_wait3A_78, %dma_wait3A_79] : memref<80x144xf32, #tpu.memory_space<vmem>> -> memref<65x144xf32, #tpu.memory_space<vmem>>
      tpu.wait_dma2 semaphore(%run_scoped3A : memref<!tpu.dma_semaphore, #tpu.memory_space<semaphore_mem>>) src(%dma_wait3A_80 : memref<65x144xf32, #tpu.memory_space<vmem>>) dst(%dma_wait3A_77 : memref<65x144xf32, #tpu.memory_space<vmem_shared>>)
      tpu.yield
    }) : () -> ()
    %barrier3A = arith.constant 0 : index
    tpu.barrier barrier_id(%barrier3A)
    %get3A = arith.constant 0 : index
    %get3A_37 = tpu.vector_load %arg15[%get3A] {strides = array<i32>} : memref<128xf32, #tpu.memory_space<vmem>>, vector<16xf32>,
    %get3A_38 = arith.constant 16 : index
    %get3A_39 = tpu.vector_load %arg15[%get3A_38] {strides = array<i32>} : memref<128xf32, #tpu.memory_space<vmem>>, vector<16xf32>,
    %get3A_40 = arith.constant 32 : index
    %get3A_41 = tpu.vector_load %arg15[%get3A_40] {strides = array<i32>} : memref<128xf32, #tpu.memory_space<vmem>>, vector<16xf32>,
    %get3A_42 = arith.constant 48 : index
    %get3A_43 = tpu.vector_load %arg15[%get3A_42] {strides = array<i32>} : memref<128xf32, #tpu.memory_space<vmem>>, vector<16xf32>,
    %get3A_44 = arith.constant 64 : index
    %get3A_45 = tpu.vector_load %arg15[%get3A_44] {strides = array<i32>} : memref<128xf32, #tpu.memory_space<vmem>>, vector<16xf32>,
    %get3A_46 = arith.constant 80 : index
    %get3A_47 = tpu.vector_load %arg15[%get3A_46] {strides = array<i32>} : memref<128xf32, #tpu.memory_space<vmem>>, vector<16xf32>,
    %get3A_48 = arith.constant 96 : index
    %get3A_49 = tpu.vector_load %arg15[%get3A_48] {strides = array<i32>} : memref<128xf32, #tpu.memory_space<vmem>>, vector<16xf32>,
    %get3A_50 = arith.constant 112 : index
    %get3A_51 = tpu.vector_load %arg15[%get3A_50] {strides = array<i32>} : memref<128xf32, #tpu.memory_space<vmem>>, vector<16xf32>,
    %iota3A = tpu.iota {dimensions = array<i32: 0>} : vector<16xi32>
    %scan3A_52 = arith.constant 0 : i32
    %scan3A_53 = arith.constant 0 : i32
    %scan3A_54 = arith.constant 250 : i32
    %scan3A_55 = arith.addi %scan3A_53, %scan3A_54 : i32
    %scan3A_56 = arith.constant 1 : i32
    scf.for %scan3A_63 = %scan3A_53 to %scan3A_55 step %scan3A_56  : i32 {
      %mul3A_64 = arith.constant 20000 : i32
      %mul3A_65 = arith.muli %arg1, %mul3A_64 : i32
      %mul3A_66 = arith.constant 80 : i32
      %mul3A_67 = arith.muli %scan3A_63, %mul3A_66 : i32
      %add3A_68 = arith.addi %mul3A_65, %mul3A_67 : i32
      %dma_start3A = tpu.memref_slice %arg4[%add3A_68] : memref<320000xi32, #tpu.memory_space<hbm>> -> memref<80xi32, #tpu.memory_space<hbm>>
      %dma_start3A_69 = tpu.memref_slice %arg4[%add3A_68] : memref<320000xi32, #tpu.memory_space<hbm>> -> memref<80xi32, #tpu.memory_space<hbm>>
      tpu.enqueue_dma source(%dma_start3A_69 : memref<80xi32, #tpu.memory_space<hbm>>) target(%arg8 : memref<80xi32, #tpu.memory_space<vmem>>) target_semaphore(%arg17 : memref<!tpu.dma_semaphore, #tpu.memory_space<semaphore_mem>>)
      %dma_start3A_70 = tpu.memref_slice %arg5[%add3A_68] : memref<320000xi32, #tpu.memory_space<hbm>> -> memref<80xi32, #tpu.memory_space<hbm>>
      %dma_start3A_71 = tpu.memref_slice %arg5[%add3A_68] : memref<320000xi32, #tpu.memory_space<hbm>> -> memref<80xi32, #tpu.memory_space<hbm>>
      tpu.enqueue_dma source(%dma_start3A_71 : memref<80xi32, #tpu.memory_space<hbm>>) target(%arg9 : memref<80xi32, #tpu.memory_space<vmem>>) target_semaphore(%arg18 : memref<!tpu.dma_semaphore, #tpu.memory_space<semaphore_mem>>)
      %dma_wait3A = tpu.memref_slice %arg4[%add3A_68] : memref<320000xi32, #tpu.memory_space<hbm>> -> memref<80xi32, #tpu.memory_space<hbm>>
      %dma_wait3A_72 = tpu.memref_slice %arg4[%add3A_68] : memref<320000xi32, #tpu.memory_space<hbm>> -> memref<80xi32, #tpu.memory_space<hbm>>
      tpu.wait_dma2 semaphore(%arg17 : memref<!tpu.dma_semaphore, #tpu.memory_space<semaphore_mem>>) src(%dma_wait3A_72 : memref<80xi32, #tpu.memory_space<hbm>>) dst(%arg8 : memref<80xi32, #tpu.memory_space<vmem>>)
      %dma_wait3A_73 = tpu.memref_slice %arg5[%add3A_68] : memref<320000xi32, #tpu.memory_space<hbm>> -> memref<80xi32, #tpu.memory_space<hbm>>
      %dma_wait3A_74 = tpu.memref_slice %arg5[%add3A_68] : memref<320000xi32, #tpu.memory_space<hbm>> -> memref<80xi32, #tpu.memory_space<hbm>>
      tpu.wait_dma2 semaphore(%arg18 : memref<!tpu.dma_semaphore, #tpu.memory_space<semaphore_mem>>) src(%dma_wait3A_74 : memref<80xi32, #tpu.memory_space<hbm>>) dst(%arg9 : memref<80xi32, #tpu.memory_space<vmem>>)
      %mul3A_75 = arith.constant 10000 : i32
      %mul3A_76 = arith.muli %arg0, %mul3A_75 : i32
      %get3A_77 = arith.constant 0 : index
      %get3A_78 = tpu.vector_load %arg8[%get3A_77] {strides = array<i32>} : memref<80xi32, #tpu.memory_space<vmem>>, vector<16xi32>,
      %add3A_79 = vector.broadcast %mul3A_76 : i32 to vector<16xi32>
      %add3A_80 = arith.addi %get3A_78, %add3A_79 : vector<16xi32>
      %swap3A = arith.constant 0 : index
      %swap3A_81 = tpu.vector_load %arg10[%swap3A] {strides = array<i32>} : memref<80xi32, #tpu.memory_space<vmem>>, vector<16xi32>,
      tpu.vector_store %arg10[%swap3A], %add3A_80 {strides = array<i32>} : memref<80xi32, #tpu.memory_space<vmem>>, vector<16xi32>,
      %get3A_82 = arith.constant 0 : index
      %get3A_83 = tpu.vector_load %arg9[%get3A_82] {strides = array<i32>} : memref<80xi32, #tpu.memory_space<vmem>>, vector<16xi32>,
      %add3A_84 = vector.broadcast %mul3A_76 : i32 to vector<16xi32>
      %add3A_85 = arith.addi %get3A_83, %add3A_84 : vector<16xi32>
      %swap3A_86 = arith.constant 0 : index
      %swap3A_87 = tpu.vector_load %arg11[%swap3A_86] {strides = array<i32>} : memref<80xi32, #tpu.memory_space<vmem>>, vector<16xi32>,
      tpu.vector_store %arg11[%swap3A_86], %add3A_85 {strides = array<i32>} : memref<80xi32, #tpu.memory_space<vmem>>, vector<16xi32>,
      %get3A_88 = arith.constant 16 : index
      %get3A_89 = tpu.vector_load %arg8[%get3A_88] {strides = array<i32>} : memref<80xi32, #tpu.memory_space<vmem>>, vector<16xi32>,
      %add3A_90 = vector.broadcast %mul3A_76 : i32 to vector<16xi32>
      %add3A_91 = arith.addi %get3A_89, %add3A_90 : vector<16xi32>
      %swap3A_92 = arith.constant 16 : index
      %swap3A_93 = tpu.vector_load %arg10[%swap3A_92] {strides = array<i32>} : memref<80xi32, #tpu.memory_space<vmem>>, vector<16xi32>,
      tpu.vector_store %arg10[%swap3A_92], %add3A_91 {strides = array<i32>} : memref<80xi32, #tpu.memory_space<vmem>>, vector<16xi32>,
      %get3A_94 = arith.constant 16 : index
      %get3A_95 = tpu.vector_load %arg9[%get3A_94] {strides = array<i32>} : memref<80xi32, #tpu.memory_space<vmem>>, vector<16xi32>,
      %add3A_96 = vector.broadcast %mul3A_76 : i32 to vector<16xi32>
      %add3A_97 = arith.addi %get3A_95, %add3A_96 : vector<16xi32>
      %swap3A_98 = arith.constant 16 : index
      %swap3A_99 = tpu.vector_load %arg11[%swap3A_98] {strides = array<i32>} : memref<80xi32, #tpu.memory_space<vmem>>, vector<16xi32>,
      tpu.vector_store %arg11[%swap3A_98], %add3A_97 {strides = array<i32>} : memref<80xi32, #tpu.memory_space<vmem>>, vector<16xi32>,
      %get3A_100 = arith.constant 32 : index
      %get3A_101 = tpu.vector_load %arg8[%get3A_100] {strides = array<i32>} : memref<80xi32, #tpu.memory_space<vmem>>, vector<16xi32>,
      %add3A_102 = vector.broadcast %mul3A_76 : i32 to vector<16xi32>
      %add3A_103 = arith.addi %get3A_101, %add3A_102 : vector<16xi32>
      %swap3A_104 = arith.constant 32 : index
      %swap3A_105 = tpu.vector_load %arg10[%swap3A_104] {strides = array<i32>} : memref<80xi32, #tpu.memory_space<vmem>>, vector<16xi32>,
      tpu.vector_store %arg10[%swap3A_104], %add3A_103 {strides = array<i32>} : memref<80xi32, #tpu.memory_space<vmem>>, vector<16xi32>,
      %get3A_106 = arith.constant 32 : index
      %get3A_107 = tpu.vector_load %arg9[%get3A_106] {strides = array<i32>} : memref<80xi32, #tpu.memory_space<vmem>>, vector<16xi32>,
      %add3A_108 = vector.broadcast %mul3A_76 : i32 to vector<16xi32>
      %add3A_109 = arith.addi %get3A_107, %add3A_108 : vector<16xi32>
      %swap3A_110 = arith.constant 32 : index
      %swap3A_111 = tpu.vector_load %arg11[%swap3A_110] {strides = array<i32>} : memref<80xi32, #tpu.memory_space<vmem>>, vector<16xi32>,
      tpu.vector_store %arg11[%swap3A_110], %add3A_109 {strides = array<i32>} : memref<80xi32, #tpu.memory_space<vmem>>, vector<16xi32>,
      %get3A_112 = arith.constant 48 : index
      %get3A_113 = tpu.vector_load %arg8[%get3A_112] {strides = array<i32>} : memref<80xi32, #tpu.memory_space<vmem>>, vector<16xi32>,
      %add3A_114 = vector.broadcast %mul3A_76 : i32 to vector<16xi32>
      %add3A_115 = arith.addi %get3A_113, %add3A_114 : vector<16xi32>
      %swap3A_116 = arith.constant 48 : index
      %swap3A_117 = tpu.vector_load %arg10[%swap3A_116] {strides = array<i32>} : memref<80xi32, #tpu.memory_space<vmem>>, vector<16xi32>,
      tpu.vector_store %arg10[%swap3A_116], %add3A_115 {strides = array<i32>} : memref<80xi32, #tpu.memory_space<vmem>>, vector<16xi32>,
      %get3A_118 = arith.constant 48 : index
      %get3A_119 = tpu.vector_load %arg9[%get3A_118] {strides = array<i32>} : memref<80xi32, #tpu.memory_space<vmem>>, vector<16xi32>,
      %add3A_120 = vector.broadcast %mul3A_76 : i32 to vector<16xi32>
      %add3A_121 = arith.addi %get3A_119, %add3A_120 : vector<16xi32>
      %swap3A_122 = arith.constant 48 : index
      %swap3A_123 = tpu.vector_load %arg11[%swap3A_122] {strides = array<i32>} : memref<80xi32, #tpu.memory_space<vmem>>, vector<16xi32>,
      tpu.vector_store %arg11[%swap3A_122], %add3A_121 {strides = array<i32>} : memref<80xi32, #tpu.memory_space<vmem>>, vector<16xi32>,
      %get3A_124 = arith.constant 64 : index
      %get3A_125 = tpu.vector_load %arg8[%get3A_124] {strides = array<i32>} : memref<80xi32, #tpu.memory_space<vmem>>, vector<16xi32>,
      %add3A_126 = vector.broadcast %mul3A_76 : i32 to vector<16xi32>
      %add3A_127 = arith.addi %get3A_125, %add3A_126 : vector<16xi32>
      %swap3A_128 = arith.constant 64 : index
      %swap3A_129 = tpu.vector_load %arg10[%swap3A_128] {strides = array<i32>} : memref<80xi32, #tpu.memory_space<vmem>>, vector<16xi32>,
      tpu.vector_store %arg10[%swap3A_128], %add3A_127 {strides = array<i32>} : memref<80xi32, #tpu.memory_space<vmem>>, vector<16xi32>,
      %get3A_130 = arith.constant 64 : index
      %get3A_131 = tpu.vector_load %arg9[%get3A_130] {strides = array<i32>} : memref<80xi32, #tpu.memory_space<vmem>>, vector<16xi32>,
      %add3A_132 = vector.broadcast %mul3A_76 : i32 to vector<16xi32>
      %add3A_133 = arith.addi %get3A_131, %add3A_132 : vector<16xi32>
      %swap3A_134 = arith.constant 64 : index
      %swap3A_135 = tpu.vector_load %arg11[%swap3A_134] {strides = array<i32>} : memref<80xi32, #tpu.memory_space<vmem>>, vector<16xi32>,
      tpu.vector_store %arg11[%swap3A_134], %add3A_133 {strides = array<i32>} : memref<80xi32, #tpu.memory_space<vmem>>, vector<16xi32>,
      %dma_start3A_136 = arith.constant 0 : i32
      %dma_start3A_137 = arith.constant 0 : i32
      %dma_start3A_138 = tpu.memref_slice %arg2[%dma_start3A_136, %dma_start3A_137] : memref<20000x128xf32, #tpu.memory_space<hbm>> -> memref<20000x128xf32, #tpu.memory_space<hbm>>
      tpu.enqueue_indirect_dma source(%dma_start3A_138 : memref<20000x128xf32, #tpu.memory_space<hbm>>) target(%arg12 : memref<80x128xf32, #tpu.memory_space<vmem>>) offsets(%arg10 : memref<80xi32, #tpu.memory_space<vmem>>) semaphore(%arg17 : memref<!tpu.dma_semaphore, #tpu.memory_space<semaphore_mem>>)
      %dma_start3A_139 = arith.constant 0 : i32
      %dma_start3A_140 = arith.constant 0 : i32
      %dma_start3A_141 = tpu.memref_slice %arg3[%dma_start3A_139, %dma_start3A_140] : memref<20000x128xf32, #tpu.memory_space<hbm>> -> memref<20000x128xf32, #tpu.memory_space<hbm>>
      tpu.enqueue_indirect_dma source(%dma_start3A_141 : memref<20000x128xf32, #tpu.memory_space<hbm>>) target(%arg13 : memref<80x128xf32, #tpu.memory_space<vmem>>) offsets(%arg11 : memref<80xi32, #tpu.memory_space<vmem>>) semaphore(%arg18 : memref<!tpu.dma_semaphore, #tpu.memory_space<semaphore_mem>>)
      %dma_wait3A_142 = arith.constant 0 : i32
      %dma_wait3A_143 = arith.constant 0 : i32
      %dma_wait3A_144 = tpu.memref_slice %arg2[%dma_wait3A_142, %dma_wait3A_143] : memref<20000x128xf32, #tpu.memory_space<hbm>> -> memref<20000x128xf32, #tpu.memory_space<hbm>>
      tpu.wait_indirect_dma semaphore(%arg17 : memref<!tpu.dma_semaphore, #tpu.memory_space<semaphore_mem>>) src(%dma_wait3A_144 : memref<20000x128xf32, #tpu.memory_space<hbm>>) dst(%arg12 : memref<80x128xf32, #tpu.memory_space<vmem>>)
      %dma_wait3A_145 = arith.constant 0 : i32
      %dma_wait3A_146 = arith.constant 0 : i32
      %dma_wait3A_147 = tpu.memref_slice %arg3[%dma_wait3A_145, %dma_wait3A_146] : memref<20000x128xf32, #tpu.memory_space<hbm>> -> memref<20000x128xf32, #tpu.memory_space<hbm>>
      tpu.wait_indirect_dma semaphore(%arg18 : memref<!tpu.dma_semaphore, #tpu.memory_space<semaphore_mem>>) src(%dma_wait3A_147 : memref<20000x128xf32, #tpu.memory_space<hbm>>) dst(%arg13 : memref<80x128xf32, #tpu.memory_space<vmem>>)
      %scan3A_148 = arith.constant 0 : i32
      %scan3A_149 = arith.constant 0 : i32
      %scan3A_150 = arith.constant 80 : i32
      %scan3A_151 = arith.addi %scan3A_149, %scan3A_150 : i32
      %scan3A_152 = arith.constant 1 : i32
      scf.for %scan3A_154 = %scan3A_149 to %scan3A_151 step %scan3A_152  : i32 {
        %get3A_155 = arith.index_cast %scan3A_154 : i32 to index
        %get3A_156 = arith.constant 0 : index
        %get3A_157 = tpu.vector_load %arg12[%get3A_155, %get3A_156] {strides = array<i32>} : memref<80x128xf32, #tpu.memory_space<vmem>>, vector<16xf32>,
        %get3A_158 = arith.index_cast %scan3A_154 : i32 to index
        %get3A_159 = arith.constant 0 : index
        %get3A_160 = tpu.vector_load %arg13[%get3A_158, %get3A_159] {strides = array<i32>} : memref<80x128xf32, #tpu.memory_space<vmem>>, vector<16xf32>,
        %add3A_161 = arith.addf %get3A_157, %get3A_160 : vector<16xf32>
        %mul3A_162 = arith.constant 2.000000e-01 : f32
        %mul3A_163 = vector.broadcast %mul3A_162 : f32 to vector<16xf32>
        %mul3A_164 = arith.mulf %mul3A_163, %add3A_161 : vector<16xf32>
        %max3A = arith.maximumf %add3A_161, %mul3A_164 : vector<16xf32>
        %mul3A_165 = arith.mulf %max3A, %get3A_37 : vector<16xf32>
        %add3A_166 = arith.addf %broadcast_in_dim3A_0, %mul3A_165 : vector<16xf32>
        %get3A_167 = arith.index_cast %scan3A_154 : i32 to index
        %get3A_168 = arith.constant 16 : index
        %get3A_169 = tpu.vector_load %arg12[%get3A_167, %get3A_168] {strides = array<i32>} : memref<80x128xf32, #tpu.memory_space<vmem>>, vector<16xf32>,
        %get3A_170 = arith.index_cast %scan3A_154 : i32 to index
        %get3A_171 = arith.constant 16 : index
        %get3A_172 = tpu.vector_load %arg13[%get3A_170, %get3A_171] {strides = array<i32>} : memref<80x128xf32, #tpu.memory_space<vmem>>, vector<16xf32>,
        %add3A_173 = arith.addf %get3A_169, %get3A_172 : vector<16xf32>
        %mul3A_174 = arith.constant 2.000000e-01 : f32
        %mul3A_175 = vector.broadcast %mul3A_174 : f32 to vector<16xf32>
        %mul3A_176 = arith.mulf %mul3A_175, %add3A_173 : vector<16xf32>
        %max3A_177 = arith.maximumf %add3A_173, %mul3A_176 : vector<16xf32>
        %mul3A_178 = arith.mulf %max3A_177, %get3A_39 : vector<16xf32>
        %add3A_179 = arith.addf %add3A_166, %mul3A_178 : vector<16xf32>
        %get3A_180 = arith.index_cast %scan3A_154 : i32 to index
        %get3A_181 = arith.constant 32 : index
        %get3A_182 = tpu.vector_load %arg12[%get3A_180, %get3A_181] {strides = array<i32>} : memref<80x128xf32, #tpu.memory_space<vmem>>, vector<16xf32>,
        %get3A_183 = arith.index_cast %scan3A_154 : i32 to index
        %get3A_184 = arith.constant 32 : index
        %get3A_185 = tpu.vector_load %arg13[%get3A_183, %get3A_184] {strides = array<i32>} : memref<80x128xf32, #tpu.memory_space<vmem>>, vector<16xf32>,
        %add3A_186 = arith.addf %get3A_182, %get3A_185 : vector<16xf32>
        %mul3A_187 = arith.constant 2.000000e-01 : f32
        %mul3A_188 = vector.broadcast %mul3A_187 : f32 to vector<16xf32>
        %mul3A_189 = arith.mulf %mul3A_188, %add3A_186 : vector<16xf32>
        %max3A_190 = arith.maximumf %add3A_186, %mul3A_189 : vector<16xf32>
        %mul3A_191 = arith.mulf %max3A_190, %get3A_41 : vector<16xf32>
        %add3A_192 = arith.addf %add3A_179, %mul3A_191 : vector<16xf32>
        %get3A_193 = arith.index_cast %scan3A_154 : i32 to index
        %get3A_194 = arith.constant 48 : index
        %get3A_195 = tpu.vector_load %arg12[%get3A_193, %get3A_194] {strides = array<i32>} : memref<80x128xf32, #tpu.memory_space<vmem>>, vector<16xf32>,
        %get3A_196 = arith.index_cast %scan3A_154 : i32 to index
        %get3A_197 = arith.constant 48 : index
        %get3A_198 = tpu.vector_load %arg13[%get3A_196, %get3A_197] {strides = array<i32>} : memref<80x128xf32, #tpu.memory_space<vmem>>, vector<16xf32>,
        %add3A_199 = arith.addf %get3A_195, %get3A_198 : vector<16xf32>
        %mul3A_200 = arith.constant 2.000000e-01 : f32
        %mul3A_201 = vector.broadcast %mul3A_200 : f32 to vector<16xf32>
        %mul3A_202 = arith.mulf %mul3A_201, %add3A_199 : vector<16xf32>
        %max3A_203 = arith.maximumf %add3A_199, %mul3A_202 : vector<16xf32>
        %mul3A_204 = arith.mulf %max3A_203, %get3A_43 : vector<16xf32>
        %add3A_205 = arith.addf %add3A_192, %mul3A_204 : vector<16xf32>
        %reduce_sum3A = arith.constant true
        %reduce_sum3A_206 = vector.broadcast %reduce_sum3A : i1 to vector<16xi1>
        %reduce_sum3A_207 = tpu.scan <sum>, %add3A_205 masked %reduce_sum3A_206 : vector<16xf32>, vector<16xi1> -> vector<16xf32>
        %reduce_sum3A_208 = vector.extract %reduce_sum3A_207[15] : f32 from vector<16xf32>
        %broadcast_in_dim3A_209 = vector.broadcast %reduce_sum3A_208 : f32 to vector<16xf32>
        %exp3A = math.exp %broadcast_in_dim3A_209 : vector<16xf32>
        %mul3A_210 = arith.mulf %get3A_157, %exp3A : vector<16xf32>
        %swap3A_211 = arith.index_cast %scan3A_154 : i32 to index
        %swap3A_212 = arith.constant 0 : index
        %swap3A_213 = tpu.vector_load %arg14[%swap3A_211, %swap3A_212] {strides = array<i32>} : memref<80x144xf32, #tpu.memory_space<vmem>>, vector<16xf32>,
        tpu.vector_store %arg14[%swap3A_211, %swap3A_212], %mul3A_210 {strides = array<i32>} : memref<80x144xf32, #tpu.memory_space<vmem>>, vector<16xf32>,
        %mul3A_214 = arith.mulf %get3A_169, %exp3A : vector<16xf32>
        %swap3A_215 = arith.index_cast %scan3A_154 : i32 to index
        %swap3A_216 = arith.constant 16 : index
        %swap3A_217 = tpu.vector_load %arg14[%swap3A_215, %swap3A_216] {strides = array<i32>} : memref<80x144xf32, #tpu.memory_space<vmem>>, vector<16xf32>,
        tpu.vector_store %arg14[%swap3A_215, %swap3A_216], %mul3A_214 {strides = array<i32>} : memref<80x144xf32, #tpu.memory_space<vmem>>, vector<16xf32>,
        %mul3A_218 = arith.mulf %get3A_182, %exp3A : vector<16xf32>
        %swap3A_219 = arith.index_cast %scan3A_154 : i32 to index
        %swap3A_220 = arith.constant 32 : index
        %swap3A_221 = tpu.vector_load %arg14[%swap3A_219, %swap3A_220] {strides = array<i32>} : memref<80x144xf32, #tpu.memory_space<vmem>>, vector<16xf32>,
        tpu.vector_store %arg14[%swap3A_219, %swap3A_220], %mul3A_218 {strides = array<i32>} : memref<80x144xf32, #tpu.memory_space<vmem>>, vector<16xf32>,
        %mul3A_222 = arith.mulf %get3A_195, %exp3A : vector<16xf32>
        %swap3A_223 = arith.index_cast %scan3A_154 : i32 to index
        %swap3A_224 = arith.constant 48 : index
        %swap3A_225 = tpu.vector_load %arg14[%swap3A_223, %swap3A_224] {strides = array<i32>} : memref<80x144xf32, #tpu.memory_space<vmem>>, vector<16xf32>,
        tpu.vector_store %arg14[%swap3A_223, %swap3A_224], %mul3A_222 {strides = array<i32>} : memref<80x144xf32, #tpu.memory_space<vmem>>, vector<16xf32>,
        %mul3A_226 = arith.constant 2 : i32
        %mul3A_227 = arith.muli %arg0, %mul3A_226 : i32
        %add3A_228 = arith.constant 0 : i32
        %add3A_229 = arith.addi %mul3A_227, %add3A_228 : i32
        %eq3A = vector.broadcast %add3A_229 : i32 to vector<16xi32>
        %eq3A_230 = arith.cmpi eq, %iota3A, %eq3A : vector<16xi32>
        %jit3A = arith.constant 0.000000e+00 : f32
        %broadcast_in_dim3A_231 = vector.broadcast %jit3A : f32 to vector<16xf32>
        %select_n3A = arith.select %eq3A_230, %exp3A, %broadcast_in_dim3A_231 : vector<16xi1>, vector<16xf32>
        %add3A_232 = arith.addf %broadcast_in_dim3A_0, %select_n3A : vector<16xf32>
        %get3A_233 = arith.index_cast %scan3A_154 : i32 to index
        %get3A_234 = arith.constant 64 : index
        %get3A_235 = tpu.vector_load %arg12[%get3A_233, %get3A_234] {strides = array<i32>} : memref<80x128xf32, #tpu.memory_space<vmem>>, vector<16xf32>,
        %get3A_236 = arith.index_cast %scan3A_154 : i32 to index
        %get3A_237 = arith.constant 64 : index
        %get3A_238 = tpu.vector_load %arg13[%get3A_236, %get3A_237] {strides = array<i32>} : memref<80x128xf32, #tpu.memory_space<vmem>>, vector<16xf32>,
        %add3A_239 = arith.addf %get3A_235, %get3A_238 : vector<16xf32>
        %mul3A_240 = arith.constant 2.000000e-01 : f32
        %mul3A_241 = vector.broadcast %mul3A_240 : f32 to vector<16xf32>
        %mul3A_242 = arith.mulf %mul3A_241, %add3A_239 : vector<16xf32>
        %max3A_243 = arith.maximumf %add3A_239, %mul3A_242 : vector<16xf32>
        %mul3A_244 = arith.mulf %max3A_243, %get3A_45 : vector<16xf32>
        %add3A_245 = arith.addf %broadcast_in_dim3A_0, %mul3A_244 : vector<16xf32>
        %get3A_246 = arith.index_cast %scan3A_154 : i32 to index
        %get3A_247 = arith.constant 80 : index
        %get3A_248 = tpu.vector_load %arg12[%get3A_246, %get3A_247] {strides = array<i32>} : memref<80x128xf32, #tpu.memory_space<vmem>>, vector<16xf32>,
        %get3A_249 = arith.index_cast %scan3A_154 : i32 to index
        %get3A_250 = arith.constant 80 : index
        %get3A_251 = tpu.vector_load %arg13[%get3A_249, %get3A_250] {strides = array<i32>} : memref<80x128xf32, #tpu.memory_space<vmem>>, vector<16xf32>,
        %add3A_252 = arith.addf %get3A_248, %get3A_251 : vector<16xf32>
        %mul3A_253 = arith.constant 2.000000e-01 : f32
        %mul3A_254 = vector.broadcast %mul3A_253 : f32 to vector<16xf32>
        %mul3A_255 = arith.mulf %mul3A_254, %add3A_252 : vector<16xf32>
        %max3A_256 = arith.maximumf %add3A_252, %mul3A_255 : vector<16xf32>
        %mul3A_257 = arith.mulf %max3A_256, %get3A_47 : vector<16xf32>
        %add3A_258 = arith.addf %add3A_245, %mul3A_257 : vector<16xf32>
        %get3A_259 = arith.index_cast %scan3A_154 : i32 to index
        %get3A_260 = arith.constant 96 : index
        %get3A_261 = tpu.vector_load %arg12[%get3A_259, %get3A_260] {strides = array<i32>} : memref<80x128xf32, #tpu.memory_space<vmem>>, vector<16xf32>,
        %get3A_262 = arith.index_cast %scan3A_154 : i32 to index
        %get3A_263 = arith.constant 96 : index
        %get3A_264 = tpu.vector_load %arg13[%get3A_262, %get3A_263] {strides = array<i32>} : memref<80x128xf32, #tpu.memory_space<vmem>>, vector<16xf32>,
        %add3A_265 = arith.addf %get3A_261, %get3A_264 : vector<16xf32>
        %mul3A_266 = arith.constant 2.000000e-01 : f32
        %mul3A_267 = vector.broadcast %mul3A_266 : f32 to vector<16xf32>
        %mul3A_268 = arith.mulf %mul3A_267, %add3A_265 : vector<16xf32>
        %max3A_269 = arith.maximumf %add3A_265, %mul3A_268 : vector<16xf32>
        %mul3A_270 = arith.mulf %max3A_269, %get3A_49 : vector<16xf32>
        %add3A_271 = arith.addf %add3A_258, %mul3A_270 : vector<16xf32>
        %get3A_272 = arith.index_cast %scan3A_154 : i32 to index
        %get3A_273 = arith.constant 112 : index
        %get3A_274 = tpu.vector_load %arg12[%get3A_272, %get3A_273] {strides = array<i32>} : memref<80x128xf32, #tpu.memory_space<vmem>>, vector<16xf32>,
        %get3A_275 = arith.index_cast %scan3A_154 : i32 to index
        %get3A_276 = arith.constant 112 : index
        %get3A_277 = tpu.vector_load %arg13[%get3A_275, %get3A_276] {strides = array<i32>} : memref<80x128xf32, #tpu.memory_space<vmem>>, vector<16xf32>,
        %add3A_278 = arith.addf %get3A_274, %get3A_277 : vector<16xf32>
        %mul3A_279 = arith.constant 2.000000e-01 : f32
        %mul3A_280 = vector.broadcast %mul3A_279 : f32 to vector<16xf32>
        %mul3A_281 = arith.mulf %mul3A_280, %add3A_278 : vector<16xf32>
        %max3A_282 = arith.maximumf %add3A_278, %mul3A_281 : vector<16xf32>
        %mul3A_283 = arith.mulf %max3A_282, %get3A_51 : vector<16xf32>
        %add3A_284 = arith.addf %add3A_271, %mul3A_283 : vector<16xf32>
        %reduce_sum3A_285 = arith.constant true
        %reduce_sum3A_286 = vector.broadcast %reduce_sum3A_285 : i1 to vector<16xi1>
        %reduce_sum3A_287 = tpu.scan <sum>, %add3A_284 masked %reduce_sum3A_286 : vector<16xf32>, vector<16xi1> -> vector<16xf32>
        %reduce_sum3A_288 = vector.extract %reduce_sum3A_287[15] : f32 from vector<16xf32>
        %broadcast_in_dim3A_289 = vector.broadcast %reduce_sum3A_288 : f32 to vector<16xf32>
        %exp3A_290 = math.exp %broadcast_in_dim3A_289 : vector<16xf32>
        %mul3A_291 = arith.mulf %get3A_235, %exp3A_290 : vector<16xf32>
        %swap3A_292 = arith.index_cast %scan3A_154 : i32 to index
        %swap3A_293 = arith.constant 64 : index
        %swap3A_294 = tpu.vector_load %arg14[%swap3A_292, %swap3A_293] {strides = array<i32>} : memref<80x144xf32, #tpu.memory_space<vmem>>, vector<16xf32>,
        tpu.vector_store %arg14[%swap3A_292, %swap3A_293], %mul3A_291 {strides = array<i32>} : memref<80x144xf32, #tpu.memory_space<vmem>>, vector<16xf32>,
        %mul3A_295 = arith.mulf %get3A_248, %exp3A_290 : vector<16xf32>
        %swap3A_296 = arith.index_cast %scan3A_154 : i32 to index
        %swap3A_297 = arith.constant 80 : index
        %swap3A_298 = tpu.vector_load %arg14[%swap3A_296, %swap3A_297] {strides = array<i32>} : memref<80x144xf32, #tpu.memory_space<vmem>>, vector<16xf32>,
        tpu.vector_store %arg14[%swap3A_296, %swap3A_297], %mul3A_295 {strides = array<i32>} : memref<80x144xf32, #tpu.memory_space<vmem>>, vector<16xf32>,
        %mul3A_299 = arith.mulf %get3A_261, %exp3A_290 : vector<16xf32>
        %swap3A_300 = arith.index_cast %scan3A_154 : i32 to index
        %swap3A_301 = arith.constant 96 : index
        %swap3A_302 = tpu.vector_load %arg14[%swap3A_300, %swap3A_301] {strides = array<i32>} : memref<80x144xf32, #tpu.memory_space<vmem>>, vector<16xf32>,
        tpu.vector_store %arg14[%swap3A_300, %swap3A_301], %mul3A_299 {strides = array<i32>} : memref<80x144xf32, #tpu.memory_space<vmem>>, vector<16xf32>,
        %mul3A_303 = arith.mulf %get3A_274, %exp3A_290 : vector<16xf32>
        %swap3A_304 = arith.index_cast %scan3A_154 : i32 to index
        %swap3A_305 = arith.constant 112 : index
        %swap3A_306 = tpu.vector_load %arg14[%swap3A_304, %swap3A_305] {strides = array<i32>} : memref<80x144xf32, #tpu.memory_space<vmem>>, vector<16xf32>,
        tpu.vector_store %arg14[%swap3A_304, %swap3A_305], %mul3A_303 {strides = array<i32>} : memref<80x144xf32, #tpu.memory_space<vmem>>, vector<16xf32>,
        %mul3A_307 = arith.constant 2 : i32
        %mul3A_308 = arith.muli %arg0, %mul3A_307 : i32
        %add3A_309 = arith.constant 1 : i32
        %add3A_310 = arith.addi %mul3A_308, %add3A_309 : i32
        %eq3A_311 = vector.broadcast %add3A_310 : i32 to vector<16xi32>
        %eq3A_312 = arith.cmpi eq, %iota3A, %eq3A_311 : vector<16xi32>
        %jit3A_313 = arith.constant 0.000000e+00 : f32
        %broadcast_in_dim3A_314 = vector.broadcast %jit3A_313 : f32 to vector<16xf32>
        %select_n3A_315 = arith.select %eq3A_312, %exp3A_290, %broadcast_in_dim3A_314 : vector<16xi1>, vector<16xf32>
        %add3A_316 = arith.addf %add3A_232, %select_n3A_315 : vector<16xf32>
        %swap3A_317 = arith.index_cast %scan3A_154 : i32 to index
        %swap3A_318 = arith.constant 128 : index
        %swap3A_319 = tpu.vector_load %arg14[%swap3A_317, %swap3A_318] {strides = array<i32>} : memref<80x144xf32, #tpu.memory_space<vmem>>, vector<16xf32>,
        tpu.vector_store %arg14[%swap3A_317, %swap3A_318], %add3A_316 {strides = array<i32>} : memref<80x144xf32, #tpu.memory_space<vmem>>, vector<16xf32>,
      }
      %scan3A_153 = arith.constant 80 : i32
      "tpu.region"() ({
        %run_scoped3A = tpu.sem_alloc : memref<!tpu.dma_semaphore, #tpu.memory_space<semaphore_mem>>
        %dma_start3A_154 = arith.constant 0 : i32
        %dma_start3A_155 = arith.constant 0 : i32
        %dma_start3A_156 = tpu.memref_slice %arg16[%dma_start3A_154, %dma_start3A_155] : memref<10000x144xf32, #tpu.memory_space<vmem_shared>> -> memref<10000x144xf32, #tpu.memory_space<vmem_shared>>
        tpu.enqueue_indirect_dma source(%arg14 : memref<80x144xf32, #tpu.memory_space<vmem>>) target(%dma_start3A_156 : memref<10000x144xf32, #tpu.memory_space<vmem_shared>>) offsets(%arg9 : memref<80xi32, #tpu.memory_space<vmem>>) semaphore(%run_scoped3A : memref<!tpu.dma_semaphore, #tpu.memory_space<semaphore_mem>>) {add = true}
        %dma_wait3A_157 = arith.constant 0 : i32
        %dma_wait3A_158 = arith.constant 0 : i32
        %dma_wait3A_159 = tpu.memref_slice %arg16[%dma_wait3A_157, %dma_wait3A_158] : memref<10000x144xf32, #tpu.memory_space<vmem_shared>> -> memref<10000x144xf32, #tpu.memory_space<vmem_shared>>
        tpu.wait_indirect_dma semaphore(%run_scoped3A : memref<!tpu.dma_semaphore, #tpu.memory_space<semaphore_mem>>) src(%arg14 : memref<80x144xf32, #tpu.memory_space<vmem>>) dst(%dma_wait3A_159 : memref<10000x144xf32, #tpu.memory_space<vmem_shared>>)
        tpu.yield
      }) : () -> ()
    }
    %scan3A_57 = arith.constant 250 : i32
    %barrier3A_58 = arith.constant 0 : index
    tpu.barrier barrier_id(%barrier3A_58)
    %mul3A_59 = arith.constant 625 : i32
    %mul3A_60 = arith.muli %arg1, %mul3A_59 : i32
    %mul3A_61 = arith.constant 625 : i32
    %mul3A_62 = arith.muli %arg1, %mul3A_61 : i32
    "tpu.region"() ({
      %run_scoped3A = tpu.sem_alloc : memref<!tpu.dma_semaphore, #tpu.memory_space<semaphore_mem>>
      %dma_start3A = arith.constant 0 : i32
      %dma_start3A_63 = tpu.memref_slice %arg7[%arg0, %mul3A_62, %dma_start3A] : memref<2x10000x144xf32, #tpu.memory_space<hbm>> -> memref<1x625x144xf32, #tpu.memory_space<hbm>>
      %dma_start3A_64 = tpu.memref_squeeze %dma_start3A_63 : memref<1x625x144xf32, #tpu.memory_space<hbm>> -> memref<625x144xf32, #tpu.memory_space<hbm>>
      %dma_start3A_65 = arith.constant 0 : i32
      %dma_start3A_66 = tpu.memref_slice %arg16[%mul3A_60, %dma_start3A_65] : memref<10000x144xf32, #tpu.memory_space<vmem_shared>> -> memref<625x144xf32, #tpu.memory_space<vmem_shared>>
      tpu.enqueue_dma source(%dma_start3A_66 : memref<625x144xf32, #tpu.memory_space<vmem_shared>>) target(%dma_start3A_64 : memref<625x144xf32, #tpu.memory_space<hbm>>) target_semaphore(%run_scoped3A : memref<!tpu.dma_semaphore, #tpu.memory_space<semaphore_mem>>)
      %dma_wait3A = arith.constant 0 : i32
      %dma_wait3A_67 = tpu.memref_slice %arg7[%arg0, %mul3A_62, %dma_wait3A] : memref<2x10000x144xf32, #tpu.memory_space<hbm>> -> memref<1x625x144xf32, #tpu.memory_space<hbm>>
      %dma_wait3A_68 = tpu.memref_squeeze %dma_wait3A_67 : memref<1x625x144xf32, #tpu.memory_space<hbm>> -> memref<625x144xf32, #tpu.memory_space<hbm>>
      %dma_wait3A_69 = arith.constant 0 : i32
      %dma_wait3A_70 = tpu.memref_slice %arg16[%mul3A_60, %dma_wait3A_69] : memref<10000x144xf32, #tpu.memory_space<vmem_shared>> -> memref<625x144xf32, #tpu.memory_space<vmem_shared>>
      tpu.wait_dma2 semaphore(%run_scoped3A : memref<!tpu.dma_semaphore, #tpu.memory_space<semaphore_mem>>) src(%dma_wait3A_70 : memref<625x144xf32, #tpu.memory_space<vmem_shared>>) dst(%dma_wait3A_68 : memref<625x144xf32, #tpu.memory_space<hbm>>)
      tpu.yield
    }) : () -> ()
    return
  }
}

#map = affine_map<(d0, d1) -> (0, 0)>
#map1 = affine_map<(d0, d1) -> (0)>
#map2 = affine_map<(d0, d1) -> (0, 0, 0)>
module attributes {stable_mosaic.version = 14 : i64} {
  func.func @body(%arg0: i32, %arg1: i32, %arg2: memref<20000x128xf32, #tpu.memory_space<hbm>>, %arg3: memref<20000x128xf32, #tpu.memory_space<hbm>>, %arg4: memref<320000xi32, #tpu.memory_space<hbm>>, %arg5: memref<320000xi32, #tpu.memory_space<hbm>>, %arg6: memref<2x128xf32, #tpu.memory_space<hbm>>, %arg7: memref<2x10000x144xf32, #tpu.memory_space<hbm>>, %arg8: memref<80xi32, #tpu.memory_space<vmem>>, %arg9: memref<80xi32, #tpu.memory_space<vmem>>, %arg10: memref<80xi32, #tpu.memory_space<vmem>>, %arg11: memref<80xi32, #tpu.memory_space<vmem>>, %arg12: memref<80x128xf32, #tpu.memory_space<vmem>>, %arg13: memref<80x128xf32, #tpu.memory_space<vmem>>, %arg14: memref<80x144xf32, #tpu.memory_space<vmem>>, %arg15: memref<128xf32, #tpu.memory_space<vmem>>, %arg16: memref<10000x144xf32, #tpu.memory_space<vmem_shared>>, %arg17: memref<!tpu.dma_semaphore, #tpu.memory_space<semaphore_mem>>, %arg18: memref<!tpu.dma_semaphore, #tpu.memory_space<semaphore_mem>>) attributes {dimension_semantics = [#tpu.dimension_semantics<core_parallel>, #tpu.dimension_semantics<subcore_parallel>], iteration_bounds = array<i64: 2, 16>, scalar_prefetch = 0 : i64, scratch_operands = 11 : i64, tpu.core_type = #tpu.core_type<sc_vector_subcore>, window_params = [{transform_indices = #map}, {transform_indices = #map}, {transform_indices = #map1}, {transform_indices = #map1}, {transform_indices = #map}, {transform_indices = #map2}]} {
    "tpu.region"() ({
      %run_scoped3A = tpu.sem_alloc : memref<!tpu.dma_semaphore, #tpu.memory_space<semaphore_mem>>
      %dma_start3A = arith.constant 0 : i32
      %dma_start3A_63 = tpu.memref_slice %arg6[%arg0, %dma_start3A] : memref<2x128xf32, #tpu.memory_space<hbm>> -> memref<1x128xf32, #tpu.memory_space<hbm>>
      %dma_start3A_64 = tpu.memref_squeeze %dma_start3A_63 : memref<1x128xf32, #tpu.memory_space<hbm>> -> memref<128xf32, #tpu.memory_space<hbm>>
      %dma_start3A_65 = arith.constant 0 : i32
      %dma_start3A_66 = tpu.memref_slice %arg6[%arg0, %dma_start3A_65] : memref<2x128xf32, #tpu.memory_space<hbm>> -> memref<1x128xf32, #tpu.memory_space<hbm>>
      %dma_start3A_67 = tpu.memref_squeeze %dma_start3A_66 : memref<1x128xf32, #tpu.memory_space<hbm>> -> memref<128xf32, #tpu.memory_space<hbm>>
      tpu.enqueue_dma source(%dma_start3A_67 : memref<128xf32, #tpu.memory_space<hbm>>) target(%arg15 : memref<128xf32, #tpu.memory_space<vmem>>) target_semaphore(%run_scoped3A : memref<!tpu.dma_semaphore, #tpu.memory_space<semaphore_mem>>)
      %dma_wait3A = arith.constant 0 : i32
      %dma_wait3A_68 = tpu.memref_slice %arg6[%arg0, %dma_wait3A] : memref<2x128xf32, #tpu.memory_space<hbm>> -> memref<1x128xf32, #tpu.memory_space<hbm>>
      %dma_wait3A_69 = tpu.memref_squeeze %dma_wait3A_68 : memref<1x128xf32, #tpu.memory_space<hbm>> -> memref<128xf32, #tpu.memory_space<hbm>>
      %dma_wait3A_70 = arith.constant 0 : i32
      %dma_wait3A_71 = tpu.memref_slice %arg6[%arg0, %dma_wait3A_70] : memref<2x128xf32, #tpu.memory_space<hbm>> -> memref<1x128xf32, #tpu.memory_space<hbm>>
      %dma_wait3A_72 = tpu.memref_squeeze %dma_wait3A_71 : memref<1x128xf32, #tpu.memory_space<hbm>> -> memref<128xf32, #tpu.memory_space<hbm>>
      tpu.wait_dma2 semaphore(%run_scoped3A : memref<!tpu.dma_semaphore, #tpu.memory_space<semaphore_mem>>) src(%dma_wait3A_72 : memref<128xf32, #tpu.memory_space<hbm>>) dst(%arg15 : memref<128xf32, #tpu.memory_space<vmem>>)
      tpu.yield
    }) : () -> ()
    %broadcast_in_dim3A = arith.constant 0.000000e+00 : f32
    %broadcast_in_dim3A_0 = vector.broadcast %broadcast_in_dim3A : f32 to vector<16xf32>
    %scan3A = arith.constant 0 : i32
    %scan3A_1 = arith.constant 0 : i32
    %scan3A_2 = arith.constant 80 : i32
    %scan3A_3 = arith.addi %scan3A_1, %scan3A_2 : i32
    %scan3A_4 = arith.constant 1 : i32
    scf.for %scan3A_63 = %scan3A_1 to %scan3A_3 step %scan3A_4  : i32 {
      %swap3A = arith.index_cast %scan3A_63 : i32 to index
      %swap3A_64 = arith.constant 0 : index
      %swap3A_65 = tpu.vector_load %arg14[%swap3A, %swap3A_64] {strides = array<i32>} : memref<80x144xf32, #tpu.memory_space<vmem>>, vector<16xf32>,
      tpu.vector_store %arg14[%swap3A, %swap3A_64], %broadcast_in_dim3A_0 {strides = array<i32>} : memref<80x144xf32, #tpu.memory_space<vmem>>, vector<16xf32>,
      %swap3A_66 = arith.index_cast %scan3A_63 : i32 to index
      %swap3A_67 = arith.constant 16 : index
      %swap3A_68 = tpu.vector_load %arg14[%swap3A_66, %swap3A_67] {strides = array<i32>} : memref<80x144xf32, #tpu.memory_space<vmem>>, vector<16xf32>,
      tpu.vector_store %arg14[%swap3A_66, %swap3A_67], %broadcast_in_dim3A_0 {strides = array<i32>} : memref<80x144xf32, #tpu.memory_space<vmem>>, vector<16xf32>,
      %swap3A_69 = arith.index_cast %scan3A_63 : i32 to index
      %swap3A_70 = arith.constant 32 : index
      %swap3A_71 = tpu.vector_load %arg14[%swap3A_69, %swap3A_70] {strides = array<i32>} : memref<80x144xf32, #tpu.memory_space<vmem>>, vector<16xf32>,
      tpu.vector_store %arg14[%swap3A_69, %swap3A_70], %broadcast_in_dim3A_0 {strides = array<i32>} : memref<80x144xf32, #tpu.memory_space<vmem>>, vector<16xf32>,
      %swap3A_72 = arith.index_cast %scan3A_63 : i32 to index
      %swap3A_73 = arith.constant 48 : index
      %swap3A_74 = tpu.vector_load %arg14[%swap3A_72, %swap3A_73] {strides = array<i32>} : memref<80x144xf32, #tpu.memory_space<vmem>>, vector<16xf32>,
      tpu.vector_store %arg14[%swap3A_72, %swap3A_73], %broadcast_in_dim3A_0 {strides = array<i32>} : memref<80x144xf32, #tpu.memory_space<vmem>>, vector<16xf32>,
      %swap3A_75 = arith.index_cast %scan3A_63 : i32 to index
      %swap3A_76 = arith.constant 64 : index
      %swap3A_77 = tpu.vector_load %arg14[%swap3A_75, %swap3A_76] {strides = array<i32>} : memref<80x144xf32, #tpu.memory_space<vmem>>, vector<16xf32>,
      tpu.vector_store %arg14[%swap3A_75, %swap3A_76], %broadcast_in_dim3A_0 {strides = array<i32>} : memref<80x144xf32, #tpu.memory_space<vmem>>, vector<16xf32>,
      %swap3A_78 = arith.index_cast %scan3A_63 : i32 to index
      %swap3A_79 = arith.constant 80 : index
      %swap3A_80 = tpu.vector_load %arg14[%swap3A_78, %swap3A_79] {strides = array<i32>} : memref<80x144xf32, #tpu.memory_space<vmem>>, vector<16xf32>,
      tpu.vector_store %arg14[%swap3A_78, %swap3A_79], %broadcast_in_dim3A_0 {strides = array<i32>} : memref<80x144xf32, #tpu.memory_space<vmem>>, vector<16xf32>,
      %swap3A_81 = arith.index_cast %scan3A_63 : i32 to index
      %swap3A_82 = arith.constant 96 : index
      %swap3A_83 = tpu.vector_load %arg14[%swap3A_81, %swap3A_82] {strides = array<i32>} : memref<80x144xf32, #tpu.memory_space<vmem>>, vector<16xf32>,
      tpu.vector_store %arg14[%swap3A_81, %swap3A_82], %broadcast_in_dim3A_0 {strides = array<i32>} : memref<80x144xf32, #tpu.memory_space<vmem>>, vector<16xf32>,
      %swap3A_84 = arith.index_cast %scan3A_63 : i32 to index
      %swap3A_85 = arith.constant 112 : index
      %swap3A_86 = tpu.vector_load %arg14[%swap3A_84, %swap3A_85] {strides = array<i32>} : memref<80x144xf32, #tpu.memory_space<vmem>>, vector<16xf32>,
      tpu.vector_store %arg14[%swap3A_84, %swap3A_85], %broadcast_in_dim3A_0 {strides = array<i32>} : memref<80x144xf32, #tpu.memory_space<vmem>>, vector<16xf32>,
      %swap3A_87 = arith.index_cast %scan3A_63 : i32 to index
      %swap3A_88 = arith.constant 128 : index
      %swap3A_89 = tpu.vector_load %arg14[%swap3A_87, %swap3A_88] {strides = array<i32>} : memref<80x144xf32, #tpu.memory_space<vmem>>, vector<16xf32>,
      tpu.vector_store %arg14[%swap3A_87, %swap3A_88], %broadcast_in_dim3A_0 {strides = array<i32>} : memref<80x144xf32, #tpu.memory_space<vmem>>, vector<16xf32>,
    }
    %scan3A_5 = arith.constant 80 : i32
    %mul3A = arith.constant 625 : i32
    %mul3A_6 = arith.muli %arg1, %mul3A : i32
    %add3A = arith.constant 0 : i32
    %add3A_7 = arith.addi %mul3A_6, %add3A : i32
    "tpu.region"() ({
      %run_scoped3A = tpu.sem_alloc : memref<!tpu.dma_semaphore, #tpu.memory_space<semaphore_mem>>
      %dma_start3A = arith.constant 0 : i32
      %dma_start3A_63 = tpu.memref_slice %arg16[%add3A_7, %dma_start3A] : memref<10000x144xf32, #tpu.memory_space<vmem_shared>> -> memref<80x144xf32, #tpu.memory_space<vmem_shared>>
      %dma_start3A_64 = arith.constant 0 : i32
      %dma_start3A_65 = tpu.memref_slice %arg16[%add3A_7, %dma_start3A_64] : memref<10000x144xf32, #tpu.memory_space<vmem_shared>> -> memref<80x144xf32, #tpu.memory_space<vmem_shared>>
      tpu.enqueue_dma source(%arg14 : memref<80x144xf32, #tpu.memory_space<vmem>>) target(%dma_start3A_65 : memref<80x144xf32, #tpu.memory_space<vmem_shared>>) target_semaphore(%run_scoped3A : memref<!tpu.dma_semaphore, #tpu.memory_space<semaphore_mem>>)
      %dma_wait3A = arith.constant 0 : i32
      %dma_wait3A_66 = tpu.memref_slice %arg16[%add3A_7, %dma_wait3A] : memref<10000x144xf32, #tpu.memory_space<vmem_shared>> -> memref<80x144xf32, #tpu.memory_space<vmem_shared>>
      %dma_wait3A_67 = arith.constant 0 : i32
      %dma_wait3A_68 = tpu.memref_slice %arg16[%add3A_7, %dma_wait3A_67] : memref<10000x144xf32, #tpu.memory_space<vmem_shared>> -> memref<80x144xf32, #tpu.memory_space<vmem_shared>>
      tpu.wait_dma2 semaphore(%run_scoped3A : memref<!tpu.dma_semaphore, #tpu.memory_space<semaphore_mem>>) src(%arg14 : memref<80x144xf32, #tpu.memory_space<vmem>>) dst(%dma_wait3A_68 : memref<80x144xf32, #tpu.memory_space<vmem_shared>>)
      tpu.yield
    }) : () -> ()
    %mul3A_8 = arith.constant 625 : i32
    %mul3A_9 = arith.muli %arg1, %mul3A_8 : i32
    %add3A_10 = arith.constant 80 : i32
    %add3A_11 = arith.addi %mul3A_9, %add3A_10 : i32
    "tpu.region"() ({
      %run_scoped3A = tpu.sem_alloc : memref<!tpu.dma_semaphore, #tpu.memory_space<semaphore_mem>>
      %dma_start3A = arith.constant 0 : i32
      %dma_start3A_63 = tpu.memref_slice %arg16[%add3A_11, %dma_start3A] : memref<10000x144xf32, #tpu.memory_space<vmem_shared>> -> memref<80x144xf32, #tpu.memory_space<vmem_shared>>
      %dma_start3A_64 = arith.constant 0 : i32
      %dma_start3A_65 = tpu.memref_slice %arg16[%add3A_11, %dma_start3A_64] : memref<10000x144xf32, #tpu.memory_space<vmem_shared>> -> memref<80x144xf32, #tpu.memory_space<vmem_shared>>
      tpu.enqueue_dma source(%arg14 : memref<80x144xf32, #tpu.memory_space<vmem>>) target(%dma_start3A_65 : memref<80x144xf32, #tpu.memory_space<vmem_shared>>) target_semaphore(%run_scoped3A : memref<!tpu.dma_semaphore, #tpu.memory_space<semaphore_mem>>)
      %dma_wait3A = arith.constant 0 : i32
      %dma_wait3A_66 = tpu.memref_slice %arg16[%add3A_11, %dma_wait3A] : memref<10000x144xf32, #tpu.memory_space<vmem_shared>> -> memref<80x144xf32, #tpu.memory_space<vmem_shared>>
      %dma_wait3A_67 = arith.constant 0 : i32
      %dma_wait3A_68 = tpu.memref_slice %arg16[%add3A_11, %dma_wait3A_67] : memref<10000x144xf32, #tpu.memory_space<vmem_shared>> -> memref<80x144xf32, #tpu.memory_space<vmem_shared>>
      tpu.wait_dma2 semaphore(%run_scoped3A : memref<!tpu.dma_semaphore, #tpu.memory_space<semaphore_mem>>) src(%arg14 : memref<80x144xf32, #tpu.memory_space<vmem>>) dst(%dma_wait3A_68 : memref<80x144xf32, #tpu.memory_space<vmem_shared>>)
      tpu.yield
    }) : () -> ()
    %mul3A_12 = arith.constant 625 : i32
    %mul3A_13 = arith.muli %arg1, %mul3A_12 : i32
    %add3A_14 = arith.constant 160 : i32
    %add3A_15 = arith.addi %mul3A_13, %add3A_14 : i32
    "tpu.region"() ({
      %run_scoped3A = tpu.sem_alloc : memref<!tpu.dma_semaphore, #tpu.memory_space<semaphore_mem>>
      %dma_start3A = arith.constant 0 : i32
      %dma_start3A_63 = tpu.memref_slice %arg16[%add3A_15, %dma_start3A] : memref<10000x144xf32, #tpu.memory_space<vmem_shared>> -> memref<80x144xf32, #tpu.memory_space<vmem_shared>>
      %dma_start3A_64 = arith.constant 0 : i32
      %dma_start3A_65 = tpu.memref_slice %arg16[%add3A_15, %dma_start3A_64] : memref<10000x144xf32, #tpu.memory_space<vmem_shared>> -> memref<80x144xf32, #tpu.memory_space<vmem_shared>>
      tpu.enqueue_dma source(%arg14 : memref<80x144xf32, #tpu.memory_space<vmem>>) target(%dma_start3A_65 : memref<80x144xf32, #tpu.memory_space<vmem_shared>>) target_semaphore(%run_scoped3A : memref<!tpu.dma_semaphore, #tpu.memory_space<semaphore_mem>>)
      %dma_wait3A = arith.constant 0 : i32
      %dma_wait3A_66 = tpu.memref_slice %arg16[%add3A_15, %dma_wait3A] : memref<10000x144xf32, #tpu.memory_space<vmem_shared>> -> memref<80x144xf32, #tpu.memory_space<vmem_shared>>
      %dma_wait3A_67 = arith.constant 0 : i32
      %dma_wait3A_68 = tpu.memref_slice %arg16[%add3A_15, %dma_wait3A_67] : memref<10000x144xf32, #tpu.memory_space<vmem_shared>> -> memref<80x144xf32, #tpu.memory_space<vmem_shared>>
      tpu.wait_dma2 semaphore(%run_scoped3A : memref<!tpu.dma_semaphore, #tpu.memory_space<semaphore_mem>>) src(%arg14 : memref<80x144xf32, #tpu.memory_space<vmem>>) dst(%dma_wait3A_68 : memref<80x144xf32, #tpu.memory_space<vmem_shared>>)
      tpu.yield
    }) : () -> ()
    %mul3A_16 = arith.constant 625 : i32
    %mul3A_17 = arith.muli %arg1, %mul3A_16 : i32
    %add3A_18 = arith.constant 240 : i32
    %add3A_19 = arith.addi %mul3A_17, %add3A_18 : i32
    "tpu.region"() ({
      %run_scoped3A = tpu.sem_alloc : memref<!tpu.dma_semaphore, #tpu.memory_space<semaphore_mem>>
      %dma_start3A = arith.constant 0 : i32
      %dma_start3A_63 = tpu.memref_slice %arg16[%add3A_19, %dma_start3A] : memref<10000x144xf32, #tpu.memory_space<vmem_shared>> -> memref<80x144xf32, #tpu.memory_space<vmem_shared>>
      %dma_start3A_64 = arith.constant 0 : i32
      %dma_start3A_65 = tpu.memref_slice %arg16[%add3A_19, %dma_start3A_64] : memref<10000x144xf32, #tpu.memory_space<vmem_shared>> -> memref<80x144xf32, #tpu.memory_space<vmem_shared>>
      tpu.enqueue_dma source(%arg14 : memref<80x144xf32, #tpu.memory_space<vmem>>) target(%dma_start3A_65 : memref<80x144xf32, #tpu.memory_space<vmem_shared>>) target_semaphore(%run_scoped3A : memref<!tpu.dma_semaphore, #tpu.memory_space<semaphore_mem>>)
      %dma_wait3A = arith.constant 0 : i32
      %dma_wait3A_66 = tpu.memref_slice %arg16[%add3A_19, %dma_wait3A] : memref<10000x144xf32, #tpu.memory_space<vmem_shared>> -> memref<80x144xf32, #tpu.memory_space<vmem_shared>>
      %dma_wait3A_67 = arith.constant 0 : i32
      %dma_wait3A_68 = tpu.memref_slice %arg16[%add3A_19, %dma_wait3A_67] : memref<10000x144xf32, #tpu.memory_space<vmem_shared>> -> memref<80x144xf32, #tpu.memory_space<vmem_shared>>
      tpu.wait_dma2 semaphore(%run_scoped3A : memref<!tpu.dma_semaphore, #tpu.memory_space<semaphore_mem>>) src(%arg14 : memref<80x144xf32, #tpu.memory_space<vmem>>) dst(%dma_wait3A_68 : memref<80x144xf32, #tpu.memory_space<vmem_shared>>)
      tpu.yield
    }) : () -> ()
    %mul3A_20 = arith.constant 625 : i32
    %mul3A_21 = arith.muli %arg1, %mul3A_20 : i32
    %add3A_22 = arith.constant 320 : i32
    %add3A_23 = arith.addi %mul3A_21, %add3A_22 : i32
    "tpu.region"() ({
      %run_scoped3A = tpu.sem_alloc : memref<!tpu.dma_semaphore, #tpu.memory_space<semaphore_mem>>
      %dma_start3A = arith.constant 0 : i32
      %dma_start3A_63 = tpu.memref_slice %arg16[%add3A_23, %dma_start3A] : memref<10000x144xf32, #tpu.memory_space<vmem_shared>> -> memref<80x144xf32, #tpu.memory_space<vmem_shared>>
      %dma_start3A_64 = arith.constant 0 : i32
      %dma_start3A_65 = tpu.memref_slice %arg16[%add3A_23, %dma_start3A_64] : memref<10000x144xf32, #tpu.memory_space<vmem_shared>> -> memref<80x144xf32, #tpu.memory_space<vmem_shared>>
      tpu.enqueue_dma source(%arg14 : memref<80x144xf32, #tpu.memory_space<vmem>>) target(%dma_start3A_65 : memref<80x144xf32, #tpu.memory_space<vmem_shared>>) target_semaphore(%run_scoped3A : memref<!tpu.dma_semaphore, #tpu.memory_space<semaphore_mem>>)
      %dma_wait3A = arith.constant 0 : i32
      %dma_wait3A_66 = tpu.memref_slice %arg16[%add3A_23, %dma_wait3A] : memref<10000x144xf32, #tpu.memory_space<vmem_shared>> -> memref<80x144xf32, #tpu.memory_space<vmem_shared>>
      %dma_wait3A_67 = arith.constant 0 : i32
      %dma_wait3A_68 = tpu.memref_slice %arg16[%add3A_23, %dma_wait3A_67] : memref<10000x144xf32, #tpu.memory_space<vmem_shared>> -> memref<80x144xf32, #tpu.memory_space<vmem_shared>>
      tpu.wait_dma2 semaphore(%run_scoped3A : memref<!tpu.dma_semaphore, #tpu.memory_space<semaphore_mem>>) src(%arg14 : memref<80x144xf32, #tpu.memory_space<vmem>>) dst(%dma_wait3A_68 : memref<80x144xf32, #tpu.memory_space<vmem_shared>>)
      tpu.yield
    }) : () -> ()
    %mul3A_24 = arith.constant 625 : i32
    %mul3A_25 = arith.muli %arg1, %mul3A_24 : i32
    %add3A_26 = arith.constant 400 : i32
    %add3A_27 = arith.addi %mul3A_25, %add3A_26 : i32
    "tpu.region"() ({
      %run_scoped3A = tpu.sem_alloc : memref<!tpu.dma_semaphore, #tpu.memory_space<semaphore_mem>>
      %dma_start3A = arith.constant 0 : i32
      %dma_start3A_63 = tpu.memref_slice %arg16[%add3A_27, %dma_start3A] : memref<10000x144xf32, #tpu.memory_space<vmem_shared>> -> memref<80x144xf32, #tpu.memory_space<vmem_shared>>
      %dma_start3A_64 = arith.constant 0 : i32
      %dma_start3A_65 = tpu.memref_slice %arg16[%add3A_27, %dma_start3A_64] : memref<10000x144xf32, #tpu.memory_space<vmem_shared>> -> memref<80x144xf32, #tpu.memory_space<vmem_shared>>
      tpu.enqueue_dma source(%arg14 : memref<80x144xf32, #tpu.memory_space<vmem>>) target(%dma_start3A_65 : memref<80x144xf32, #tpu.memory_space<vmem_shared>>) target_semaphore(%run_scoped3A : memref<!tpu.dma_semaphore, #tpu.memory_space<semaphore_mem>>)
      %dma_wait3A = arith.constant 0 : i32
      %dma_wait3A_66 = tpu.memref_slice %arg16[%add3A_27, %dma_wait3A] : memref<10000x144xf32, #tpu.memory_space<vmem_shared>> -> memref<80x144xf32, #tpu.memory_space<vmem_shared>>
      %dma_wait3A_67 = arith.constant 0 : i32
      %dma_wait3A_68 = tpu.memref_slice %arg16[%add3A_27, %dma_wait3A_67] : memref<10000x144xf32, #tpu.memory_space<vmem_shared>> -> memref<80x144xf32, #tpu.memory_space<vmem_shared>>
      tpu.wait_dma2 semaphore(%run_scoped3A : memref<!tpu.dma_semaphore, #tpu.memory_space<semaphore_mem>>) src(%arg14 : memref<80x144xf32, #tpu.memory_space<vmem>>) dst(%dma_wait3A_68 : memref<80x144xf32, #tpu.memory_space<vmem_shared>>)
      tpu.yield
    }) : () -> ()
    %mul3A_28 = arith.constant 625 : i32
    %mul3A_29 = arith.muli %arg1, %mul3A_28 : i32
    %add3A_30 = arith.constant 480 : i32
    %add3A_31 = arith.addi %mul3A_29, %add3A_30 : i32
    "tpu.region"() ({
      %run_scoped3A = tpu.sem_alloc : memref<!tpu.dma_semaphore, #tpu.memory_space<semaphore_mem>>
      %dma_start3A = arith.constant 0 : i32
      %dma_start3A_63 = tpu.memref_slice %arg16[%add3A_31, %dma_start3A] : memref<10000x144xf32, #tpu.memory_space<vmem_shared>> -> memref<80x144xf32, #tpu.memory_space<vmem_shared>>
      %dma_start3A_64 = arith.constant 0 : i32
      %dma_start3A_65 = tpu.memref_slice %arg16[%add3A_31, %dma_start3A_64] : memref<10000x144xf32, #tpu.memory_space<vmem_shared>> -> memref<80x144xf32, #tpu.memory_space<vmem_shared>>
      tpu.enqueue_dma source(%arg14 : memref<80x144xf32, #tpu.memory_space<vmem>>) target(%dma_start3A_65 : memref<80x144xf32, #tpu.memory_space<vmem_shared>>) target_semaphore(%run_scoped3A : memref<!tpu.dma_semaphore, #tpu.memory_space<semaphore_mem>>)
      %dma_wait3A = arith.constant 0 : i32
      %dma_wait3A_66 = tpu.memref_slice %arg16[%add3A_31, %dma_wait3A] : memref<10000x144xf32, #tpu.memory_space<vmem_shared>> -> memref<80x144xf32, #tpu.memory_space<vmem_shared>>
      %dma_wait3A_67 = arith.constant 0 : i32
      %dma_wait3A_68 = tpu.memref_slice %arg16[%add3A_31, %dma_wait3A_67] : memref<10000x144xf32, #tpu.memory_space<vmem_shared>> -> memref<80x144xf32, #tpu.memory_space<vmem_shared>>
      tpu.wait_dma2 semaphore(%run_scoped3A : memref<!tpu.dma_semaphore, #tpu.memory_space<semaphore_mem>>) src(%arg14 : memref<80x144xf32, #tpu.memory_space<vmem>>) dst(%dma_wait3A_68 : memref<80x144xf32, #tpu.memory_space<vmem_shared>>)
      tpu.yield
    }) : () -> ()
    %mul3A_32 = arith.constant 625 : i32
    %mul3A_33 = arith.muli %arg1, %mul3A_32 : i32
    %add3A_34 = arith.constant 625 : i32
    %add3A_35 = arith.addi %mul3A_33, %add3A_34 : i32
    %sub3A = arith.constant 65 : i32
    %sub3A_36 = arith.subi %add3A_35, %sub3A : i32
    "tpu.region"() ({
      %run_scoped3A = tpu.sem_alloc : memref<!tpu.dma_semaphore, #tpu.memory_space<semaphore_mem>>
      %dma_start3A = arith.constant 0 : i32
      %dma_start3A_63 = arith.constant 0 : i32
      %dma_start3A_64 = tpu.memref_slice %arg14[%dma_start3A, %dma_start3A_63] : memref<80x144xf32, #tpu.memory_space<vmem>> -> memref<65x144xf32, #tpu.memory_space<vmem>>
      %dma_start3A_65 = arith.constant 0 : i32
      %dma_start3A_66 = tpu.memref_slice %arg16[%sub3A_36, %dma_start3A_65] : memref<10000x144xf32, #tpu.memory_space<vmem_shared>> -> memref<65x144xf32, #tpu.memory_space<vmem_shared>>
      %dma_start3A_67 = arith.constant 0 : i32
      %dma_start3A_68 = tpu.memref_slice %arg16[%sub3A_36, %dma_start3A_67] : memref<10000x144xf32, #tpu.memory_space<vmem_shared>> -> memref<65x144xf32, #tpu.memory_space<vmem_shared>>
      %dma_start3A_69 = arith.constant 0 : i32
      %dma_start3A_70 = arith.constant 0 : i32
      %dma_start3A_71 = tpu.memref_slice %arg14[%dma_start3A_69, %dma_start3A_70] : memref<80x144xf32, #tpu.memory_space<vmem>> -> memref<65x144xf32, #tpu.memory_space<vmem>>
      tpu.enqueue_dma source(%dma_start3A_71 : memref<65x144xf32, #tpu.memory_space<vmem>>) target(%dma_start3A_68 : memref<65x144xf32, #tpu.memory_space<vmem_shared>>) target_semaphore(%run_scoped3A : memref<!tpu.dma_semaphore, #tpu.memory_space<semaphore_mem>>)
      %dma_wait3A = arith.constant 0 : i32
      %dma_wait3A_72 = arith.constant 0 : i32
      %dma_wait3A_73 = tpu.memref_slice %arg14[%dma_wait3A, %dma_wait3A_72] : memref<80x144xf32, #tpu.memory_space<vmem>> -> memref<65x144xf32, #tpu.memory_space<vmem>>
      %dma_wait3A_74 = arith.constant 0 : i32
      %dma_wait3A_75 = tpu.memref_slice %arg16[%sub3A_36, %dma_wait3A_74] : memref<10000x144xf32, #tpu.memory_space<vmem_shared>> -> memref<65x144xf32, #tpu.memory_space<vmem_shared>>
      %dma_wait3A_76 = arith.constant 0 : i32
      %dma_wait3A_77 = tpu.memref_slice %arg16[%sub3A_36, %dma_wait3A_76] : memref<10000x144xf32, #tpu.memory_space<vmem_shared>> -> memref<65x144xf32, #tpu.memory_space<vmem_shared>>
      %dma_wait3A_78 = arith.constant 0 : i32
      %dma_wait3A_79 = arith.constant 0 : i32
      %dma_wait3A_80 = tpu.memref_slice %arg14[%dma_wait3A_78, %dma_wait3A_79] : memref<80x144xf32, #tpu.memory_space<vmem>> -> memref<65x144xf32, #tpu.memory_space<vmem>>
      tpu.wait_dma2 semaphore(%run_scoped3A : memref<!tpu.dma_semaphore, #tpu.memory_space<semaphore_mem>>) src(%dma_wait3A_80 : memref<65x144xf32, #tpu.memory_space<vmem>>) dst(%dma_wait3A_77 : memref<65x144xf32, #tpu.memory_space<vmem_shared>>)
      tpu.yield
    }) : () -> ()
    %barrier3A = arith.constant 0 : index
    tpu.barrier barrier_id(%barrier3A)
    %get3A = arith.constant 0 : index
    %get3A_37 = tpu.vector_load %arg15[%get3A] {strides = array<i32>} : memref<128xf32, #tpu.memory_space<vmem>>, vector<16xf32>,
    %get3A_38 = arith.constant 16 : index
    %get3A_39 = tpu.vector_load %arg15[%get3A_38] {strides = array<i32>} : memref<128xf32, #tpu.memory_space<vmem>>, vector<16xf32>,
    %get3A_40 = arith.constant 32 : index
    %get3A_41 = tpu.vector_load %arg15[%get3A_40] {strides = array<i32>} : memref<128xf32, #tpu.memory_space<vmem>>, vector<16xf32>,
    %get3A_42 = arith.constant 48 : index
    %get3A_43 = tpu.vector_load %arg15[%get3A_42] {strides = array<i32>} : memref<128xf32, #tpu.memory_space<vmem>>, vector<16xf32>,
    %get3A_44 = arith.constant 64 : index
    %get3A_45 = tpu.vector_load %arg15[%get3A_44] {strides = array<i32>} : memref<128xf32, #tpu.memory_space<vmem>>, vector<16xf32>,
    %get3A_46 = arith.constant 80 : index
    %get3A_47 = tpu.vector_load %arg15[%get3A_46] {strides = array<i32>} : memref<128xf32, #tpu.memory_space<vmem>>, vector<16xf32>,
    %get3A_48 = arith.constant 96 : index
    %get3A_49 = tpu.vector_load %arg15[%get3A_48] {strides = array<i32>} : memref<128xf32, #tpu.memory_space<vmem>>, vector<16xf32>,
    %get3A_50 = arith.constant 112 : index
    %get3A_51 = tpu.vector_load %arg15[%get3A_50] {strides = array<i32>} : memref<128xf32, #tpu.memory_space<vmem>>, vector<16xf32>,
    %iota3A = tpu.iota {dimensions = array<i32: 0>} : vector<16xi32>
    %scan3A_52 = arith.constant 0 : i32
    %scan3A_53 = arith.constant 0 : i32
    %scan3A_54 = arith.constant 250 : i32
    %scan3A_55 = arith.addi %scan3A_53, %scan3A_54 : i32
    %scan3A_56 = arith.constant 1 : i32
    scf.for %scan3A_63 = %scan3A_53 to %scan3A_55 step %scan3A_56  : i32 {
      %mul3A_64 = arith.constant 20000 : i32
      %mul3A_65 = arith.muli %arg1, %mul3A_64 : i32
      %mul3A_66 = arith.constant 80 : i32
      %mul3A_67 = arith.muli %scan3A_63, %mul3A_66 : i32
      %add3A_68 = arith.addi %mul3A_65, %mul3A_67 : i32
      %dma_start3A = tpu.memref_slice %arg4[%add3A_68] : memref<320000xi32, #tpu.memory_space<hbm>> -> memref<80xi32, #tpu.memory_space<hbm>>
      %dma_start3A_69 = tpu.memref_slice %arg4[%add3A_68] : memref<320000xi32, #tpu.memory_space<hbm>> -> memref<80xi32, #tpu.memory_space<hbm>>
      tpu.enqueue_dma source(%dma_start3A_69 : memref<80xi32, #tpu.memory_space<hbm>>) target(%arg8 : memref<80xi32, #tpu.memory_space<vmem>>) target_semaphore(%arg17 : memref<!tpu.dma_semaphore, #tpu.memory_space<semaphore_mem>>)
      %dma_start3A_70 = tpu.memref_slice %arg5[%add3A_68] : memref<320000xi32, #tpu.memory_space<hbm>> -> memref<80xi32, #tpu.memory_space<hbm>>
      %dma_start3A_71 = tpu.memref_slice %arg5[%add3A_68] : memref<320000xi32, #tpu.memory_space<hbm>> -> memref<80xi32, #tpu.memory_space<hbm>>
      tpu.enqueue_dma source(%dma_start3A_71 : memref<80xi32, #tpu.memory_space<hbm>>) target(%arg9 : memref<80xi32, #tpu.memory_space<vmem>>) target_semaphore(%arg18 : memref<!tpu.dma_semaphore, #tpu.memory_space<semaphore_mem>>)
      %dma_wait3A = tpu.memref_slice %arg4[%add3A_68] : memref<320000xi32, #tpu.memory_space<hbm>> -> memref<80xi32, #tpu.memory_space<hbm>>
      %dma_wait3A_72 = tpu.memref_slice %arg4[%add3A_68] : memref<320000xi32, #tpu.memory_space<hbm>> -> memref<80xi32, #tpu.memory_space<hbm>>
      tpu.wait_dma2 semaphore(%arg17 : memref<!tpu.dma_semaphore, #tpu.memory_space<semaphore_mem>>) src(%dma_wait3A_72 : memref<80xi32, #tpu.memory_space<hbm>>) dst(%arg8 : memref<80xi32, #tpu.memory_space<vmem>>)
      %dma_wait3A_73 = tpu.memref_slice %arg5[%add3A_68] : memref<320000xi32, #tpu.memory_space<hbm>> -> memref<80xi32, #tpu.memory_space<hbm>>
      %dma_wait3A_74 = tpu.memref_slice %arg5[%add3A_68] : memref<320000xi32, #tpu.memory_space<hbm>> -> memref<80xi32, #tpu.memory_space<hbm>>
      tpu.wait_dma2 semaphore(%arg18 : memref<!tpu.dma_semaphore, #tpu.memory_space<semaphore_mem>>) src(%dma_wait3A_74 : memref<80xi32, #tpu.memory_space<hbm>>) dst(%arg9 : memref<80xi32, #tpu.memory_space<vmem>>)
      %mul3A_75 = arith.constant 10000 : i32
      %mul3A_76 = arith.muli %arg0, %mul3A_75 : i32
      %get3A_77 = arith.constant 0 : index
      %get3A_78 = tpu.vector_load %arg8[%get3A_77] {strides = array<i32>} : memref<80xi32, #tpu.memory_space<vmem>>, vector<16xi32>,
      %add3A_79 = vector.broadcast %mul3A_76 : i32 to vector<16xi32>
      %add3A_80 = arith.addi %get3A_78, %add3A_79 : vector<16xi32>
      %swap3A = arith.constant 0 : index
      %swap3A_81 = tpu.vector_load %arg10[%swap3A] {strides = array<i32>} : memref<80xi32, #tpu.memory_space<vmem>>, vector<16xi32>,
      tpu.vector_store %arg10[%swap3A], %add3A_80 {strides = array<i32>} : memref<80xi32, #tpu.memory_space<vmem>>, vector<16xi32>,
      %get3A_82 = arith.constant 0 : index
      %get3A_83 = tpu.vector_load %arg9[%get3A_82] {strides = array<i32>} : memref<80xi32, #tpu.memory_space<vmem>>, vector<16xi32>,
      %add3A_84 = vector.broadcast %mul3A_76 : i32 to vector<16xi32>
      %add3A_85 = arith.addi %get3A_83, %add3A_84 : vector<16xi32>
      %swap3A_86 = arith.constant 0 : index
      %swap3A_87 = tpu.vector_load %arg11[%swap3A_86] {strides = array<i32>} : memref<80xi32, #tpu.memory_space<vmem>>, vector<16xi32>,
      tpu.vector_store %arg11[%swap3A_86], %add3A_85 {strides = array<i32>} : memref<80xi32, #tpu.memory_space<vmem>>, vector<16xi32>,
      %get3A_88 = arith.constant 16 : index
      %get3A_89 = tpu.vector_load %arg8[%get3A_88] {strides = array<i32>} : memref<80xi32, #tpu.memory_space<vmem>>, vector<16xi32>,
      %add3A_90 = vector.broadcast %mul3A_76 : i32 to vector<16xi32>
      %add3A_91 = arith.addi %get3A_89, %add3A_90 : vector<16xi32>
      %swap3A_92 = arith.constant 16 : index
      %swap3A_93 = tpu.vector_load %arg10[%swap3A_92] {strides = array<i32>} : memref<80xi32, #tpu.memory_space<vmem>>, vector<16xi32>,
      tpu.vector_store %arg10[%swap3A_92], %add3A_91 {strides = array<i32>} : memref<80xi32, #tpu.memory_space<vmem>>, vector<16xi32>,
      %get3A_94 = arith.constant 16 : index
      %get3A_95 = tpu.vector_load %arg9[%get3A_94] {strides = array<i32>} : memref<80xi32, #tpu.memory_space<vmem>>, vector<16xi32>,
      %add3A_96 = vector.broadcast %mul3A_76 : i32 to vector<16xi32>
      %add3A_97 = arith.addi %get3A_95, %add3A_96 : vector<16xi32>
      %swap3A_98 = arith.constant 16 : index
      %swap3A_99 = tpu.vector_load %arg11[%swap3A_98] {strides = array<i32>} : memref<80xi32, #tpu.memory_space<vmem>>, vector<16xi32>,
      tpu.vector_store %arg11[%swap3A_98], %add3A_97 {strides = array<i32>} : memref<80xi32, #tpu.memory_space<vmem>>, vector<16xi32>,
      %get3A_100 = arith.constant 32 : index
      %get3A_101 = tpu.vector_load %arg8[%get3A_100] {strides = array<i32>} : memref<80xi32, #tpu.memory_space<vmem>>, vector<16xi32>,
      %add3A_102 = vector.broadcast %mul3A_76 : i32 to vector<16xi32>
      %add3A_103 = arith.addi %get3A_101, %add3A_102 : vector<16xi32>
      %swap3A_104 = arith.constant 32 : index
      %swap3A_105 = tpu.vector_load %arg10[%swap3A_104] {strides = array<i32>} : memref<80xi32, #tpu.memory_space<vmem>>, vector<16xi32>,
      tpu.vector_store %arg10[%swap3A_104], %add3A_103 {strides = array<i32>} : memref<80xi32, #tpu.memory_space<vmem>>, vector<16xi32>,
      %get3A_106 = arith.constant 32 : index
      %get3A_107 = tpu.vector_load %arg9[%get3A_106] {strides = array<i32>} : memref<80xi32, #tpu.memory_space<vmem>>, vector<16xi32>,
      %add3A_108 = vector.broadcast %mul3A_76 : i32 to vector<16xi32>
      %add3A_109 = arith.addi %get3A_107, %add3A_108 : vector<16xi32>
      %swap3A_110 = arith.constant 32 : index
      %swap3A_111 = tpu.vector_load %arg11[%swap3A_110] {strides = array<i32>} : memref<80xi32, #tpu.memory_space<vmem>>, vector<16xi32>,
      tpu.vector_store %arg11[%swap3A_110], %add3A_109 {strides = array<i32>} : memref<80xi32, #tpu.memory_space<vmem>>, vector<16xi32>,
      %get3A_112 = arith.constant 48 : index
      %get3A_113 = tpu.vector_load %arg8[%get3A_112] {strides = array<i32>} : memref<80xi32, #tpu.memory_space<vmem>>, vector<16xi32>,
      %add3A_114 = vector.broadcast %mul3A_76 : i32 to vector<16xi32>
      %add3A_115 = arith.addi %get3A_113, %add3A_114 : vector<16xi32>
      %swap3A_116 = arith.constant 48 : index
      %swap3A_117 = tpu.vector_load %arg10[%swap3A_116] {strides = array<i32>} : memref<80xi32, #tpu.memory_space<vmem>>, vector<16xi32>,
      tpu.vector_store %arg10[%swap3A_116], %add3A_115 {strides = array<i32>} : memref<80xi32, #tpu.memory_space<vmem>>, vector<16xi32>,
      %get3A_118 = arith.constant 48 : index
      %get3A_119 = tpu.vector_load %arg9[%get3A_118] {strides = array<i32>} : memref<80xi32, #tpu.memory_space<vmem>>, vector<16xi32>,
      %add3A_120 = vector.broadcast %mul3A_76 : i32 to vector<16xi32>
      %add3A_121 = arith.addi %get3A_119, %add3A_120 : vector<16xi32>
      %swap3A_122 = arith.constant 48 : index
      %swap3A_123 = tpu.vector_load %arg11[%swap3A_122] {strides = array<i32>} : memref<80xi32, #tpu.memory_space<vmem>>, vector<16xi32>,
      tpu.vector_store %arg11[%swap3A_122], %add3A_121 {strides = array<i32>} : memref<80xi32, #tpu.memory_space<vmem>>, vector<16xi32>,
      %get3A_124 = arith.constant 64 : index
      %get3A_125 = tpu.vector_load %arg8[%get3A_124] {strides = array<i32>} : memref<80xi32, #tpu.memory_space<vmem>>, vector<16xi32>,
      %add3A_126 = vector.broadcast %mul3A_76 : i32 to vector<16xi32>
      %add3A_127 = arith.addi %get3A_125, %add3A_126 : vector<16xi32>
      %swap3A_128 = arith.constant 64 : index
      %swap3A_129 = tpu.vector_load %arg10[%swap3A_128] {strides = array<i32>} : memref<80xi32, #tpu.memory_space<vmem>>, vector<16xi32>,
      tpu.vector_store %arg10[%swap3A_128], %add3A_127 {strides = array<i32>} : memref<80xi32, #tpu.memory_space<vmem>>, vector<16xi32>,
      %get3A_130 = arith.constant 64 : index
      %get3A_131 = tpu.vector_load %arg9[%get3A_130] {strides = array<i32>} : memref<80xi32, #tpu.memory_space<vmem>>, vector<16xi32>,
      %add3A_132 = vector.broadcast %mul3A_76 : i32 to vector<16xi32>
      %add3A_133 = arith.addi %get3A_131, %add3A_132 : vector<16xi32>
      %swap3A_134 = arith.constant 64 : index
      %swap3A_135 = tpu.vector_load %arg11[%swap3A_134] {strides = array<i32>} : memref<80xi32, #tpu.memory_space<vmem>>, vector<16xi32>,
      tpu.vector_store %arg11[%swap3A_134], %add3A_133 {strides = array<i32>} : memref<80xi32, #tpu.memory_space<vmem>>, vector<16xi32>,
      %dma_start3A_136 = arith.constant 0 : i32
      %dma_start3A_137 = arith.constant 0 : i32
      %dma_start3A_138 = tpu.memref_slice %arg2[%dma_start3A_136, %dma_start3A_137] : memref<20000x128xf32, #tpu.memory_space<hbm>> -> memref<20000x128xf32, #tpu.memory_space<hbm>>
      tpu.enqueue_indirect_dma source(%dma_start3A_138 : memref<20000x128xf32, #tpu.memory_space<hbm>>) target(%arg12 : memref<80x128xf32, #tpu.memory_space<vmem>>) offsets(%arg10 : memref<80xi32, #tpu.memory_space<vmem>>) semaphore(%arg17 : memref<!tpu.dma_semaphore, #tpu.memory_space<semaphore_mem>>)
      %dma_start3A_139 = arith.constant 0 : i32
      %dma_start3A_140 = arith.constant 0 : i32
      %dma_start3A_141 = tpu.memref_slice %arg3[%dma_start3A_139, %dma_start3A_140] : memref<20000x128xf32, #tpu.memory_space<hbm>> -> memref<20000x128xf32, #tpu.memory_space<hbm>>
      tpu.enqueue_indirect_dma source(%dma_start3A_141 : memref<20000x128xf32, #tpu.memory_space<hbm>>) target(%arg13 : memref<80x128xf32, #tpu.memory_space<vmem>>) offsets(%arg11 : memref<80xi32, #tpu.memory_space<vmem>>) semaphore(%arg18 : memref<!tpu.dma_semaphore, #tpu.memory_space<semaphore_mem>>)
      %dma_wait3A_142 = arith.constant 0 : i32
      %dma_wait3A_143 = arith.constant 0 : i32
      %dma_wait3A_144 = tpu.memref_slice %arg2[%dma_wait3A_142, %dma_wait3A_143] : memref<20000x128xf32, #tpu.memory_space<hbm>> -> memref<20000x128xf32, #tpu.memory_space<hbm>>
      tpu.wait_indirect_dma semaphore(%arg17 : memref<!tpu.dma_semaphore, #tpu.memory_space<semaphore_mem>>) src(%dma_wait3A_144 : memref<20000x128xf32, #tpu.memory_space<hbm>>) dst(%arg12 : memref<80x128xf32, #tpu.memory_space<vmem>>)
      %dma_wait3A_145 = arith.constant 0 : i32
      %dma_wait3A_146 = arith.constant 0 : i32
      %dma_wait3A_147 = tpu.memref_slice %arg3[%dma_wait3A_145, %dma_wait3A_146] : memref<20000x128xf32, #tpu.memory_space<hbm>> -> memref<20000x128xf32, #tpu.memory_space<hbm>>
      tpu.wait_indirect_dma semaphore(%arg18 : memref<!tpu.dma_semaphore, #tpu.memory_space<semaphore_mem>>) src(%dma_wait3A_147 : memref<20000x128xf32, #tpu.memory_space<hbm>>) dst(%arg13 : memref<80x128xf32, #tpu.memory_space<vmem>>)
      %scan3A_148 = arith.constant 0 : i32
      %scan3A_149 = arith.constant 0 : i32
      %scan3A_150 = arith.constant 80 : i32
      %scan3A_151 = arith.addi %scan3A_149, %scan3A_150 : i32
      %scan3A_152 = arith.constant 1 : i32
      scf.for %scan3A_154 = %scan3A_149 to %scan3A_151 step %scan3A_152  : i32 {
        %get3A_155 = arith.index_cast %scan3A_154 : i32 to index
        %get3A_156 = arith.constant 0 : index
        %get3A_157 = tpu.vector_load %arg12[%get3A_155, %get3A_156] {strides = array<i32>} : memref<80x128xf32, #tpu.memory_space<vmem>>, vector<16xf32>,
        %get3A_158 = arith.index_cast %scan3A_154 : i32 to index
        %get3A_159 = arith.constant 0 : index
        %get3A_160 = tpu.vector_load %arg13[%get3A_158, %get3A_159] {strides = array<i32>} : memref<80x128xf32, #tpu.memory_space<vmem>>, vector<16xf32>,
        %add3A_161 = arith.addf %get3A_157, %get3A_160 : vector<16xf32>
        %mul3A_162 = arith.constant 2.000000e-01 : f32
        %mul3A_163 = vector.broadcast %mul3A_162 : f32 to vector<16xf32>
        %mul3A_164 = arith.mulf %mul3A_163, %add3A_161 : vector<16xf32>
        %max3A = arith.maximumf %add3A_161, %mul3A_164 : vector<16xf32>
        %mul3A_165 = arith.mulf %max3A, %get3A_37 : vector<16xf32>
        %add3A_166 = arith.addf %broadcast_in_dim3A_0, %mul3A_165 : vector<16xf32>
        %get3A_167 = arith.index_cast %scan3A_154 : i32 to index
        %get3A_168 = arith.constant 16 : index
        %get3A_169 = tpu.vector_load %arg12[%get3A_167, %get3A_168] {strides = array<i32>} : memref<80x128xf32, #tpu.memory_space<vmem>>, vector<16xf32>,
        %get3A_170 = arith.index_cast %scan3A_154 : i32 to index
        %get3A_171 = arith.constant 16 : index
        %get3A_172 = tpu.vector_load %arg13[%get3A_170, %get3A_171] {strides = array<i32>} : memref<80x128xf32, #tpu.memory_space<vmem>>, vector<16xf32>,
        %add3A_173 = arith.addf %get3A_169, %get3A_172 : vector<16xf32>
        %mul3A_174 = arith.constant 2.000000e-01 : f32
        %mul3A_175 = vector.broadcast %mul3A_174 : f32 to vector<16xf32>
        %mul3A_176 = arith.mulf %mul3A_175, %add3A_173 : vector<16xf32>
        %max3A_177 = arith.maximumf %add3A_173, %mul3A_176 : vector<16xf32>
        %mul3A_178 = arith.mulf %max3A_177, %get3A_39 : vector<16xf32>
        %add3A_179 = arith.addf %add3A_166, %mul3A_178 : vector<16xf32>
        %get3A_180 = arith.index_cast %scan3A_154 : i32 to index
        %get3A_181 = arith.constant 32 : index
        %get3A_182 = tpu.vector_load %arg12[%get3A_180, %get3A_181] {strides = array<i32>} : memref<80x128xf32, #tpu.memory_space<vmem>>, vector<16xf32>,
        %get3A_183 = arith.index_cast %scan3A_154 : i32 to index
        %get3A_184 = arith.constant 32 : index
        %get3A_185 = tpu.vector_load %arg13[%get3A_183, %get3A_184] {strides = array<i32>} : memref<80x128xf32, #tpu.memory_space<vmem>>, vector<16xf32>,
        %add3A_186 = arith.addf %get3A_182, %get3A_185 : vector<16xf32>
        %mul3A_187 = arith.constant 2.000000e-01 : f32
        %mul3A_188 = vector.broadcast %mul3A_187 : f32 to vector<16xf32>
        %mul3A_189 = arith.mulf %mul3A_188, %add3A_186 : vector<16xf32>
        %max3A_190 = arith.maximumf %add3A_186, %mul3A_189 : vector<16xf32>
        %mul3A_191 = arith.mulf %max3A_190, %get3A_41 : vector<16xf32>
        %add3A_192 = arith.addf %add3A_179, %mul3A_191 : vector<16xf32>
        %get3A_193 = arith.index_cast %scan3A_154 : i32 to index
        %get3A_194 = arith.constant 48 : index
        %get3A_195 = tpu.vector_load %arg12[%get3A_193, %get3A_194] {strides = array<i32>} : memref<80x128xf32, #tpu.memory_space<vmem>>, vector<16xf32>,
        %get3A_196 = arith.index_cast %scan3A_154 : i32 to index
        %get3A_197 = arith.constant 48 : index
        %get3A_198 = tpu.vector_load %arg13[%get3A_196, %get3A_197] {strides = array<i32>} : memref<80x128xf32, #tpu.memory_space<vmem>>, vector<16xf32>,
        %add3A_199 = arith.addf %get3A_195, %get3A_198 : vector<16xf32>
        %mul3A_200 = arith.constant 2.000000e-01 : f32
        %mul3A_201 = vector.broadcast %mul3A_200 : f32 to vector<16xf32>
        %mul3A_202 = arith.mulf %mul3A_201, %add3A_199 : vector<16xf32>
        %max3A_203 = arith.maximumf %add3A_199, %mul3A_202 : vector<16xf32>
        %mul3A_204 = arith.mulf %max3A_203, %get3A_43 : vector<16xf32>
        %add3A_205 = arith.addf %add3A_192, %mul3A_204 : vector<16xf32>
        %reduce_sum3A = arith.constant true
        %reduce_sum3A_206 = vector.broadcast %reduce_sum3A : i1 to vector<16xi1>
        %reduce_sum3A_207 = tpu.scan <sum>, %add3A_205 masked %reduce_sum3A_206 : vector<16xf32>, vector<16xi1> -> vector<16xf32>
        %reduce_sum3A_208 = vector.extract %reduce_sum3A_207[15] : f32 from vector<16xf32>
        %broadcast_in_dim3A_209 = vector.broadcast %reduce_sum3A_208 : f32 to vector<16xf32>
        %exp3A = math.exp %broadcast_in_dim3A_209 : vector<16xf32>
        %mul3A_210 = arith.mulf %get3A_157, %exp3A : vector<16xf32>
        %swap3A_211 = arith.index_cast %scan3A_154 : i32 to index
        %swap3A_212 = arith.constant 0 : index
        %swap3A_213 = tpu.vector_load %arg14[%swap3A_211, %swap3A_212] {strides = array<i32>} : memref<80x144xf32, #tpu.memory_space<vmem>>, vector<16xf32>,
        tpu.vector_store %arg14[%swap3A_211, %swap3A_212], %mul3A_210 {strides = array<i32>} : memref<80x144xf32, #tpu.memory_space<vmem>>, vector<16xf32>,
        %mul3A_214 = arith.mulf %get3A_169, %exp3A : vector<16xf32>
        %swap3A_215 = arith.index_cast %scan3A_154 : i32 to index
        %swap3A_216 = arith.constant 16 : index
        %swap3A_217 = tpu.vector_load %arg14[%swap3A_215, %swap3A_216] {strides = array<i32>} : memref<80x144xf32, #tpu.memory_space<vmem>>, vector<16xf32>,
        tpu.vector_store %arg14[%swap3A_215, %swap3A_216], %mul3A_214 {strides = array<i32>} : memref<80x144xf32, #tpu.memory_space<vmem>>, vector<16xf32>,
        %mul3A_218 = arith.mulf %get3A_182, %exp3A : vector<16xf32>
        %swap3A_219 = arith.index_cast %scan3A_154 : i32 to index
        %swap3A_220 = arith.constant 32 : index
        %swap3A_221 = tpu.vector_load %arg14[%swap3A_219, %swap3A_220] {strides = array<i32>} : memref<80x144xf32, #tpu.memory_space<vmem>>, vector<16xf32>,
        tpu.vector_store %arg14[%swap3A_219, %swap3A_220], %mul3A_218 {strides = array<i32>} : memref<80x144xf32, #tpu.memory_space<vmem>>, vector<16xf32>,
        %mul3A_222 = arith.mulf %get3A_195, %exp3A : vector<16xf32>
        %swap3A_223 = arith.index_cast %scan3A_154 : i32 to index
        %swap3A_224 = arith.constant 48 : index
        %swap3A_225 = tpu.vector_load %arg14[%swap3A_223, %swap3A_224] {strides = array<i32>} : memref<80x144xf32, #tpu.memory_space<vmem>>, vector<16xf32>,
        tpu.vector_store %arg14[%swap3A_223, %swap3A_224], %mul3A_222 {strides = array<i32>} : memref<80x144xf32, #tpu.memory_space<vmem>>, vector<16xf32>,
        %mul3A_226 = arith.constant 2 : i32
        %mul3A_227 = arith.muli %arg0, %mul3A_226 : i32
        %add3A_228 = arith.constant 0 : i32
        %add3A_229 = arith.addi %mul3A_227, %add3A_228 : i32
        %eq3A = vector.broadcast %add3A_229 : i32 to vector<16xi32>
        %eq3A_230 = arith.cmpi eq, %iota3A, %eq3A : vector<16xi32>
        %jit3A = arith.constant 0.000000e+00 : f32
        %broadcast_in_dim3A_231 = vector.broadcast %jit3A : f32 to vector<16xf32>
        %select_n3A = arith.select %eq3A_230, %exp3A, %broadcast_in_dim3A_231 : vector<16xi1>, vector<16xf32>
        %add3A_232 = arith.addf %broadcast_in_dim3A_0, %select_n3A : vector<16xf32>
        %get3A_233 = arith.index_cast %scan3A_154 : i32 to index
        %get3A_234 = arith.constant 64 : index
        %get3A_235 = tpu.vector_load %arg12[%get3A_233, %get3A_234] {strides = array<i32>} : memref<80x128xf32, #tpu.memory_space<vmem>>, vector<16xf32>,
        %get3A_236 = arith.index_cast %scan3A_154 : i32 to index
        %get3A_237 = arith.constant 64 : index
        %get3A_238 = tpu.vector_load %arg13[%get3A_236, %get3A_237] {strides = array<i32>} : memref<80x128xf32, #tpu.memory_space<vmem>>, vector<16xf32>,
        %add3A_239 = arith.addf %get3A_235, %get3A_238 : vector<16xf32>
        %mul3A_240 = arith.constant 2.000000e-01 : f32
        %mul3A_241 = vector.broadcast %mul3A_240 : f32 to vector<16xf32>
        %mul3A_242 = arith.mulf %mul3A_241, %add3A_239 : vector<16xf32>
        %max3A_243 = arith.maximumf %add3A_239, %mul3A_242 : vector<16xf32>
        %mul3A_244 = arith.mulf %max3A_243, %get3A_45 : vector<16xf32>
        %add3A_245 = arith.addf %broadcast_in_dim3A_0, %mul3A_244 : vector<16xf32>
        %get3A_246 = arith.index_cast %scan3A_154 : i32 to index
        %get3A_247 = arith.constant 80 : index
        %get3A_248 = tpu.vector_load %arg12[%get3A_246, %get3A_247] {strides = array<i32>} : memref<80x128xf32, #tpu.memory_space<vmem>>, vector<16xf32>,
        %get3A_249 = arith.index_cast %scan3A_154 : i32 to index
        %get3A_250 = arith.constant 80 : index
        %get3A_251 = tpu.vector_load %arg13[%get3A_249, %get3A_250] {strides = array<i32>} : memref<80x128xf32, #tpu.memory_space<vmem>>, vector<16xf32>,
        %add3A_252 = arith.addf %get3A_248, %get3A_251 : vector<16xf32>
        %mul3A_253 = arith.constant 2.000000e-01 : f32
        %mul3A_254 = vector.broadcast %mul3A_253 : f32 to vector<16xf32>
        %mul3A_255 = arith.mulf %mul3A_254, %add3A_252 : vector<16xf32>
        %max3A_256 = arith.maximumf %add3A_252, %mul3A_255 : vector<16xf32>
        %mul3A_257 = arith.mulf %max3A_256, %get3A_47 : vector<16xf32>
        %add3A_258 = arith.addf %add3A_245, %mul3A_257 : vector<16xf32>
        %get3A_259 = arith.index_cast %scan3A_154 : i32 to index
        %get3A_260 = arith.constant 96 : index
        %get3A_261 = tpu.vector_load %arg12[%get3A_259, %get3A_260] {strides = array<i32>} : memref<80x128xf32, #tpu.memory_space<vmem>>, vector<16xf32>,
        %get3A_262 = arith.index_cast %scan3A_154 : i32 to index
        %get3A_263 = arith.constant 96 : index
        %get3A_264 = tpu.vector_load %arg13[%get3A_262, %get3A_263] {strides = array<i32>} : memref<80x128xf32, #tpu.memory_space<vmem>>, vector<16xf32>,
        %add3A_265 = arith.addf %get3A_261, %get3A_264 : vector<16xf32>
        %mul3A_266 = arith.constant 2.000000e-01 : f32
        %mul3A_267 = vector.broadcast %mul3A_266 : f32 to vector<16xf32>
        %mul3A_268 = arith.mulf %mul3A_267, %add3A_265 : vector<16xf32>
        %max3A_269 = arith.maximumf %add3A_265, %mul3A_268 : vector<16xf32>
        %mul3A_270 = arith.mulf %max3A_269, %get3A_49 : vector<16xf32>
        %add3A_271 = arith.addf %add3A_258, %mul3A_270 : vector<16xf32>
        %get3A_272 = arith.index_cast %scan3A_154 : i32 to index
        %get3A_273 = arith.constant 112 : index
        %get3A_274 = tpu.vector_load %arg12[%get3A_272, %get3A_273] {strides = array<i32>} : memref<80x128xf32, #tpu.memory_space<vmem>>, vector<16xf32>,
        %get3A_275 = arith.index_cast %scan3A_154 : i32 to index
        %get3A_276 = arith.constant 112 : index
        %get3A_277 = tpu.vector_load %arg13[%get3A_275, %get3A_276] {strides = array<i32>} : memref<80x128xf32, #tpu.memory_space<vmem>>, vector<16xf32>,
        %add3A_278 = arith.addf %get3A_274, %get3A_277 : vector<16xf32>
        %mul3A_279 = arith.constant 2.000000e-01 : f32
        %mul3A_280 = vector.broadcast %mul3A_279 : f32 to vector<16xf32>
        %mul3A_281 = arith.mulf %mul3A_280, %add3A_278 : vector<16xf32>
        %max3A_282 = arith.maximumf %add3A_278, %mul3A_281 : vector<16xf32>
        %mul3A_283 = arith.mulf %max3A_282, %get3A_51 : vector<16xf32>
        %add3A_284 = arith.addf %add3A_271, %mul3A_283 : vector<16xf32>
        %reduce_sum3A_285 = arith.constant true
        %reduce_sum3A_286 = vector.broadcast %reduce_sum3A_285 : i1 to vector<16xi1>
        %reduce_sum3A_287 = tpu.scan <sum>, %add3A_284 masked %reduce_sum3A_286 : vector<16xf32>, vector<16xi1> -> vector<16xf32>
        %reduce_sum3A_288 = vector.extract %reduce_sum3A_287[15] : f32 from vector<16xf32>
        %broadcast_in_dim3A_289 = vector.broadcast %reduce_sum3A_288 : f32 to vector<16xf32>
        %exp3A_290 = math.exp %broadcast_in_dim3A_289 : vector<16xf32>
        %mul3A_291 = arith.mulf %get3A_235, %exp3A_290 : vector<16xf32>
        %swap3A_292 = arith.index_cast %scan3A_154 : i32 to index
        %swap3A_293 = arith.constant 64 : index
        %swap3A_294 = tpu.vector_load %arg14[%swap3A_292, %swap3A_293] {strides = array<i32>} : memref<80x144xf32, #tpu.memory_space<vmem>>, vector<16xf32>,
        tpu.vector_store %arg14[%swap3A_292, %swap3A_293], %mul3A_291 {strides = array<i32>} : memref<80x144xf32, #tpu.memory_space<vmem>>, vector<16xf32>,
        %mul3A_295 = arith.mulf %get3A_248, %exp3A_290 : vector<16xf32>
        %swap3A_296 = arith.index_cast %scan3A_154 : i32 to index
        %swap3A_297 = arith.constant 80 : index
        %swap3A_298 = tpu.vector_load %arg14[%swap3A_296, %swap3A_297] {strides = array<i32>} : memref<80x144xf32, #tpu.memory_space<vmem>>, vector<16xf32>,
        tpu.vector_store %arg14[%swap3A_296, %swap3A_297], %mul3A_295 {strides = array<i32>} : memref<80x144xf32, #tpu.memory_space<vmem>>, vector<16xf32>,
        %mul3A_299 = arith.mulf %get3A_261, %exp3A_290 : vector<16xf32>
        %swap3A_300 = arith.index_cast %scan3A_154 : i32 to index
        %swap3A_301 = arith.constant 96 : index
        %swap3A_302 = tpu.vector_load %arg14[%swap3A_300, %swap3A_301] {strides = array<i32>} : memref<80x144xf32, #tpu.memory_space<vmem>>, vector<16xf32>,
        tpu.vector_store %arg14[%swap3A_300, %swap3A_301], %mul3A_299 {strides = array<i32>} : memref<80x144xf32, #tpu.memory_space<vmem>>, vector<16xf32>,
        %mul3A_303 = arith.mulf %get3A_274, %exp3A_290 : vector<16xf32>
        %swap3A_304 = arith.index_cast %scan3A_154 : i32 to index
        %swap3A_305 = arith.constant 112 : index
        %swap3A_306 = tpu.vector_load %arg14[%swap3A_304, %swap3A_305] {strides = array<i32>} : memref<80x144xf32, #tpu.memory_space<vmem>>, vector<16xf32>,
        tpu.vector_store %arg14[%swap3A_304, %swap3A_305], %mul3A_303 {strides = array<i32>} : memref<80x144xf32, #tpu.memory_space<vmem>>, vector<16xf32>,
        %mul3A_307 = arith.constant 2 : i32
        %mul3A_308 = arith.muli %arg0, %mul3A_307 : i32
        %add3A_309 = arith.constant 1 : i32
        %add3A_310 = arith.addi %mul3A_308, %add3A_309 : i32
        %eq3A_311 = vector.broadcast %add3A_310 : i32 to vector<16xi32>
        %eq3A_312 = arith.cmpi eq, %iota3A, %eq3A_311 : vector<16xi32>
        %jit3A_313 = arith.constant 0.000000e+00 : f32
        %broadcast_in_dim3A_314 = vector.broadcast %jit3A_313 : f32 to vector<16xf32>
        %select_n3A_315 = arith.select %eq3A_312, %exp3A_290, %broadcast_in_dim3A_314 : vector<16xi1>, vector<16xf32>
        %add3A_316 = arith.addf %add3A_232, %select_n3A_315 : vector<16xf32>
        %swap3A_317 = arith.index_cast %scan3A_154 : i32 to index
        %swap3A_318 = arith.constant 128 : index
        %swap3A_319 = tpu.vector_load %arg14[%swap3A_317, %swap3A_318] {strides = array<i32>} : memref<80x144xf32, #tpu.memory_space<vmem>>, vector<16xf32>,
        tpu.vector_store %arg14[%swap3A_317, %swap3A_318], %add3A_316 {strides = array<i32>} : memref<80x144xf32, #tpu.memory_space<vmem>>, vector<16xf32>,
      }
      %scan3A_153 = arith.constant 80 : i32
      "tpu.region"() ({
        %run_scoped3A = tpu.sem_alloc : memref<!tpu.dma_semaphore, #tpu.memory_space<semaphore_mem>>
        %dma_start3A_154 = arith.constant 0 : i32
        %dma_start3A_155 = arith.constant 0 : i32
        %dma_start3A_156 = tpu.memref_slice %arg16[%dma_start3A_154, %dma_start3A_155] : memref<10000x144xf32, #tpu.memory_space<vmem_shared>> -> memref<10000x144xf32, #tpu.memory_space<vmem_shared>>
        tpu.enqueue_indirect_dma source(%arg14 : memref<80x144xf32, #tpu.memory_space<vmem>>) target(%dma_start3A_156 : memref<10000x144xf32, #tpu.memory_space<vmem_shared>>) offsets(%arg9 : memref<80xi32, #tpu.memory_space<vmem>>) semaphore(%run_scoped3A : memref<!tpu.dma_semaphore, #tpu.memory_space<semaphore_mem>>) {add = true}
        %dma_wait3A_157 = arith.constant 0 : i32
        %dma_wait3A_158 = arith.constant 0 : i32
        %dma_wait3A_159 = tpu.memref_slice %arg16[%dma_wait3A_157, %dma_wait3A_158] : memref<10000x144xf32, #tpu.memory_space<vmem_shared>> -> memref<10000x144xf32, #tpu.memory_space<vmem_shared>>
        tpu.wait_indirect_dma semaphore(%run_scoped3A : memref<!tpu.dma_semaphore, #tpu.memory_space<semaphore_mem>>) src(%arg14 : memref<80x144xf32, #tpu.memory_space<vmem>>) dst(%dma_wait3A_159 : memref<10000x144xf32, #tpu.memory_space<vmem_shared>>)
        tpu.yield
      }) : () -> ()
    }
    %scan3A_57 = arith.constant 250 : i32
    %barrier3A_58 = arith.constant 0 : index
    tpu.barrier barrier_id(%barrier3A_58)
    %mul3A_59 = arith.constant 625 : i32
    %mul3A_60 = arith.muli %arg1, %mul3A_59 : i32
    %mul3A_61 = arith.constant 625 : i32
    %mul3A_62 = arith.muli %arg1, %mul3A_61 : i32
    "tpu.region"() ({
      %run_scoped3A = tpu.sem_alloc : memref<!tpu.dma_semaphore, #tpu.memory_space<semaphore_mem>>
      %dma_start3A = arith.constant 0 : i32
      %dma_start3A_63 = tpu.memref_slice %arg7[%arg0, %mul3A_62, %dma_start3A] : memref<2x10000x144xf32, #tpu.memory_space<hbm>> -> memref<1x625x144xf32, #tpu.memory_space<hbm>>
      %dma_start3A_64 = tpu.memref_squeeze %dma_start3A_63 : memref<1x625x144xf32, #tpu.memory_space<hbm>> -> memref<625x144xf32, #tpu.memory_space<hbm>>
      %dma_start3A_65 = arith.constant 0 : i32
      %dma_start3A_66 = tpu.memref_slice %arg16[%mul3A_60, %dma_start3A_65] : memref<10000x144xf32, #tpu.memory_space<vmem_shared>> -> memref<625x144xf32, #tpu.memory_space<vmem_shared>>
      tpu.enqueue_dma source(%dma_start3A_66 : memref<625x144xf32, #tpu.memory_space<vmem_shared>>) target(%dma_start3A_64 : memref<625x144xf32, #tpu.memory_space<hbm>>) target_semaphore(%run_scoped3A : memref<!tpu.dma_semaphore, #tpu.memory_space<semaphore_mem>>)
      %dma_wait3A = arith.constant 0 : i32
      %dma_wait3A_67 = tpu.memref_slice %arg7[%arg0, %mul3A_62, %dma_wait3A] : memref<2x10000x144xf32, #tpu.memory_space<hbm>> -> memref<1x625x144xf32, #tpu.memory_space<hbm>>
      %dma_wait3A_68 = tpu.memref_squeeze %dma_wait3A_67 : memref<1x625x144xf32, #tpu.memory_space<hbm>> -> memref<625x144xf32, #tpu.memory_space<hbm>>
      %dma_wait3A_69 = arith.constant 0 : i32
      %dma_wait3A_70 = tpu.memref_slice %arg16[%mul3A_60, %dma_wait3A_69] : memref<10000x144xf32, #tpu.memory_space<vmem_shared>> -> memref<625x144xf32, #tpu.memory_space<vmem_shared>>
      tpu.wait_dma2 semaphore(%run_scoped3A : memref<!tpu.dma_semaphore, #tpu.memory_space<semaphore_mem>>) src(%dma_wait3A_70 : memref<625x144xf32, #tpu.memory_space<vmem_shared>>) dst(%dma_wait3A_68 : memref<625x144xf32, #tpu.memory_space<hbm>>)
      tpu.yield
    }) : () -> ()
    return
  }
}

#map = affine_map<(d0, d1) -> (0, 0)>
#map1 = affine_map<(d0, d1) -> (0)>
#map2 = affine_map<(d0, d1) -> (0, 0, 0)>
module attributes {stable_mosaic.version = 14 : i64} {
  func.func @body(%arg0: i32, %arg1: i32, %arg2: memref<10000x32xf32, #tpu.memory_space<hbm>>, %arg3: memref<10000x32xf32, #tpu.memory_space<hbm>>, %arg4: memref<320000xi32, #tpu.memory_space<hbm>>, %arg5: memref<320000xi32, #tpu.memory_space<hbm>>, %arg6: memref<32xf32, #tpu.memory_space<hbm>>, %arg7: memref<2x10000x48xf32, #tpu.memory_space<hbm>>, %arg8: memref<80xi32, #tpu.memory_space<vmem>>, %arg9: memref<80xi32, #tpu.memory_space<vmem>>, %arg10: memref<80xi32, #tpu.memory_space<vmem>>, %arg11: memref<80xi32, #tpu.memory_space<vmem>>, %arg12: memref<80x32xf32, #tpu.memory_space<vmem>>, %arg13: memref<80x32xf32, #tpu.memory_space<vmem>>, %arg14: memref<80x48xf32, #tpu.memory_space<vmem>>, %arg15: memref<32xf32, #tpu.memory_space<vmem>>, %arg16: memref<10000x48xf32, #tpu.memory_space<vmem_shared>>, %arg17: memref<!tpu.dma_semaphore, #tpu.memory_space<semaphore_mem>>, %arg18: memref<!tpu.dma_semaphore, #tpu.memory_space<semaphore_mem>>) attributes {dimension_semantics = [#tpu.dimension_semantics<core_parallel>, #tpu.dimension_semantics<subcore_parallel>], iteration_bounds = array<i64: 2, 16>, scalar_prefetch = 0 : i64, scratch_operands = 11 : i64, tpu.core_type = #tpu.core_type<sc_vector_subcore>, window_params = [{transform_indices = #map}, {transform_indices = #map}, {transform_indices = #map1}, {transform_indices = #map1}, {transform_indices = #map1}, {transform_indices = #map2}]} {
    "tpu.region"() ({
      %run_scoped3A = tpu.sem_alloc : memref<!tpu.dma_semaphore, #tpu.memory_space<semaphore_mem>>
      tpu.enqueue_dma source(%arg6 : memref<32xf32, #tpu.memory_space<hbm>>) target(%arg15 : memref<32xf32, #tpu.memory_space<vmem>>) target_semaphore(%run_scoped3A : memref<!tpu.dma_semaphore, #tpu.memory_space<semaphore_mem>>)
      tpu.wait_dma2 semaphore(%run_scoped3A : memref<!tpu.dma_semaphore, #tpu.memory_space<semaphore_mem>>) src(%arg6 : memref<32xf32, #tpu.memory_space<hbm>>) dst(%arg15 : memref<32xf32, #tpu.memory_space<vmem>>)
      tpu.yield
    }) : () -> ()
    %broadcast_in_dim3A = arith.constant 0.000000e+00 : f32
    %broadcast_in_dim3A_0 = vector.broadcast %broadcast_in_dim3A : f32 to vector<16xf32>
    %scan3A = arith.constant 0 : i32
    %scan3A_1 = arith.constant 0 : i32
    %scan3A_2 = arith.constant 80 : i32
    %scan3A_3 = arith.addi %scan3A_1, %scan3A_2 : i32
    %scan3A_4 = arith.constant 1 : i32
    scf.for %scan3A_51 = %scan3A_1 to %scan3A_3 step %scan3A_4  : i32 {
      %swap3A = arith.index_cast %scan3A_51 : i32 to index
      %swap3A_52 = arith.constant 0 : index
      %swap3A_53 = tpu.vector_load %arg14[%swap3A, %swap3A_52] {strides = array<i32>} : memref<80x48xf32, #tpu.memory_space<vmem>>, vector<16xf32>,
      tpu.vector_store %arg14[%swap3A, %swap3A_52], %broadcast_in_dim3A_0 {strides = array<i32>} : memref<80x48xf32, #tpu.memory_space<vmem>>, vector<16xf32>,
      %swap3A_54 = arith.index_cast %scan3A_51 : i32 to index
      %swap3A_55 = arith.constant 16 : index
      %swap3A_56 = tpu.vector_load %arg14[%swap3A_54, %swap3A_55] {strides = array<i32>} : memref<80x48xf32, #tpu.memory_space<vmem>>, vector<16xf32>,
      tpu.vector_store %arg14[%swap3A_54, %swap3A_55], %broadcast_in_dim3A_0 {strides = array<i32>} : memref<80x48xf32, #tpu.memory_space<vmem>>, vector<16xf32>,
      %swap3A_57 = arith.index_cast %scan3A_51 : i32 to index
      %swap3A_58 = arith.constant 32 : index
      %swap3A_59 = tpu.vector_load %arg14[%swap3A_57, %swap3A_58] {strides = array<i32>} : memref<80x48xf32, #tpu.memory_space<vmem>>, vector<16xf32>,
      tpu.vector_store %arg14[%swap3A_57, %swap3A_58], %broadcast_in_dim3A_0 {strides = array<i32>} : memref<80x48xf32, #tpu.memory_space<vmem>>, vector<16xf32>,
    }
    %scan3A_5 = arith.constant 80 : i32
    %mul3A = arith.constant 625 : i32
    %mul3A_6 = arith.muli %arg1, %mul3A : i32
    %add3A = arith.constant 0 : i32
    %add3A_7 = arith.addi %mul3A_6, %add3A : i32
    "tpu.region"() ({
      %run_scoped3A = tpu.sem_alloc : memref<!tpu.dma_semaphore, #tpu.memory_space<semaphore_mem>>
      %dma_start3A = arith.constant 0 : i32
      %dma_start3A_51 = tpu.memref_slice %arg16[%add3A_7, %dma_start3A] : memref<10000x48xf32, #tpu.memory_space<vmem_shared>> -> memref<80x48xf32, #tpu.memory_space<vmem_shared>>
      %dma_start3A_52 = arith.constant 0 : i32
      %dma_start3A_53 = tpu.memref_slice %arg16[%add3A_7, %dma_start3A_52] : memref<10000x48xf32, #tpu.memory_space<vmem_shared>> -> memref<80x48xf32, #tpu.memory_space<vmem_shared>>
      tpu.enqueue_dma source(%arg14 : memref<80x48xf32, #tpu.memory_space<vmem>>) target(%dma_start3A_53 : memref<80x48xf32, #tpu.memory_space<vmem_shared>>) target_semaphore(%run_scoped3A : memref<!tpu.dma_semaphore, #tpu.memory_space<semaphore_mem>>)
      %dma_wait3A = arith.constant 0 : i32
      %dma_wait3A_54 = tpu.memref_slice %arg16[%add3A_7, %dma_wait3A] : memref<10000x48xf32, #tpu.memory_space<vmem_shared>> -> memref<80x48xf32, #tpu.memory_space<vmem_shared>>
      %dma_wait3A_55 = arith.constant 0 : i32
      %dma_wait3A_56 = tpu.memref_slice %arg16[%add3A_7, %dma_wait3A_55] : memref<10000x48xf32, #tpu.memory_space<vmem_shared>> -> memref<80x48xf32, #tpu.memory_space<vmem_shared>>
      tpu.wait_dma2 semaphore(%run_scoped3A : memref<!tpu.dma_semaphore, #tpu.memory_space<semaphore_mem>>) src(%arg14 : memref<80x48xf32, #tpu.memory_space<vmem>>) dst(%dma_wait3A_56 : memref<80x48xf32, #tpu.memory_space<vmem_shared>>)
      tpu.yield
    }) : () -> ()
    %mul3A_8 = arith.constant 625 : i32
    %mul3A_9 = arith.muli %arg1, %mul3A_8 : i32
    %add3A_10 = arith.constant 80 : i32
    %add3A_11 = arith.addi %mul3A_9, %add3A_10 : i32
    "tpu.region"() ({
      %run_scoped3A = tpu.sem_alloc : memref<!tpu.dma_semaphore, #tpu.memory_space<semaphore_mem>>
      %dma_start3A = arith.constant 0 : i32
      %dma_start3A_51 = tpu.memref_slice %arg16[%add3A_11, %dma_start3A] : memref<10000x48xf32, #tpu.memory_space<vmem_shared>> -> memref<80x48xf32, #tpu.memory_space<vmem_shared>>
      %dma_start3A_52 = arith.constant 0 : i32
      %dma_start3A_53 = tpu.memref_slice %arg16[%add3A_11, %dma_start3A_52] : memref<10000x48xf32, #tpu.memory_space<vmem_shared>> -> memref<80x48xf32, #tpu.memory_space<vmem_shared>>
      tpu.enqueue_dma source(%arg14 : memref<80x48xf32, #tpu.memory_space<vmem>>) target(%dma_start3A_53 : memref<80x48xf32, #tpu.memory_space<vmem_shared>>) target_semaphore(%run_scoped3A : memref<!tpu.dma_semaphore, #tpu.memory_space<semaphore_mem>>)
      %dma_wait3A = arith.constant 0 : i32
      %dma_wait3A_54 = tpu.memref_slice %arg16[%add3A_11, %dma_wait3A] : memref<10000x48xf32, #tpu.memory_space<vmem_shared>> -> memref<80x48xf32, #tpu.memory_space<vmem_shared>>
      %dma_wait3A_55 = arith.constant 0 : i32
      %dma_wait3A_56 = tpu.memref_slice %arg16[%add3A_11, %dma_wait3A_55] : memref<10000x48xf32, #tpu.memory_space<vmem_shared>> -> memref<80x48xf32, #tpu.memory_space<vmem_shared>>
      tpu.wait_dma2 semaphore(%run_scoped3A : memref<!tpu.dma_semaphore, #tpu.memory_space<semaphore_mem>>) src(%arg14 : memref<80x48xf32, #tpu.memory_space<vmem>>) dst(%dma_wait3A_56 : memref<80x48xf32, #tpu.memory_space<vmem_shared>>)
      tpu.yield
    }) : () -> ()
    %mul3A_12 = arith.constant 625 : i32
    %mul3A_13 = arith.muli %arg1, %mul3A_12 : i32
    %add3A_14 = arith.constant 160 : i32
    %add3A_15 = arith.addi %mul3A_13, %add3A_14 : i32
    "tpu.region"() ({
      %run_scoped3A = tpu.sem_alloc : memref<!tpu.dma_semaphore, #tpu.memory_space<semaphore_mem>>
      %dma_start3A = arith.constant 0 : i32
      %dma_start3A_51 = tpu.memref_slice %arg16[%add3A_15, %dma_start3A] : memref<10000x48xf32, #tpu.memory_space<vmem_shared>> -> memref<80x48xf32, #tpu.memory_space<vmem_shared>>
      %dma_start3A_52 = arith.constant 0 : i32
      %dma_start3A_53 = tpu.memref_slice %arg16[%add3A_15, %dma_start3A_52] : memref<10000x48xf32, #tpu.memory_space<vmem_shared>> -> memref<80x48xf32, #tpu.memory_space<vmem_shared>>
      tpu.enqueue_dma source(%arg14 : memref<80x48xf32, #tpu.memory_space<vmem>>) target(%dma_start3A_53 : memref<80x48xf32, #tpu.memory_space<vmem_shared>>) target_semaphore(%run_scoped3A : memref<!tpu.dma_semaphore, #tpu.memory_space<semaphore_mem>>)
      %dma_wait3A = arith.constant 0 : i32
      %dma_wait3A_54 = tpu.memref_slice %arg16[%add3A_15, %dma_wait3A] : memref<10000x48xf32, #tpu.memory_space<vmem_shared>> -> memref<80x48xf32, #tpu.memory_space<vmem_shared>>
      %dma_wait3A_55 = arith.constant 0 : i32
      %dma_wait3A_56 = tpu.memref_slice %arg16[%add3A_15, %dma_wait3A_55] : memref<10000x48xf32, #tpu.memory_space<vmem_shared>> -> memref<80x48xf32, #tpu.memory_space<vmem_shared>>
      tpu.wait_dma2 semaphore(%run_scoped3A : memref<!tpu.dma_semaphore, #tpu.memory_space<semaphore_mem>>) src(%arg14 : memref<80x48xf32, #tpu.memory_space<vmem>>) dst(%dma_wait3A_56 : memref<80x48xf32, #tpu.memory_space<vmem_shared>>)
      tpu.yield
    }) : () -> ()
    %mul3A_16 = arith.constant 625 : i32
    %mul3A_17 = arith.muli %arg1, %mul3A_16 : i32
    %add3A_18 = arith.constant 240 : i32
    %add3A_19 = arith.addi %mul3A_17, %add3A_18 : i32
    "tpu.region"() ({
      %run_scoped3A = tpu.sem_alloc : memref<!tpu.dma_semaphore, #tpu.memory_space<semaphore_mem>>
      %dma_start3A = arith.constant 0 : i32
      %dma_start3A_51 = tpu.memref_slice %arg16[%add3A_19, %dma_start3A] : memref<10000x48xf32, #tpu.memory_space<vmem_shared>> -> memref<80x48xf32, #tpu.memory_space<vmem_shared>>
      %dma_start3A_52 = arith.constant 0 : i32
      %dma_start3A_53 = tpu.memref_slice %arg16[%add3A_19, %dma_start3A_52] : memref<10000x48xf32, #tpu.memory_space<vmem_shared>> -> memref<80x48xf32, #tpu.memory_space<vmem_shared>>
      tpu.enqueue_dma source(%arg14 : memref<80x48xf32, #tpu.memory_space<vmem>>) target(%dma_start3A_53 : memref<80x48xf32, #tpu.memory_space<vmem_shared>>) target_semaphore(%run_scoped3A : memref<!tpu.dma_semaphore, #tpu.memory_space<semaphore_mem>>)
      %dma_wait3A = arith.constant 0 : i32
      %dma_wait3A_54 = tpu.memref_slice %arg16[%add3A_19, %dma_wait3A] : memref<10000x48xf32, #tpu.memory_space<vmem_shared>> -> memref<80x48xf32, #tpu.memory_space<vmem_shared>>
      %dma_wait3A_55 = arith.constant 0 : i32
      %dma_wait3A_56 = tpu.memref_slice %arg16[%add3A_19, %dma_wait3A_55] : memref<10000x48xf32, #tpu.memory_space<vmem_shared>> -> memref<80x48xf32, #tpu.memory_space<vmem_shared>>
      tpu.wait_dma2 semaphore(%run_scoped3A : memref<!tpu.dma_semaphore, #tpu.memory_space<semaphore_mem>>) src(%arg14 : memref<80x48xf32, #tpu.memory_space<vmem>>) dst(%dma_wait3A_56 : memref<80x48xf32, #tpu.memory_space<vmem_shared>>)
      tpu.yield
    }) : () -> ()
    %mul3A_20 = arith.constant 625 : i32
    %mul3A_21 = arith.muli %arg1, %mul3A_20 : i32
    %add3A_22 = arith.constant 320 : i32
    %add3A_23 = arith.addi %mul3A_21, %add3A_22 : i32
    "tpu.region"() ({
      %run_scoped3A = tpu.sem_alloc : memref<!tpu.dma_semaphore, #tpu.memory_space<semaphore_mem>>
      %dma_start3A = arith.constant 0 : i32
      %dma_start3A_51 = tpu.memref_slice %arg16[%add3A_23, %dma_start3A] : memref<10000x48xf32, #tpu.memory_space<vmem_shared>> -> memref<80x48xf32, #tpu.memory_space<vmem_shared>>
      %dma_start3A_52 = arith.constant 0 : i32
      %dma_start3A_53 = tpu.memref_slice %arg16[%add3A_23, %dma_start3A_52] : memref<10000x48xf32, #tpu.memory_space<vmem_shared>> -> memref<80x48xf32, #tpu.memory_space<vmem_shared>>
      tpu.enqueue_dma source(%arg14 : memref<80x48xf32, #tpu.memory_space<vmem>>) target(%dma_start3A_53 : memref<80x48xf32, #tpu.memory_space<vmem_shared>>) target_semaphore(%run_scoped3A : memref<!tpu.dma_semaphore, #tpu.memory_space<semaphore_mem>>)
      %dma_wait3A = arith.constant 0 : i32
      %dma_wait3A_54 = tpu.memref_slice %arg16[%add3A_23, %dma_wait3A] : memref<10000x48xf32, #tpu.memory_space<vmem_shared>> -> memref<80x48xf32, #tpu.memory_space<vmem_shared>>
      %dma_wait3A_55 = arith.constant 0 : i32
      %dma_wait3A_56 = tpu.memref_slice %arg16[%add3A_23, %dma_wait3A_55] : memref<10000x48xf32, #tpu.memory_space<vmem_shared>> -> memref<80x48xf32, #tpu.memory_space<vmem_shared>>
      tpu.wait_dma2 semaphore(%run_scoped3A : memref<!tpu.dma_semaphore, #tpu.memory_space<semaphore_mem>>) src(%arg14 : memref<80x48xf32, #tpu.memory_space<vmem>>) dst(%dma_wait3A_56 : memref<80x48xf32, #tpu.memory_space<vmem_shared>>)
      tpu.yield
    }) : () -> ()
    %mul3A_24 = arith.constant 625 : i32
    %mul3A_25 = arith.muli %arg1, %mul3A_24 : i32
    %add3A_26 = arith.constant 400 : i32
    %add3A_27 = arith.addi %mul3A_25, %add3A_26 : i32
    "tpu.region"() ({
      %run_scoped3A = tpu.sem_alloc : memref<!tpu.dma_semaphore, #tpu.memory_space<semaphore_mem>>
      %dma_start3A = arith.constant 0 : i32
      %dma_start3A_51 = tpu.memref_slice %arg16[%add3A_27, %dma_start3A] : memref<10000x48xf32, #tpu.memory_space<vmem_shared>> -> memref<80x48xf32, #tpu.memory_space<vmem_shared>>
      %dma_start3A_52 = arith.constant 0 : i32
      %dma_start3A_53 = tpu.memref_slice %arg16[%add3A_27, %dma_start3A_52] : memref<10000x48xf32, #tpu.memory_space<vmem_shared>> -> memref<80x48xf32, #tpu.memory_space<vmem_shared>>
      tpu.enqueue_dma source(%arg14 : memref<80x48xf32, #tpu.memory_space<vmem>>) target(%dma_start3A_53 : memref<80x48xf32, #tpu.memory_space<vmem_shared>>) target_semaphore(%run_scoped3A : memref<!tpu.dma_semaphore, #tpu.memory_space<semaphore_mem>>)
      %dma_wait3A = arith.constant 0 : i32
      %dma_wait3A_54 = tpu.memref_slice %arg16[%add3A_27, %dma_wait3A] : memref<10000x48xf32, #tpu.memory_space<vmem_shared>> -> memref<80x48xf32, #tpu.memory_space<vmem_shared>>
      %dma_wait3A_55 = arith.constant 0 : i32
      %dma_wait3A_56 = tpu.memref_slice %arg16[%add3A_27, %dma_wait3A_55] : memref<10000x48xf32, #tpu.memory_space<vmem_shared>> -> memref<80x48xf32, #tpu.memory_space<vmem_shared>>
      tpu.wait_dma2 semaphore(%run_scoped3A : memref<!tpu.dma_semaphore, #tpu.memory_space<semaphore_mem>>) src(%arg14 : memref<80x48xf32, #tpu.memory_space<vmem>>) dst(%dma_wait3A_56 : memref<80x48xf32, #tpu.memory_space<vmem_shared>>)
      tpu.yield
    }) : () -> ()
    %mul3A_28 = arith.constant 625 : i32
    %mul3A_29 = arith.muli %arg1, %mul3A_28 : i32
    %add3A_30 = arith.constant 480 : i32
    %add3A_31 = arith.addi %mul3A_29, %add3A_30 : i32
    "tpu.region"() ({
      %run_scoped3A = tpu.sem_alloc : memref<!tpu.dma_semaphore, #tpu.memory_space<semaphore_mem>>
      %dma_start3A = arith.constant 0 : i32
      %dma_start3A_51 = tpu.memref_slice %arg16[%add3A_31, %dma_start3A] : memref<10000x48xf32, #tpu.memory_space<vmem_shared>> -> memref<80x48xf32, #tpu.memory_space<vmem_shared>>
      %dma_start3A_52 = arith.constant 0 : i32
      %dma_start3A_53 = tpu.memref_slice %arg16[%add3A_31, %dma_start3A_52] : memref<10000x48xf32, #tpu.memory_space<vmem_shared>> -> memref<80x48xf32, #tpu.memory_space<vmem_shared>>
      tpu.enqueue_dma source(%arg14 : memref<80x48xf32, #tpu.memory_space<vmem>>) target(%dma_start3A_53 : memref<80x48xf32, #tpu.memory_space<vmem_shared>>) target_semaphore(%run_scoped3A : memref<!tpu.dma_semaphore, #tpu.memory_space<semaphore_mem>>)
      %dma_wait3A = arith.constant 0 : i32
      %dma_wait3A_54 = tpu.memref_slice %arg16[%add3A_31, %dma_wait3A] : memref<10000x48xf32, #tpu.memory_space<vmem_shared>> -> memref<80x48xf32, #tpu.memory_space<vmem_shared>>
      %dma_wait3A_55 = arith.constant 0 : i32
      %dma_wait3A_56 = tpu.memref_slice %arg16[%add3A_31, %dma_wait3A_55] : memref<10000x48xf32, #tpu.memory_space<vmem_shared>> -> memref<80x48xf32, #tpu.memory_space<vmem_shared>>
      tpu.wait_dma2 semaphore(%run_scoped3A : memref<!tpu.dma_semaphore, #tpu.memory_space<semaphore_mem>>) src(%arg14 : memref<80x48xf32, #tpu.memory_space<vmem>>) dst(%dma_wait3A_56 : memref<80x48xf32, #tpu.memory_space<vmem_shared>>)
      tpu.yield
    }) : () -> ()
    %mul3A_32 = arith.constant 625 : i32
    %mul3A_33 = arith.muli %arg1, %mul3A_32 : i32
    %add3A_34 = arith.constant 625 : i32
    %add3A_35 = arith.addi %mul3A_33, %add3A_34 : i32
    %sub3A = arith.constant 65 : i32
    %sub3A_36 = arith.subi %add3A_35, %sub3A : i32
    "tpu.region"() ({
      %run_scoped3A = tpu.sem_alloc : memref<!tpu.dma_semaphore, #tpu.memory_space<semaphore_mem>>
      %dma_start3A = arith.constant 0 : i32
      %dma_start3A_51 = arith.constant 0 : i32
      %dma_start3A_52 = tpu.memref_slice %arg14[%dma_start3A, %dma_start3A_51] : memref<80x48xf32, #tpu.memory_space<vmem>> -> memref<65x48xf32, #tpu.memory_space<vmem>>
      %dma_start3A_53 = arith.constant 0 : i32
      %dma_start3A_54 = tpu.memref_slice %arg16[%sub3A_36, %dma_start3A_53] : memref<10000x48xf32, #tpu.memory_space<vmem_shared>> -> memref<65x48xf32, #tpu.memory_space<vmem_shared>>
      %dma_start3A_55 = arith.constant 0 : i32
      %dma_start3A_56 = tpu.memref_slice %arg16[%sub3A_36, %dma_start3A_55] : memref<10000x48xf32, #tpu.memory_space<vmem_shared>> -> memref<65x48xf32, #tpu.memory_space<vmem_shared>>
      %dma_start3A_57 = arith.constant 0 : i32
      %dma_start3A_58 = arith.constant 0 : i32
      %dma_start3A_59 = tpu.memref_slice %arg14[%dma_start3A_57, %dma_start3A_58] : memref<80x48xf32, #tpu.memory_space<vmem>> -> memref<65x48xf32, #tpu.memory_space<vmem>>
      tpu.enqueue_dma source(%dma_start3A_59 : memref<65x48xf32, #tpu.memory_space<vmem>>) target(%dma_start3A_56 : memref<65x48xf32, #tpu.memory_space<vmem_shared>>) target_semaphore(%run_scoped3A : memref<!tpu.dma_semaphore, #tpu.memory_space<semaphore_mem>>)
      %dma_wait3A = arith.constant 0 : i32
      %dma_wait3A_60 = arith.constant 0 : i32
      %dma_wait3A_61 = tpu.memref_slice %arg14[%dma_wait3A, %dma_wait3A_60] : memref<80x48xf32, #tpu.memory_space<vmem>> -> memref<65x48xf32, #tpu.memory_space<vmem>>
      %dma_wait3A_62 = arith.constant 0 : i32
      %dma_wait3A_63 = tpu.memref_slice %arg16[%sub3A_36, %dma_wait3A_62] : memref<10000x48xf32, #tpu.memory_space<vmem_shared>> -> memref<65x48xf32, #tpu.memory_space<vmem_shared>>
      %dma_wait3A_64 = arith.constant 0 : i32
      %dma_wait3A_65 = tpu.memref_slice %arg16[%sub3A_36, %dma_wait3A_64] : memref<10000x48xf32, #tpu.memory_space<vmem_shared>> -> memref<65x48xf32, #tpu.memory_space<vmem_shared>>
      %dma_wait3A_66 = arith.constant 0 : i32
      %dma_wait3A_67 = arith.constant 0 : i32
      %dma_wait3A_68 = tpu.memref_slice %arg14[%dma_wait3A_66, %dma_wait3A_67] : memref<80x48xf32, #tpu.memory_space<vmem>> -> memref<65x48xf32, #tpu.memory_space<vmem>>
      tpu.wait_dma2 semaphore(%run_scoped3A : memref<!tpu.dma_semaphore, #tpu.memory_space<semaphore_mem>>) src(%dma_wait3A_68 : memref<65x48xf32, #tpu.memory_space<vmem>>) dst(%dma_wait3A_65 : memref<65x48xf32, #tpu.memory_space<vmem_shared>>)
      tpu.yield
    }) : () -> ()
    %barrier3A = arith.constant 0 : index
    tpu.barrier barrier_id(%barrier3A)
    %get3A = arith.constant 0 : index
    %get3A_37 = tpu.vector_load %arg15[%get3A] {strides = array<i32>} : memref<32xf32, #tpu.memory_space<vmem>>, vector<16xf32>,
    %get3A_38 = arith.constant 16 : index
    %get3A_39 = tpu.vector_load %arg15[%get3A_38] {strides = array<i32>} : memref<32xf32, #tpu.memory_space<vmem>>, vector<16xf32>,
    %iota3A = tpu.iota {dimensions = array<i32: 0>} : vector<16xi32>
    %scan3A_40 = arith.constant 0 : i32
    %scan3A_41 = arith.constant 0 : i32
    %scan3A_42 = arith.constant 125 : i32
    %scan3A_43 = arith.addi %scan3A_41, %scan3A_42 : i32
    %scan3A_44 = arith.constant 1 : i32
    scf.for %scan3A_51 = %scan3A_41 to %scan3A_43 step %scan3A_44  : i32 {
      %mul3A_52 = arith.constant 2 : i32
      %mul3A_53 = arith.muli %arg1, %mul3A_52 : i32
      %add3A_54 = arith.addi %mul3A_53, %arg0 : i32
      %mul3A_55 = arith.constant 10000 : i32
      %mul3A_56 = arith.muli %add3A_54, %mul3A_55 : i32
      %mul3A_57 = arith.constant 80 : i32
      %mul3A_58 = arith.muli %scan3A_51, %mul3A_57 : i32
      %add3A_59 = arith.addi %mul3A_56, %mul3A_58 : i32
      %dma_start3A = tpu.memref_slice %arg4[%add3A_59] : memref<320000xi32, #tpu.memory_space<hbm>> -> memref<80xi32, #tpu.memory_space<hbm>>
      %dma_start3A_60 = tpu.memref_slice %arg4[%add3A_59] : memref<320000xi32, #tpu.memory_space<hbm>> -> memref<80xi32, #tpu.memory_space<hbm>>
      tpu.enqueue_dma source(%dma_start3A_60 : memref<80xi32, #tpu.memory_space<hbm>>) target(%arg8 : memref<80xi32, #tpu.memory_space<vmem>>) target_semaphore(%arg17 : memref<!tpu.dma_semaphore, #tpu.memory_space<semaphore_mem>>)
      %dma_start3A_61 = tpu.memref_slice %arg5[%add3A_59] : memref<320000xi32, #tpu.memory_space<hbm>> -> memref<80xi32, #tpu.memory_space<hbm>>
      %dma_start3A_62 = tpu.memref_slice %arg5[%add3A_59] : memref<320000xi32, #tpu.memory_space<hbm>> -> memref<80xi32, #tpu.memory_space<hbm>>
      tpu.enqueue_dma source(%dma_start3A_62 : memref<80xi32, #tpu.memory_space<hbm>>) target(%arg9 : memref<80xi32, #tpu.memory_space<vmem>>) target_semaphore(%arg18 : memref<!tpu.dma_semaphore, #tpu.memory_space<semaphore_mem>>)
      %dma_wait3A = tpu.memref_slice %arg4[%add3A_59] : memref<320000xi32, #tpu.memory_space<hbm>> -> memref<80xi32, #tpu.memory_space<hbm>>
      %dma_wait3A_63 = tpu.memref_slice %arg4[%add3A_59] : memref<320000xi32, #tpu.memory_space<hbm>> -> memref<80xi32, #tpu.memory_space<hbm>>
      tpu.wait_dma2 semaphore(%arg17 : memref<!tpu.dma_semaphore, #tpu.memory_space<semaphore_mem>>) src(%dma_wait3A_63 : memref<80xi32, #tpu.memory_space<hbm>>) dst(%arg8 : memref<80xi32, #tpu.memory_space<vmem>>)
      %dma_wait3A_64 = tpu.memref_slice %arg5[%add3A_59] : memref<320000xi32, #tpu.memory_space<hbm>> -> memref<80xi32, #tpu.memory_space<hbm>>
      %dma_wait3A_65 = tpu.memref_slice %arg5[%add3A_59] : memref<320000xi32, #tpu.memory_space<hbm>> -> memref<80xi32, #tpu.memory_space<hbm>>
      tpu.wait_dma2 semaphore(%arg18 : memref<!tpu.dma_semaphore, #tpu.memory_space<semaphore_mem>>) src(%dma_wait3A_65 : memref<80xi32, #tpu.memory_space<hbm>>) dst(%arg9 : memref<80xi32, #tpu.memory_space<vmem>>)
      %dma_start3A_66 = arith.constant 0 : i32
      %dma_start3A_67 = arith.constant 0 : i32
      %dma_start3A_68 = tpu.memref_slice %arg2[%dma_start3A_66, %dma_start3A_67] : memref<10000x32xf32, #tpu.memory_space<hbm>> -> memref<10000x32xf32, #tpu.memory_space<hbm>>
      tpu.enqueue_indirect_dma source(%dma_start3A_68 : memref<10000x32xf32, #tpu.memory_space<hbm>>) target(%arg12 : memref<80x32xf32, #tpu.memory_space<vmem>>) offsets(%arg8 : memref<80xi32, #tpu.memory_space<vmem>>) semaphore(%arg17 : memref<!tpu.dma_semaphore, #tpu.memory_space<semaphore_mem>>)
      %dma_start3A_69 = arith.constant 0 : i32
      %dma_start3A_70 = arith.constant 0 : i32
      %dma_start3A_71 = tpu.memref_slice %arg3[%dma_start3A_69, %dma_start3A_70] : memref<10000x32xf32, #tpu.memory_space<hbm>> -> memref<10000x32xf32, #tpu.memory_space<hbm>>
      tpu.enqueue_indirect_dma source(%dma_start3A_71 : memref<10000x32xf32, #tpu.memory_space<hbm>>) target(%arg13 : memref<80x32xf32, #tpu.memory_space<vmem>>) offsets(%arg9 : memref<80xi32, #tpu.memory_space<vmem>>) semaphore(%arg18 : memref<!tpu.dma_semaphore, #tpu.memory_space<semaphore_mem>>)
      %dma_wait3A_72 = arith.constant 0 : i32
      %dma_wait3A_73 = arith.constant 0 : i32
      %dma_wait3A_74 = tpu.memref_slice %arg2[%dma_wait3A_72, %dma_wait3A_73] : memref<10000x32xf32, #tpu.memory_space<hbm>> -> memref<10000x32xf32, #tpu.memory_space<hbm>>
      tpu.wait_indirect_dma semaphore(%arg17 : memref<!tpu.dma_semaphore, #tpu.memory_space<semaphore_mem>>) src(%dma_wait3A_74 : memref<10000x32xf32, #tpu.memory_space<hbm>>) dst(%arg12 : memref<80x32xf32, #tpu.memory_space<vmem>>)
      %dma_wait3A_75 = arith.constant 0 : i32
      %dma_wait3A_76 = arith.constant 0 : i32
      %dma_wait3A_77 = tpu.memref_slice %arg3[%dma_wait3A_75, %dma_wait3A_76] : memref<10000x32xf32, #tpu.memory_space<hbm>> -> memref<10000x32xf32, #tpu.memory_space<hbm>>
      tpu.wait_indirect_dma semaphore(%arg18 : memref<!tpu.dma_semaphore, #tpu.memory_space<semaphore_mem>>) src(%dma_wait3A_77 : memref<10000x32xf32, #tpu.memory_space<hbm>>) dst(%arg13 : memref<80x32xf32, #tpu.memory_space<vmem>>)
      %scan3A_78 = arith.constant 0 : i32
      %scan3A_79 = arith.constant 0 : i32
      %scan3A_80 = arith.constant 80 : i32
      %scan3A_81 = arith.addi %scan3A_79, %scan3A_80 : i32
      %scan3A_82 = arith.constant 1 : i32
      scf.for %scan3A_84 = %scan3A_79 to %scan3A_81 step %scan3A_82  : i32 {
        %get3A_85 = arith.index_cast %scan3A_84 : i32 to index
        %get3A_86 = arith.constant 0 : index
        %get3A_87 = tpu.vector_load %arg12[%get3A_85, %get3A_86] {strides = array<i32>} : memref<80x32xf32, #tpu.memory_space<vmem>>, vector<16xf32>,
        %get3A_88 = arith.index_cast %scan3A_84 : i32 to index
        %get3A_89 = arith.constant 0 : index
        %get3A_90 = tpu.vector_load %arg13[%get3A_88, %get3A_89] {strides = array<i32>} : memref<80x32xf32, #tpu.memory_space<vmem>>, vector<16xf32>,
        %add3A_91 = arith.addf %get3A_87, %get3A_90 : vector<16xf32>
        %mul3A_92 = arith.constant 2.000000e-01 : f32
        %mul3A_93 = vector.broadcast %mul3A_92 : f32 to vector<16xf32>
        %mul3A_94 = arith.mulf %mul3A_93, %add3A_91 : vector<16xf32>
        %max3A = arith.maximumf %add3A_91, %mul3A_94 : vector<16xf32>
        %mul3A_95 = arith.mulf %max3A, %get3A_37 : vector<16xf32>
        %add3A_96 = arith.addf %broadcast_in_dim3A_0, %mul3A_95 : vector<16xf32>
        %get3A_97 = arith.index_cast %scan3A_84 : i32 to index
        %get3A_98 = arith.constant 16 : index
        %get3A_99 = tpu.vector_load %arg12[%get3A_97, %get3A_98] {strides = array<i32>} : memref<80x32xf32, #tpu.memory_space<vmem>>, vector<16xf32>,
        %get3A_100 = arith.index_cast %scan3A_84 : i32 to index
        %get3A_101 = arith.constant 16 : index
        %get3A_102 = tpu.vector_load %arg13[%get3A_100, %get3A_101] {strides = array<i32>} : memref<80x32xf32, #tpu.memory_space<vmem>>, vector<16xf32>,
        %add3A_103 = arith.addf %get3A_99, %get3A_102 : vector<16xf32>
        %mul3A_104 = arith.constant 2.000000e-01 : f32
        %mul3A_105 = vector.broadcast %mul3A_104 : f32 to vector<16xf32>
        %mul3A_106 = arith.mulf %mul3A_105, %add3A_103 : vector<16xf32>
        %max3A_107 = arith.maximumf %add3A_103, %mul3A_106 : vector<16xf32>
        %mul3A_108 = arith.mulf %max3A_107, %get3A_39 : vector<16xf32>
        %add3A_109 = arith.addf %add3A_96, %mul3A_108 : vector<16xf32>
        %reduce_sum3A = arith.constant true
        %reduce_sum3A_110 = vector.broadcast %reduce_sum3A : i1 to vector<16xi1>
        %reduce_sum3A_111 = tpu.scan <sum>, %add3A_109 masked %reduce_sum3A_110 : vector<16xf32>, vector<16xi1> -> vector<16xf32>
        %reduce_sum3A_112 = vector.extract %reduce_sum3A_111[15] : f32 from vector<16xf32>
        %broadcast_in_dim3A_113 = vector.broadcast %reduce_sum3A_112 : f32 to vector<16xf32>
        %exp3A = math.exp %broadcast_in_dim3A_113 : vector<16xf32>
        %mul3A_114 = arith.mulf %get3A_87, %exp3A : vector<16xf32>
        %swap3A = arith.index_cast %scan3A_84 : i32 to index
        %swap3A_115 = arith.constant 0 : index
        %swap3A_116 = tpu.vector_load %arg14[%swap3A, %swap3A_115] {strides = array<i32>} : memref<80x48xf32, #tpu.memory_space<vmem>>, vector<16xf32>,
        tpu.vector_store %arg14[%swap3A, %swap3A_115], %mul3A_114 {strides = array<i32>} : memref<80x48xf32, #tpu.memory_space<vmem>>, vector<16xf32>,
        %mul3A_117 = arith.mulf %get3A_99, %exp3A : vector<16xf32>
        %swap3A_118 = arith.index_cast %scan3A_84 : i32 to index
        %swap3A_119 = arith.constant 16 : index
        %swap3A_120 = tpu.vector_load %arg14[%swap3A_118, %swap3A_119] {strides = array<i32>} : memref<80x48xf32, #tpu.memory_space<vmem>>, vector<16xf32>,
        tpu.vector_store %arg14[%swap3A_118, %swap3A_119], %mul3A_117 {strides = array<i32>} : memref<80x48xf32, #tpu.memory_space<vmem>>, vector<16xf32>,
        %eq3A = arith.constant 0 : i32
        %eq3A_121 = vector.broadcast %eq3A : i32 to vector<16xi32>
        %eq3A_122 = arith.cmpi eq, %iota3A, %eq3A_121 : vector<16xi32>
        %jit3A = arith.constant 0.000000e+00 : f32
        %broadcast_in_dim3A_123 = vector.broadcast %jit3A : f32 to vector<16xf32>
        %select_n3A = arith.select %eq3A_122, %exp3A, %broadcast_in_dim3A_123 : vector<16xi1>, vector<16xf32>
        %add3A_124 = arith.addf %broadcast_in_dim3A_0, %select_n3A : vector<16xf32>
        %swap3A_125 = arith.index_cast %scan3A_84 : i32 to index
        %swap3A_126 = arith.constant 32 : index
        %swap3A_127 = tpu.vector_load %arg14[%swap3A_125, %swap3A_126] {strides = array<i32>} : memref<80x48xf32, #tpu.memory_space<vmem>>, vector<16xf32>,
        tpu.vector_store %arg14[%swap3A_125, %swap3A_126], %add3A_124 {strides = array<i32>} : memref<80x48xf32, #tpu.memory_space<vmem>>, vector<16xf32>,
      }
      %scan3A_83 = arith.constant 80 : i32
      "tpu.region"() ({
        %run_scoped3A = tpu.sem_alloc : memref<!tpu.dma_semaphore, #tpu.memory_space<semaphore_mem>>
        %dma_start3A_84 = arith.constant 0 : i32
        %dma_start3A_85 = arith.constant 0 : i32
        %dma_start3A_86 = tpu.memref_slice %arg16[%dma_start3A_84, %dma_start3A_85] : memref<10000x48xf32, #tpu.memory_space<vmem_shared>> -> memref<10000x48xf32, #tpu.memory_space<vmem_shared>>
        tpu.enqueue_indirect_dma source(%arg14 : memref<80x48xf32, #tpu.memory_space<vmem>>) target(%dma_start3A_86 : memref<10000x48xf32, #tpu.memory_space<vmem_shared>>) offsets(%arg9 : memref<80xi32, #tpu.memory_space<vmem>>) semaphore(%run_scoped3A : memref<!tpu.dma_semaphore, #tpu.memory_space<semaphore_mem>>) {add = true}
        %dma_wait3A_87 = arith.constant 0 : i32
        %dma_wait3A_88 = arith.constant 0 : i32
        %dma_wait3A_89 = tpu.memref_slice %arg16[%dma_wait3A_87, %dma_wait3A_88] : memref<10000x48xf32, #tpu.memory_space<vmem_shared>> -> memref<10000x48xf32, #tpu.memory_space<vmem_shared>>
        tpu.wait_indirect_dma semaphore(%run_scoped3A : memref<!tpu.dma_semaphore, #tpu.memory_space<semaphore_mem>>) src(%arg14 : memref<80x48xf32, #tpu.memory_space<vmem>>) dst(%dma_wait3A_89 : memref<10000x48xf32, #tpu.memory_space<vmem_shared>>)
        tpu.yield
      }) : () -> ()
    }
    %scan3A_45 = arith.constant 125 : i32
    %barrier3A_46 = arith.constant 0 : index
    tpu.barrier barrier_id(%barrier3A_46)
    %mul3A_47 = arith.constant 625 : i32
    %mul3A_48 = arith.muli %arg1, %mul3A_47 : i32
    %mul3A_49 = arith.constant 625 : i32
    %mul3A_50 = arith.muli %arg1, %mul3A_49 : i32
    "tpu.region"() ({
      %run_scoped3A = tpu.sem_alloc : memref<!tpu.dma_semaphore, #tpu.memory_space<semaphore_mem>>
      %dma_start3A = arith.constant 0 : i32
      %dma_start3A_51 = tpu.memref_slice %arg7[%arg0, %mul3A_50, %dma_start3A] : memref<2x10000x48xf32, #tpu.memory_space<hbm>> -> memref<1x625x48xf32, #tpu.memory_space<hbm>>
      %dma_start3A_52 = tpu.memref_squeeze %dma_start3A_51 : memref<1x625x48xf32, #tpu.memory_space<hbm>> -> memref<625x48xf32, #tpu.memory_space<hbm>>
      %dma_start3A_53 = arith.constant 0 : i32
      %dma_start3A_54 = tpu.memref_slice %arg16[%mul3A_48, %dma_start3A_53] : memref<10000x48xf32, #tpu.memory_space<vmem_shared>> -> memref<625x48xf32, #tpu.memory_space<vmem_shared>>
      tpu.enqueue_dma source(%dma_start3A_54 : memref<625x48xf32, #tpu.memory_space<vmem_shared>>) target(%dma_start3A_52 : memref<625x48xf32, #tpu.memory_space<hbm>>) target_semaphore(%run_scoped3A : memref<!tpu.dma_semaphore, #tpu.memory_space<semaphore_mem>>)
      %dma_wait3A = arith.constant 0 : i32
      %dma_wait3A_55 = tpu.memref_slice %arg7[%arg0, %mul3A_50, %dma_wait3A] : memref<2x10000x48xf32, #tpu.memory_space<hbm>> -> memref<1x625x48xf32, #tpu.memory_space<hbm>>
      %dma_wait3A_56 = tpu.memref_squeeze %dma_wait3A_55 : memref<1x625x48xf32, #tpu.memory_space<hbm>> -> memref<625x48xf32, #tpu.memory_space<hbm>>
      %dma_wait3A_57 = arith.constant 0 : i32
      %dma_wait3A_58 = tpu.memref_slice %arg16[%mul3A_48, %dma_wait3A_57] : memref<10000x48xf32, #tpu.memory_space<vmem_shared>> -> memref<625x48xf32, #tpu.memory_space<vmem_shared>>
      tpu.wait_dma2 semaphore(%run_scoped3A : memref<!tpu.dma_semaphore, #tpu.memory_space<semaphore_mem>>) src(%dma_wait3A_58 : memref<625x48xf32, #tpu.memory_space<vmem_shared>>) dst(%dma_wait3A_56 : memref<625x48xf32, #tpu.memory_space<hbm>>)
      tpu.yield
    }) : () -> ()
    return
  }
}

module attributes {stable_mosaic.version = 14 : i64} {
  func.func @_mm0_body(%arg0: i32, %arg1: memref<1000x128xf32, #tpu.memory_space<vmem>>, %arg2: memref<128x192xf32, #tpu.memory_space<vmem>>, %arg3: memref<128x192xf32, #tpu.memory_space<vmem>>, %arg4: memref<2x1000x128xf32, #tpu.memory_space<vmem>>, %arg5: memref<2x1000x128xf32, #tpu.memory_space<vmem>>) attributes {dimension_semantics = [#tpu.dimension_semantics<arbitrary>], iteration_bounds = array<i64: 10>, scalar_prefetch = 0 : i64, scratch_operands = 0 : i64, tpu.core_type = #tpu.core_type<tc>, window_params = [{transform_indices = @transform_0, window_bounds = array<i64: 1000, 128>}, {pipeline_mode = #tpu.pipeline_mode<synchronous>, transform_indices = @transform_1, window_bounds = array<i64: 128, 192>}, {pipeline_mode = #tpu.pipeline_mode<synchronous>, transform_indices = @transform_2, window_bounds = array<i64: 128, 192>}, {transform_indices = @transform_3, window_bounds = array<i64: 2, 1000, 128>}, {transform_indices = @transform_4, window_bounds = array<i64: 2, 1000, 128>}]} {
    %get3A = arith.constant 0 : index
    %get3A_0 = arith.constant 0 : index
    %get3A_1 = vector.load %arg1[%get3A, %get3A_0] : memref<1000x128xf32, #tpu.memory_space<vmem>>, vector<1000x128xf32>
    %get3A_2 = arith.constant 0 : index
    %get3A_3 = arith.constant 0 : index
    %get3A_4 = vector.load %arg2[%get3A_2, %get3A_3] : memref<128x192xf32, #tpu.memory_space<vmem>>, vector<128x192xf32>
    %dot_general3A = arith.constant dense<0.000000e+00> : vector<1000x192xf32>
    %dot_general3A_5 = tpu.matmul %get3A_1, %get3A_4, %dot_general3A {dimension_numbers = #tpu.dot_dimension_numbers<[1], [0], [0], [1], [0, 0, 1, 1], [], []>, transpose_lhs_hint = false} : vector<1000x128xf32>, vector<128x192xf32>, vector<1000x192xf32> -> vector<1000x192xf32>
    %slice3A = vector.extract_strided_slice %dot_general3A_5 {offsets = [0, 0], sizes = [1000, 128], strides = [1, 1]} : vector<1000x192xf32> to vector<1000x128xf32>
    %swap3A = arith.constant 0 : index
    %swap3A_6 = arith.constant 0 : index
    %swap3A_7 = arith.constant 0 : index
    %swap3A_8 = vector.load %arg4[%swap3A, %swap3A_6, %swap3A_7] : memref<2x1000x128xf32, #tpu.memory_space<vmem>>, vector<1x1000x128xf32>
    %swap3A_9 = vector.shape_cast %swap3A_8 : vector<1x1000x128xf32> to vector<1000x128xf32>
    %swap3A_10 = vector.shape_cast %slice3A : vector<1000x128xf32> to vector<1x1000x128xf32>
    tpu.vector_store %arg4[%swap3A, %swap3A_6, %swap3A_7], %swap3A_10 {strides = array<i32>} : memref<2x1000x128xf32, #tpu.memory_space<vmem>>, vector<1x1000x128xf32>,
    %slice3A_11 = vector.extract_strided_slice %dot_general3A_5 {offsets = [0, 128], sizes = [1000, 64], strides = [1, 1]} : vector<1000x192xf32> to vector<1000x64xf32>
    %broadcast_in_dim3A = arith.constant 0.000000e+00 : f32
    %broadcast_in_dim3A_12 = vector.broadcast %broadcast_in_dim3A : f32 to vector<1000x64xf32>
    %concatenate3A = tpu.concatenate %slice3A_11, %broadcast_in_dim3A_12 in 1 : vector<1000x64xf32>, vector<1000x64xf32> -> vector<1000x128xf32>
    %swap3A_13 = arith.constant 1 : index
    %swap3A_14 = arith.constant 0 : index
    %swap3A_15 = arith.constant 0 : index
    %swap3A_16 = vector.load %arg4[%swap3A_13, %swap3A_14, %swap3A_15] : memref<2x1000x128xf32, #tpu.memory_space<vmem>>, vector<1x1000x128xf32>
    %swap3A_17 = vector.shape_cast %swap3A_16 : vector<1x1000x128xf32> to vector<1000x128xf32>
    %swap3A_18 = vector.shape_cast %concatenate3A : vector<1000x128xf32> to vector<1x1000x128xf32>
    tpu.vector_store %arg4[%swap3A_13, %swap3A_14, %swap3A_15], %swap3A_18 {strides = array<i32>} : memref<2x1000x128xf32, #tpu.memory_space<vmem>>, vector<1x1000x128xf32>,
    %get3A_19 = arith.constant 0 : index
    %get3A_20 = arith.constant 0 : index
    %get3A_21 = vector.load %arg3[%get3A_19, %get3A_20] : memref<128x192xf32, #tpu.memory_space<vmem>>, vector<128x192xf32>
    %dot_general3A_22 = arith.constant dense<0.000000e+00> : vector<1000x192xf32>
    %dot_general3A_23 = tpu.matmul %get3A_1, %get3A_21, %dot_general3A_22 {dimension_numbers = #tpu.dot_dimension_numbers<[1], [0], [0], [1], [0, 0, 1, 1], [], []>, transpose_lhs_hint = false} : vector<1000x128xf32>, vector<128x192xf32>, vector<1000x192xf32> -> vector<1000x192xf32>
    %slice3A_24 = vector.extract_strided_slice %dot_general3A_23 {offsets = [0, 0], sizes = [1000, 128], strides = [1, 1]} : vector<1000x192xf32> to vector<1000x128xf32>
    %swap3A_25 = arith.constant 0 : index
    %swap3A_26 = arith.constant 0 : index
    %swap3A_27 = arith.constant 0 : index
    %swap3A_28 = vector.load %arg5[%swap3A_25, %swap3A_26, %swap3A_27] : memref<2x1000x128xf32, #tpu.memory_space<vmem>>, vector<1x1000x128xf32>
    %swap3A_29 = vector.shape_cast %swap3A_28 : vector<1x1000x128xf32> to vector<1000x128xf32>
    %swap3A_30 = vector.shape_cast %slice3A_24 : vector<1000x128xf32> to vector<1x1000x128xf32>
    tpu.vector_store %arg5[%swap3A_25, %swap3A_26, %swap3A_27], %swap3A_30 {strides = array<i32>} : memref<2x1000x128xf32, #tpu.memory_space<vmem>>, vector<1x1000x128xf32>,
    %slice3A_31 = vector.extract_strided_slice %dot_general3A_23 {offsets = [0, 128], sizes = [1000, 64], strides = [1, 1]} : vector<1000x192xf32> to vector<1000x64xf32>
    %broadcast_in_dim3A_32 = arith.constant 0.000000e+00 : f32
    %broadcast_in_dim3A_33 = vector.broadcast %broadcast_in_dim3A_32 : f32 to vector<1000x64xf32>
    %concatenate3A_34 = tpu.concatenate %slice3A_31, %broadcast_in_dim3A_33 in 1 : vector<1000x64xf32>, vector<1000x64xf32> -> vector<1000x128xf32>
    %swap3A_35 = arith.constant 1 : index
    %swap3A_36 = arith.constant 0 : index
    %swap3A_37 = arith.constant 0 : index
    %swap3A_38 = vector.load %arg5[%swap3A_35, %swap3A_36, %swap3A_37] : memref<2x1000x128xf32, #tpu.memory_space<vmem>>, vector<1x1000x128xf32>
    %swap3A_39 = vector.shape_cast %swap3A_38 : vector<1x1000x128xf32> to vector<1000x128xf32>
    %swap3A_40 = vector.shape_cast %concatenate3A_34 : vector<1000x128xf32> to vector<1x1000x128xf32>
    tpu.vector_store %arg5[%swap3A_35, %swap3A_36, %swap3A_37], %swap3A_40 {strides = array<i32>} : memref<2x1000x128xf32, #tpu.memory_space<vmem>>, vector<1x1000x128xf32>,
    return
  }
  func.func @transform_0(%arg0: i32) -> (i32, i32) {
    %c0_i32 = arith.constant 0 : i32
    %c0_i32_0 = arith.constant 0 : i32
    return %arg0, %c0_i32 : i32, i32
  }
  func.func @transform_1(%arg0: i32) -> (i32, i32) {
    %c0_i32 = arith.constant 0 : i32
    %c0_i32_0 = arith.constant 0 : i32
    %c0_i32_1 = arith.constant 0 : i32
    return %c0_i32, %c0_i32_0 : i32, i32
  }
  func.func @transform_2(%arg0: i32) -> (i32, i32) {
    %c0_i32 = arith.constant 0 : i32
    %c0_i32_0 = arith.constant 0 : i32
    %c0_i32_1 = arith.constant 0 : i32
    return %c0_i32, %c0_i32_0 : i32, i32
  }
  func.func @transform_3(%arg0: i32) -> (i32, i32, i32) {
    %c0_i32 = arith.constant 0 : i32
    %c0_i32_0 = arith.constant 0 : i32
    %c0_i32_1 = arith.constant 0 : i32
    return %c0_i32, %arg0, %c0_i32_0 : i32, i32, i32
  }
  func.func @transform_4(%arg0: i32) -> (i32, i32, i32) {
    %c0_i32 = arith.constant 0 : i32
    %c0_i32_0 = arith.constant 0 : i32
    %c0_i32_1 = arith.constant 0 : i32
    return %c0_i32, %arg0, %c0_i32_0 : i32, i32, i32
  }
}

module attributes {stable_mosaic.version = 14 : i64} {
  func.func @_comb_mm_body(%arg0: i32, %arg1: memref<2x1000x144xf32, #tpu.memory_space<vmem>>, %arg2: memref<1x192xf32, #tpu.memory_space<vmem>>, %arg3: memref<192x192xf32, #tpu.memory_space<vmem>>, %arg4: memref<192x192xf32, #tpu.memory_space<vmem>>, %arg5: memref<2x1000x128xf32, #tpu.memory_space<vmem>>, %arg6: memref<2x1000x128xf32, #tpu.memory_space<vmem>>) attributes {dimension_semantics = [#tpu.dimension_semantics<arbitrary>], iteration_bounds = array<i64: 10>, scalar_prefetch = 0 : i64, scratch_operands = 0 : i64, tpu.core_type = #tpu.core_type<tc>, window_params = [{transform_indices = @transform_0, window_bounds = array<i64: 2, 1000, 144>}, {pipeline_mode = #tpu.pipeline_mode<synchronous>, transform_indices = @transform_1, window_bounds = array<i64: 1, 192>}, {pipeline_mode = #tpu.pipeline_mode<synchronous>, transform_indices = @transform_2, window_bounds = array<i64: 192, 192>}, {pipeline_mode = #tpu.pipeline_mode<synchronous>, transform_indices = @transform_3, window_bounds = array<i64: 192, 192>}, {transform_indices = @transform_4, window_bounds = array<i64: 2, 1000, 128>}, {transform_indices = @transform_5, window_bounds = array<i64: 2, 1000, 128>}]} {
    %get3A = arith.constant 0 : index
    %get3A_0 = arith.constant 0 : index
    %get3A_1 = arith.constant 0 : index
    %get3A_2 = vector.load %arg1[%get3A, %get3A_0, %get3A_1] : memref<2x1000x144xf32, #tpu.memory_space<vmem>>, vector<1x1000x144xf32>
    %get3A_3 = vector.shape_cast %get3A_2 : vector<1x1000x144xf32> to vector<1000x144xf32>
    %get3A_4 = arith.constant 1 : index
    %get3A_5 = arith.constant 0 : index
    %get3A_6 = arith.constant 0 : index
    %get3A_7 = vector.load %arg1[%get3A_4, %get3A_5, %get3A_6] : memref<2x1000x144xf32, #tpu.memory_space<vmem>>, vector<1x1000x144xf32>
    %get3A_8 = vector.shape_cast %get3A_7 : vector<1x1000x144xf32> to vector<1000x144xf32>
    %slice3A = vector.extract_strided_slice %get3A_3 {offsets = [0, 0], sizes = [1000, 128], strides = [1, 1]} : vector<1000x144xf32> to vector<1000x128xf32>
    %slice3A_9 = vector.extract_strided_slice %get3A_8 {offsets = [0, 0], sizes = [1000, 64], strides = [1, 1]} : vector<1000x144xf32> to vector<1000x64xf32>
    %concatenate3A = tpu.concatenate %slice3A, %slice3A_9 in 1 : vector<1000x128xf32>, vector<1000x64xf32> -> vector<1000x192xf32>
    %slice3A_10 = vector.extract_strided_slice %get3A_3 {offsets = [0, 128], sizes = [1000, 3], strides = [1, 1]} : vector<1000x144xf32> to vector<1000x3xf32>
    %slice3A_11 = vector.extract_strided_slice %get3A_8 {offsets = [0, 128], sizes = [1000, 3], strides = [1, 1]} : vector<1000x144xf32> to vector<1000x3xf32>
    %add3A = arith.addf %slice3A_10, %slice3A_11 : vector<1000x3xf32>
    %iota3A = tpu.iota {dimensions = array<i32: 0>} : vector<3x192xi32>
    %iota3A_12 = tpu.iota {dimensions = array<i32: 1>} : vector<3x192xi32>
    %jit3A = arith.constant 64 : i32
    %div3A = vector.broadcast %jit3A : i32 to vector<3x192xi32>
    %div3A_13 = arith.divsi %iota3A_12, %div3A : vector<3x192xi32>
    %sign3A = arith.constant 0 : i32
    %sign3A_14 = vector.broadcast %sign3A : i32 to vector<3x192xi32>
    %sign3A_15 = arith.cmpi sgt, %iota3A_12, %sign3A_14 : vector<3x192xi32>
    %sign3A_16 = arith.extui %sign3A_15 : vector<3x192xi1> to vector<3x192xi32>
    %sign3A_17 = arith.constant 0 : i32
    %sign3A_18 = vector.broadcast %sign3A_17 : i32 to vector<3x192xi32>
    %sign3A_19 = arith.cmpi slt, %iota3A_12, %sign3A_18 : vector<3x192xi32>
    %sign3A_20 = arith.extui %sign3A_19 : vector<3x192xi1> to vector<3x192xi32>
    %sign3A_21 = arith.subi %sign3A_16, %sign3A_20 : vector<3x192xi32>
    %sign3A_22 = arith.constant 0 : i32
    %sign3A_23 = arith.cmpi sgt, %jit3A, %sign3A_22 : i32
    %sign3A_24 = arith.extui %sign3A_23 : i1 to i32
    %sign3A_25 = arith.constant 0 : i32
    %sign3A_26 = arith.cmpi slt, %jit3A, %sign3A_25 : i32
    %sign3A_27 = arith.extui %sign3A_26 : i1 to i32
    %sign3A_28 = arith.subi %sign3A_24, %sign3A_27 : i32
    %ne3A = vector.broadcast %sign3A_28 : i32 to vector<3x192xi32>
    %ne3A_29 = arith.cmpi ne, %sign3A_21, %ne3A : vector<3x192xi32>
    %rem3A = vector.broadcast %jit3A : i32 to vector<3x192xi32>
    %rem3A_30 = arith.remsi %iota3A_12, %rem3A : vector<3x192xi32>
    %ne3A_31 = arith.constant 0 : i32
    %ne3A_32 = vector.broadcast %ne3A_31 : i32 to vector<3x192xi32>
    %ne3A_33 = arith.cmpi ne, %rem3A_30, %ne3A_32 : vector<3x192xi32>
    %and3A = arith.andi %ne3A_29, %ne3A_33 : vector<3x192xi1>
    %sub3A = arith.constant 1 : i32
    %sub3A_34 = vector.broadcast %sub3A : i32 to vector<3x192xi32>
    %sub3A_35 = arith.subi %div3A_13, %sub3A_34 : vector<3x192xi32>
    %select_n3A = arith.select %and3A, %sub3A_35, %div3A_13 : vector<3x192xi1>, vector<3x192xi32>
    %eq3A = arith.cmpi eq, %iota3A, %select_n3A : vector<3x192xi32>
    %convert_element_type3A = arith.extui %eq3A : vector<3x192xi1> to vector<3x192xi32>
    %convert_element_type3A_36 = arith.sitofp %convert_element_type3A : vector<3x192xi32> to vector<3x192xf32>
    %dot_general3A = arith.constant dense<0.000000e+00> : vector<1000x192xf32>
    %dot_general3A_37 = tpu.matmul %add3A, %convert_element_type3A_36, %dot_general3A {dimension_numbers = #tpu.dot_dimension_numbers<[1], [0], [0], [1], [0, 0, 1, 1], [], []>, transpose_lhs_hint = false} : vector<1000x3xf32>, vector<3x192xf32>, vector<1000x192xf32> -> vector<1000x192xf32>
    %add3A_38 = arith.constant 1.000000e-16 : f32
    %add3A_39 = vector.broadcast %add3A_38 : f32 to vector<1000x192xf32>
    %add3A_40 = arith.addf %dot_general3A_37, %add3A_39 : vector<1000x192xf32>
    %div3A_41 = arith.divf %concatenate3A, %add3A_40 : vector<1000x192xf32>
    %get3A_42 = arith.constant 0 : index
    %get3A_43 = arith.constant 0 : index
    %get3A_44 = vector.load %arg2[%get3A_42, %get3A_43] : memref<1x192xf32, #tpu.memory_space<vmem>>, vector<1x192xf32>
    %add3A_45 = vector.broadcast %get3A_44 : vector<1x192xf32> to vector<1000x192xf32>
    %add3A_46 = arith.addf %div3A_41, %add3A_45 : vector<1000x192xf32>
    %get3A_47 = arith.constant 0 : index
    %get3A_48 = arith.constant 0 : index
    %get3A_49 = vector.load %arg3[%get3A_47, %get3A_48] : memref<192x192xf32, #tpu.memory_space<vmem>>, vector<192x192xf32>
    %dot_general3A_50 = arith.constant dense<0.000000e+00> : vector<1000x192xf32>
    %dot_general3A_51 = tpu.matmul %add3A_46, %get3A_49, %dot_general3A_50 {dimension_numbers = #tpu.dot_dimension_numbers<[1], [0], [0], [1], [0, 0, 1, 1], [], []>, transpose_lhs_hint = false} : vector<1000x192xf32>, vector<192x192xf32>, vector<1000x192xf32> -> vector<1000x192xf32>
    %slice3A_52 = vector.extract_strided_slice %dot_general3A_51 {offsets = [0, 0], sizes = [1000, 128], strides = [1, 1]} : vector<1000x192xf32> to vector<1000x128xf32>
    %swap3A = arith.constant 0 : index
    %swap3A_53 = arith.constant 0 : index
    %swap3A_54 = arith.constant 0 : index
    %swap3A_55 = vector.load %arg5[%swap3A, %swap3A_53, %swap3A_54] : memref<2x1000x128xf32, #tpu.memory_space<vmem>>, vector<1x1000x128xf32>
    %swap3A_56 = vector.shape_cast %swap3A_55 : vector<1x1000x128xf32> to vector<1000x128xf32>
    %swap3A_57 = vector.shape_cast %slice3A_52 : vector<1000x128xf32> to vector<1x1000x128xf32>
    tpu.vector_store %arg5[%swap3A, %swap3A_53, %swap3A_54], %swap3A_57 {strides = array<i32>} : memref<2x1000x128xf32, #tpu.memory_space<vmem>>, vector<1x1000x128xf32>,
    %slice3A_58 = vector.extract_strided_slice %dot_general3A_51 {offsets = [0, 128], sizes = [1000, 64], strides = [1, 1]} : vector<1000x192xf32> to vector<1000x64xf32>
    %broadcast_in_dim3A = arith.constant 0.000000e+00 : f32
    %broadcast_in_dim3A_59 = vector.broadcast %broadcast_in_dim3A : f32 to vector<1000x64xf32>
    %concatenate3A_60 = tpu.concatenate %slice3A_58, %broadcast_in_dim3A_59 in 1 : vector<1000x64xf32>, vector<1000x64xf32> -> vector<1000x128xf32>
    %swap3A_61 = arith.constant 1 : index
    %swap3A_62 = arith.constant 0 : index
    %swap3A_63 = arith.constant 0 : index
    %swap3A_64 = vector.load %arg5[%swap3A_61, %swap3A_62, %swap3A_63] : memref<2x1000x128xf32, #tpu.memory_space<vmem>>, vector<1x1000x128xf32>
    %swap3A_65 = vector.shape_cast %swap3A_64 : vector<1x1000x128xf32> to vector<1000x128xf32>
    %swap3A_66 = vector.shape_cast %concatenate3A_60 : vector<1000x128xf32> to vector<1x1000x128xf32>
    tpu.vector_store %arg5[%swap3A_61, %swap3A_62, %swap3A_63], %swap3A_66 {strides = array<i32>} : memref<2x1000x128xf32, #tpu.memory_space<vmem>>, vector<1x1000x128xf32>,
    %get3A_67 = arith.constant 0 : index
    %get3A_68 = arith.constant 0 : index
    %get3A_69 = vector.load %arg4[%get3A_67, %get3A_68] : memref<192x192xf32, #tpu.memory_space<vmem>>, vector<192x192xf32>
    %dot_general3A_70 = arith.constant dense<0.000000e+00> : vector<1000x192xf32>
    %dot_general3A_71 = tpu.matmul %add3A_46, %get3A_69, %dot_general3A_70 {dimension_numbers = #tpu.dot_dimension_numbers<[1], [0], [0], [1], [0, 0, 1, 1], [], []>, transpose_lhs_hint = false} : vector<1000x192xf32>, vector<192x192xf32>, vector<1000x192xf32> -> vector<1000x192xf32>
    %slice3A_72 = vector.extract_strided_slice %dot_general3A_71 {offsets = [0, 0], sizes = [1000, 128], strides = [1, 1]} : vector<1000x192xf32> to vector<1000x128xf32>
    %swap3A_73 = arith.constant 0 : index
    %swap3A_74 = arith.constant 0 : index
    %swap3A_75 = arith.constant 0 : index
    %swap3A_76 = vector.load %arg6[%swap3A_73, %swap3A_74, %swap3A_75] : memref<2x1000x128xf32, #tpu.memory_space<vmem>>, vector<1x1000x128xf32>
    %swap3A_77 = vector.shape_cast %swap3A_76 : vector<1x1000x128xf32> to vector<1000x128xf32>
    %swap3A_78 = vector.shape_cast %slice3A_72 : vector<1000x128xf32> to vector<1x1000x128xf32>
    tpu.vector_store %arg6[%swap3A_73, %swap3A_74, %swap3A_75], %swap3A_78 {strides = array<i32>} : memref<2x1000x128xf32, #tpu.memory_space<vmem>>, vector<1x1000x128xf32>,
    %slice3A_79 = vector.extract_strided_slice %dot_general3A_71 {offsets = [0, 128], sizes = [1000, 64], strides = [1, 1]} : vector<1000x192xf32> to vector<1000x64xf32>
    %broadcast_in_dim3A_80 = arith.constant 0.000000e+00 : f32
    %broadcast_in_dim3A_81 = vector.broadcast %broadcast_in_dim3A_80 : f32 to vector<1000x64xf32>
    %concatenate3A_82 = tpu.concatenate %slice3A_79, %broadcast_in_dim3A_81 in 1 : vector<1000x64xf32>, vector<1000x64xf32> -> vector<1000x128xf32>
    %swap3A_83 = arith.constant 1 : index
    %swap3A_84 = arith.constant 0 : index
    %swap3A_85 = arith.constant 0 : index
    %swap3A_86 = vector.load %arg6[%swap3A_83, %swap3A_84, %swap3A_85] : memref<2x1000x128xf32, #tpu.memory_space<vmem>>, vector<1x1000x128xf32>
    %swap3A_87 = vector.shape_cast %swap3A_86 : vector<1x1000x128xf32> to vector<1000x128xf32>
    %swap3A_88 = vector.shape_cast %concatenate3A_82 : vector<1000x128xf32> to vector<1x1000x128xf32>
    tpu.vector_store %arg6[%swap3A_83, %swap3A_84, %swap3A_85], %swap3A_88 {strides = array<i32>} : memref<2x1000x128xf32, #tpu.memory_space<vmem>>, vector<1x1000x128xf32>,
    return
  }
  func.func @transform_0(%arg0: i32) -> (i32, i32, i32) {
    %c0_i32 = arith.constant 0 : i32
    %c0_i32_0 = arith.constant 0 : i32
    %c0_i32_1 = arith.constant 0 : i32
    return %c0_i32, %arg0, %c0_i32_0 : i32, i32, i32
  }
  func.func @transform_1(%arg0: i32) -> (i32, i32) {
    %c0_i32 = arith.constant 0 : i32
    %c0_i32_0 = arith.constant 0 : i32
    %c0_i32_1 = arith.constant 0 : i32
    return %c0_i32, %c0_i32_0 : i32, i32
  }
  func.func @transform_2(%arg0: i32) -> (i32, i32) {
    %c0_i32 = arith.constant 0 : i32
    %c0_i32_0 = arith.constant 0 : i32
    %c0_i32_1 = arith.constant 0 : i32
    return %c0_i32, %c0_i32_0 : i32, i32
  }
  func.func @transform_3(%arg0: i32) -> (i32, i32) {
    %c0_i32 = arith.constant 0 : i32
    %c0_i32_0 = arith.constant 0 : i32
    %c0_i32_1 = arith.constant 0 : i32
    return %c0_i32, %c0_i32_0 : i32, i32
  }
  func.func @transform_4(%arg0: i32) -> (i32, i32, i32) {
    %c0_i32 = arith.constant 0 : i32
    %c0_i32_0 = arith.constant 0 : i32
    %c0_i32_1 = arith.constant 0 : i32
    return %c0_i32, %arg0, %c0_i32_0 : i32, i32, i32
  }
  func.func @transform_5(%arg0: i32) -> (i32, i32, i32) {
    %c0_i32 = arith.constant 0 : i32
    %c0_i32_0 = arith.constant 0 : i32
    %c0_i32_1 = arith.constant 0 : i32
    return %c0_i32, %arg0, %c0_i32_0 : i32, i32, i32
  }
}

module attributes {stable_mosaic.version = 14 : i64} {
  func.func @_comb_mm3_body(%arg0: i32, %arg1: memref<2x1000x144xf32, #tpu.memory_space<vmem>>, %arg2: memref<1x192xf32, #tpu.memory_space<vmem>>, %arg3: memref<192x32xf32, #tpu.memory_space<vmem>>, %arg4: memref<192x32xf32, #tpu.memory_space<vmem>>, %arg5: memref<1000x32xf32, #tpu.memory_space<vmem>>, %arg6: memref<1000x32xf32, #tpu.memory_space<vmem>>) attributes {dimension_semantics = [#tpu.dimension_semantics<arbitrary>], iteration_bounds = array<i64: 10>, scalar_prefetch = 0 : i64, scratch_operands = 0 : i64, tpu.core_type = #tpu.core_type<tc>, window_params = [{transform_indices = @transform_0, window_bounds = array<i64: 2, 1000, 144>}, {pipeline_mode = #tpu.pipeline_mode<synchronous>, transform_indices = @transform_1, window_bounds = array<i64: 1, 192>}, {pipeline_mode = #tpu.pipeline_mode<synchronous>, transform_indices = @transform_2, window_bounds = array<i64: 192, 32>}, {pipeline_mode = #tpu.pipeline_mode<synchronous>, transform_indices = @transform_3, window_bounds = array<i64: 192, 32>}, {transform_indices = @transform_4, window_bounds = array<i64: 1000, 32>}, {transform_indices = @transform_5, window_bounds = array<i64: 1000, 32>}]} {
    %get3A = arith.constant 0 : index
    %get3A_0 = arith.constant 0 : index
    %get3A_1 = arith.constant 0 : index
    %get3A_2 = vector.load %arg1[%get3A, %get3A_0, %get3A_1] : memref<2x1000x144xf32, #tpu.memory_space<vmem>>, vector<1x1000x144xf32>
    %get3A_3 = vector.shape_cast %get3A_2 : vector<1x1000x144xf32> to vector<1000x144xf32>
    %get3A_4 = arith.constant 1 : index
    %get3A_5 = arith.constant 0 : index
    %get3A_6 = arith.constant 0 : index
    %get3A_7 = vector.load %arg1[%get3A_4, %get3A_5, %get3A_6] : memref<2x1000x144xf32, #tpu.memory_space<vmem>>, vector<1x1000x144xf32>
    %get3A_8 = vector.shape_cast %get3A_7 : vector<1x1000x144xf32> to vector<1000x144xf32>
    %slice3A = vector.extract_strided_slice %get3A_3 {offsets = [0, 0], sizes = [1000, 128], strides = [1, 1]} : vector<1000x144xf32> to vector<1000x128xf32>
    %slice3A_9 = vector.extract_strided_slice %get3A_8 {offsets = [0, 0], sizes = [1000, 64], strides = [1, 1]} : vector<1000x144xf32> to vector<1000x64xf32>
    %concatenate3A = tpu.concatenate %slice3A, %slice3A_9 in 1 : vector<1000x128xf32>, vector<1000x64xf32> -> vector<1000x192xf32>
    %slice3A_10 = vector.extract_strided_slice %get3A_3 {offsets = [0, 128], sizes = [1000, 3], strides = [1, 1]} : vector<1000x144xf32> to vector<1000x3xf32>
    %slice3A_11 = vector.extract_strided_slice %get3A_8 {offsets = [0, 128], sizes = [1000, 3], strides = [1, 1]} : vector<1000x144xf32> to vector<1000x3xf32>
    %add3A = arith.addf %slice3A_10, %slice3A_11 : vector<1000x3xf32>
    %iota3A = tpu.iota {dimensions = array<i32: 0>} : vector<3x192xi32>
    %iota3A_12 = tpu.iota {dimensions = array<i32: 1>} : vector<3x192xi32>
    %jit3A = arith.constant 64 : i32
    %div3A = vector.broadcast %jit3A : i32 to vector<3x192xi32>
    %div3A_13 = arith.divsi %iota3A_12, %div3A : vector<3x192xi32>
    %sign3A = arith.constant 0 : i32
    %sign3A_14 = vector.broadcast %sign3A : i32 to vector<3x192xi32>
    %sign3A_15 = arith.cmpi sgt, %iota3A_12, %sign3A_14 : vector<3x192xi32>
    %sign3A_16 = arith.extui %sign3A_15 : vector<3x192xi1> to vector<3x192xi32>
    %sign3A_17 = arith.constant 0 : i32
    %sign3A_18 = vector.broadcast %sign3A_17 : i32 to vector<3x192xi32>
    %sign3A_19 = arith.cmpi slt, %iota3A_12, %sign3A_18 : vector<3x192xi32>
    %sign3A_20 = arith.extui %sign3A_19 : vector<3x192xi1> to vector<3x192xi32>
    %sign3A_21 = arith.subi %sign3A_16, %sign3A_20 : vector<3x192xi32>
    %sign3A_22 = arith.constant 0 : i32
    %sign3A_23 = arith.cmpi sgt, %jit3A, %sign3A_22 : i32
    %sign3A_24 = arith.extui %sign3A_23 : i1 to i32
    %sign3A_25 = arith.constant 0 : i32
    %sign3A_26 = arith.cmpi slt, %jit3A, %sign3A_25 : i32
    %sign3A_27 = arith.extui %sign3A_26 : i1 to i32
    %sign3A_28 = arith.subi %sign3A_24, %sign3A_27 : i32
    %ne3A = vector.broadcast %sign3A_28 : i32 to vector<3x192xi32>
    %ne3A_29 = arith.cmpi ne, %sign3A_21, %ne3A : vector<3x192xi32>
    %rem3A = vector.broadcast %jit3A : i32 to vector<3x192xi32>
    %rem3A_30 = arith.remsi %iota3A_12, %rem3A : vector<3x192xi32>
    %ne3A_31 = arith.constant 0 : i32
    %ne3A_32 = vector.broadcast %ne3A_31 : i32 to vector<3x192xi32>
    %ne3A_33 = arith.cmpi ne, %rem3A_30, %ne3A_32 : vector<3x192xi32>
    %and3A = arith.andi %ne3A_29, %ne3A_33 : vector<3x192xi1>
    %sub3A = arith.constant 1 : i32
    %sub3A_34 = vector.broadcast %sub3A : i32 to vector<3x192xi32>
    %sub3A_35 = arith.subi %div3A_13, %sub3A_34 : vector<3x192xi32>
    %select_n3A = arith.select %and3A, %sub3A_35, %div3A_13 : vector<3x192xi1>, vector<3x192xi32>
    %eq3A = arith.cmpi eq, %iota3A, %select_n3A : vector<3x192xi32>
    %convert_element_type3A = arith.extui %eq3A : vector<3x192xi1> to vector<3x192xi32>
    %convert_element_type3A_36 = arith.sitofp %convert_element_type3A : vector<3x192xi32> to vector<3x192xf32>
    %dot_general3A = arith.constant dense<0.000000e+00> : vector<1000x192xf32>
    %dot_general3A_37 = tpu.matmul %add3A, %convert_element_type3A_36, %dot_general3A {dimension_numbers = #tpu.dot_dimension_numbers<[1], [0], [0], [1], [0, 0, 1, 1], [], []>, transpose_lhs_hint = false} : vector<1000x3xf32>, vector<3x192xf32>, vector<1000x192xf32> -> vector<1000x192xf32>
    %add3A_38 = arith.constant 1.000000e-16 : f32
    %add3A_39 = vector.broadcast %add3A_38 : f32 to vector<1000x192xf32>
    %add3A_40 = arith.addf %dot_general3A_37, %add3A_39 : vector<1000x192xf32>
    %div3A_41 = arith.divf %concatenate3A, %add3A_40 : vector<1000x192xf32>
    %get3A_42 = arith.constant 0 : index
    %get3A_43 = arith.constant 0 : index
    %get3A_44 = vector.load %arg2[%get3A_42, %get3A_43] : memref<1x192xf32, #tpu.memory_space<vmem>>, vector<1x192xf32>
    %add3A_45 = vector.broadcast %get3A_44 : vector<1x192xf32> to vector<1000x192xf32>
    %add3A_46 = arith.addf %div3A_41, %add3A_45 : vector<1000x192xf32>
    %get3A_47 = arith.constant 0 : index
    %get3A_48 = arith.constant 0 : index
    %get3A_49 = vector.load %arg3[%get3A_47, %get3A_48] : memref<192x32xf32, #tpu.memory_space<vmem>>, vector<192x32xf32>
    %dot_general3A_50 = arith.constant dense<0.000000e+00> : vector<1000x32xf32>
    %dot_general3A_51 = tpu.matmul %add3A_46, %get3A_49, %dot_general3A_50 {dimension_numbers = #tpu.dot_dimension_numbers<[1], [0], [0], [1], [0, 0, 1, 1], [], []>, transpose_lhs_hint = false} : vector<1000x192xf32>, vector<192x32xf32>, vector<1000x32xf32> -> vector<1000x32xf32>
    %swap3A = arith.constant 0 : index
    %swap3A_52 = arith.constant 0 : index
    %swap3A_53 = vector.load %arg5[%swap3A, %swap3A_52] : memref<1000x32xf32, #tpu.memory_space<vmem>>, vector<1000x32xf32>
    tpu.vector_store %arg5[%swap3A, %swap3A_52], %dot_general3A_51 {strides = array<i32>} : memref<1000x32xf32, #tpu.memory_space<vmem>>, vector<1000x32xf32>,
    %get3A_54 = arith.constant 0 : index
    %get3A_55 = arith.constant 0 : index
    %get3A_56 = vector.load %arg4[%get3A_54, %get3A_55] : memref<192x32xf32, #tpu.memory_space<vmem>>, vector<192x32xf32>
    %dot_general3A_57 = arith.constant dense<0.000000e+00> : vector<1000x32xf32>
    %dot_general3A_58 = tpu.matmul %add3A_46, %get3A_56, %dot_general3A_57 {dimension_numbers = #tpu.dot_dimension_numbers<[1], [0], [0], [1], [0, 0, 1, 1], [], []>, transpose_lhs_hint = false} : vector<1000x192xf32>, vector<192x32xf32>, vector<1000x32xf32> -> vector<1000x32xf32>
    %swap3A_59 = arith.constant 0 : index
    %swap3A_60 = arith.constant 0 : index
    %swap3A_61 = vector.load %arg6[%swap3A_59, %swap3A_60] : memref<1000x32xf32, #tpu.memory_space<vmem>>, vector<1000x32xf32>
    tpu.vector_store %arg6[%swap3A_59, %swap3A_60], %dot_general3A_58 {strides = array<i32>} : memref<1000x32xf32, #tpu.memory_space<vmem>>, vector<1000x32xf32>,
    return
  }
  func.func @transform_0(%arg0: i32) -> (i32, i32, i32) {
    %c0_i32 = arith.constant 0 : i32
    %c0_i32_0 = arith.constant 0 : i32
    %c0_i32_1 = arith.constant 0 : i32
    return %c0_i32, %arg0, %c0_i32_0 : i32, i32, i32
  }
  func.func @transform_1(%arg0: i32) -> (i32, i32) {
    %c0_i32 = arith.constant 0 : i32
    %c0_i32_0 = arith.constant 0 : i32
    %c0_i32_1 = arith.constant 0 : i32
    return %c0_i32, %c0_i32_0 : i32, i32
  }
  func.func @transform_2(%arg0: i32) -> (i32, i32) {
    %c0_i32 = arith.constant 0 : i32
    %c0_i32_0 = arith.constant 0 : i32
    %c0_i32_1 = arith.constant 0 : i32
    return %c0_i32, %c0_i32_0 : i32, i32
  }
  func.func @transform_3(%arg0: i32) -> (i32, i32) {
    %c0_i32 = arith.constant 0 : i32
    %c0_i32_0 = arith.constant 0 : i32
    %c0_i32_1 = arith.constant 0 : i32
    return %c0_i32, %c0_i32_0 : i32, i32
  }
  func.func @transform_4(%arg0: i32) -> (i32, i32) {
    %c0_i32 = arith.constant 0 : i32
    %c0_i32_0 = arith.constant 0 : i32
    return %arg0, %c0_i32 : i32, i32
  }
  func.func @transform_5(%arg0: i32) -> (i32, i32) {
    %c0_i32 = arith.constant 0 : i32
    %c0_i32_0 = arith.constant 0 : i32
    return %arg0, %c0_i32 : i32, i32
  }
}

module attributes {stable_mosaic.version = 14 : i64} {
  func.func @_final_body(%arg0: i32, %arg1: memref<2x1000x48xf32, #tpu.memory_space<vmem>>, %arg2: memref<1x20xf32, #tpu.memory_space<vmem>>, %arg3: memref<1x1x1000xi32, #tpu.memory_space<vmem>>, %arg4: memref<64x20xf32, #tpu.memory_space<vmem>>) attributes {dimension_semantics = [#tpu.dimension_semantics<arbitrary>], iteration_bounds = array<i64: 10>, scalar_prefetch = 0 : i64, scratch_operands = 0 : i64, tpu.core_type = #tpu.core_type<tc>, window_params = [{transform_indices = @transform_0, window_bounds = array<i64: 2, 1000, 48>}, {pipeline_mode = #tpu.pipeline_mode<synchronous>, transform_indices = @transform_1, window_bounds = array<i64: 1, 20>}, {transform_indices = @transform_2, window_bounds = array<i64: 1, 1, 1000>}, {pipeline_mode = #tpu.pipeline_mode<synchronous>, transform_indices = @transform_3, window_bounds = array<i64: 64, 20>}]} {
    %get3A = arith.constant 0 : index
    %get3A_0 = arith.constant 0 : index
    %get3A_1 = arith.constant 0 : index
    %get3A_2 = vector.load %arg1[%get3A, %get3A_0, %get3A_1] : memref<2x1000x48xf32, #tpu.memory_space<vmem>>, vector<1x1000x48xf32>
    %get3A_3 = vector.shape_cast %get3A_2 : vector<1x1000x48xf32> to vector<1000x48xf32>
    %get3A_4 = arith.constant 1 : index
    %get3A_5 = arith.constant 0 : index
    %get3A_6 = arith.constant 0 : index
    %get3A_7 = vector.load %arg1[%get3A_4, %get3A_5, %get3A_6] : memref<2x1000x48xf32, #tpu.memory_space<vmem>>, vector<1x1000x48xf32>
    %get3A_8 = vector.shape_cast %get3A_7 : vector<1x1000x48xf32> to vector<1000x48xf32>
    %slice3A = vector.extract_strided_slice %get3A_3 {offsets = [0, 0], sizes = [1000, 20], strides = [1, 1]} : vector<1000x48xf32> to vector<1000x20xf32>
    %slice3A_9 = vector.extract_strided_slice %get3A_8 {offsets = [0, 0], sizes = [1000, 20], strides = [1, 1]} : vector<1000x48xf32> to vector<1000x20xf32>
    %add3A = arith.addf %slice3A, %slice3A_9 : vector<1000x20xf32>
    %slice3A_10 = vector.extract_strided_slice %get3A_3 {offsets = [0, 32], sizes = [1000, 1], strides = [1, 1]} : vector<1000x48xf32> to vector<1000x1xf32>
    %slice3A_11 = vector.extract_strided_slice %get3A_8 {offsets = [0, 32], sizes = [1000, 1], strides = [1, 1]} : vector<1000x48xf32> to vector<1000x1xf32>
    %add3A_12 = arith.addf %slice3A_10, %slice3A_11 : vector<1000x1xf32>
    %add3A_13 = arith.constant 1.000000e-16 : f32
    %add3A_14 = vector.broadcast %add3A_13 : f32 to vector<1000x1xf32>
    %add3A_15 = arith.addf %add3A_12, %add3A_14 : vector<1000x1xf32>
    %div3A = vector.broadcast %add3A_15 : vector<1000x1xf32> to vector<1000x20xf32>
    %div3A_16 = arith.divf %add3A, %div3A : vector<1000x20xf32>
    %get3A_17 = arith.constant 0 : index
    %get3A_18 = arith.constant 0 : index
    %get3A_19 = vector.load %arg2[%get3A_17, %get3A_18] : memref<1x20xf32, #tpu.memory_space<vmem>>, vector<1x20xf32>
    %add3A_20 = vector.broadcast %get3A_19 : vector<1x20xf32> to vector<1000x20xf32>
    %add3A_21 = arith.addf %div3A_16, %add3A_20 : vector<1000x20xf32>
    %get3A_22 = arith.constant 0 : index
    %get3A_23 = arith.constant 0 : index
    %get3A_24 = arith.constant 0 : index
    %get3A_25 = vector.load %arg3[%get3A_22, %get3A_23, %get3A_24] : memref<1x1x1000xi32, #tpu.memory_space<vmem>>, vector<1x1x1000xi32>
    %get3A_26 = vector.shape_cast %get3A_25 : vector<1x1x1000xi32> to vector<1x1000xi32>
    %iota3A = tpu.iota {dimensions = array<i32: 0>} : vector<64x1000xi32>
    %eq3A = vector.broadcast %get3A_26 : vector<1x1000xi32> to vector<64x1000xi32>
    %eq3A_27 = arith.cmpi eq, %iota3A, %eq3A : vector<64x1000xi32>
    %convert_element_type3A = arith.extui %eq3A_27 : vector<64x1000xi1> to vector<64x1000xi32>
    %convert_element_type3A_28 = arith.sitofp %convert_element_type3A : vector<64x1000xi32> to vector<64x1000xf32>
    %dot_general3A = arith.constant dense<0.000000e+00> : vector<64x20xf32>
    %dot_general3A_29 = tpu.matmul %convert_element_type3A_28, %add3A_21, %dot_general3A {dimension_numbers = #tpu.dot_dimension_numbers<[1], [0], [0], [1], [0, 0, 1, 1], [], []>, transpose_lhs_hint = false} : vector<64x1000xf32>, vector<1000x20xf32>, vector<64x20xf32> -> vector<64x20xf32>
    %eq3A_30 = arith.constant 0 : i32
    %eq3A_31 = arith.cmpi eq, %arg0, %eq3A_30 : i32
    %convert_element_type3A_32 = arith.extui %eq3A_31 : i1 to i32
    %cond3A = arith.constant 0 : i32
    %cond3A_33 = arith.cmpi ne, %convert_element_type3A_32, %cond3A : i32
    scf.if %cond3A_33 {
      %broadcast_in_dim3A = arith.constant 0.000000e+00 : f32
      %broadcast_in_dim3A_40 = vector.broadcast %broadcast_in_dim3A : f32 to vector<64x20xf32>
      %swap3A_41 = arith.constant 0 : index
      %swap3A_42 = arith.constant 0 : index
      %swap3A_43 = vector.load %arg4[%swap3A_41, %swap3A_42] : memref<64x20xf32, #tpu.memory_space<vmem>>, vector<64x20xf32>
      tpu.vector_store %arg4[%swap3A_41, %swap3A_42], %broadcast_in_dim3A_40 {strides = array<i32>} : memref<64x20xf32, #tpu.memory_space<vmem>>, vector<64x20xf32>,
    } else {
    }
    %get3A_34 = arith.constant 0 : index
    %get3A_35 = arith.constant 0 : index
    %get3A_36 = vector.load %arg4[%get3A_34, %get3A_35] : memref<64x20xf32, #tpu.memory_space<vmem>>, vector<64x20xf32>
    %add3A_37 = arith.addf %get3A_36, %dot_general3A_29 : vector<64x20xf32>
    %swap3A = arith.constant 0 : index
    %swap3A_38 = arith.constant 0 : index
    %swap3A_39 = vector.load %arg4[%swap3A, %swap3A_38] : memref<64x20xf32, #tpu.memory_space<vmem>>, vector<64x20xf32>
    tpu.vector_store %arg4[%swap3A, %swap3A_38], %add3A_37 {strides = array<i32>} : memref<64x20xf32, #tpu.memory_space<vmem>>, vector<64x20xf32>,
    return
  }
  func.func @transform_0(%arg0: i32) -> (i32, i32, i32) {
    %c0_i32 = arith.constant 0 : i32
    %c0_i32_0 = arith.constant 0 : i32
    %c0_i32_1 = arith.constant 0 : i32
    return %c0_i32, %arg0, %c0_i32_0 : i32, i32, i32
  }
  func.func @transform_1(%arg0: i32) -> (i32, i32) {
    %c0_i32 = arith.constant 0 : i32
    %c0_i32_0 = arith.constant 0 : i32
    %c0_i32_1 = arith.constant 0 : i32
    return %c0_i32, %c0_i32_0 : i32, i32
  }
  func.func @transform_2(%arg0: i32) -> (i32, i32, i32) {
    %c0_i32 = arith.constant 0 : i32
    %c0_i32_0 = arith.constant 0 : i32
    %c0_i32_1 = arith.constant 0 : i32
    return %arg0, %c0_i32, %c0_i32_0 : i32, i32, i32
  }
  func.func @transform_3(%arg0: i32) -> (i32, i32) {
    %c0_i32 = arith.constant 0 : i32
    %c0_i32_0 = arith.constant 0 : i32
    %c0_i32_1 = arith.constant 0 : i32
    return %c0_i32, %c0_i32_0 : i32, i32
  }
}

</mosaic_0001>

<sc_bundles>
// kernel: kernel.11.cloned.1.call-start
scs
__scs_entry_jumppad:
0x0: {  	(pc) =	sbr.rel $0x88, $3  }
0x1: {  	(tag) =	ssettag $0x0;
	lr =	simm.s32 $0x1  }
0x2: {  	[smem:$0x3F8E] =	sst lr;
	_ =	strace $0xD0000000  }
0x3: {  	_ = 	snop  }
0x4: {  	_ = 	snop  }
0x5: {  	_ = 	snop  }
0x6: {  	_ = 	snop  }
0x7: {  	_ = 	snop  }
__scs_overlays_trampoline_lowered:
0x8: {  	[smem:$0x3F9D] =	sst s0  }
0x9: {  	[smem:$0x3F9E] =	sst s1  }
0xa: {  	[smem:$0x3F9F] =	sst s2  }
0xb: {  	[smem:$0x3FA0] =	sst s3  }
0xc: {  	[smem:$0x3FA1] =	sst s4  }
0xd: {  	[smem:$0x3FA2] =	sst s5  }
0xe: {  	[smem:$0x3FA3] =	sst s6  }
0xf: {  	[smem:$0x3FA4] =	sst s7  }
0x10: {  	[smem:$0x3FA5] =	sst s8  }
0x11: {  	[smem:$0x3FA6] =	sst s9;
	s0 =	simm.s32 @!p0 $0x0  }
0x12: {  	s1 =	sld [smem:$0x3F8C];
	s0 =	simm.s32 @p0 $0x1  }
0x13: {  	[smem:$0x3FA7] =	sst s0;
	s0 =	simm.s32 @!p1 $0x0  }
0x14: {  	s2 =	sld [smem:$0x3F8B];
	s0 =	simm.s32 @p1 $0x1  }
0x15: {  	[smem:$0x3FA8] =	sst s0;
	s0 =	simm.s32 @!p2 $0x0  }
0x16: {  	s3 =	sld [smem:$0x3FDB];
	s0 =	simm.s32 @p2 $0x1  }
0x17: {  	s4 =	simm.s32 $0x1BF5;
	[smem:$0x3FAA] =	sst s0  }
0x18: {  	s0 =	sld [smem:$0x3F8D];
	_ =	swait.ge [sflag:s4], $0x0  }
0x19: {  	s7 =	sld [smem:$0x3F8E]  }
0x1a: {  	s8 =	sadd.s32 $0xFFFFE003, lr  }
0x1b: {  	s9 =	sadd.s32 $0xFFFFFEF7, lr;
	s5 =	simm.s32 $0xFFFFFFFF;
	p2 =	slt.u32 s8, $0xFFFFF086  }
0x1c: {  	p1 =	slt.u32 s9, $0xF7A;
	s5 =	simm.s32 @!p2 $0x0  }
0x1d: {  	s5 =	simm.s32 @p1 $0x1;
	p0 =	seq.s32 s7, s2  }
0x1e: {  	s7 =	smul.u32 @!p0 $0xF7A, s2;
	p2 =	seq.s32 @!p0 s5, $0x0  }
0x1f: {  	s9 =	smul.u32 $0xF7A, s1;
	s8 =	simm.s32 @!p0 $0x1BF5;
	p2 =	por !p2, p0  }
0x20: {  	[sflag:s8] =	ssyncset.s32 @!p0 $0xFFFFF086;
	s6 =	sadd.s32 @!p0 s3, s7;
	s7 =	simm.s32 @!p0 $0x108  }
0x21: {  	s3 =	sadd.s32 s3, s9;
	s6 =	sadd.s32 @!p0 $0x88, s6;
	s7 =	simm.s32 @p2 $0x1082  }
0x22: {  	[simem:s7], [sflag:s8] =	dma.local @!p0 [hbm:s6], $0xF7A  }
0x23: {  	s9 =	sor.u32 $0xD0000000, s2;
	s6 =	simm.s32 $0x108;
	_ =	swait.ge @!p0 [sflag:s8], $0x0  }
0x24: {  	s3 =	sadd.s32 $0x88, s3;
	s6 =	simm.s32 @!p1 $0x1082;
	[sflag:s4] =	ssyncset.s32 $0xFFFFF086  }
0x25: {  	[simem:s6], [sflag:s4] =	dma.local [hbm:s3], $0xF7A  }
0x26: {  	[smem:$0x3F8E] =	sst s1;
	(tag) =	ssettag s2;
	_ =	strace s9  }
0x27: {  	s1 =	sld [smem:$0x3F9E]  }
0x28: {  	s2 =	sld [smem:$0x3F9F]  }
0x29: {  	s4 =	sld [smem:$0x3FA1]  }
0x2a: {  	p0 =	seq.s32 s5, $0x0;
	s5 =	sld [smem:$0x3FA2]  }
0x2b: {  	s6 =	sld [smem:$0x3FA3]  }
0x2c: {  	s7 =	sld [smem:$0x3FA4]  }
0x2d: {  	s3 =	simm.s32 $0x108;
	s8 =	sld [smem:$0x3FA5]  }
0x2e: {  	s3 =	simm.s32 @!p0 $0x1082;
	s9 =	sld [smem:$0x3FA6]  }
0x2f: {  	lr =	sadd.s32 s0, s3;
	s0 =	sld [smem:$0x3F9D]  }
0x30: {  	s3 =	sld [smem:$0x3FA0]  }
0x31: {  	[smem:$0x3FA9] =	sst s10  }
0x32: {  	s10 =	sld [smem:$0x3FA7];
	_ =	sdelay $0x3  }
0x33: {  	p0 =	seq.s32 s10, $0x1;
	s10 =	sld [smem:$0x3FA9];
	_ =	sdelay $0x3  }
0x34: {  	[smem:$0x3FA9] =	sst s10  }
0x35: {  	s10 =	sld [smem:$0x3FA8];
	_ =	sdelay $0x3  }
0x36: {  	p1 =	seq.s32 s10, $0x1;
	s10 =	sld [smem:$0x3FA9];
	_ =	sdelay $0x3  }
0x37: {  	[smem:$0x3FA9] =	sst s10  }
0x38: {  	s10 =	sld [smem:$0x3FAA]  }
0x39: {  	_ = 	snop;
	(pc) =	sbr.ind lr, $3  }
0x3a: {  	_ = 	snop  }
0x3b: {  	_ = 	snop  }
0x3c: {  	p2 =	seq.s32 s10, $0x1;
	s10 =	sld [smem:$0x3FA9]  }
0x3d: {  	_ =	shalt  }
0x3e: {  	_ =	shalt  }
0x3f: {  	_ =	shalt  }
0x40: {  	_ =	shalt  }
0x41: {  	_ =	shalt  }
0x42: {  	_ =	shalt  }
0x43: {  	_ =	shalt  }
0x44: {  	_ =	shalt  }
0x45: {  	_ =	shalt  }
0x46: {  	_ =	shalt  }
0x47: {  	_ =	shalt  }
0x48: {  	_ =	shalt  }
0x49: {  	_ =	shalt  }
0x4a: {  	_ =	shalt  }
0x4b: {  	_ =	shalt  }
0x4c: {  	_ =	shalt  }
0x4d: {  	_ =	shalt  }
0x4e: {  	_ =	shalt  }
0x4f: {  	_ =	shalt  }
0x50: {  	_ =	shalt  }
0x51: {  	_ =	shalt  }
0x52: {  	_ =	shalt  }
0x53: {  	_ =	shalt  }
0x54: {  	_ =	shalt  }
0x55: {  	_ =	shalt  }
0x56: {  	_ =	shalt  }
0x57: {  	_ =	shalt  }
0x58: {  	_ =	shalt  }
0x59: {  	_ =	shalt  }
0x5a: {  	_ =	shalt  }
0x5b: {  	_ =	shalt  }
0x5c: {  	_ =	shalt  }
0x5d: {  	_ =	shalt  }
0x5e: {  	_ =	shalt  }
0x5f: {  	_ =	shalt  }
0x60: {  	_ =	shalt  }
0x61: {  	_ =	shalt  }
0x62: {  	_ =	shalt  }
0x63: {  	_ =	shalt  }
0x64: {  	_ =	shalt  }
0x65: {  	_ =	shalt  }
0x66: {  	_ =	shalt  }
0x67: {  	_ =	shalt  }
0x68: {  	_ =	shalt  }
0x69: {  	_ =	shalt  }
0x6a: {  	_ =	shalt  }
0x6b: {  	_ =	shalt  }
0x6c: {  	_ =	shalt  }
0x6d: {  	_ =	shalt  }
0x6e: {  	_ =	shalt  }
0x6f: {  	_ =	shalt  }
0x70: {  	_ =	shalt  }
0x71: {  	_ =	shalt  }
0x72: {  	_ =	shalt  }
0x73: {  	_ =	shalt  }
0x74: {  	_ =	shalt  }
0x75: {  	_ =	shalt  }
0x76: {  	_ =	shalt  }
0x77: {  	_ =	shalt  }
0x78: {  	_ =	shalt  }
0x79: {  	_ =	shalt  }
0x7a: {  	_ =	shalt  }
0x7b: {  	_ =	shalt  }
0x7c: {  	_ =	shalt  }
0x7d: {  	_ =	shalt  }
0x7e: {  	_ =	shalt  }
0x7f: {  	_ =	shalt  }
0x80: {  	_ =	shalt  }
0x81: {  	_ =	shalt  }
0x82: {  	_ =	shalt  }
0x83: {  	_ =	shalt  }
0x84: {  	_ =	shalt  }
0x85: {  	_ =	shalt  }
0x86: {  	_ =	shalt  }
0x87: {  	_ =	shalt  }
.Lfunc_end0:
.L_simem_size_0:
called_computation_lowered:
.L_overlay_start_0:
0x88: {  	s2 =	sld [smem:$0x3FD9]  }
0x89: {  	s3 =	sld [smem:$0x3FFE];
	_ =	sdelay $0x1  }
0x8a: {  	s1 =	srdreg.scid  }
0x8b: {  	s0 =	sand.u32 $0x1, s1  }
0x8c: {  	s17 =	sshll.u32 s0, $0xA;
	s2 =	sadd.s32 s3, s2  }
0x8d: {  	s2 =	sadd.s32 s2, s17  }
0x8e: {  	[smem:$0x3FB5] =	sst s2  }
0x8f: {  	_ = 	snop  }
0x90: {  	s2 =	sld [smem:$0x3FD0];
	(tm) =	ssettm $0x1  }
0x91: {  	s18 =	sld [smem:$0x3FFB];
	_ =	sdelay $0x3  }
0x92: {  	_ =	strace s18  }
0x93: {  	s3 =	sld [smem:$0x3FFC];
	_ =	sdelay $0x3  }
0x94: {  	_ =	strace s3  }
0x95: {  	s3 =	sld [smem:$0x3FFD];
	_ =	sdelay $0x3  }
0x96: {  	_ =	strace s3  }
0x97: {  	_ =	strace $0x8FFFFFFF  }
0x98: {  	s19 =	sld [smem:$0x3FDB];
	_ =	sdelay $0x1  }
0x99: {  	s4 =	simm.s32 $_scs_section_size  }
0x9a: {  	s5 =	simm.s32 $_size__tile_overlayer_lowered;
	s6 =	simm.s32 $_tile_overlayer_lowered  }
0x9b: {  	s22 =	simm.s32 $0x1BFF;
	s21 =	sshll.u32 s6, $0x1;
	s3 =	sadd.s32 s4, s19  }
0x9c: {  	s7 =	simm.s32 $0x0;
	s20 =	sshll.u32 s5, $0x1;
	s5 =	sadd.s32 s21, s3  }
0x9d: {  	[timem:s7], [sflag:s22] =	dma.local [hbm:s5], s20  }
0x9e: {  	_ =	swait.ge [sflag:s22], s20  }
0x9f: {  	s4 =	ssub.s32 $0x0, s20;
	[sflag:s22] =	ssyncset.done $0x0  }
0xa0: {  	[sflag:s22] =	ssyncadd.s32 s4;
	_ =	sdelay $0x1  }
0xa1: {  	s23 =	simm.s32 $0x1B8B  }
0xa2: {  	_ =	swait.ge [sflag:s23], $0x1  }
0xa3: {  	[sflag:s23] =	ssyncset.done $0x0  }
0xa4: {  	s25 =	simm.s32 $0x1B8E;
	s24 =	sld [smem:$0x3FFE];
	[sflag:s23] =	ssyncadd.s32 $0xFFFFFFFF  }
0xa5: {  	s26 =	simm.s32 $execute0_lowered;
	[smem:$0x3FD2] =	sst s25  }
0xa6: {  	s5 =	sshll.u32 s26, $0x1;
	_ =	strace $0x80000046;
	[dreg:$0x1] =	wrdreg $0xFFFFFFFF  }
0xa7: {  	s28 =	simm.s32 $_size_execute0_lowered;
	s3 =	sadd.s32 s3, s5;
	[dreg:$0x0] =	wrdreg $0x0  }
0xa8: {  	s5 =	sshll.u32 s28, $0x1;
	[dreg:$0x2] =	wrdreg s3  }
0xa9: {  	[dreg:$0x3] =	wrdreg s5  }
0xaa: {  	[dreg:$0x4] =	wrdreg $0xC0  }
0xab: {  	_ =	task [dreg:s7], $0x5FFFF  }
0xac: {  	[dreg:$0x1] =	wrdreg $0xFFFFFFFF  }
0xad: {  	[dreg:$0x0] =	wrdreg $0x60  }
0xae: {  	[dreg:$0x2] =	wrdreg s24  }
0xaf: {  	[dreg:$0x3] =	wrdreg s2  }
0xb0: {  	[dreg:$0x4] =	wrdreg $0x7EC00  }
0xb1: {  	[dreg:$0x5] =	wrdreg $0x9  }
0xb2: {  	_ =	task.clear_ibuf [dreg:s7], $0x6FFFF;
	_ =	strace $0x90000046  }
0xb3: {  	s29 =	simm.s32 $0x9;
	_ =	strace $0x80000048  }
0xb4: {  	_ =	swait.ge [sflag:s29], $0x1  }
0xb5: {  	[sflag:s29] =	ssyncadd.s32 $0xFFFFFFFF  }
0xb6: {  	_ =	strace $0x90000048  }
0xb7: {  	_ =	sfence  }
0xb8: {  	s30 =	sld [smem:$0x0];
	_ =	sdelay $0x2  }
0xb9: {  	s31 =	sshll.u32 s1, $0xD;
	s1 =	sshrl.u32 s1, $0x2  }
0xba: {  	s3 =	sand.u32 $0x4000, s31;
	s1 =	sadd.s32 s1, s30  }
0xbb: {  	s0 =	sor.u32 s3, s0;
	s1 =	sshll.u32 s1, $0x11  }
0xbc: {  	s0 =	sor.u32 s1, s0  }
0xbd: {  	s0 =	sadd.s32 $0x8F2B, s0  }
0xbe: {  	[sflag:s0] =	ssyncadd.remote.s32 $0x1  }
0xbf: {  	_ =	sfence.sel $0xFFFF  }
0xc0: {  	[dreg:$0x0] =	wrdreg $0xFFFFFFFF;
	(pc) =	sbr.abs _section_cstart, $3  }
0xc1: {  	[dreg:$0x1] =	wrdreg $0xFFFFFFFF  }
0xc2: {  	_ =	task.clear_ibuf [dreg:s7], $0x2FFFF;
	_ =	strace $0x9FFFFFFF  }
0xc3: {  	(tm) =	ssettm $0x7FFFFFFF  }
tec
execute0_lowered:
.L_overlay_start_1:
0x0: {  	(tag) =	ssettag $0x1  }
0x1: {  	s0 =	rddreg [dreg:$0x0]  }
0x2: {  	s1 =	rddreg [dreg:$0x1]  }
0x3: {  	s2 =	rddreg [dreg:$0x2];
	s3 =	srdreg.scid  }
0x4: {  	s15 =	stileid.u32;
	s4 =	simm.s32 $0x0;
	s28 =	simm.s32 $0x140  }
0x5: {  	s29 =	simm.s32 $0xF0;
	s30 =	simm.s32 $0x2940;
	s8 =	smul.u32 $0x15F90, s15  }
0x6: {  	s31 =	simm.s32 $0x0;
	s3 =	sand.u32 $0x1, s3;
	s11 =	smul.u32 $0x57E40, s15  }
0x7: {  	[smem:$0x7FF] =	sst s4;
	s4 =	sadd.s32 $0x66600, s0;
	s15 =	smul.u32 $0x4E20, s15  }
0x8: {  	s5 =	sadd.s32 $0x18400, s0;
	s6 =	sadd.s32 $0xE600, s0;
	s7 =	smul.u32 $0x15F900, s3  }
0x9: {  	_ =	strace $0x80000047;
	s10 =	ssub.s32 $0x2, s3;
	s22 =	sshll.u32 s3, $0x4  }
0xa: {  	s25 =	smul.u32 $0x2710, s3;
	s26 =	sshll.u32 s3, $0x1;
	s3 =	sshllo.u32 s3, $0x1  }
0xb: {  	s21 =	sshrl.u32 s10, $0x1;
	s11 =	sshrl.u32 s11, $0x2;
	s1 =	sadd.s32 s1, s22  }
0xc: {  	s22 =	simm.s32 $0x5140;
	v2 =	vmov s26;
	s26 =	simm.s32 $0xA0;
	s7 =	sadd.s32 s8, s7  }
0xd: {  	s10 =	ssub.s32 s10, s21;
	[dreg:$0x4] =	wrdreg s1;
	s23 =	sadd.s32 s11, s2  }
0xe: {  	s21 =	simm.s32 $0x3;
	v0 =	vmov s25;
	s25 =	simm.s32 $0x2;
	s9 =	sshrl.u32 s7, $0x3  }
0xf: {  	s7 =	sadd.s32 $0x4800, s0;
	s24 =	sadd.s32 $0x2D00, s23;
	s11 =	sadd.s32 $0x5A00, s23  }
0x10: {  	s12 =	sadd.s32 $0x8700, s23;
	s13 =	sadd.s32 $0xB400, s23;
	s14 =	sadd.s32 $0xE100, s23  }
0x11: {  	s16 =	sadd.s32 $0x10E00, s23;
	s17 =	sadd.s32 $0x13B00, s23;
	s19 =	smax.u32 s10, $0x1  }
0x12: {  	v4 =	vlaneseq.u32;
	v3 =	vmov s3;
	s23 =	simm.s32 $0x50;
	s0 =	sadd.s32 s9, s0;
	s9 =	sadd.s32 s8, s2  }
0x13: {  	v1 =	vimm.f32 $0.0e+00;
	vm0 =	veq.s32 v3, v4;
	vm1 =	veq.s32 v2, v4;
	[dreg:$0x5] =	wrdreg s24;
	s24 =	simm.s32 $0x1;
	s18 =	sadd.s32 $0xB4800, s0  }
.LBB2_1:
0x14: {  	s0 =	simm.s32 $0x0;
	s1 =	rddreg [dreg:$0x4];
	s3 =	simm.s32 $0x7E40  }
0x15: {  	[tilespmem:s3], [sflag:$0x3] =	stream.linear.gather [hbm4b:s1+s0], $0x80, $0x38;
	[tilespmem:$0x1DE50] =	vst v63  }
0x16: {  	_ =	swait.ge [sflag:s21], $0x80  }
0x17: {  	[sflag:s21] =	ssyncset.done $0x0  }
0x18: {  	s0 =	simm.s32 $0x0;
	s1 =	simm.s32 $0x240;
	[sflag:s21] =	ssyncadd.s32 $0xFFFFFF80  }
.LBB2_2:
0x19: {  	p0 =	sne.s32 s1, $0xB1C0;
	[tilespmem:s0+$0x51C0] =	vst v1  }
0x1a: {  	[tilespmem:s0+$0x5140] =	vst v1  }
0x1b: {  	[tilespmem:s0+$0x5150] =	vst v1  }
0x1c: {  	[tilespmem:s0+$0x5160] =	vst v1  }
.Ltmp0:
0x1d: {  	[tilespmem:s0+$0x5170] =	vst v1;
	(pc) =	sbr.rel @p0 .LBB2_2-.Ltmp0, $4  }
0x1e: {  	[tilespmem:s0+$0x5180] =	vst v1  }
0x1f: {  	[tilespmem:s0+$0x5190] =	vst v1  }
0x20: {  	[tilespmem:s0+$0x51A0] =	vst v1  }
0x21: {  	[tilespmem:s0+$0x51B0] =	vst v1;
	s0 =	sshra.s32 s1, $0x2;
	s1 =	sadd.s32 $0x240, s1  }
0x22: {  	[tilespmem:s0+$0x51C0] =	vst v1  }
0x23: {  	[tilespmem:s0+$0x5140] =	vst v1  }
0x24: {  	[tilespmem:s0+$0x5150] =	vst v1  }
0x25: {  	[tilespmem:s0+$0x5160] =	vst v1  }
0x26: {  	[tilespmem:s0+$0x5170] =	vst v1  }
0x27: {  	[tilespmem:s0+$0x5180] =	vst v1  }
0x28: {  	[tilespmem:s0+$0x5190] =	vst v1  }
0x29: {  	[tilespmem:s0+$0x51A0] =	vst v1  }
0x2a: {  	[tilespmem:s0+$0x51B0] =	vst v1  }
0x2b: {  	[spmem:s9] =	stream.linear.scatter [tilespmem:s22], [sflag:$0x3], $0x2D00, $0x38;
	[tilespmem:$0x1DE50] =	vst v63  }
0x2c: {  	_ =	swait.ge [sflag:s21], $0x2D00  }
0x2d: {  	[sflag:s21] =	ssyncset.done $0x0  }
0x2e: {  	s20 =	rddreg [dreg:$0x5];
	[sflag:s21] =	ssyncadd.s32 $0xFFFFD300  }
0x2f: {  	[spmem:s20] =	stream.linear.scatter [tilespmem:s22], [sflag:$0x3], $0x2D00, $0x38;
	[tilespmem:$0x1DE50] =	vst v63  }
0x30: {  	_ =	swait.ge [sflag:s21], $0x2D00  }
0x31: {  	[sflag:s21] =	ssyncset.done $0x0  }
0x32: {  	[sflag:s21] =	ssyncadd.s32 $0xFFFFD300  }
0x33: {  	[spmem:s11] =	stream.linear.scatter [tilespmem:s22], [sflag:$0x3], $0x2D00, $0x38;
	[tilespmem:$0x1DE50] =	vst v63  }
0x34: {  	_ =	swait.ge [sflag:s21], $0x2D00  }
0x35: {  	[sflag:s21] =	ssyncset.done $0x0  }
0x36: {  	[sflag:s21] =	ssyncadd.s32 $0xFFFFD300  }
0x37: {  	[spmem:s12] =	stream.linear.scatter [tilespmem:s22], [sflag:$0x3], $0x2D00, $0x38;
	[tilespmem:$0x1DE50] =	vst v63  }
0x38: {  	_ =	swait.ge [sflag:s21], $0x2D00  }
0x39: {  	[sflag:s21] =	ssyncset.done $0x0  }
0x3a: {  	[sflag:s21] =	ssyncadd.s32 $0xFFFFD300  }
0x3b: {  	[spmem:s13] =	stream.linear.scatter [tilespmem:s22], [sflag:$0x3], $0x2D00, $0x38;
	[tilespmem:$0x1DE50] =	vst v63  }
0x3c: {  	_ =	swait.ge [sflag:s21], $0x2D00  }
0x3d: {  	[sflag:s21] =	ssyncset.done $0x0  }
0x3e: {  	[sflag:s21] =	ssyncadd.s32 $0xFFFFD300  }
0x3f: {  	[spmem:s14] =	stream.linear.scatter [tilespmem:s22], [sflag:$0x3], $0x2D00, $0x38;
	[tilespmem:$0x1DE50] =	vst v63  }
0x40: {  	_ =	swait.ge [sflag:s21], $0x2D00  }
0x41: {  	[sflag:s21] =	ssyncset.done $0x0  }
0x42: {  	[sflag:s21] =	ssyncadd.s32 $0xFFFFD300  }
0x43: {  	[spmem:s16] =	stream.linear.scatter [tilespmem:s22], [sflag:$0x3], $0x2D00, $0x38;
	[tilespmem:$0x1DE50] =	vst v63  }
0x44: {  	_ =	swait.ge [sflag:s21], $0x2D00  }
0x45: {  	[sflag:s21] =	ssyncset.done $0x0  }
0x46: {  	[sflag:s21] =	ssyncadd.s32 $0xFFFFD300  }
0x47: {  	[spmem:s17] =	stream.linear.scatter [tilespmem:s22], [sflag:$0x3], $0x2490, $0x38;
	[tilespmem:$0x1DE50] =	vst v63  }
0x48: {  	_ =	swait.ge [sflag:s21], $0x2490  }
0x49: {  	[sflag:s21] =	ssyncset.done $0x0  }
0x4a: {  	[sflag:s21] =	ssyncadd.s32 $0xFFFFDB70  }
0x4b: {  	[bflag:$0x0] =	sbarrier.arrive $0xFFFF  }
0x4c: {  	v2 =	vld [tilespmem:$0x7E40]  }
0x4d: {  	v3 =	vld [tilespmem:$0x7E50]  }
0x4e: {  	v4 =	vld [tilespmem:$0x7E60]  }
0x4f: {  	v5 =	vld [tilespmem:$0x7E70]  }
0x50: {  	v6 =	vld [tilespmem:$0x7E80]  }
0x51: {  	v7 =	vld [tilespmem:$0x7E90]  }
0x52: {  	v8 =	vld [tilespmem:$0x7EA0]  }
0x53: {  	s0 =	simm.s32 $0x0;
	s3 =	simm.s32 $0x0;
	v9 =	vld [tilespmem:$0x7EB0]  }
.LBB2_4:
0x54: {  	s1 =	smul.u32 $0x50, s3;
	_ =	sdelay $0x1  }
0x55: {  	s1 =	sadd.s32 s15, s1  }
0x56: {  	s1 =	sshrl.u32 s1, $0x3  }
0x57: {  	s8 =	sadd.s32 s6, s1  }
0x58: {  	[tilespmem:s0], [sflag:$0x1] =	stream.linear.gather [hbm4b:s8+s0], $0x50, $0x38;
	[tilespmem:$0x1DE50] =	vst v63  }
0x59: {  	s1 =	sadd.s32 s7, s1  }
0x5a: {  	[tilespmem:s23], [sflag:$0x2] =	stream.linear.gather [hbm4b:s1+s0], $0x50, $0x38;
	[tilespmem:$0x1DE50] =	vst v63  }
0x5b: {  	_ =	swait.ge [sflag:s24], $0x50  }
0x5c: {  	[sflag:s24] =	ssyncset.done $0x0  }
0x5d: {  	[sflag:s24] =	ssyncadd.s32 $0xFFFFFFB0  }
0x5e: {  	_ =	swait.ge [sflag:s25], $0x50  }
0x5f: {  	[sflag:s25] =	ssyncset.done $0x0  }
0x60: {  	[sflag:s25] =	ssyncadd.s32 $0xFFFFFFB0  }
0x61: {  	v10 =	vld [tilespmem:$0x0]  }
0x62: {  	v11 =	vld [tilespmem:$0x50]  }
0x63: {  	v12 =	vld [tilespmem:$0x10]  }
0x64: {  	v13 =	vld [tilespmem:$0x60]  }
0x65: {  	v14 =	vld [tilespmem:$0x20]  }
0x66: {  	v15 =	vld [tilespmem:$0x70];
	v10 =	vadd.s32 v0, v10  }
0x67: {  	[tilespmem:$0xA0] =	vst v10;
	v10 =	vadd.s32 v0, v11;
	v11 =	vld [tilespmem:$0x30]  }
0x68: {  	[tilespmem:$0xF0] =	vst v10;
	v10 =	vadd.s32 v0, v12;
	v12 =	vld [tilespmem:$0x80]  }
0x69: {  	[tilespmem:$0xB0] =	vst v10;
	v10 =	vadd.s32 v0, v13;
	v13 =	vld [tilespmem:$0x40]  }
0x6a: {  	[tilespmem:$0x100] =	vst v10;
	v10 =	vadd.s32 v0, v14;
	v14 =	vld [tilespmem:$0x90]  }
0x6b: {  	[tilespmem:$0xC0] =	vst v10;
	v10 =	vadd.s32 v0, v15  }
0x6c: {  	[tilespmem:$0x110] =	vst v10;
	v10 =	vadd.s32 v0, v11  }
0x6d: {  	[tilespmem:$0xD0] =	vst v10;
	v10 =	vadd.s32 v0, v12  }
0x6e: {  	[tilespmem:$0x120] =	vst v10;
	v10 =	vadd.s32 v0, v13  }
0x6f: {  	[tilespmem:$0xE0] =	vst v10;
	v10 =	vadd.s32 v0, v14  }
0x70: {  	[tilespmem:$0x130] =	vst v10  }
0x71: {  	[tilespmem:s28], [sflag:$0x1] =	stream.indirect.gather [hbm4b:s4+s23], $0x80, s26, s23, $0xb8;
	[tilespmem:$0x1DE50] =	vst v63  }
0x72: {  	_ = 	snop  }
0x73: {  	[tilespmem:s30], [sflag:$0x2] =	stream.indirect.gather [hbm4b:s5+s23], $0x80, s29, s23, $0xb8;
	[tilespmem:$0x1DE50] =	vst v63  }
0x74: {  	_ =	swait.ge [sflag:s24], $0x2800  }
0x75: {  	[sflag:s24] =	ssyncset.done $0x0  }
0x76: {  	[sflag:s24] =	ssyncadd.s32 $0xFFFFD800  }
0x77: {  	_ =	swait.ge [sflag:s25], $0x2800  }
0x78: {  	[sflag:s25] =	ssyncset.done $0x0  }
0x79: {  	s10 =	simm.s32 $0x0;
	[sflag:s25] =	ssyncadd.s32 $0xFFFFD800  }
0x7a: {  	v10 =	vld [tilespmem:s10+$0x140]  }
0x7b: {  	v11 =	vld [tilespmem:s10+$0x2940]  }
0x7c: {  	v12 =	vld [tilespmem:s10+$0x2950]  }
0x7d: {  	v13 =	vld [tilespmem:s10+$0x150]  }
0x7e: {  	v14 =	vld [tilespmem:s10+$0x2960]  }
0x7f: {  	v15 =	vld [tilespmem:s10+$0x160]  }
0x80: {  	v16 =	vld [tilespmem:s10+$0x2970];
	v11 =	vadd.f32 v11, v10  }
0x81: {  	v17 =	vld [tilespmem:s10+$0x170]  }
0x82: {  	v12 =	vadd.f32 v12, v13;
	v18 =	vmul.f32 $2.000000030e-01, v11;
	_ =	sdelay $0x1  }
0x83: {  	v14 =	vadd.f32 v14, v15;
	v19 =	vmul.f32 $2.000000030e-01, v12;
	v11 =	vmax.f32 v11, v18  }
0x84: {  	v11 =	vmul.f32 v11, v2  }
0x85: {  	v16 =	vadd.f32 v16, v17;
	v53 =	vmul.f32 $2.000000030e-01, v14;
	v12 =	vmax.f32 v12, v19  }
0x86: {  	v12 =	vmul.f32 v12, v3;
	v11 =	vadd.f32 $0.0e+00, v11  }
0x87: {  	v54 =	vmul.f32 $2.000000030e-01, v16;
	v14 =	vmax.f32 v14, v53  }
0x88: {  	v11 =	vadd.f32 v12, v11;
	v12 =	vmul.f32 v14, v4  }
0x89: {  	v14 =	vmax.f32 v16, v54  }
0x8a: {  	v11 =	vadd.f32 v12, v11;
	v12 =	vmul.f32 v14, v5;
	_ =	sdelay $0x1  }
0x8b: {  	v11 =	vadd.f32 v12, v11;
	_ =	sdelay $0x1  }
0x8c: {  	(xrf2) =	vadd.scan.msk.f32 $0xffff, v11;
	_ =	sdelay $0x9  }
0x8d: {  	v11, _, _ =	vpop (xrf2)  }
0x8e: {  	v11 =	vmul.f32 $1.442695020e+00, v11;
	_ =	sdelay $0x1  }
0x8f: {  	v11 =	vbroadcast v11, $0xF;
	_ =	sdelay $0x1  }
0x90: {  	(erf) = vpow2.f32 v11;
	_ =	sdelay $0x8  }
0x91: {  	v14 =	vpop (erf)  }
0x92: {  	v10 =	vmul.f32 v14, v10  }
0x93: {  	s20 =	simm.s32 $0x5180;
	v11 =	vmul.f32 v14, v13  }
0x94: {  	v12 =	vmul.f32 v14, v17;
	[tilespmem:s20+$0xFFFFFFC0] =	vst v10  }
0x95: {  	v10 =	vmul.f32 v14, v15;
	[tilespmem:s20+$0xFFFFFFD0] =	vst v11  }
0x96: {  	[tilespmem:s20+$0xFFFFFFF0] =	vst v12  }
0x97: {  	[tilespmem:s20+$0xFFFFFFE0] =	vst v10  }
0x98: {  	v10 =	vld [tilespmem:s10+$0x180]  }
0x99: {  	v13 =	vld [tilespmem:s10+$0x2980]  }
0x9a: {  	v15 =	vld [tilespmem:s10+$0x2990]  }
0x9b: {  	v12 =	vld [tilespmem:s10+$0x190]  }
0x9c: {  	v55 =	vld [tilespmem:s10+$0x29A0]  }
0x9d: {  	v11 =	vld [tilespmem:s10+$0x1A0]  }
0x9e: {  	v57 =	vld [tilespmem:s10+$0x29B0];
	v56 =	vadd.f32 v13, v10  }
0x9f: {  	v13 =	vld [tilespmem:s10+$0x1B0]  }
0xa0: {  	v15 =	vadd.f32 v15, v12;
	v58 =	vmul.f32 $2.000000030e-01, v56;
	_ =	sdelay $0x1  }
0xa1: {  	v16 =	vadd.f32 v55, v11;
	v59 =	vmul.f32 $2.000000030e-01, v15;
	v17 =	vmax.f32 v56, v58  }
0xa2: {  	v17 =	vmul.f32 v17, v6  }
0xa3: {  	v60 =	vmul.f32 $2.000000030e-01, v16;
	v15 =	vmax.f32 v15, v59;
	v18 =	vadd.f32 v57, v13  }
0xa4: {  	v15 =	vmul.f32 v15, v7;
	v17 =	vadd.f32 $0.0e+00, v17  }
0xa5: {  	v16 =	vmax.f32 v16, v60;
	v61 =	vmul.f32 $2.000000030e-01, v18  }
0xa6: {  	v16 =	vmul.f32 v16, v8;
	v15 =	vadd.f32 v15, v17  }
0xa7: {  	v62 =	vmax.f32 v18, v61  }
0xa8: {  	v63 =	vmul.f32 v62, v9;
	v15 =	vadd.f32 v16, v15;
	_ =	sdelay $0x1  }
0xa9: {  	v15 =	vadd.f32 v63, v15;
	_ =	sdelay $0x1  }
0xaa: {  	(xrf2) =	vadd.scan.msk.f32 $0xffff, v15;
	_ =	sdelay $0x9  }
0xab: {  	v15, _, _ =	vpop (xrf2)  }
0xac: {  	v15 =	vmul.f32 $1.442695020e+00, v15;
	_ =	sdelay $0x1  }
0xad: {  	v15 =	vbroadcast v15, $0xF;
	_ =	sdelay $0x1  }
0xae: {  	s8 =	simm.s32 $0x200;
	s1 =	simm.s32 $0x5180;
	v14 =	vadd.f32 $0.0e+00, v14;
	(erf) = vpow2.f32 v15  }
.LBB2_5:
0xaf: {  	_ =	sdelay $0x3  }
0xb0: {  	p0 =	sne.s32 s8, $0x9E00  }
0xb1: {  	s20 =	sadd.s32 $0x90, s20;
	s10 =	smov.u32 s8;
	s8 =	sadd.s32 $0x200, s8  }
0xb2: {  	_ =	sdelay $0x1  }
0xb3: {  	v14 =	vnsel vm1, $0x0, v14;
	v15 =	vpop (erf)  }
0xb4: {  	v10 =	vmul.f32 v15, v10;
	v12 =	vmul.f32 v15, v12;
	v16 =	vnsel vm0, $0x0, v15  }
0xb5: {  	v11 =	vmul.f32 v15, v11;
	v13 =	vmul.f32 v15, v13;
	v14 =	vadd.f32 v16, v14  }
0xb6: {  	[tilespmem:s1+$0x0] =	vst v10  }
0xb7: {  	[tilespmem:s1+$0x10] =	vst v12  }
0xb8: {  	[tilespmem:s1+$0x40] =	vst v14  }
0xb9: {  	[tilespmem:s1+$0x30] =	vst v13  }
0xba: {  	s10 =	sshra.s32 s10, $0x2;
	[tilespmem:s1+$0x20] =	vst v11;
	s1 =	smov.u32 s20  }
0xbb: {  	v10 =	vld [tilespmem:s10+$0x2950]  }
0xbc: {  	v11 =	vld [tilespmem:s10+$0x140]  }
0xbd: {  	v12 =	vld [tilespmem:s10+$0x150]  }
0xbe: {  	v13 =	vld [tilespmem:s10+$0x2940];
	_ =	sdelay $0x2  }
0xbf: {  	v14 =	vld [tilespmem:s10+$0x2960]  }
0xc0: {  	v10 =	vadd.f32 v10, v12;
	v15 =	vld [tilespmem:s10+$0x160]  }
0xc1: {  	v13 =	vadd.f32 v13, v11;
	v16 =	vld [tilespmem:s10+$0x2970]  }
0xc2: {  	v17 =	vmul.f32 $2.000000030e-01, v10;
	v18 =	vld [tilespmem:s10+$0x170]  }
0xc3: {  	v19 =	vmul.f32 $2.000000030e-01, v13  }
0xc4: {  	v10 =	vmax.f32 v10, v17  }
0xc5: {  	v13 =	vmax.f32 v13, v19;
	v14 =	vadd.f32 v14, v15  }
0xc6: {  	v13 =	vmul.f32 v13, v2  }
0xc7: {  	v17 =	vmul.f32 $2.000000030e-01, v14;
	v16 =	vadd.f32 v16, v18  }
0xc8: {  	v10 =	vmul.f32 v10, v3;
	v13 =	vadd.f32 $0.0e+00, v13  }
0xc9: {  	v14 =	vmax.f32 v14, v17;
	v17 =	vmul.f32 $2.000000030e-01, v16  }
0xca: {  	v10 =	vadd.f32 v10, v13;
	v13 =	vmul.f32 v14, v4  }
0xcb: {  	v14 =	vmax.f32 v16, v17  }
0xcc: {  	v10 =	vadd.f32 v13, v10;
	v13 =	vmul.f32 v14, v5;
	_ =	sdelay $0x1  }
0xcd: {  	v10 =	vadd.f32 v13, v10;
	_ =	sdelay $0x1  }
0xce: {  	(xrf2) =	vadd.scan.msk.f32 $0xffff, v10;
	_ =	sdelay $0x9  }
0xcf: {  	v10, _, _ =	vpop (xrf2)  }
0xd0: {  	v10 =	vmul.f32 $1.442695020e+00, v10;
	_ =	sdelay $0x1  }
0xd1: {  	v10 =	vbroadcast v10, $0xF;
	_ =	sdelay $0x1  }
0xd2: {  	(erf) = vpow2.f32 v10;
	_ =	sdelay $0x8  }
0xd3: {  	v10 =	vpop (erf)  }
0xd4: {  	v11 =	vmul.f32 v10, v11;
	v12 =	vmul.f32 v10, v12;
	v14 =	vadd.f32 $0.0e+00, v10  }
0xd5: {  	v13 =	vmul.f32 v10, v15;
	v10 =	vmul.f32 v10, v18  }
0xd6: {  	[tilespmem:s20+$0xFFFFFFC0] =	vst v11  }
0xd7: {  	[tilespmem:s20+$0xFFFFFFD0] =	vst v12  }
0xd8: {  	[tilespmem:s20+$0xFFFFFFF0] =	vst v10  }
0xd9: {  	[tilespmem:s20+$0xFFFFFFE0] =	vst v13  }
0xda: {  	v10 =	vld [tilespmem:s10+$0x180]  }
0xdb: {  	v13 =	vld [tilespmem:s10+$0x2980]  }
0xdc: {  	v15 =	vld [tilespmem:s10+$0x2990]  }
0xdd: {  	v12 =	vld [tilespmem:s10+$0x190]  }
0xde: {  	v16 =	vld [tilespmem:s10+$0x29A0]  }
0xdf: {  	v11 =	vld [tilespmem:s10+$0x1A0]  }
0xe0: {  	v17 =	vadd.f32 v13, v10;
	v18 =	vld [tilespmem:s10+$0x29B0]  }
0xe1: {  	v13 =	vld [tilespmem:s10+$0x1B0]  }
0xe2: {  	v19 =	vmul.f32 $2.000000030e-01, v17;
	v15 =	vadd.f32 v15, v12;
	_ =	sdelay $0x1  }
0xe3: {  	v17 =	vmax.f32 v17, v19;
	v19 =	vmul.f32 $2.000000030e-01, v15;
	v16 =	vadd.f32 v16, v11  }
0xe4: {  	v17 =	vmul.f32 v17, v6  }
0xe5: {  	v15 =	vmax.f32 v15, v19;
	v19 =	vmul.f32 $2.000000030e-01, v16;
	v18 =	vadd.f32 v18, v13  }
0xe6: {  	v17 =	vadd.f32 $0.0e+00, v17;
	v15 =	vmul.f32 v15, v7  }
0xe7: {  	v16 =	vmax.f32 v16, v19;
	v19 =	vmul.f32 $2.000000030e-01, v18  }
0xe8: {  	v15 =	vadd.f32 v15, v17;
	v16 =	vmul.f32 v16, v8  }
0xe9: {  	v17 =	vmax.f32 v18, v19  }
0xea: {  	v15 =	vadd.f32 v16, v15;
	v16 =	vmul.f32 v17, v9;
	_ =	sdelay $0x1  }
0xeb: {  	v15 =	vadd.f32 v16, v15;
	_ =	sdelay $0x1  }
0xec: {  	(xrf2) =	vadd.scan.msk.f32 $0xffff, v15;
	_ =	sdelay $0x9  }
0xed: {  	v15, _, _ =	vpop (xrf2)  }
.Ltmp1:
0xee: {  	v15 =	vmul.f32 $1.442695020e+00, v15;
	(pc) =	sbr.rel @p0 .LBB2_5-.Ltmp1, $3  }
0xef: {  	_ = 	snop  }
0xf0: {  	v15 =	vbroadcast v15, $0xF;
	_ =	sdelay $0x1  }
0xf1: {  	(erf) = vpow2.f32 v15  }
0xf2: {  	_ =	sdelay $0x7  }
0xf3: {  	v15 =	vpop (erf)  }
0xf4: {  	v10 =	vmul.f32 v15, v10  }
0xf5: {  	v12 =	vmul.f32 v15, v12  }
0xf6: {  	v14 =	vnsel vm1, $0x0, v14;
	v16 =	vnsel vm0, $0x0, v15;
	v11 =	vmul.f32 v15, v11;
	[tilespmem:s1+$0x0] =	vst v10  }
0xf7: {  	v14 =	vadd.f32 v16, v14;
	[tilespmem:s1+$0x10] =	vst v12  }
0xf8: {  	s3 =	sadd.s32 $0x1, s3;
	v10 =	vmul.f32 v15, v13;
	[tilespmem:s1+$0x20] =	vst v11  }
0xf9: {  	p0 =	sne.s32 s3, $0xFA;
	[tilespmem:s1+$0x40] =	vst v14  }
.Ltmp2:
0xfa: {  	[tilespmem:s1+$0x30] =	vst v10;
	(pc) =	sbr.rel @p0 .LBB2_4-.Ltmp2, $4  }
0xfb: {  	[spmem:s2] =	stream.indirect.scatter.add.f32 [tilespmem:s22], [sflag:$0x3], $0x90, s23, s23, $0xb8;
	[tilespmem:$0x1DE50] =	vst v63  }
0xfc: {  	_ =	swait.ge [sflag:s21], $0x2D00  }
0xfd: {  	[sflag:s21] =	ssyncset.done $0x0  }
0xfe: {  	[sflag:s21] =	ssyncadd.s32 $0xFFFFD300  }
0xff: {  	s0 =	stileid.u32;
	s31 =	sadd.s32 $0x1, s31  }
0x100: {  	[bflag:$0x0] =	sbarrier.arrive $0xFFFF;
	s0 =	sshll.u32 s0, $0x6;
	p0 =	sne.s32 s31, s19  }
.Ltmp3:
0x101: {  	s1 =	sshrl.u32 s9, $0x3;
	s0 =	sor.u32 $0x1C03, s0;
	(pc) =	sbr.rel @p0 .LBB2_1-.Ltmp3, $4  }
0x102: {  	[hbm:s18], [sflag:s0] =	dma.local [spmem:s1], $0x2BF2  }
0x103: {  	_ =	swait.ge [sflag:s21], $0x2BF2  }
0x104: {  	[sflag:s21] =	ssyncset.done $0x0  }
0x105: {  	[sflag:s21] =	ssyncadd.s32 $0xFFFFD40E  }
0x106: {  	_ =	sfence.sel $0x180000  }
0x107: {  	[bflag:$0x0] =	sbarrier.arrive $0xFFFF  }
0x108: {  	_ =	strace $0x90000047  }
0x109: {  	s0 =	stileid.u32;
	[bflag:$0x2] =	sbarrier.arrive $0xFFFF  }
0x10a: {  	p0 =	sne.s32 s0, $0x0;
	s0 =	rddreg [dreg:$0x3]  }
0x10b: {  	s0 =	sadd.s32 @!p0 $0x100000, s0  }
0x10c: {  	[sflag:s0] =	ssyncadd.tile.s32 @!p0 $0x1;
	_ =	shalt  }
.Lfunc_end2:
_tile_overlayer_lowered:
.L_overlay_start_2:
0x10d: {  	(tag) =	ssettag $0x2  }
0x10e: {  	s0 =	rddreg [dreg:$0x0];
	s2 =	stileid.u32  }
0x10f: {  	s1 =	rddreg [dreg:$0x1];
	p0 =	sne.s32 s2, $0x0  }
0x110: {  	s3 =	rddreg [dreg:$0x2];
	[bflag:$0x3] =	sbarrier.arrive $0xFFFF;
	s2 =	simm.s32 @!p0 $0x1C03  }
0x111: {  	[timem:s3], [sflag:s2] =	dma.local @!p0 [hbm:s0], s1  }
0x112: {  	s0 =	simm.s32 @!p0 $0x3  }
0x113: {  	_ =	swait.ge @!p0 [sflag:s0], s1  }
0x114: {  	s1 =	ssub.s32 @!p0 $0x0, s1;
	[sflag:s0] =	ssyncset.done @!p0 $0x0  }
0x115: {  	[sflag:s0] =	ssyncadd.s32 @!p0 s1  }
0x116: {  	[bflag:$0x3] =	sbarrier.arrive $0xFFFF  }
0x117: {  	_ =	shalt  }

// kernel: kernel.14.cloned.1.call-start
scs
__scs_entry_jumppad:
0x0: {  	(pc) =	sbr.rel $0x88, $3  }
0x1: {  	(tag) =	ssettag $0x0;
	lr =	simm.s32 $0x1  }
0x2: {  	[smem:$0x3F8E] =	sst lr;
	_ =	strace $0xD0000000  }
0x3: {  	_ = 	snop  }
0x4: {  	_ = 	snop  }
0x5: {  	_ = 	snop  }
0x6: {  	_ = 	snop  }
0x7: {  	_ = 	snop  }
__scs_overlays_trampoline_lowered:
0x8: {  	[smem:$0x3F9D] =	sst s0  }
0x9: {  	[smem:$0x3F9E] =	sst s1  }
0xa: {  	[smem:$0x3F9F] =	sst s2  }
0xb: {  	[smem:$0x3FA0] =	sst s3  }
0xc: {  	[smem:$0x3FA1] =	sst s4  }
0xd: {  	[smem:$0x3FA2] =	sst s5  }
0xe: {  	[smem:$0x3FA3] =	sst s6  }
0xf: {  	[smem:$0x3FA4] =	sst s7  }
0x10: {  	[smem:$0x3FA5] =	sst s8  }
0x11: {  	[smem:$0x3FA6] =	sst s9;
	s0 =	simm.s32 @!p0 $0x0  }
0x12: {  	s1 =	sld [smem:$0x3F8C];
	s0 =	simm.s32 @p0 $0x1  }
0x13: {  	[smem:$0x3FA7] =	sst s0;
	s0 =	simm.s32 @!p1 $0x0  }
0x14: {  	s2 =	sld [smem:$0x3F8B];
	s0 =	simm.s32 @p1 $0x1  }
0x15: {  	[smem:$0x3FA8] =	sst s0;
	s0 =	simm.s32 @!p2 $0x0  }
0x16: {  	s3 =	sld [smem:$0x3FDB];
	s0 =	simm.s32 @p2 $0x1  }
0x17: {  	s4 =	simm.s32 $0x1BF5;
	[smem:$0x3FAA] =	sst s0  }
0x18: {  	s0 =	sld [smem:$0x3F8D];
	_ =	swait.ge [sflag:s4], $0x0  }
0x19: {  	s7 =	sld [smem:$0x3F8E]  }
0x1a: {  	s8 =	sadd.s32 $0xFFFFE003, lr  }
0x1b: {  	s9 =	sadd.s32 $0xFFFFFEF7, lr;
	s5 =	simm.s32 $0xFFFFFFFF;
	p2 =	slt.u32 s8, $0xFFFFF086  }
0x1c: {  	p1 =	slt.u32 s9, $0xF7A;
	s5 =	simm.s32 @!p2 $0x0  }
0x1d: {  	s5 =	simm.s32 @p1 $0x1;
	p0 =	seq.s32 s7, s2  }
0x1e: {  	s7 =	smul.u32 @!p0 $0xF7A, s2;
	p2 =	seq.s32 @!p0 s5, $0x0  }
0x1f: {  	s9 =	smul.u32 $0xF7A, s1;
	s8 =	simm.s32 @!p0 $0x1BF5;
	p2 =	por !p2, p0  }
0x20: {  	[sflag:s8] =	ssyncset.s32 @!p0 $0xFFFFF086;
	s6 =	sadd.s32 @!p0 s3, s7;
	s7 =	simm.s32 @!p0 $0x108  }
0x21: {  	s3 =	sadd.s32 s3, s9;
	s6 =	sadd.s32 @!p0 $0x88, s6;
	s7 =	simm.s32 @p2 $0x1082  }
0x22: {  	[simem:s7], [sflag:s8] =	dma.local @!p0 [hbm:s6], $0xF7A  }
0x23: {  	s9 =	sor.u32 $0xD0000000, s2;
	s6 =	simm.s32 $0x108;
	_ =	swait.ge @!p0 [sflag:s8], $0x0  }
0x24: {  	s3 =	sadd.s32 $0x88, s3;
	s6 =	simm.s32 @!p1 $0x1082;
	[sflag:s4] =	ssyncset.s32 $0xFFFFF086  }
0x25: {  	[simem:s6], [sflag:s4] =	dma.local [hbm:s3], $0xF7A  }
0x26: {  	[smem:$0x3F8E] =	sst s1;
	(tag) =	ssettag s2;
	_ =	strace s9  }
0x27: {  	s1 =	sld [smem:$0x3F9E]  }
0x28: {  	s2 =	sld [smem:$0x3F9F]  }
0x29: {  	s4 =	sld [smem:$0x3FA1]  }
0x2a: {  	p0 =	seq.s32 s5, $0x0;
	s5 =	sld [smem:$0x3FA2]  }
0x2b: {  	s6 =	sld [smem:$0x3FA3]  }
0x2c: {  	s7 =	sld [smem:$0x3FA4]  }
0x2d: {  	s3 =	simm.s32 $0x108;
	s8 =	sld [smem:$0x3FA5]  }
0x2e: {  	s3 =	simm.s32 @!p0 $0x1082;
	s9 =	sld [smem:$0x3FA6]  }
0x2f: {  	lr =	sadd.s32 s0, s3;
	s0 =	sld [smem:$0x3F9D]  }
0x30: {  	s3 =	sld [smem:$0x3FA0]  }
0x31: {  	[smem:$0x3FA9] =	sst s10  }
0x32: {  	s10 =	sld [smem:$0x3FA7];
	_ =	sdelay $0x3  }
0x33: {  	p0 =	seq.s32 s10, $0x1;
	s10 =	sld [smem:$0x3FA9];
	_ =	sdelay $0x3  }
0x34: {  	[smem:$0x3FA9] =	sst s10  }
0x35: {  	s10 =	sld [smem:$0x3FA8];
	_ =	sdelay $0x3  }
0x36: {  	p1 =	seq.s32 s10, $0x1;
	s10 =	sld [smem:$0x3FA9];
	_ =	sdelay $0x3  }
0x37: {  	[smem:$0x3FA9] =	sst s10  }
0x38: {  	s10 =	sld [smem:$0x3FAA]  }
0x39: {  	_ = 	snop;
	(pc) =	sbr.ind lr, $3  }
0x3a: {  	_ = 	snop  }
0x3b: {  	_ = 	snop  }
0x3c: {  	p2 =	seq.s32 s10, $0x1;
	s10 =	sld [smem:$0x3FA9]  }
0x3d: {  	_ =	shalt  }
0x3e: {  	_ =	shalt  }
0x3f: {  	_ =	shalt  }
0x40: {  	_ =	shalt  }
0x41: {  	_ =	shalt  }
0x42: {  	_ =	shalt  }
0x43: {  	_ =	shalt  }
0x44: {  	_ =	shalt  }
0x45: {  	_ =	shalt  }
0x46: {  	_ =	shalt  }
0x47: {  	_ =	shalt  }
0x48: {  	_ =	shalt  }
0x49: {  	_ =	shalt  }
0x4a: {  	_ =	shalt  }
0x4b: {  	_ =	shalt  }
0x4c: {  	_ =	shalt  }
0x4d: {  	_ =	shalt  }
0x4e: {  	_ =	shalt  }
0x4f: {  	_ =	shalt  }
0x50: {  	_ =	shalt  }
0x51: {  	_ =	shalt  }
0x52: {  	_ =	shalt  }
0x53: {  	_ =	shalt  }
0x54: {  	_ =	shalt  }
0x55: {  	_ =	shalt  }
0x56: {  	_ =	shalt  }
0x57: {  	_ =	shalt  }
0x58: {  	_ =	shalt  }
0x59: {  	_ =	shalt  }
0x5a: {  	_ =	shalt  }
0x5b: {  	_ =	shalt  }
0x5c: {  	_ =	shalt  }
0x5d: {  	_ =	shalt  }
0x5e: {  	_ =	shalt  }
0x5f: {  	_ =	shalt  }
0x60: {  	_ =	shalt  }
0x61: {  	_ =	shalt  }
0x62: {  	_ =	shalt  }
0x63: {  	_ =	shalt  }
0x64: {  	_ =	shalt  }
0x65: {  	_ =	shalt  }
0x66: {  	_ =	shalt  }
0x67: {  	_ =	shalt  }
0x68: {  	_ =	shalt  }
0x69: {  	_ =	shalt  }
0x6a: {  	_ =	shalt  }
0x6b: {  	_ =	shalt  }
0x6c: {  	_ =	shalt  }
0x6d: {  	_ =	shalt  }
0x6e: {  	_ =	shalt  }
0x6f: {  	_ =	shalt  }
0x70: {  	_ =	shalt  }
0x71: {  	_ =	shalt  }
0x72: {  	_ =	shalt  }
0x73: {  	_ =	shalt  }
0x74: {  	_ =	shalt  }
0x75: {  	_ =	shalt  }
0x76: {  	_ =	shalt  }
0x77: {  	_ =	shalt  }
0x78: {  	_ =	shalt  }
0x79: {  	_ =	shalt  }
0x7a: {  	_ =	shalt  }
0x7b: {  	_ =	shalt  }
0x7c: {  	_ =	shalt  }
0x7d: {  	_ =	shalt  }
0x7e: {  	_ =	shalt  }
0x7f: {  	_ =	shalt  }
0x80: {  	_ =	shalt  }
0x81: {  	_ =	shalt  }
0x82: {  	_ =	shalt  }
0x83: {  	_ =	shalt  }
0x84: {  	_ =	shalt  }
0x85: {  	_ =	shalt  }
0x86: {  	_ =	shalt  }
0x87: {  	_ =	shalt  }
.Lfunc_end0:
.L_simem_size_0:
called_computation.1_lowered:
.L_overlay_start_0:
0x88: {  	s2 =	sld [smem:$0x3FD9]  }
0x89: {  	s3 =	sld [smem:$0x3FFE];
	_ =	sdelay $0x1  }
0x8a: {  	s1 =	srdreg.scid  }
0x8b: {  	s0 =	sand.u32 $0x1, s1  }
0x8c: {  	s16 =	sshll.u32 s0, $0xA;
	s2 =	sadd.s32 s3, s2  }
0x8d: {  	s2 =	sadd.s32 s2, s16  }
0x8e: {  	[smem:$0x3FB5] =	sst s2  }
0x8f: {  	_ = 	snop  }
0x90: {  	(tm) =	ssettm $0x1  }
0x91: {  	s17 =	sld [smem:$0x3FFB];
	_ =	sdelay $0x3  }
0x92: {  	_ =	strace s17  }
0x93: {  	s2 =	sld [smem:$0x3FFC];
	_ =	sdelay $0x3  }
0x94: {  	_ =	strace s2  }
0x95: {  	s2 =	sld [smem:$0x3FFD];
	_ =	sdelay $0x3  }
0x96: {  	_ =	strace s2  }
0x97: {  	_ =	strace $0x8FFFFFFF  }
0x98: {  	s18 =	sld [smem:$0x3FDB];
	_ =	sdelay $0x1  }
0x99: {  	s19 =	simm.s32 $_scs_section_size  }
0x9a: {  	s4 =	simm.s32 $_size__tile_overlayer_lowered;
	s5 =	simm.s32 $_tile_overlayer_lowered  }
0x9b: {  	s22 =	simm.s32 $0x1BFF;
	s21 =	sshll.u32 s5, $0x1;
	s2 =	sadd.s32 s19, s18  }
0x9c: {  	s6 =	simm.s32 $0x0;
	s20 =	sshll.u32 s4, $0x1;
	s4 =	sadd.s32 s21, s2  }
0x9d: {  	[timem:s6], [sflag:s22] =	dma.local [hbm:s4], s20  }
0x9e: {  	_ =	swait.ge [sflag:s22], s20  }
0x9f: {  	s3 =	ssub.s32 $0x0, s20;
	[sflag:s22] =	ssyncset.done $0x0  }
0xa0: {  	[sflag:s22] =	ssyncadd.s32 s3;
	_ =	sdelay $0x1  }
0xa1: {  	s23 =	simm.s32 $0x1B8B  }
0xa2: {  	_ =	swait.ge [sflag:s23], $0x1  }
0xa3: {  	[sflag:s23] =	ssyncset.done $0x0  }
0xa4: {  	s25 =	simm.s32 $0x1B8E;
	s24 =	sld [smem:$0x3FFE];
	[sflag:s23] =	ssyncadd.s32 $0xFFFFFFFF  }
0xa5: {  	s26 =	simm.s32 $execute0_lowered;
	[smem:$0x3FD2] =	sst s25  }
0xa6: {  	s4 =	sshll.u32 s26, $0x1;
	_ =	strace $0x80000049;
	[dreg:$0x1] =	wrdreg $0xFFFFFFFF  }
0xa7: {  	s28 =	simm.s32 $_size_execute0_lowered;
	s2 =	sadd.s32 s2, s4;
	[dreg:$0x0] =	wrdreg $0x0  }
0xa8: {  	s4 =	sshll.u32 s28, $0x1;
	[dreg:$0x2] =	wrdreg s2  }
0xa9: {  	[dreg:$0x3] =	wrdreg s4  }
0xaa: {  	[dreg:$0x4] =	wrdreg $0xC0  }
0xab: {  	_ =	task [dreg:s6], $0x5FFFF  }
0xac: {  	[dreg:$0x1] =	wrdreg $0xFFFFFFFF  }
0xad: {  	[dreg:$0x0] =	wrdreg $0x60  }
0xae: {  	[dreg:$0x2] =	wrdreg s24  }
0xaf: {  	[dreg:$0x3] =	wrdreg $0x7EC00  }
0xb0: {  	[dreg:$0x4] =	wrdreg $0x9  }
0xb1: {  	_ =	task.clear_ibuf [dreg:s6], $0x5FFFF;
	_ =	strace $0x90000049  }
0xb2: {  	s29 =	simm.s32 $0x9;
	_ =	strace $0x8000004B  }
0xb3: {  	_ =	swait.ge [sflag:s29], $0x1  }
0xb4: {  	[sflag:s29] =	ssyncadd.s32 $0xFFFFFFFF  }
0xb5: {  	_ =	strace $0x9000004B  }
0xb6: {  	_ =	sfence  }
0xb7: {  	s30 =	sld [smem:$0x0];
	_ =	sdelay $0x2  }
0xb8: {  	s31 =	sshll.u32 s1, $0xD;
	s1 =	sshrl.u32 s1, $0x2  }
0xb9: {  	s3 =	sand.u32 $0x4000, s31;
	s1 =	sadd.s32 s1, s30  }
0xba: {  	s0 =	sor.u32 s3, s0;
	s1 =	sshll.u32 s1, $0x11  }
0xbb: {  	s0 =	sor.u32 s1, s0  }
0xbc: {  	s0 =	sadd.s32 $0x8F2B, s0  }
0xbd: {  	[sflag:s0] =	ssyncadd.remote.s32 $0x1  }
0xbe: {  	_ =	sfence.sel $0xFFFF  }
0xbf: {  	[dreg:$0x0] =	wrdreg $0xFFFFFFFF;
	(pc) =	sbr.abs _section_cstart, $3  }
0xc0: {  	[dreg:$0x1] =	wrdreg $0xFFFFFFFF  }
0xc1: {  	_ =	task.clear_ibuf [dreg:s6], $0x2FFFF;
	_ =	strace $0x9FFFFFFF  }
0xc2: {  	(tm) =	ssettm $0x7FFFFFFF  }
0xc3: {  	_ =	shalt  }
tec
execute0_lowered:
.L_overlay_start_1:
0x0: {  	(tag) =	ssettag $0x1  }
0x1: {  	s0 =	rddreg [dreg:$0x0]  }
0x2: {  	s1 =	rddreg [dreg:$0x1];
	s2 =	simm.s32 $0x0;
	s21 =	srdreg.scid  }
0x3: {  	s15 =	stileid.u32;
	s28 =	simm.s32 $0x140;
	s29 =	simm.s32 $0xF0  }
0x4: {  	s30 =	simm.s32 $0x2940;
	s31 =	simm.s32 $0x0;
	[smem:$0x7FF] =	sst s2  }
0x5: {  	s2 =	sand.u32 $0x1, s21;
	s3 =	smul.u32 $0x15F90, s15;
	s4 =	sadd.s32 $0x18400, s0  }
0x6: {  	s5 =	sadd.s32 $0x66600, s0;
	s6 =	sadd.s32 $0xE600, s0;
	s11 =	smul.u32 $0x57E40, s15  }
0x7: {  	s7 =	sadd.s32 $0x4800, s0;
	s15 =	smul.u32 $0x4E20, s15;
	s21 =	simm.s32 $0x3  }
0x8: {  	_ =	strace $0x8000004A;
	s8 =	smul.u32 $0x15F900, s2;
	s9 =	sshll.u32 s2, $0x4  }
0x9: {  	s10 =	ssub.s32 $0x2, s2;
	s25 =	smul.u32 $0x2710, s2;
	s26 =	sshll.u32 s2, $0x1  }
0xa: {  	s2 =	sshllo.u32 s2, $0x1;
	s9 =	sadd.s32 s9, s0;
	s12 =	sshrl.u32 s10, $0x1  }
0xb: {  	s23 =	sshrl.u32 s11, $0x2;
	v2 =	vmov s26;
	s26 =	simm.s32 $0xA0;
	s8 =	sadd.s32 s3, s8  }
0xc: {  	s22 =	ssub.s32 s10, s12;
	s9 =	sadd.s32 $0x10C800, s9;
	s24 =	sadd.s32 s23, s1  }
0xd: {  	v0 =	vmov s25;
	s23 =	simm.s32 $0x50;
	s25 =	simm.s32 $0x2;
	s8 =	sshrl.u32 s8, $0x3  }
0xe: {  	[dreg:$0x3] =	wrdreg s9;
	s9 =	sadd.s32 s3, s1;
	s10 =	sadd.s32 $0x2D00, s24  }
0xf: {  	s11 =	sadd.s32 $0x5A00, s24;
	s12 =	sadd.s32 $0x8700, s24;
	s13 =	sadd.s32 $0xB400, s24  }
0x10: {  	s14 =	sadd.s32 $0xE100, s24;
	s16 =	sadd.s32 $0x10E00, s24;
	s17 =	sadd.s32 $0x13B00, s24  }
0x11: {  	v4 =	vlaneseq.u32;
	v3 =	vmov s2;
	s19 =	smax.u32 s22, $0x1;
	s22 =	simm.s32 $0x5140;
	s0 =	sadd.s32 s8, s0  }
0x12: {  	v1 =	vimm.f32 $0.0e+00;
	vm0 =	veq.s32 v3, v4;
	vm1 =	veq.s32 v2, v4;
	s24 =	simm.s32 $0x1;
	[dreg:$0x4] =	wrdreg s10;
	s18 =	sadd.s32 $0xB4800, s0  }
.LBB2_1:
0x13: {  	s0 =	simm.s32 $0x0;
	s2 =	rddreg [dreg:$0x3];
	s3 =	simm.s32 $0x7E40  }
0x14: {  	[tilespmem:s3], [sflag:$0x3] =	stream.linear.gather [hbm4b:s2+s0], $0x80, $0x38;
	[tilespmem:$0x1DE50] =	vst v63  }
0x15: {  	_ =	swait.ge [sflag:s21], $0x80  }
0x16: {  	[sflag:s21] =	ssyncset.done $0x0  }
0x17: {  	s0 =	simm.s32 $0x0;
	s2 =	simm.s32 $0x240;
	[sflag:s21] =	ssyncadd.s32 $0xFFFFFF80  }
.LBB2_2:
0x18: {  	p0 =	sne.s32 s2, $0xB1C0;
	[tilespmem:s0+$0x51C0] =	vst v1  }
0x19: {  	[tilespmem:s0+$0x5140] =	vst v1  }
0x1a: {  	[tilespmem:s0+$0x5150] =	vst v1  }
0x1b: {  	[tilespmem:s0+$0x5160] =	vst v1  }
.Ltmp0:
0x1c: {  	[tilespmem:s0+$0x5170] =	vst v1;
	(pc) =	sbr.rel @p0 .LBB2_2-.Ltmp0, $4  }
0x1d: {  	[tilespmem:s0+$0x5180] =	vst v1  }
0x1e: {  	[tilespmem:s0+$0x5190] =	vst v1  }
0x1f: {  	[tilespmem:s0+$0x51A0] =	vst v1  }
0x20: {  	[tilespmem:s0+$0x51B0] =	vst v1;
	s0 =	sshra.s32 s2, $0x2;
	s2 =	sadd.s32 $0x240, s2  }
0x21: {  	[tilespmem:s0+$0x51C0] =	vst v1  }
0x22: {  	[tilespmem:s0+$0x5140] =	vst v1  }
0x23: {  	[tilespmem:s0+$0x5150] =	vst v1  }
0x24: {  	[tilespmem:s0+$0x5160] =	vst v1  }
0x25: {  	[tilespmem:s0+$0x5170] =	vst v1  }
0x26: {  	[tilespmem:s0+$0x5180] =	vst v1  }
0x27: {  	[tilespmem:s0+$0x5190] =	vst v1  }
0x28: {  	[tilespmem:s0+$0x51A0] =	vst v1  }
0x29: {  	[tilespmem:s0+$0x51B0] =	vst v1  }
0x2a: {  	[spmem:s9] =	stream.linear.scatter [tilespmem:s22], [sflag:$0x3], $0x2D00, $0x38;
	[tilespmem:$0x1DE50] =	vst v63  }
0x2b: {  	_ =	swait.ge [sflag:s21], $0x2D00  }
0x2c: {  	[sflag:s21] =	ssyncset.done $0x0  }
0x2d: {  	s20 =	rddreg [dreg:$0x4];
	[sflag:s21] =	ssyncadd.s32 $0xFFFFD300  }
0x2e: {  	[spmem:s20] =	stream.linear.scatter [tilespmem:s22], [sflag:$0x3], $0x2D00, $0x38;
	[tilespmem:$0x1DE50] =	vst v63  }
0x2f: {  	_ =	swait.ge [sflag:s21], $0x2D00  }
0x30: {  	[sflag:s21] =	ssyncset.done $0x0  }
0x31: {  	[sflag:s21] =	ssyncadd.s32 $0xFFFFD300  }
0x32: {  	[spmem:s11] =	stream.linear.scatter [tilespmem:s22], [sflag:$0x3], $0x2D00, $0x38;
	[tilespmem:$0x1DE50] =	vst v63  }
0x33: {  	_ =	swait.ge [sflag:s21], $0x2D00  }
0x34: {  	[sflag:s21] =	ssyncset.done $0x0  }
0x35: {  	[sflag:s21] =	ssyncadd.s32 $0xFFFFD300  }
0x36: {  	[spmem:s12] =	stream.linear.scatter [tilespmem:s22], [sflag:$0x3], $0x2D00, $0x38;
	[tilespmem:$0x1DE50] =	vst v63  }
0x37: {  	_ =	swait.ge [sflag:s21], $0x2D00  }
0x38: {  	[sflag:s21] =	ssyncset.done $0x0  }
0x39: {  	[sflag:s21] =	ssyncadd.s32 $0xFFFFD300  }
0x3a: {  	[spmem:s13] =	stream.linear.scatter [tilespmem:s22], [sflag:$0x3], $0x2D00, $0x38;
	[tilespmem:$0x1DE50] =	vst v63  }
0x3b: {  	_ =	swait.ge [sflag:s21], $0x2D00  }
0x3c: {  	[sflag:s21] =	ssyncset.done $0x0  }
0x3d: {  	[sflag:s21] =	ssyncadd.s32 $0xFFFFD300  }
0x3e: {  	[spmem:s14] =	stream.linear.scatter [tilespmem:s22], [sflag:$0x3], $0x2D00, $0x38;
	[tilespmem:$0x1DE50] =	vst v63  }
0x3f: {  	_ =	swait.ge [sflag:s21], $0x2D00  }
0x40: {  	[sflag:s21] =	ssyncset.done $0x0  }
0x41: {  	[sflag:s21] =	ssyncadd.s32 $0xFFFFD300  }
0x42: {  	[spmem:s16] =	stream.linear.scatter [tilespmem:s22], [sflag:$0x3], $0x2D00, $0x38;
	[tilespmem:$0x1DE50] =	vst v63  }
0x43: {  	_ =	swait.ge [sflag:s21], $0x2D00  }
0x44: {  	[sflag:s21] =	ssyncset.done $0x0  }
0x45: {  	[sflag:s21] =	ssyncadd.s32 $0xFFFFD300  }
0x46: {  	[spmem:s17] =	stream.linear.scatter [tilespmem:s22], [sflag:$0x3], $0x2490, $0x38;
	[tilespmem:$0x1DE50] =	vst v63  }
0x47: {  	_ =	swait.ge [sflag:s21], $0x2490  }
0x48: {  	[sflag:s21] =	ssyncset.done $0x0  }
0x49: {  	[sflag:s21] =	ssyncadd.s32 $0xFFFFDB70  }
0x4a: {  	[bflag:$0x0] =	sbarrier.arrive $0xFFFF  }
0x4b: {  	v2 =	vld [tilespmem:$0x7E40]  }
0x4c: {  	v3 =	vld [tilespmem:$0x7E50]  }
0x4d: {  	v4 =	vld [tilespmem:$0x7E60]  }
0x4e: {  	v5 =	vld [tilespmem:$0x7E70]  }
0x4f: {  	v6 =	vld [tilespmem:$0x7E80]  }
0x50: {  	v7 =	vld [tilespmem:$0x7E90]  }
0x51: {  	v8 =	vld [tilespmem:$0x7EA0]  }
0x52: {  	s0 =	simm.s32 $0x0;
	s3 =	simm.s32 $0x0;
	v9 =	vld [tilespmem:$0x7EB0]  }
.LBB2_4:
0x53: {  	s2 =	smul.u32 $0x50, s3;
	_ =	sdelay $0x1  }
0x54: {  	s2 =	sadd.s32 s15, s2  }
0x55: {  	s2 =	sshrl.u32 s2, $0x3  }
0x56: {  	s8 =	sadd.s32 s6, s2  }
0x57: {  	[tilespmem:s0], [sflag:$0x1] =	stream.linear.gather [hbm4b:s8+s0], $0x50, $0x38;
	[tilespmem:$0x1DE50] =	vst v63  }
0x58: {  	s2 =	sadd.s32 s7, s2  }
0x59: {  	[tilespmem:s23], [sflag:$0x2] =	stream.linear.gather [hbm4b:s2+s0], $0x50, $0x38;
	[tilespmem:$0x1DE50] =	vst v63  }
0x5a: {  	_ =	swait.ge [sflag:s24], $0x50  }
0x5b: {  	[sflag:s24] =	ssyncset.done $0x0  }
0x5c: {  	[sflag:s24] =	ssyncadd.s32 $0xFFFFFFB0  }
0x5d: {  	_ =	swait.ge [sflag:s25], $0x50  }
0x5e: {  	[sflag:s25] =	ssyncset.done $0x0  }
0x5f: {  	[sflag:s25] =	ssyncadd.s32 $0xFFFFFFB0  }
0x60: {  	v10 =	vld [tilespmem:$0x0]  }
0x61: {  	v11 =	vld [tilespmem:$0x50]  }
0x62: {  	v12 =	vld [tilespmem:$0x10]  }
0x63: {  	v13 =	vld [tilespmem:$0x60]  }
0x64: {  	v14 =	vld [tilespmem:$0x20]  }
0x65: {  	v15 =	vld [tilespmem:$0x70];
	v10 =	vadd.s32 v0, v10  }
0x66: {  	[tilespmem:$0xA0] =	vst v10;
	v10 =	vadd.s32 v0, v11;
	v11 =	vld [tilespmem:$0x30]  }
0x67: {  	[tilespmem:$0xF0] =	vst v10;
	v10 =	vadd.s32 v0, v12;
	v12 =	vld [tilespmem:$0x80]  }
0x68: {  	[tilespmem:$0xB0] =	vst v10;
	v10 =	vadd.s32 v0, v13;
	v13 =	vld [tilespmem:$0x40]  }
0x69: {  	[tilespmem:$0x100] =	vst v10;
	v10 =	vadd.s32 v0, v14;
	v14 =	vld [tilespmem:$0x90]  }
0x6a: {  	[tilespmem:$0xC0] =	vst v10;
	v10 =	vadd.s32 v0, v15  }
0x6b: {  	[tilespmem:$0x110] =	vst v10;
	v10 =	vadd.s32 v0, v11  }
0x6c: {  	[tilespmem:$0xD0] =	vst v10;
	v10 =	vadd.s32 v0, v12  }
0x6d: {  	[tilespmem:$0x120] =	vst v10;
	v10 =	vadd.s32 v0, v13  }
0x6e: {  	[tilespmem:$0xE0] =	vst v10;
	v10 =	vadd.s32 v0, v14  }
0x6f: {  	[tilespmem:$0x130] =	vst v10  }
0x70: {  	[tilespmem:s28], [sflag:$0x1] =	stream.indirect.gather [hbm4b:s4+s23], $0x80, s26, s23, $0xb8;
	[tilespmem:$0x1DE50] =	vst v63  }
0x71: {  	_ = 	snop  }
0x72: {  	[tilespmem:s30], [sflag:$0x2] =	stream.indirect.gather [hbm4b:s5+s23], $0x80, s29, s23, $0xb8;
	[tilespmem:$0x1DE50] =	vst v63  }
0x73: {  	_ =	swait.ge [sflag:s24], $0x2800  }
0x74: {  	[sflag:s24] =	ssyncset.done $0x0  }
0x75: {  	[sflag:s24] =	ssyncadd.s32 $0xFFFFD800  }
0x76: {  	_ =	swait.ge [sflag:s25], $0x2800  }
0x77: {  	[sflag:s25] =	ssyncset.done $0x0  }
0x78: {  	s10 =	simm.s32 $0x0;
	[sflag:s25] =	ssyncadd.s32 $0xFFFFD800  }
0x79: {  	v10 =	vld [tilespmem:s10+$0x140]  }
0x7a: {  	v11 =	vld [tilespmem:s10+$0x2940]  }
0x7b: {  	v12 =	vld [tilespmem:s10+$0x2950]  }
0x7c: {  	v13 =	vld [tilespmem:s10+$0x150]  }
0x7d: {  	v14 =	vld [tilespmem:s10+$0x2960]  }
0x7e: {  	v15 =	vld [tilespmem:s10+$0x160]  }
0x7f: {  	v16 =	vld [tilespmem:s10+$0x2970];
	v11 =	vadd.f32 v11, v10  }
0x80: {  	v17 =	vld [tilespmem:s10+$0x170]  }
0x81: {  	v12 =	vadd.f32 v12, v13;
	v18 =	vmul.f32 $2.000000030e-01, v11;
	_ =	sdelay $0x1  }
0x82: {  	v14 =	vadd.f32 v14, v15;
	v19 =	vmul.f32 $2.000000030e-01, v12;
	v11 =	vmax.f32 v11, v18  }
0x83: {  	v11 =	vmul.f32 v11, v2  }
0x84: {  	v16 =	vadd.f32 v16, v17;
	v53 =	vmul.f32 $2.000000030e-01, v14;
	v12 =	vmax.f32 v12, v19  }
0x85: {  	v12 =	vmul.f32 v12, v3;
	v11 =	vadd.f32 $0.0e+00, v11  }
0x86: {  	v54 =	vmul.f32 $2.000000030e-01, v16;
	v14 =	vmax.f32 v14, v53  }
0x87: {  	v11 =	vadd.f32 v12, v11;
	v12 =	vmul.f32 v14, v4  }
0x88: {  	v14 =	vmax.f32 v16, v54  }
0x89: {  	v11 =	vadd.f32 v12, v11;
	v12 =	vmul.f32 v14, v5;
	_ =	sdelay $0x1  }
0x8a: {  	v11 =	vadd.f32 v12, v11;
	_ =	sdelay $0x1  }
0x8b: {  	(xrf2) =	vadd.scan.msk.f32 $0xffff, v11;
	_ =	sdelay $0x9  }
0x8c: {  	v11, _, _ =	vpop (xrf2)  }
0x8d: {  	v11 =	vmul.f32 $1.442695020e+00, v11;
	_ =	sdelay $0x1  }
0x8e: {  	v11 =	vbroadcast v11, $0xF;
	_ =	sdelay $0x1  }
0x8f: {  	(erf) = vpow2.f32 v11;
	_ =	sdelay $0x8  }
0x90: {  	v14 =	vpop (erf)  }
0x91: {  	v10 =	vmul.f32 v14, v10  }
0x92: {  	s20 =	simm.s32 $0x5180;
	v11 =	vmul.f32 v14, v13  }
0x93: {  	v12 =	vmul.f32 v14, v17;
	[tilespmem:s20+$0xFFFFFFC0] =	vst v10  }
0x94: {  	v10 =	vmul.f32 v14, v15;
	[tilespmem:s20+$0xFFFFFFD0] =	vst v11  }
0x95: {  	[tilespmem:s20+$0xFFFFFFF0] =	vst v12  }
0x96: {  	[tilespmem:s20+$0xFFFFFFE0] =	vst v10  }
0x97: {  	v10 =	vld [tilespmem:s10+$0x180]  }
0x98: {  	v13 =	vld [tilespmem:s10+$0x2980]  }
0x99: {  	v15 =	vld [tilespmem:s10+$0x2990]  }
0x9a: {  	v12 =	vld [tilespmem:s10+$0x190]  }
0x9b: {  	v55 =	vld [tilespmem:s10+$0x29A0]  }
0x9c: {  	v11 =	vld [tilespmem:s10+$0x1A0]  }
0x9d: {  	v57 =	vld [tilespmem:s10+$0x29B0];
	v56 =	vadd.f32 v13, v10  }
0x9e: {  	v13 =	vld [tilespmem:s10+$0x1B0]  }
0x9f: {  	v15 =	vadd.f32 v15, v12;
	v58 =	vmul.f32 $2.000000030e-01, v56;
	_ =	sdelay $0x1  }
0xa0: {  	v16 =	vadd.f32 v55, v11;
	v59 =	vmul.f32 $2.000000030e-01, v15;
	v17 =	vmax.f32 v56, v58  }
0xa1: {  	v17 =	vmul.f32 v17, v6  }
0xa2: {  	v60 =	vmul.f32 $2.000000030e-01, v16;
	v15 =	vmax.f32 v15, v59;
	v18 =	vadd.f32 v57, v13  }
0xa3: {  	v15 =	vmul.f32 v15, v7;
	v17 =	vadd.f32 $0.0e+00, v17  }
0xa4: {  	v16 =	vmax.f32 v16, v60;
	v61 =	vmul.f32 $2.000000030e-01, v18  }
0xa5: {  	v16 =	vmul.f32 v16, v8;
	v15 =	vadd.f32 v15, v17  }
0xa6: {  	v62 =	vmax.f32 v18, v61  }
0xa7: {  	v63 =	vmul.f32 v62, v9;
	v15 =	vadd.f32 v16, v15;
	_ =	sdelay $0x1  }
0xa8: {  	v15 =	vadd.f32 v63, v15;
	_ =	sdelay $0x1  }
0xa9: {  	(xrf2) =	vadd.scan.msk.f32 $0xffff, v15;
	_ =	sdelay $0x9  }
0xaa: {  	v15, _, _ =	vpop (xrf2)  }
0xab: {  	v15 =	vmul.f32 $1.442695020e+00, v15;
	_ =	sdelay $0x1  }
0xac: {  	v15 =	vbroadcast v15, $0xF;
	_ =	sdelay $0x1  }
0xad: {  	s8 =	simm.s32 $0x200;
	s2 =	simm.s32 $0x5180;
	v14 =	vadd.f32 $0.0e+00, v14;
	(erf) = vpow2.f32 v15  }
.LBB2_5:
0xae: {  	_ =	sdelay $0x3  }
0xaf: {  	p0 =	sne.s32 s8, $0x9E00  }
0xb0: {  	s20 =	sadd.s32 $0x90, s20;
	s10 =	smov.u32 s8;
	s8 =	sadd.s32 $0x200, s8  }
0xb1: {  	_ =	sdelay $0x1  }
0xb2: {  	v14 =	vnsel vm1, $0x0, v14;
	v15 =	vpop (erf)  }
0xb3: {  	v10 =	vmul.f32 v15, v10;
	v12 =	vmul.f32 v15, v12;
	v16 =	vnsel vm0, $0x0, v15  }
0xb4: {  	v11 =	vmul.f32 v15, v11;
	v13 =	vmul.f32 v15, v13;
	v14 =	vadd.f32 v16, v14  }
0xb5: {  	[tilespmem:s2+$0x0] =	vst v10  }
0xb6: {  	[tilespmem:s2+$0x10] =	vst v12  }
0xb7: {  	[tilespmem:s2+$0x40] =	vst v14  }
0xb8: {  	[tilespmem:s2+$0x30] =	vst v13  }
0xb9: {  	s10 =	sshra.s32 s10, $0x2;
	[tilespmem:s2+$0x20] =	vst v11;
	s2 =	smov.u32 s20  }
0xba: {  	v10 =	vld [tilespmem:s10+$0x2950]  }
0xbb: {  	v11 =	vld [tilespmem:s10+$0x140]  }
0xbc: {  	v12 =	vld [tilespmem:s10+$0x150]  }
0xbd: {  	v13 =	vld [tilespmem:s10+$0x2940];
	_ =	sdelay $0x2  }
0xbe: {  	v14 =	vld [tilespmem:s10+$0x2960]  }
0xbf: {  	v10 =	vadd.f32 v10, v12;
	v15 =	vld [tilespmem:s10+$0x160]  }
0xc0: {  	v13 =	vadd.f32 v13, v11;
	v16 =	vld [tilespmem:s10+$0x2970]  }
0xc1: {  	v17 =	vmul.f32 $2.000000030e-01, v10;
	v18 =	vld [tilespmem:s10+$0x170]  }
0xc2: {  	v19 =	vmul.f32 $2.000000030e-01, v13  }
0xc3: {  	v10 =	vmax.f32 v10, v17  }
0xc4: {  	v13 =	vmax.f32 v13, v19;
	v14 =	vadd.f32 v14, v15  }
0xc5: {  	v13 =	vmul.f32 v13, v2  }
0xc6: {  	v17 =	vmul.f32 $2.000000030e-01, v14;
	v16 =	vadd.f32 v16, v18  }
0xc7: {  	v10 =	vmul.f32 v10, v3;
	v13 =	vadd.f32 $0.0e+00, v13  }
0xc8: {  	v14 =	vmax.f32 v14, v17;
	v17 =	vmul.f32 $2.000000030e-01, v16  }
0xc9: {  	v10 =	vadd.f32 v10, v13;
	v13 =	vmul.f32 v14, v4  }
0xca: {  	v14 =	vmax.f32 v16, v17  }
0xcb: {  	v10 =	vadd.f32 v13, v10;
	v13 =	vmul.f32 v14, v5;
	_ =	sdelay $0x1  }
0xcc: {  	v10 =	vadd.f32 v13, v10;
	_ =	sdelay $0x1  }
0xcd: {  	(xrf2) =	vadd.scan.msk.f32 $0xffff, v10;
	_ =	sdelay $0x9  }
0xce: {  	v10, _, _ =	vpop (xrf2)  }
0xcf: {  	v10 =	vmul.f32 $1.442695020e+00, v10;
	_ =	sdelay $0x1  }
0xd0: {  	v10 =	vbroadcast v10, $0xF;
	_ =	sdelay $0x1  }
0xd1: {  	(erf) = vpow2.f32 v10;
	_ =	sdelay $0x8  }
0xd2: {  	v10 =	vpop (erf)  }
0xd3: {  	v11 =	vmul.f32 v10, v11;
	v12 =	vmul.f32 v10, v12;
	v14 =	vadd.f32 $0.0e+00, v10  }
0xd4: {  	v13 =	vmul.f32 v10, v15;
	v10 =	vmul.f32 v10, v18  }
0xd5: {  	[tilespmem:s20+$0xFFFFFFC0] =	vst v11  }
0xd6: {  	[tilespmem:s20+$0xFFFFFFD0] =	vst v12  }
0xd7: {  	[tilespmem:s20+$0xFFFFFFF0] =	vst v10  }
0xd8: {  	[tilespmem:s20+$0xFFFFFFE0] =	vst v13  }
0xd9: {  	v10 =	vld [tilespmem:s10+$0x180]  }
0xda: {  	v13 =	vld [tilespmem:s10+$0x2980]  }
0xdb: {  	v15 =	vld [tilespmem:s10+$0x2990]  }
0xdc: {  	v12 =	vld [tilespmem:s10+$0x190]  }
0xdd: {  	v16 =	vld [tilespmem:s10+$0x29A0]  }
0xde: {  	v11 =	vld [tilespmem:s10+$0x1A0]  }
0xdf: {  	v17 =	vadd.f32 v13, v10;
	v18 =	vld [tilespmem:s10+$0x29B0]  }
0xe0: {  	v13 =	vld [tilespmem:s10+$0x1B0]  }
0xe1: {  	v19 =	vmul.f32 $2.000000030e-01, v17;
	v15 =	vadd.f32 v15, v12;
	_ =	sdelay $0x1  }
0xe2: {  	v17 =	vmax.f32 v17, v19;
	v19 =	vmul.f32 $2.000000030e-01, v15;
	v16 =	vadd.f32 v16, v11  }
0xe3: {  	v17 =	vmul.f32 v17, v6  }
0xe4: {  	v15 =	vmax.f32 v15, v19;
	v19 =	vmul.f32 $2.000000030e-01, v16;
	v18 =	vadd.f32 v18, v13  }
0xe5: {  	v17 =	vadd.f32 $0.0e+00, v17;
	v15 =	vmul.f32 v15, v7  }
0xe6: {  	v16 =	vmax.f32 v16, v19;
	v19 =	vmul.f32 $2.000000030e-01, v18  }
0xe7: {  	v15 =	vadd.f32 v15, v17;
	v16 =	vmul.f32 v16, v8  }
0xe8: {  	v17 =	vmax.f32 v18, v19  }
0xe9: {  	v15 =	vadd.f32 v16, v15;
	v16 =	vmul.f32 v17, v9;
	_ =	sdelay $0x1  }
0xea: {  	v15 =	vadd.f32 v16, v15;
	_ =	sdelay $0x1  }
0xeb: {  	(xrf2) =	vadd.scan.msk.f32 $0xffff, v15;
	_ =	sdelay $0x9  }
0xec: {  	v15, _, _ =	vpop (xrf2)  }
.Ltmp1:
0xed: {  	v15 =	vmul.f32 $1.442695020e+00, v15;
	(pc) =	sbr.rel @p0 .LBB2_5-.Ltmp1, $3  }
0xee: {  	_ = 	snop  }
0xef: {  	v15 =	vbroadcast v15, $0xF;
	_ =	sdelay $0x1  }
0xf0: {  	(erf) = vpow2.f32 v15  }
0xf1: {  	_ =	sdelay $0x7  }
0xf2: {  	v15 =	vpop (erf)  }
0xf3: {  	v10 =	vmul.f32 v15, v10  }
0xf4: {  	v12 =	vmul.f32 v15, v12  }
0xf5: {  	v14 =	vnsel vm1, $0x0, v14;
	v16 =	vnsel vm0, $0x0, v15;
	v11 =	vmul.f32 v15, v11;
	[tilespmem:s2+$0x0] =	vst v10  }
0xf6: {  	v14 =	vadd.f32 v16, v14;
	[tilespmem:s2+$0x10] =	vst v12  }
0xf7: {  	s3 =	sadd.s32 $0x1, s3;
	v10 =	vmul.f32 v15, v13;
	[tilespmem:s2+$0x20] =	vst v11  }
0xf8: {  	p0 =	sne.s32 s3, $0xFA;
	[tilespmem:s2+$0x40] =	vst v14  }
.Ltmp2:
0xf9: {  	[tilespmem:s2+$0x30] =	vst v10;
	(pc) =	sbr.rel @p0 .LBB2_4-.Ltmp2, $4  }
0xfa: {  	[spmem:s1] =	stream.indirect.scatter.add.f32 [tilespmem:s22], [sflag:$0x3], $0x90, s23, s23, $0xb8;
	[tilespmem:$0x1DE50] =	vst v63  }
0xfb: {  	_ =	swait.ge [sflag:s21], $0x2D00  }
0xfc: {  	[sflag:s21] =	ssyncset.done $0x0  }
0xfd: {  	[sflag:s21] =	ssyncadd.s32 $0xFFFFD300  }
0xfe: {  	s0 =	stileid.u32;
	s31 =	sadd.s32 $0x1, s31  }
0xff: {  	[bflag:$0x0] =	sbarrier.arrive $0xFFFF;
	s0 =	sshll.u32 s0, $0x6;
	p0 =	sne.s32 s31, s19  }
.Ltmp3:
0x100: {  	s2 =	sshrl.u32 s9, $0x3;
	s0 =	sor.u32 $0x1C03, s0;
	(pc) =	sbr.rel @p0 .LBB2_1-.Ltmp3, $4  }
0x101: {  	[hbm:s18], [sflag:s0] =	dma.local [spmem:s2], $0x2BF2  }
0x102: {  	_ =	swait.ge [sflag:s21], $0x2BF2  }
0x103: {  	[sflag:s21] =	ssyncset.done $0x0  }
0x104: {  	[sflag:s21] =	ssyncadd.s32 $0xFFFFD40E  }
0x105: {  	_ =	sfence.sel $0x180000  }
0x106: {  	[bflag:$0x0] =	sbarrier.arrive $0xFFFF  }
0x107: {  	_ =	strace $0x9000004A  }
0x108: {  	s0 =	stileid.u32;
	[bflag:$0x2] =	sbarrier.arrive $0xFFFF  }
0x109: {  	p0 =	sne.s32 s0, $0x0;
	s0 =	rddreg [dreg:$0x2]  }
0x10a: {  	s0 =	sadd.s32 @!p0 $0x100000, s0  }
0x10b: {  	[sflag:s0] =	ssyncadd.tile.s32 @!p0 $0x1;
	_ =	shalt  }
.Lfunc_end2:
_tile_overlayer_lowered:
.L_overlay_start_2:
0x10c: {  	(tag) =	ssettag $0x2  }
0x10d: {  	s0 =	rddreg [dreg:$0x0];
	s2 =	stileid.u32  }
0x10e: {  	s1 =	rddreg [dreg:$0x1];
	p0 =	sne.s32 s2, $0x0  }
0x10f: {  	s3 =	rddreg [dreg:$0x2];
	[bflag:$0x3] =	sbarrier.arrive $0xFFFF;
	s2 =	simm.s32 @!p0 $0x1C03  }
0x110: {  	[timem:s3], [sflag:s2] =	dma.local @!p0 [hbm:s0], s1  }
0x111: {  	s0 =	simm.s32 @!p0 $0x3  }
0x112: {  	_ =	swait.ge @!p0 [sflag:s0], s1  }
0x113: {  	s1 =	ssub.s32 @!p0 $0x0, s1;
	[sflag:s0] =	ssyncset.done @!p0 $0x0  }
0x114: {  	[sflag:s0] =	ssyncadd.s32 @!p0 s1  }
0x115: {  	[bflag:$0x3] =	sbarrier.arrive $0xFFFF  }
0x116: {  	_ =	shalt  }

// kernel: kernel.17.cloned.1.call-start
scs
__scs_entry_jumppad:
0x0: {  	(pc) =	sbr.rel $0x88, $3  }
0x1: {  	(tag) =	ssettag $0x0;
	lr =	simm.s32 $0x1  }
0x2: {  	[smem:$0x3F8E] =	sst lr;
	_ =	strace $0xD0000000  }
0x3: {  	_ = 	snop  }
0x4: {  	_ = 	snop  }
0x5: {  	_ = 	snop  }
0x6: {  	_ = 	snop  }
0x7: {  	_ = 	snop  }
__scs_overlays_trampoline_lowered:
0x8: {  	[smem:$0x3F9D] =	sst s0  }
0x9: {  	[smem:$0x3F9E] =	sst s1  }
0xa: {  	[smem:$0x3F9F] =	sst s2  }
0xb: {  	[smem:$0x3FA0] =	sst s3  }
0xc: {  	[smem:$0x3FA1] =	sst s4  }
0xd: {  	[smem:$0x3FA2] =	sst s5  }
0xe: {  	[smem:$0x3FA3] =	sst s6  }
0xf: {  	[smem:$0x3FA4] =	sst s7  }
0x10: {  	[smem:$0x3FA5] =	sst s8  }
0x11: {  	[smem:$0x3FA6] =	sst s9;
	s0 =	simm.s32 @!p0 $0x0  }
0x12: {  	s1 =	sld [smem:$0x3F8C];
	s0 =	simm.s32 @p0 $0x1  }
0x13: {  	[smem:$0x3FA7] =	sst s0;
	s0 =	simm.s32 @!p1 $0x0  }
0x14: {  	s2 =	sld [smem:$0x3F8B];
	s0 =	simm.s32 @p1 $0x1  }
0x15: {  	[smem:$0x3FA8] =	sst s0;
	s0 =	simm.s32 @!p2 $0x0  }
0x16: {  	s3 =	sld [smem:$0x3FDB];
	s0 =	simm.s32 @p2 $0x1  }
0x17: {  	s4 =	simm.s32 $0x1BF5;
	[smem:$0x3FAA] =	sst s0  }
0x18: {  	s0 =	sld [smem:$0x3F8D];
	_ =	swait.ge [sflag:s4], $0x0  }
0x19: {  	s7 =	sld [smem:$0x3F8E]  }
0x1a: {  	s8 =	sadd.s32 $0xFFFFE003, lr  }
0x1b: {  	s9 =	sadd.s32 $0xFFFFFEF7, lr;
	s5 =	simm.s32 $0xFFFFFFFF;
	p2 =	slt.u32 s8, $0xFFFFF086  }
0x1c: {  	p1 =	slt.u32 s9, $0xF7A;
	s5 =	simm.s32 @!p2 $0x0  }
0x1d: {  	s5 =	simm.s32 @p1 $0x1;
	p0 =	seq.s32 s7, s2  }
0x1e: {  	s7 =	smul.u32 @!p0 $0xF7A, s2;
	p2 =	seq.s32 @!p0 s5, $0x0  }
0x1f: {  	s9 =	smul.u32 $0xF7A, s1;
	s8 =	simm.s32 @!p0 $0x1BF5;
	p2 =	por !p2, p0  }
0x20: {  	[sflag:s8] =	ssyncset.s32 @!p0 $0xFFFFF086;
	s6 =	sadd.s32 @!p0 s3, s7;
	s7 =	simm.s32 @!p0 $0x108  }
0x21: {  	s3 =	sadd.s32 s3, s9;
	s6 =	sadd.s32 @!p0 $0x88, s6;
	s7 =	simm.s32 @p2 $0x1082  }
0x22: {  	[simem:s7], [sflag:s8] =	dma.local @!p0 [hbm:s6], $0xF7A  }
0x23: {  	s9 =	sor.u32 $0xD0000000, s2;
	s6 =	simm.s32 $0x108;
	_ =	swait.ge @!p0 [sflag:s8], $0x0  }
0x24: {  	s3 =	sadd.s32 $0x88, s3;
	s6 =	simm.s32 @!p1 $0x1082;
	[sflag:s4] =	ssyncset.s32 $0xFFFFF086  }
0x25: {  	[simem:s6], [sflag:s4] =	dma.local [hbm:s3], $0xF7A  }
0x26: {  	[smem:$0x3F8E] =	sst s1;
	(tag) =	ssettag s2;
	_ =	strace s9  }
0x27: {  	s1 =	sld [smem:$0x3F9E]  }
0x28: {  	s2 =	sld [smem:$0x3F9F]  }
0x29: {  	s4 =	sld [smem:$0x3FA1]  }
0x2a: {  	p0 =	seq.s32 s5, $0x0;
	s5 =	sld [smem:$0x3FA2]  }
0x2b: {  	s6 =	sld [smem:$0x3FA3]  }
0x2c: {  	s7 =	sld [smem:$0x3FA4]  }
0x2d: {  	s3 =	simm.s32 $0x108;
	s8 =	sld [smem:$0x3FA5]  }
0x2e: {  	s3 =	simm.s32 @!p0 $0x1082;
	s9 =	sld [smem:$0x3FA6]  }
0x2f: {  	lr =	sadd.s32 s0, s3;
	s0 =	sld [smem:$0x3F9D]  }
0x30: {  	s3 =	sld [smem:$0x3FA0]  }
0x31: {  	[smem:$0x3FA9] =	sst s10  }
0x32: {  	s10 =	sld [smem:$0x3FA7];
	_ =	sdelay $0x3  }
0x33: {  	p0 =	seq.s32 s10, $0x1;
	s10 =	sld [smem:$0x3FA9];
	_ =	sdelay $0x3  }
0x34: {  	[smem:$0x3FA9] =	sst s10  }
0x35: {  	s10 =	sld [smem:$0x3FA8];
	_ =	sdelay $0x3  }
0x36: {  	p1 =	seq.s32 s10, $0x1;
	s10 =	sld [smem:$0x3FA9];
	_ =	sdelay $0x3  }
0x37: {  	[smem:$0x3FA9] =	sst s10  }
0x38: {  	s10 =	sld [smem:$0x3FAA]  }
0x39: {  	_ = 	snop;
	(pc) =	sbr.ind lr, $3  }
0x3a: {  	_ = 	snop  }
0x3b: {  	_ = 	snop  }
0x3c: {  	p2 =	seq.s32 s10, $0x1;
	s10 =	sld [smem:$0x3FA9]  }
0x3d: {  	_ =	shalt  }
0x3e: {  	_ =	shalt  }
0x3f: {  	_ =	shalt  }
0x40: {  	_ =	shalt  }
0x41: {  	_ =	shalt  }
0x42: {  	_ =	shalt  }
0x43: {  	_ =	shalt  }
0x44: {  	_ =	shalt  }
0x45: {  	_ =	shalt  }
0x46: {  	_ =	shalt  }
0x47: {  	_ =	shalt  }
0x48: {  	_ =	shalt  }
0x49: {  	_ =	shalt  }
0x4a: {  	_ =	shalt  }
0x4b: {  	_ =	shalt  }
0x4c: {  	_ =	shalt  }
0x4d: {  	_ =	shalt  }
0x4e: {  	_ =	shalt  }
0x4f: {  	_ =	shalt  }
0x50: {  	_ =	shalt  }
0x51: {  	_ =	shalt  }
0x52: {  	_ =	shalt  }
0x53: {  	_ =	shalt  }
0x54: {  	_ =	shalt  }
0x55: {  	_ =	shalt  }
0x56: {  	_ =	shalt  }
0x57: {  	_ =	shalt  }
0x58: {  	_ =	shalt  }
0x59: {  	_ =	shalt  }
0x5a: {  	_ =	shalt  }
0x5b: {  	_ =	shalt  }
0x5c: {  	_ =	shalt  }
0x5d: {  	_ =	shalt  }
0x5e: {  	_ =	shalt  }
0x5f: {  	_ =	shalt  }
0x60: {  	_ =	shalt  }
0x61: {  	_ =	shalt  }
0x62: {  	_ =	shalt  }
0x63: {  	_ =	shalt  }
0x64: {  	_ =	shalt  }
0x65: {  	_ =	shalt  }
0x66: {  	_ =	shalt  }
0x67: {  	_ =	shalt  }
0x68: {  	_ =	shalt  }
0x69: {  	_ =	shalt  }
0x6a: {  	_ =	shalt  }
0x6b: {  	_ =	shalt  }
0x6c: {  	_ =	shalt  }
0x6d: {  	_ =	shalt  }
0x6e: {  	_ =	shalt  }
0x6f: {  	_ =	shalt  }
0x70: {  	_ =	shalt  }
0x71: {  	_ =	shalt  }
0x72: {  	_ =	shalt  }
0x73: {  	_ =	shalt  }
0x74: {  	_ =	shalt  }
0x75: {  	_ =	shalt  }
0x76: {  	_ =	shalt  }
0x77: {  	_ =	shalt  }
0x78: {  	_ =	shalt  }
0x79: {  	_ =	shalt  }
0x7a: {  	_ =	shalt  }
0x7b: {  	_ =	shalt  }
0x7c: {  	_ =	shalt  }
0x7d: {  	_ =	shalt  }
0x7e: {  	_ =	shalt  }
0x7f: {  	_ =	shalt  }
0x80: {  	_ =	shalt  }
0x81: {  	_ =	shalt  }
0x82: {  	_ =	shalt  }
0x83: {  	_ =	shalt  }
0x84: {  	_ =	shalt  }
0x85: {  	_ =	shalt  }
0x86: {  	_ =	shalt  }
0x87: {  	_ =	shalt  }
.Lfunc_end0:
.L_simem_size_0:
called_computation.2_lowered:
.L_overlay_start_0:
0x88: {  	s2 =	sld [smem:$0x3FD9]  }
0x89: {  	s3 =	sld [smem:$0x3FFE];
	_ =	sdelay $0x1  }
0x8a: {  	s1 =	srdreg.scid  }
0x8b: {  	s0 =	sand.u32 $0x1, s1  }
0x8c: {  	s17 =	sshll.u32 s0, $0xA;
	s2 =	sadd.s32 s3, s2  }
0x8d: {  	s2 =	sadd.s32 s2, s17  }
0x8e: {  	[smem:$0x3FB5] =	sst s2  }
0x8f: {  	_ = 	snop  }
0x90: {  	s2 =	sld [smem:$0x3FD0];
	(tm) =	ssettm $0x1  }
0x91: {  	s18 =	sld [smem:$0x3FFB];
	_ =	sdelay $0x3  }
0x92: {  	_ =	strace s18  }
0x93: {  	s3 =	sld [smem:$0x3FFC];
	_ =	sdelay $0x3  }
0x94: {  	_ =	strace s3  }
0x95: {  	s3 =	sld [smem:$0x3FFD];
	_ =	sdelay $0x3  }
0x96: {  	_ =	strace s3  }
0x97: {  	_ =	strace $0x8FFFFFFF  }
0x98: {  	s19 =	sld [smem:$0x3FDB];
	_ =	sdelay $0x1  }
0x99: {  	s4 =	simm.s32 $_scs_section_size  }
0x9a: {  	s5 =	simm.s32 $_size__tile_overlayer_lowered;
	s6 =	simm.s32 $_tile_overlayer_lowered  }
0x9b: {  	s22 =	simm.s32 $0x1BFF;
	s21 =	sshll.u32 s6, $0x1;
	s3 =	sadd.s32 s4, s19  }
0x9c: {  	s7 =	simm.s32 $0x0;
	s20 =	sshll.u32 s5, $0x1;
	s5 =	sadd.s32 s21, s3  }
0x9d: {  	[timem:s7], [sflag:s22] =	dma.local [hbm:s5], s20  }
0x9e: {  	_ =	swait.ge [sflag:s22], s20  }
0x9f: {  	s4 =	ssub.s32 $0x0, s20;
	[sflag:s22] =	ssyncset.done $0x0  }
0xa0: {  	[sflag:s22] =	ssyncadd.s32 s4;
	_ =	sdelay $0x1  }
0xa1: {  	s23 =	simm.s32 $0x1B8B  }
0xa2: {  	_ =	swait.ge [sflag:s23], $0x1  }
0xa3: {  	[sflag:s23] =	ssyncset.done $0x0  }
0xa4: {  	s25 =	simm.s32 $0x1B8E;
	s24 =	sld [smem:$0x3FFE];
	[sflag:s23] =	ssyncadd.s32 $0xFFFFFFFF  }
0xa5: {  	s26 =	simm.s32 $execute0_lowered;
	[smem:$0x3FD2] =	sst s25  }
0xa6: {  	s5 =	sshll.u32 s26, $0x1;
	_ =	strace $0x8000004C;
	[dreg:$0x1] =	wrdreg $0xFFFFFFFF  }
0xa7: {  	s28 =	simm.s32 $_size_execute0_lowered;
	s3 =	sadd.s32 s3, s5;
	[dreg:$0x0] =	wrdreg $0x0  }
0xa8: {  	s5 =	sshll.u32 s28, $0x1;
	[dreg:$0x2] =	wrdreg s3  }
0xa9: {  	[dreg:$0x3] =	wrdreg s5  }
0xaa: {  	[dreg:$0x4] =	wrdreg $0xC0  }
0xab: {  	_ =	task [dreg:s7], $0x5FFFF  }
0xac: {  	[dreg:$0x1] =	wrdreg $0xFFFFFFFF  }
0xad: {  	[dreg:$0x0] =	wrdreg $0x60  }
0xae: {  	[dreg:$0x2] =	wrdreg s24  }
0xaf: {  	[dreg:$0x3] =	wrdreg s2  }
0xb0: {  	[dreg:$0x4] =	wrdreg $0x7EC00  }
0xb1: {  	[dreg:$0x5] =	wrdreg $0x9  }
0xb2: {  	_ =	task.clear_ibuf [dreg:s7], $0x6FFFF;
	_ =	strace $0x9000004C  }
0xb3: {  	s29 =	simm.s32 $0x9;
	_ =	strace $0x8000004E  }
0xb4: {  	_ =	swait.ge [sflag:s29], $0x1  }
0xb5: {  	[sflag:s29] =	ssyncadd.s32 $0xFFFFFFFF  }
0xb6: {  	_ =	strace $0x9000004E  }
0xb7: {  	_ =	sfence  }
0xb8: {  	s30 =	sld [smem:$0x0];
	_ =	sdelay $0x2  }
0xb9: {  	s31 =	sshll.u32 s1, $0xD;
	s1 =	sshrl.u32 s1, $0x2  }
0xba: {  	s3 =	sand.u32 $0x4000, s31;
	s1 =	sadd.s32 s1, s30  }
0xbb: {  	s0 =	sor.u32 s3, s0;
	s1 =	sshll.u32 s1, $0x11  }
0xbc: {  	s0 =	sor.u32 s1, s0  }
0xbd: {  	s0 =	sadd.s32 $0x8F2B, s0  }
0xbe: {  	[sflag:s0] =	ssyncadd.remote.s32 $0x1  }
0xbf: {  	_ =	sfence.sel $0xFFFF  }
0xc0: {  	[dreg:$0x0] =	wrdreg $0xFFFFFFFF;
	(pc) =	sbr.abs _section_cstart, $3  }
0xc1: {  	[dreg:$0x1] =	wrdreg $0xFFFFFFFF  }
0xc2: {  	_ =	task.clear_ibuf [dreg:s7], $0x2FFFF;
	_ =	strace $0x9FFFFFFF  }
0xc3: {  	(tm) =	ssettm $0x7FFFFFFF  }
tec
execute0_lowered:
.L_overlay_start_1:
0x0: {  	(tag) =	ssettag $0x1  }
0x1: {  	s0 =	rddreg [dreg:$0x0]  }
0x2: {  	s1 =	rddreg [dreg:$0x1]  }
0x3: {  	s2 =	rddreg [dreg:$0x2];
	s3 =	srdreg.scid  }
0x4: {  	s15 =	stileid.u32;
	s4 =	simm.s32 $0x0;
	s28 =	simm.s32 $0x140  }
0x5: {  	s29 =	simm.s32 $0xF0;
	s30 =	simm.s32 $0x2940;
	s8 =	smul.u32 $0x15F90, s15  }
0x6: {  	s31 =	simm.s32 $0x0;
	s3 =	sand.u32 $0x1, s3;
	s11 =	smul.u32 $0x57E40, s15  }
0x7: {  	[smem:$0x7FF] =	sst s4;
	s4 =	sadd.s32 $0x18400, s0;
	s15 =	smul.u32 $0x4E20, s15  }
0x8: {  	s5 =	sadd.s32 $0x66600, s0;
	s6 =	sadd.s32 $0xE600, s0;
	s7 =	smul.u32 $0x15F900, s3  }
0x9: {  	_ =	strace $0x8000004D;
	s10 =	ssub.s32 $0x2, s3;
	s22 =	sshll.u32 s3, $0x4  }
0xa: {  	s25 =	smul.u32 $0x2710, s3;
	s26 =	sshll.u32 s3, $0x1;
	s3 =	sshllo.u32 s3, $0x1  }
0xb: {  	s21 =	sshrl.u32 s10, $0x1;
	s11 =	sshrl.u32 s11, $0x2;
	s1 =	sadd.s32 s1, s22  }
0xc: {  	s22 =	simm.s32 $0x5140;
	v2 =	vmov s26;
	s26 =	simm.s32 $0xA0;
	s7 =	sadd.s32 s8, s7  }
0xd: {  	s10 =	ssub.s32 s10, s21;
	[dreg:$0x4] =	wrdreg s1;
	s23 =	sadd.s32 s11, s2  }
0xe: {  	s21 =	simm.s32 $0x3;
	v0 =	vmov s25;
	s25 =	simm.s32 $0x2;
	s9 =	sshrl.u32 s7, $0x3  }
0xf: {  	s7 =	sadd.s32 $0x4800, s0;
	s24 =	sadd.s32 $0x2D00, s23;
	s11 =	sadd.s32 $0x5A00, s23  }
0x10: {  	s12 =	sadd.s32 $0x8700, s23;
	s13 =	sadd.s32 $0xB400, s23;
	s14 =	sadd.s32 $0xE100, s23  }
0x11: {  	s16 =	sadd.s32 $0x10E00, s23;
	s17 =	sadd.s32 $0x13B00, s23;
	s19 =	smax.u32 s10, $0x1  }
0x12: {  	v4 =	vlaneseq.u32;
	v3 =	vmov s3;
	s23 =	simm.s32 $0x50;
	s0 =	sadd.s32 s9, s0;
	s9 =	sadd.s32 s8, s2  }
0x13: {  	v1 =	vimm.f32 $0.0e+00;
	vm0 =	veq.s32 v3, v4;
	vm1 =	veq.s32 v2, v4;
	[dreg:$0x5] =	wrdreg s24;
	s24 =	simm.s32 $0x1;
	s18 =	sadd.s32 $0xB4800, s0  }
.LBB2_1:
0x14: {  	s0 =	simm.s32 $0x0;
	s1 =	rddreg [dreg:$0x4];
	s3 =	simm.s32 $0x7E40  }
0x15: {  	[tilespmem:s3], [sflag:$0x3] =	stream.linear.gather [hbm4b:s1+s0], $0x80, $0x38;
	[tilespmem:$0x1DE50] =	vst v63  }
0x16: {  	_ =	swait.ge [sflag:s21], $0x80  }
0x17: {  	[sflag:s21] =	ssyncset.done $0x0  }
0x18: {  	s0 =	simm.s32 $0x0;
	s1 =	simm.s32 $0x240;
	[sflag:s21] =	ssyncadd.s32 $0xFFFFFF80  }
.LBB2_2:
0x19: {  	p0 =	sne.s32 s1, $0xB1C0;
	[tilespmem:s0+$0x51C0] =	vst v1  }
0x1a: {  	[tilespmem:s0+$0x5140] =	vst v1  }
0x1b: {  	[tilespmem:s0+$0x5150] =	vst v1  }
0x1c: {  	[tilespmem:s0+$0x5160] =	vst v1  }
.Ltmp0:
0x1d: {  	[tilespmem:s0+$0x5170] =	vst v1;
	(pc) =	sbr.rel @p0 .LBB2_2-.Ltmp0, $4  }
0x1e: {  	[tilespmem:s0+$0x5180] =	vst v1  }
0x1f: {  	[tilespmem:s0+$0x5190] =	vst v1  }
0x20: {  	[tilespmem:s0+$0x51A0] =	vst v1  }
0x21: {  	[tilespmem:s0+$0x51B0] =	vst v1;
	s0 =	sshra.s32 s1, $0x2;
	s1 =	sadd.s32 $0x240, s1  }
0x22: {  	[tilespmem:s0+$0x51C0] =	vst v1  }
0x23: {  	[tilespmem:s0+$0x5140] =	vst v1  }
0x24: {  	[tilespmem:s0+$0x5150] =	vst v1  }
0x25: {  	[tilespmem:s0+$0x5160] =	vst v1  }
0x26: {  	[tilespmem:s0+$0x5170] =	vst v1  }
0x27: {  	[tilespmem:s0+$0x5180] =	vst v1  }
0x28: {  	[tilespmem:s0+$0x5190] =	vst v1  }
0x29: {  	[tilespmem:s0+$0x51A0] =	vst v1  }
0x2a: {  	[tilespmem:s0+$0x51B0] =	vst v1  }
0x2b: {  	[spmem:s9] =	stream.linear.scatter [tilespmem:s22], [sflag:$0x3], $0x2D00, $0x38;
	[tilespmem:$0x1DE50] =	vst v63  }
0x2c: {  	_ =	swait.ge [sflag:s21], $0x2D00  }
0x2d: {  	[sflag:s21] =	ssyncset.done $0x0  }
0x2e: {  	s20 =	rddreg [dreg:$0x5];
	[sflag:s21] =	ssyncadd.s32 $0xFFFFD300  }
0x2f: {  	[spmem:s20] =	stream.linear.scatter [tilespmem:s22], [sflag:$0x3], $0x2D00, $0x38;
	[tilespmem:$0x1DE50] =	vst v63  }
0x30: {  	_ =	swait.ge [sflag:s21], $0x2D00  }
0x31: {  	[sflag:s21] =	ssyncset.done $0x0  }
0x32: {  	[sflag:s21] =	ssyncadd.s32 $0xFFFFD300  }
0x33: {  	[spmem:s11] =	stream.linear.scatter [tilespmem:s22], [sflag:$0x3], $0x2D00, $0x38;
	[tilespmem:$0x1DE50] =	vst v63  }
0x34: {  	_ =	swait.ge [sflag:s21], $0x2D00  }
0x35: {  	[sflag:s21] =	ssyncset.done $0x0  }
0x36: {  	[sflag:s21] =	ssyncadd.s32 $0xFFFFD300  }
0x37: {  	[spmem:s12] =	stream.linear.scatter [tilespmem:s22], [sflag:$0x3], $0x2D00, $0x38;
	[tilespmem:$0x1DE50] =	vst v63  }
0x38: {  	_ =	swait.ge [sflag:s21], $0x2D00  }
0x39: {  	[sflag:s21] =	ssyncset.done $0x0  }
0x3a: {  	[sflag:s21] =	ssyncadd.s32 $0xFFFFD300  }
0x3b: {  	[spmem:s13] =	stream.linear.scatter [tilespmem:s22], [sflag:$0x3], $0x2D00, $0x38;
	[tilespmem:$0x1DE50] =	vst v63  }
0x3c: {  	_ =	swait.ge [sflag:s21], $0x2D00  }
0x3d: {  	[sflag:s21] =	ssyncset.done $0x0  }
0x3e: {  	[sflag:s21] =	ssyncadd.s32 $0xFFFFD300  }
0x3f: {  	[spmem:s14] =	stream.linear.scatter [tilespmem:s22], [sflag:$0x3], $0x2D00, $0x38;
	[tilespmem:$0x1DE50] =	vst v63  }
0x40: {  	_ =	swait.ge [sflag:s21], $0x2D00  }
0x41: {  	[sflag:s21] =	ssyncset.done $0x0  }
0x42: {  	[sflag:s21] =	ssyncadd.s32 $0xFFFFD300  }
0x43: {  	[spmem:s16] =	stream.linear.scatter [tilespmem:s22], [sflag:$0x3], $0x2D00, $0x38;
	[tilespmem:$0x1DE50] =	vst v63  }
0x44: {  	_ =	swait.ge [sflag:s21], $0x2D00  }
0x45: {  	[sflag:s21] =	ssyncset.done $0x0  }
0x46: {  	[sflag:s21] =	ssyncadd.s32 $0xFFFFD300  }
0x47: {  	[spmem:s17] =	stream.linear.scatter [tilespmem:s22], [sflag:$0x3], $0x2490, $0x38;
	[tilespmem:$0x1DE50] =	vst v63  }
0x48: {  	_ =	swait.ge [sflag:s21], $0x2490  }
0x49: {  	[sflag:s21] =	ssyncset.done $0x0  }
0x4a: {  	[sflag:s21] =	ssyncadd.s32 $0xFFFFDB70  }
0x4b: {  	[bflag:$0x0] =	sbarrier.arrive $0xFFFF  }
0x4c: {  	v2 =	vld [tilespmem:$0x7E40]  }
0x4d: {  	v3 =	vld [tilespmem:$0x7E50]  }
0x4e: {  	v4 =	vld [tilespmem:$0x7E60]  }
0x4f: {  	v5 =	vld [tilespmem:$0x7E70]  }
0x50: {  	v6 =	vld [tilespmem:$0x7E80]  }
0x51: {  	v7 =	vld [tilespmem:$0x7E90]  }
0x52: {  	v8 =	vld [tilespmem:$0x7EA0]  }
0x53: {  	s0 =	simm.s32 $0x0;
	s3 =	simm.s32 $0x0;
	v9 =	vld [tilespmem:$0x7EB0]  }
.LBB2_4:
0x54: {  	s1 =	smul.u32 $0x50, s3;
	_ =	sdelay $0x1  }
0x55: {  	s1 =	sadd.s32 s15, s1  }
0x56: {  	s1 =	sshrl.u32 s1, $0x3  }
0x57: {  	s8 =	sadd.s32 s6, s1  }
0x58: {  	[tilespmem:s0], [sflag:$0x1] =	stream.linear.gather [hbm4b:s8+s0], $0x50, $0x38;
	[tilespmem:$0x1DE50] =	vst v63  }
0x59: {  	s1 =	sadd.s32 s7, s1  }
0x5a: {  	[tilespmem:s23], [sflag:$0x2] =	stream.linear.gather [hbm4b:s1+s0], $0x50, $0x38;
	[tilespmem:$0x1DE50] =	vst v63  }
0x5b: {  	_ =	swait.ge [sflag:s24], $0x50  }
0x5c: {  	[sflag:s24] =	ssyncset.done $0x0  }
0x5d: {  	[sflag:s24] =	ssyncadd.s32 $0xFFFFFFB0  }
0x5e: {  	_ =	swait.ge [sflag:s25], $0x50  }
0x5f: {  	[sflag:s25] =	ssyncset.done $0x0  }
0x60: {  	[sflag:s25] =	ssyncadd.s32 $0xFFFFFFB0  }
0x61: {  	v10 =	vld [tilespmem:$0x0]  }
0x62: {  	v11 =	vld [tilespmem:$0x50]  }
0x63: {  	v12 =	vld [tilespmem:$0x10]  }
0x64: {  	v13 =	vld [tilespmem:$0x60]  }
0x65: {  	v14 =	vld [tilespmem:$0x20]  }
0x66: {  	v15 =	vld [tilespmem:$0x70];
	v10 =	vadd.s32 v0, v10  }
0x67: {  	[tilespmem:$0xA0] =	vst v10;
	v10 =	vadd.s32 v0, v11;
	v11 =	vld [tilespmem:$0x30]  }
0x68: {  	[tilespmem:$0xF0] =	vst v10;
	v10 =	vadd.s32 v0, v12;
	v12 =	vld [tilespmem:$0x80]  }
0x69: {  	[tilespmem:$0xB0] =	vst v10;
	v10 =	vadd.s32 v0, v13;
	v13 =	vld [tilespmem:$0x40]  }
0x6a: {  	[tilespmem:$0x100] =	vst v10;
	v10 =	vadd.s32 v0, v14;
	v14 =	vld [tilespmem:$0x90]  }
0x6b: {  	[tilespmem:$0xC0] =	vst v10;
	v10 =	vadd.s32 v0, v15  }
0x6c: {  	[tilespmem:$0x110] =	vst v10;
	v10 =	vadd.s32 v0, v11  }
0x6d: {  	[tilespmem:$0xD0] =	vst v10;
	v10 =	vadd.s32 v0, v12  }
0x6e: {  	[tilespmem:$0x120] =	vst v10;
	v10 =	vadd.s32 v0, v13  }
0x6f: {  	[tilespmem:$0xE0] =	vst v10;
	v10 =	vadd.s32 v0, v14  }
0x70: {  	[tilespmem:$0x130] =	vst v10  }
0x71: {  	[tilespmem:s28], [sflag:$0x1] =	stream.indirect.gather [hbm4b:s4+s23], $0x80, s26, s23, $0xb8;
	[tilespmem:$0x1DE50] =	vst v63  }
0x72: {  	_ = 	snop  }
0x73: {  	[tilespmem:s30], [sflag:$0x2] =	stream.indirect.gather [hbm4b:s5+s23], $0x80, s29, s23, $0xb8;
	[tilespmem:$0x1DE50] =	vst v63  }
0x74: {  	_ =	swait.ge [sflag:s24], $0x2800  }
0x75: {  	[sflag:s24] =	ssyncset.done $0x0  }
0x76: {  	[sflag:s24] =	ssyncadd.s32 $0xFFFFD800  }
0x77: {  	_ =	swait.ge [sflag:s25], $0x2800  }
0x78: {  	[sflag:s25] =	ssyncset.done $0x0  }
0x79: {  	s10 =	simm.s32 $0x0;
	[sflag:s25] =	ssyncadd.s32 $0xFFFFD800  }
0x7a: {  	v10 =	vld [tilespmem:s10+$0x140]  }
0x7b: {  	v11 =	vld [tilespmem:s10+$0x2940]  }
0x7c: {  	v12 =	vld [tilespmem:s10+$0x2950]  }
0x7d: {  	v13 =	vld [tilespmem:s10+$0x150]  }
0x7e: {  	v14 =	vld [tilespmem:s10+$0x2960]  }
0x7f: {  	v15 =	vld [tilespmem:s10+$0x160]  }
0x80: {  	v16 =	vld [tilespmem:s10+$0x2970];
	v11 =	vadd.f32 v11, v10  }
0x81: {  	v17 =	vld [tilespmem:s10+$0x170]  }
0x82: {  	v12 =	vadd.f32 v12, v13;
	v18 =	vmul.f32 $2.000000030e-01, v11;
	_ =	sdelay $0x1  }
0x83: {  	v14 =	vadd.f32 v14, v15;
	v19 =	vmul.f32 $2.000000030e-01, v12;
	v11 =	vmax.f32 v11, v18  }
0x84: {  	v11 =	vmul.f32 v11, v2  }
0x85: {  	v16 =	vadd.f32 v16, v17;
	v53 =	vmul.f32 $2.000000030e-01, v14;
	v12 =	vmax.f32 v12, v19  }
0x86: {  	v12 =	vmul.f32 v12, v3;
	v11 =	vadd.f32 $0.0e+00, v11  }
0x87: {  	v54 =	vmul.f32 $2.000000030e-01, v16;
	v14 =	vmax.f32 v14, v53  }
0x88: {  	v11 =	vadd.f32 v12, v11;
	v12 =	vmul.f32 v14, v4  }
0x89: {  	v14 =	vmax.f32 v16, v54  }
0x8a: {  	v11 =	vadd.f32 v12, v11;
	v12 =	vmul.f32 v14, v5;
	_ =	sdelay $0x1  }
0x8b: {  	v11 =	vadd.f32 v12, v11;
	_ =	sdelay $0x1  }
0x8c: {  	(xrf2) =	vadd.scan.msk.f32 $0xffff, v11;
	_ =	sdelay $0x9  }
0x8d: {  	v11, _, _ =	vpop (xrf2)  }
0x8e: {  	v11 =	vmul.f32 $1.442695020e+00, v11;
	_ =	sdelay $0x1  }
0x8f: {  	v11 =	vbroadcast v11, $0xF;
	_ =	sdelay $0x1  }
0x90: {  	(erf) = vpow2.f32 v11;
	_ =	sdelay $0x8  }
0x91: {  	v14 =	vpop (erf)  }
0x92: {  	v10 =	vmul.f32 v14, v10  }
0x93: {  	s20 =	simm.s32 $0x5180;
	v11 =	vmul.f32 v14, v13  }
0x94: {  	v12 =	vmul.f32 v14, v17;
	[tilespmem:s20+$0xFFFFFFC0] =	vst v10  }
0x95: {  	v10 =	vmul.f32 v14, v15;
	[tilespmem:s20+$0xFFFFFFD0] =	vst v11  }
0x96: {  	[tilespmem:s20+$0xFFFFFFF0] =	vst v12  }
0x97: {  	[tilespmem:s20+$0xFFFFFFE0] =	vst v10  }
0x98: {  	v10 =	vld [tilespmem:s10+$0x180]  }
0x99: {  	v13 =	vld [tilespmem:s10+$0x2980]  }
0x9a: {  	v15 =	vld [tilespmem:s10+$0x2990]  }
0x9b: {  	v12 =	vld [tilespmem:s10+$0x190]  }
0x9c: {  	v55 =	vld [tilespmem:s10+$0x29A0]  }
0x9d: {  	v11 =	vld [tilespmem:s10+$0x1A0]  }
0x9e: {  	v57 =	vld [tilespmem:s10+$0x29B0];
	v56 =	vadd.f32 v13, v10  }
0x9f: {  	v13 =	vld [tilespmem:s10+$0x1B0]  }
0xa0: {  	v15 =	vadd.f32 v15, v12;
	v58 =	vmul.f32 $2.000000030e-01, v56;
	_ =	sdelay $0x1  }
0xa1: {  	v16 =	vadd.f32 v55, v11;
	v59 =	vmul.f32 $2.000000030e-01, v15;
	v17 =	vmax.f32 v56, v58  }
0xa2: {  	v17 =	vmul.f32 v17, v6  }
0xa3: {  	v60 =	vmul.f32 $2.000000030e-01, v16;
	v15 =	vmax.f32 v15, v59;
	v18 =	vadd.f32 v57, v13  }
0xa4: {  	v15 =	vmul.f32 v15, v7;
	v17 =	vadd.f32 $0.0e+00, v17  }
0xa5: {  	v16 =	vmax.f32 v16, v60;
	v61 =	vmul.f32 $2.000000030e-01, v18  }
0xa6: {  	v16 =	vmul.f32 v16, v8;
	v15 =	vadd.f32 v15, v17  }
0xa7: {  	v62 =	vmax.f32 v18, v61  }
0xa8: {  	v63 =	vmul.f32 v62, v9;
	v15 =	vadd.f32 v16, v15;
	_ =	sdelay $0x1  }
0xa9: {  	v15 =	vadd.f32 v63, v15;
	_ =	sdelay $0x1  }
0xaa: {  	(xrf2) =	vadd.scan.msk.f32 $0xffff, v15;
	_ =	sdelay $0x9  }
0xab: {  	v15, _, _ =	vpop (xrf2)  }
0xac: {  	v15 =	vmul.f32 $1.442695020e+00, v15;
	_ =	sdelay $0x1  }
0xad: {  	v15 =	vbroadcast v15, $0xF;
	_ =	sdelay $0x1  }
0xae: {  	s8 =	simm.s32 $0x200;
	s1 =	simm.s32 $0x5180;
	v14 =	vadd.f32 $0.0e+00, v14;
	(erf) = vpow2.f32 v15  }
.LBB2_5:
0xaf: {  	_ =	sdelay $0x3  }
0xb0: {  	p0 =	sne.s32 s8, $0x9E00  }
0xb1: {  	s20 =	sadd.s32 $0x90, s20;
	s10 =	smov.u32 s8;
	s8 =	sadd.s32 $0x200, s8  }
0xb2: {  	_ =	sdelay $0x1  }
0xb3: {  	v14 =	vnsel vm1, $0x0, v14;
	v15 =	vpop (erf)  }
0xb4: {  	v10 =	vmul.f32 v15, v10;
	v12 =	vmul.f32 v15, v12;
	v16 =	vnsel vm0, $0x0, v15  }
0xb5: {  	v11 =	vmul.f32 v15, v11;
	v13 =	vmul.f32 v15, v13;
	v14 =	vadd.f32 v16, v14  }
0xb6: {  	[tilespmem:s1+$0x0] =	vst v10  }
0xb7: {  	[tilespmem:s1+$0x10] =	vst v12  }
0xb8: {  	[tilespmem:s1+$0x40] =	vst v14  }
0xb9: {  	[tilespmem:s1+$0x30] =	vst v13  }
0xba: {  	s10 =	sshra.s32 s10, $0x2;
	[tilespmem:s1+$0x20] =	vst v11;
	s1 =	smov.u32 s20  }
0xbb: {  	v10 =	vld [tilespmem:s10+$0x2950]  }
0xbc: {  	v11 =	vld [tilespmem:s10+$0x140]  }
0xbd: {  	v12 =	vld [tilespmem:s10+$0x150]  }
0xbe: {  	v13 =	vld [tilespmem:s10+$0x2940];
	_ =	sdelay $0x2  }
0xbf: {  	v14 =	vld [tilespmem:s10+$0x2960]  }
0xc0: {  	v10 =	vadd.f32 v10, v12;
	v15 =	vld [tilespmem:s10+$0x160]  }
0xc1: {  	v13 =	vadd.f32 v13, v11;
	v16 =	vld [tilespmem:s10+$0x2970]  }
0xc2: {  	v17 =	vmul.f32 $2.000000030e-01, v10;
	v18 =	vld [tilespmem:s10+$0x170]  }
0xc3: {  	v19 =	vmul.f32 $2.000000030e-01, v13  }
0xc4: {  	v10 =	vmax.f32 v10, v17  }
0xc5: {  	v13 =	vmax.f32 v13, v19;
	v14 =	vadd.f32 v14, v15  }
0xc6: {  	v13 =	vmul.f32 v13, v2  }
0xc7: {  	v17 =	vmul.f32 $2.000000030e-01, v14;
	v16 =	vadd.f32 v16, v18  }
0xc8: {  	v10 =	vmul.f32 v10, v3;
	v13 =	vadd.f32 $0.0e+00, v13  }
0xc9: {  	v14 =	vmax.f32 v14, v17;
	v17 =	vmul.f32 $2.000000030e-01, v16  }
0xca: {  	v10 =	vadd.f32 v10, v13;
	v13 =	vmul.f32 v14, v4  }
0xcb: {  	v14 =	vmax.f32 v16, v17  }
0xcc: {  	v10 =	vadd.f32 v13, v10;
	v13 =	vmul.f32 v14, v5;
	_ =	sdelay $0x1  }
0xcd: {  	v10 =	vadd.f32 v13, v10;
	_ =	sdelay $0x1  }
0xce: {  	(xrf2) =	vadd.scan.msk.f32 $0xffff, v10;
	_ =	sdelay $0x9  }
0xcf: {  	v10, _, _ =	vpop (xrf2)  }
0xd0: {  	v10 =	vmul.f32 $1.442695020e+00, v10;
	_ =	sdelay $0x1  }
0xd1: {  	v10 =	vbroadcast v10, $0xF;
	_ =	sdelay $0x1  }
0xd2: {  	(erf) = vpow2.f32 v10;
	_ =	sdelay $0x8  }
0xd3: {  	v10 =	vpop (erf)  }
0xd4: {  	v11 =	vmul.f32 v10, v11;
	v12 =	vmul.f32 v10, v12;
	v14 =	vadd.f32 $0.0e+00, v10  }
0xd5: {  	v13 =	vmul.f32 v10, v15;
	v10 =	vmul.f32 v10, v18  }
0xd6: {  	[tilespmem:s20+$0xFFFFFFC0] =	vst v11  }
0xd7: {  	[tilespmem:s20+$0xFFFFFFD0] =	vst v12  }
0xd8: {  	[tilespmem:s20+$0xFFFFFFF0] =	vst v10  }
0xd9: {  	[tilespmem:s20+$0xFFFFFFE0] =	vst v13  }
0xda: {  	v10 =	vld [tilespmem:s10+$0x180]  }
0xdb: {  	v13 =	vld [tilespmem:s10+$0x2980]  }
0xdc: {  	v15 =	vld [tilespmem:s10+$0x2990]  }
0xdd: {  	v12 =	vld [tilespmem:s10+$0x190]  }
0xde: {  	v16 =	vld [tilespmem:s10+$0x29A0]  }
0xdf: {  	v11 =	vld [tilespmem:s10+$0x1A0]  }
0xe0: {  	v17 =	vadd.f32 v13, v10;
	v18 =	vld [tilespmem:s10+$0x29B0]  }
0xe1: {  	v13 =	vld [tilespmem:s10+$0x1B0]  }
0xe2: {  	v19 =	vmul.f32 $2.000000030e-01, v17;
	v15 =	vadd.f32 v15, v12;
	_ =	sdelay $0x1  }
0xe3: {  	v17 =	vmax.f32 v17, v19;
	v19 =	vmul.f32 $2.000000030e-01, v15;
	v16 =	vadd.f32 v16, v11  }
0xe4: {  	v17 =	vmul.f32 v17, v6  }
0xe5: {  	v15 =	vmax.f32 v15, v19;
	v19 =	vmul.f32 $2.000000030e-01, v16;
	v18 =	vadd.f32 v18, v13  }
0xe6: {  	v17 =	vadd.f32 $0.0e+00, v17;
	v15 =	vmul.f32 v15, v7  }
0xe7: {  	v16 =	vmax.f32 v16, v19;
	v19 =	vmul.f32 $2.000000030e-01, v18  }
0xe8: {  	v15 =	vadd.f32 v15, v17;
	v16 =	vmul.f32 v16, v8  }
0xe9: {  	v17 =	vmax.f32 v18, v19  }
0xea: {  	v15 =	vadd.f32 v16, v15;
	v16 =	vmul.f32 v17, v9;
	_ =	sdelay $0x1  }
0xeb: {  	v15 =	vadd.f32 v16, v15;
	_ =	sdelay $0x1  }
0xec: {  	(xrf2) =	vadd.scan.msk.f32 $0xffff, v15;
	_ =	sdelay $0x9  }
0xed: {  	v15, _, _ =	vpop (xrf2)  }
.Ltmp1:
0xee: {  	v15 =	vmul.f32 $1.442695020e+00, v15;
	(pc) =	sbr.rel @p0 .LBB2_5-.Ltmp1, $3  }
0xef: {  	_ = 	snop  }
0xf0: {  	v15 =	vbroadcast v15, $0xF;
	_ =	sdelay $0x1  }
0xf1: {  	(erf) = vpow2.f32 v15  }
0xf2: {  	_ =	sdelay $0x7  }
0xf3: {  	v15 =	vpop (erf)  }
0xf4: {  	v10 =	vmul.f32 v15, v10  }
0xf5: {  	v12 =	vmul.f32 v15, v12  }
0xf6: {  	v14 =	vnsel vm1, $0x0, v14;
	v16 =	vnsel vm0, $0x0, v15;
	v11 =	vmul.f32 v15, v11;
	[tilespmem:s1+$0x0] =	vst v10  }
0xf7: {  	v14 =	vadd.f32 v16, v14;
	[tilespmem:s1+$0x10] =	vst v12  }
0xf8: {  	s3 =	sadd.s32 $0x1, s3;
	v10 =	vmul.f32 v15, v13;
	[tilespmem:s1+$0x20] =	vst v11  }
0xf9: {  	p0 =	sne.s32 s3, $0xFA;
	[tilespmem:s1+$0x40] =	vst v14  }
.Ltmp2:
0xfa: {  	[tilespmem:s1+$0x30] =	vst v10;
	(pc) =	sbr.rel @p0 .LBB2_4-.Ltmp2, $4  }
0xfb: {  	[spmem:s2] =	stream.indirect.scatter.add.f32 [tilespmem:s22], [sflag:$0x3], $0x90, s23, s23, $0xb8;
	[tilespmem:$0x1DE50] =	vst v63  }
0xfc: {  	_ =	swait.ge [sflag:s21], $0x2D00  }
0xfd: {  	[sflag:s21] =	ssyncset.done $0x0  }
0xfe: {  	[sflag:s21] =	ssyncadd.s32 $0xFFFFD300  }
0xff: {  	s0 =	stileid.u32;
	s31 =	sadd.s32 $0x1, s31  }
0x100: {  	[bflag:$0x0] =	sbarrier.arrive $0xFFFF;
	s0 =	sshll.u32 s0, $0x6;
	p0 =	sne.s32 s31, s19  }
.Ltmp3:
0x101: {  	s1 =	sshrl.u32 s9, $0x3;
	s0 =	sor.u32 $0x1C03, s0;
	(pc) =	sbr.rel @p0 .LBB2_1-.Ltmp3, $4  }
0x102: {  	[hbm:s18], [sflag:s0] =	dma.local [spmem:s1], $0x2BF2  }
0x103: {  	_ =	swait.ge [sflag:s21], $0x2BF2  }
0x104: {  	[sflag:s21] =	ssyncset.done $0x0  }
0x105: {  	[sflag:s21] =	ssyncadd.s32 $0xFFFFD40E  }
0x106: {  	_ =	sfence.sel $0x180000  }
0x107: {  	[bflag:$0x0] =	sbarrier.arrive $0xFFFF  }
0x108: {  	_ =	strace $0x9000004D  }
0x109: {  	s0 =	stileid.u32;
	[bflag:$0x2] =	sbarrier.arrive $0xFFFF  }
0x10a: {  	p0 =	sne.s32 s0, $0x0;
	s0 =	rddreg [dreg:$0x3]  }
0x10b: {  	s0 =	sadd.s32 @!p0 $0x100000, s0  }
0x10c: {  	[sflag:s0] =	ssyncadd.tile.s32 @!p0 $0x1;
	_ =	shalt  }
.Lfunc_end2:
_tile_overlayer_lowered:
.L_overlay_start_2:
0x10d: {  	(tag) =	ssettag $0x2  }
0x10e: {  	s0 =	rddreg [dreg:$0x0];
	s2 =	stileid.u32  }
0x10f: {  	s1 =	rddreg [dreg:$0x1];
	p0 =	sne.s32 s2, $0x0  }
0x110: {  	s3 =	rddreg [dreg:$0x2];
	[bflag:$0x3] =	sbarrier.arrive $0xFFFF;
	s2 =	simm.s32 @!p0 $0x1C03  }
0x111: {  	[timem:s3], [sflag:s2] =	dma.local @!p0 [hbm:s0], s1  }
0x112: {  	s0 =	simm.s32 @!p0 $0x3  }
0x113: {  	_ =	swait.ge @!p0 [sflag:s0], s1  }
0x114: {  	s1 =	ssub.s32 @!p0 $0x0, s1;
	[sflag:s0] =	ssyncset.done @!p0 $0x0  }
0x115: {  	[sflag:s0] =	ssyncadd.s32 @!p0 s1  }
0x116: {  	[bflag:$0x3] =	sbarrier.arrive $0xFFFF  }
0x117: {  	_ =	shalt  }

// kernel: kernel.20.cloned.1.call-start
scs
__scs_entry_jumppad:
0x0: {  	(pc) =	sbr.rel $0x88, $3  }
0x1: {  	(tag) =	ssettag $0x0;
	lr =	simm.s32 $0x1  }
0x2: {  	[smem:$0x3F8E] =	sst lr;
	_ =	strace $0xD0000000  }
0x3: {  	_ = 	snop  }
0x4: {  	_ = 	snop  }
0x5: {  	_ = 	snop  }
0x6: {  	_ = 	snop  }
0x7: {  	_ = 	snop  }
__scs_overlays_trampoline_lowered:
0x8: {  	[smem:$0x3F9D] =	sst s0  }
0x9: {  	[smem:$0x3F9E] =	sst s1  }
0xa: {  	[smem:$0x3F9F] =	sst s2  }
0xb: {  	[smem:$0x3FA0] =	sst s3  }
0xc: {  	[smem:$0x3FA1] =	sst s4  }
0xd: {  	[smem:$0x3FA2] =	sst s5  }
0xe: {  	[smem:$0x3FA3] =	sst s6  }
0xf: {  	[smem:$0x3FA4] =	sst s7  }
0x10: {  	[smem:$0x3FA5] =	sst s8  }
0x11: {  	[smem:$0x3FA6] =	sst s9;
	s0 =	simm.s32 @!p0 $0x0  }
0x12: {  	s1 =	sld [smem:$0x3F8C];
	s0 =	simm.s32 @p0 $0x1  }
0x13: {  	[smem:$0x3FA7] =	sst s0;
	s0 =	simm.s32 @!p1 $0x0  }
0x14: {  	s2 =	sld [smem:$0x3F8B];
	s0 =	simm.s32 @p1 $0x1  }
0x15: {  	[smem:$0x3FA8] =	sst s0;
	s0 =	simm.s32 @!p2 $0x0  }
0x16: {  	s3 =	sld [smem:$0x3FDB];
	s0 =	simm.s32 @p2 $0x1  }
0x17: {  	s4 =	simm.s32 $0x1BF5;
	[smem:$0x3FAA] =	sst s0  }
0x18: {  	s0 =	sld [smem:$0x3F8D];
	_ =	swait.ge [sflag:s4], $0x0  }
0x19: {  	s7 =	sld [smem:$0x3F8E]  }
0x1a: {  	s8 =	sadd.s32 $0xFFFFE003, lr  }
0x1b: {  	s9 =	sadd.s32 $0xFFFFFEF7, lr;
	s5 =	simm.s32 $0xFFFFFFFF;
	p2 =	slt.u32 s8, $0xFFFFF086  }
0x1c: {  	p1 =	slt.u32 s9, $0xF7A;
	s5 =	simm.s32 @!p2 $0x0  }
0x1d: {  	s5 =	simm.s32 @p1 $0x1;
	p0 =	seq.s32 s7, s2  }
0x1e: {  	s7 =	smul.u32 @!p0 $0xF7A, s2;
	p2 =	seq.s32 @!p0 s5, $0x0  }
0x1f: {  	s9 =	smul.u32 $0xF7A, s1;
	s8 =	simm.s32 @!p0 $0x1BF5;
	p2 =	por !p2, p0  }
0x20: {  	[sflag:s8] =	ssyncset.s32 @!p0 $0xFFFFF086;
	s6 =	sadd.s32 @!p0 s3, s7;
	s7 =	simm.s32 @!p0 $0x108  }
0x21: {  	s3 =	sadd.s32 s3, s9;
	s6 =	sadd.s32 @!p0 $0x88, s6;
	s7 =	simm.s32 @p2 $0x1082  }
0x22: {  	[simem:s7], [sflag:s8] =	dma.local @!p0 [hbm:s6], $0xF7A  }
0x23: {  	s9 =	sor.u32 $0xD0000000, s2;
	s6 =	simm.s32 $0x108;
	_ =	swait.ge @!p0 [sflag:s8], $0x0  }
0x24: {  	s3 =	sadd.s32 $0x88, s3;
	s6 =	simm.s32 @!p1 $0x1082;
	[sflag:s4] =	ssyncset.s32 $0xFFFFF086  }
0x25: {  	[simem:s6], [sflag:s4] =	dma.local [hbm:s3], $0xF7A  }
0x26: {  	[smem:$0x3F8E] =	sst s1;
	(tag) =	ssettag s2;
	_ =	strace s9  }
0x27: {  	s1 =	sld [smem:$0x3F9E]  }
0x28: {  	s2 =	sld [smem:$0x3F9F]  }
0x29: {  	s4 =	sld [smem:$0x3FA1]  }
0x2a: {  	p0 =	seq.s32 s5, $0x0;
	s5 =	sld [smem:$0x3FA2]  }
0x2b: {  	s6 =	sld [smem:$0x3FA3]  }
0x2c: {  	s7 =	sld [smem:$0x3FA4]  }
0x2d: {  	s3 =	simm.s32 $0x108;
	s8 =	sld [smem:$0x3FA5]  }
0x2e: {  	s3 =	simm.s32 @!p0 $0x1082;
	s9 =	sld [smem:$0x3FA6]  }
0x2f: {  	lr =	sadd.s32 s0, s3;
	s0 =	sld [smem:$0x3F9D]  }
0x30: {  	s3 =	sld [smem:$0x3FA0]  }
0x31: {  	[smem:$0x3FA9] =	sst s10  }
0x32: {  	s10 =	sld [smem:$0x3FA7];
	_ =	sdelay $0x3  }
0x33: {  	p0 =	seq.s32 s10, $0x1;
	s10 =	sld [smem:$0x3FA9];
	_ =	sdelay $0x3  }
0x34: {  	[smem:$0x3FA9] =	sst s10  }
0x35: {  	s10 =	sld [smem:$0x3FA8];
	_ =	sdelay $0x3  }
0x36: {  	p1 =	seq.s32 s10, $0x1;
	s10 =	sld [smem:$0x3FA9];
	_ =	sdelay $0x3  }
0x37: {  	[smem:$0x3FA9] =	sst s10  }
0x38: {  	s10 =	sld [smem:$0x3FAA]  }
0x39: {  	_ = 	snop;
	(pc) =	sbr.ind lr, $3  }
0x3a: {  	_ = 	snop  }
0x3b: {  	_ = 	snop  }
0x3c: {  	p2 =	seq.s32 s10, $0x1;
	s10 =	sld [smem:$0x3FA9]  }
0x3d: {  	_ =	shalt  }
0x3e: {  	_ =	shalt  }
0x3f: {  	_ =	shalt  }
0x40: {  	_ =	shalt  }
0x41: {  	_ =	shalt  }
0x42: {  	_ =	shalt  }
0x43: {  	_ =	shalt  }
0x44: {  	_ =	shalt  }
0x45: {  	_ =	shalt  }
0x46: {  	_ =	shalt  }
0x47: {  	_ =	shalt  }
0x48: {  	_ =	shalt  }
0x49: {  	_ =	shalt  }
0x4a: {  	_ =	shalt  }
0x4b: {  	_ =	shalt  }
0x4c: {  	_ =	shalt  }
0x4d: {  	_ =	shalt  }
0x4e: {  	_ =	shalt  }
0x4f: {  	_ =	shalt  }
0x50: {  	_ =	shalt  }
0x51: {  	_ =	shalt  }
0x52: {  	_ =	shalt  }
0x53: {  	_ =	shalt  }
0x54: {  	_ =	shalt  }
0x55: {  	_ =	shalt  }
0x56: {  	_ =	shalt  }
0x57: {  	_ =	shalt  }
0x58: {  	_ =	shalt  }
0x59: {  	_ =	shalt  }
0x5a: {  	_ =	shalt  }
0x5b: {  	_ =	shalt  }
0x5c: {  	_ =	shalt  }
0x5d: {  	_ =	shalt  }
0x5e: {  	_ =	shalt  }
0x5f: {  	_ =	shalt  }
0x60: {  	_ =	shalt  }
0x61: {  	_ =	shalt  }
0x62: {  	_ =	shalt  }
0x63: {  	_ =	shalt  }
0x64: {  	_ =	shalt  }
0x65: {  	_ =	shalt  }
0x66: {  	_ =	shalt  }
0x67: {  	_ =	shalt  }
0x68: {  	_ =	shalt  }
0x69: {  	_ =	shalt  }
0x6a: {  	_ =	shalt  }
0x6b: {  	_ =	shalt  }
0x6c: {  	_ =	shalt  }
0x6d: {  	_ =	shalt  }
0x6e: {  	_ =	shalt  }
0x6f: {  	_ =	shalt  }
0x70: {  	_ =	shalt  }
0x71: {  	_ =	shalt  }
0x72: {  	_ =	shalt  }
0x73: {  	_ =	shalt  }
0x74: {  	_ =	shalt  }
0x75: {  	_ =	shalt  }
0x76: {  	_ =	shalt  }
0x77: {  	_ =	shalt  }
0x78: {  	_ =	shalt  }
0x79: {  	_ =	shalt  }
0x7a: {  	_ =	shalt  }
0x7b: {  	_ =	shalt  }
0x7c: {  	_ =	shalt  }
0x7d: {  	_ =	shalt  }
0x7e: {  	_ =	shalt  }
0x7f: {  	_ =	shalt  }
0x80: {  	_ =	shalt  }
0x81: {  	_ =	shalt  }
0x82: {  	_ =	shalt  }
0x83: {  	_ =	shalt  }
0x84: {  	_ =	shalt  }
0x85: {  	_ =	shalt  }
0x86: {  	_ =	shalt  }
0x87: {  	_ =	shalt  }
.Lfunc_end0:
.L_simem_size_0:
called_computation.3_lowered:
.L_overlay_start_0:
0x88: {  	s2 =	sld [smem:$0x3FD9]  }
0x89: {  	s3 =	sld [smem:$0x3FFE];
	_ =	sdelay $0x1  }
0x8a: {  	s1 =	srdreg.scid  }
0x8b: {  	s0 =	sand.u32 $0x1, s1  }
0x8c: {  	s16 =	sshll.u32 s0, $0xA;
	s2 =	sadd.s32 s3, s2  }
0x8d: {  	s2 =	sadd.s32 s2, s16  }
0x8e: {  	[smem:$0x3FB5] =	sst s2  }
0x8f: {  	_ = 	snop  }
0x90: {  	(tm) =	ssettm $0x1  }
0x91: {  	s17 =	sld [smem:$0x3FFB];
	_ =	sdelay $0x3  }
0x92: {  	_ =	strace s17  }
0x93: {  	s2 =	sld [smem:$0x3FFC];
	_ =	sdelay $0x3  }
0x94: {  	_ =	strace s2  }
0x95: {  	s2 =	sld [smem:$0x3FFD];
	_ =	sdelay $0x3  }
0x96: {  	_ =	strace s2  }
0x97: {  	_ =	strace $0x8FFFFFFF  }
0x98: {  	s18 =	sld [smem:$0x3FDB];
	_ =	sdelay $0x1  }
0x99: {  	s19 =	simm.s32 $_scs_section_size  }
0x9a: {  	s4 =	simm.s32 $_size__tile_overlayer_lowered;
	s5 =	simm.s32 $_tile_overlayer_lowered  }
0x9b: {  	s22 =	simm.s32 $0x1BFF;
	s21 =	sshll.u32 s5, $0x1;
	s2 =	sadd.s32 s19, s18  }
0x9c: {  	s6 =	simm.s32 $0x0;
	s20 =	sshll.u32 s4, $0x1;
	s4 =	sadd.s32 s21, s2  }
0x9d: {  	[timem:s6], [sflag:s22] =	dma.local [hbm:s4], s20  }
0x9e: {  	_ =	swait.ge [sflag:s22], s20  }
0x9f: {  	s3 =	ssub.s32 $0x0, s20;
	[sflag:s22] =	ssyncset.done $0x0  }
0xa0: {  	[sflag:s22] =	ssyncadd.s32 s3;
	_ =	sdelay $0x1  }
0xa1: {  	s23 =	simm.s32 $0x1B8B  }
0xa2: {  	_ =	swait.ge [sflag:s23], $0x1  }
0xa3: {  	[sflag:s23] =	ssyncset.done $0x0  }
0xa4: {  	s25 =	simm.s32 $0x1B8E;
	s24 =	sld [smem:$0x3FFE];
	[sflag:s23] =	ssyncadd.s32 $0xFFFFFFFF  }
0xa5: {  	s26 =	simm.s32 $execute0_lowered;
	[smem:$0x3FD2] =	sst s25  }
0xa6: {  	s4 =	sshll.u32 s26, $0x1;
	_ =	strace $0x8000004F;
	[dreg:$0x1] =	wrdreg $0xFFFFFFFF  }
0xa7: {  	s28 =	simm.s32 $_size_execute0_lowered;
	s2 =	sadd.s32 s2, s4;
	[dreg:$0x0] =	wrdreg $0x0  }
0xa8: {  	s4 =	sshll.u32 s28, $0x1;
	[dreg:$0x2] =	wrdreg s2  }
0xa9: {  	[dreg:$0x3] =	wrdreg s4  }
0xaa: {  	[dreg:$0x4] =	wrdreg $0xC0  }
0xab: {  	_ =	task [dreg:s6], $0x5FFFF  }
0xac: {  	[dreg:$0x1] =	wrdreg $0xFFFFFFFF  }
0xad: {  	[dreg:$0x0] =	wrdreg $0x60  }
0xae: {  	[dreg:$0x2] =	wrdreg s24  }
0xaf: {  	[dreg:$0x3] =	wrdreg $0x23C00  }
0xb0: {  	[dreg:$0x4] =	wrdreg $0x9  }
0xb1: {  	_ =	task.clear_ibuf [dreg:s6], $0x5FFFF;
	_ =	strace $0x9000004F  }
0xb2: {  	s29 =	simm.s32 $0x9;
	_ =	strace $0x80000051  }
0xb3: {  	_ =	swait.ge [sflag:s29], $0x1  }
0xb4: {  	[sflag:s29] =	ssyncadd.s32 $0xFFFFFFFF  }
0xb5: {  	_ =	strace $0x90000051  }
0xb6: {  	_ =	sfence  }
0xb7: {  	s30 =	sld [smem:$0x0];
	_ =	sdelay $0x2  }
0xb8: {  	s31 =	sshll.u32 s1, $0xD;
	s1 =	sshrl.u32 s1, $0x2  }
0xb9: {  	s3 =	sand.u32 $0x4000, s31;
	s1 =	sadd.s32 s1, s30  }
0xba: {  	s0 =	sor.u32 s3, s0;
	s1 =	sshll.u32 s1, $0x11  }
0xbb: {  	s0 =	sor.u32 s1, s0  }
0xbc: {  	s0 =	sadd.s32 $0x8F2B, s0  }
0xbd: {  	[sflag:s0] =	ssyncadd.remote.s32 $0x1  }
0xbe: {  	_ =	sfence.sel $0xFFFF  }
0xbf: {  	[dreg:$0x0] =	wrdreg $0xFFFFFFFF;
	(pc) =	sbr.abs _section_cstart, $3  }
0xc0: {  	[dreg:$0x1] =	wrdreg $0xFFFFFFFF  }
0xc1: {  	_ =	task.clear_ibuf [dreg:s6], $0x2FFFF;
	_ =	strace $0x9FFFFFFF  }
0xc2: {  	(tm) =	ssettm $0x7FFFFFFF  }
0xc3: {  	_ =	shalt  }
tec
execute0_lowered:
.L_overlay_start_1:
0x0: {  	(tag) =	ssettag $0x1  }
0x1: {  	s0 =	rddreg [dreg:$0x0]  }
0x2: {  	s2 =	rddreg [dreg:$0x1]  }
0x3: {  	s3 =	simm.s32 $0x0;
	s1 =	srdreg.scid;
	s15 =	stileid.u32  }
0x4: {  	s20 =	simm.s32 $0x23A0;
	s21 =	simm.s32 $0x3;
	s22 =	simm.s32 $0x14A0  }
0x5: {  	s23 =	simm.s32 $0x50;
	s24 =	simm.s32 $0x1;
	s28 =	simm.s32 $0xAA0  }
0x6: {  	s29 =	simm.s32 $0x0;
	s30 =	simm.s32 $0x0;
	[smem:$0x7FF] =	sst s3  }
0x7: {  	s1 =	sand.u32 $0x1, s1;
	s25 =	smul.u32 $0x7530, s15;
	s4 =	sadd.s32 $0x22200, s0  }
0x8: {  	s5 =	sadd.s32 $0x18400, s0;
	s6 =	sadd.s32 $0xE600, s0;
	s7 =	sadd.s32 $0x4800, s0  }
0x9: {  	s10 =	smul.u32 $0x1D4C0, s15;
	s17 =	sshll.u32 s15, $0x1;
	_ =	strace $0x80000050  }
0xa: {  	s8 =	smul.u32 $0x75300, s1;
	s11 =	ssub.s32 $0x2, s1;
	s1 =	sor.u32 s1, s17  }
0xb: {  	s26 =	sshrl.u32 s11, $0x1;
	s10 =	sshrl.u32 s10, $0x2;
	s17 =	smul.u32 $0x2710, s1  }
0xc: {  	s9 =	sadd.s32 s25, s8;
	s8 =	sadd.s32 $0x10C800, s0;
	s19 =	ssub.s32 s11, s26  }
0xd: {  	s31 =	sadd.s32 s10, s2;
	s26 =	simm.s32 $0xA0;
	s9 =	sshrl.u32 s9, $0x3  }
0xe: {  	s10 =	sadd.s32 $0xF00, s31;
	s11 =	sadd.s32 $0x1E00, s31;
	s12 =	sadd.s32 $0x2D00, s31  }
0xf: {  	s13 =	sadd.s32 $0x3C00, s31;
	s14 =	sadd.s32 $0x4B00, s31;
	s15 =	sadd.s32 $0x5A00, s31  }
0x10: {  	s16 =	sadd.s32 $0x6900, s31;
	s19 =	smax.u32 s19, $0x1;
	s0 =	sadd.s32 s9, s0  }
0x11: {  	v0 =	vimm.f32 $0.0e+00;
	vm0 =	vmmov $0x1;
	s9 =	sadd.s32 s25, s2;
	s25 =	simm.s32 $0x2;
	s18 =	sadd.s32 $0x2C000, s0  }
.LBB2_1:
0x12: {  	s0 =	simm.s32 $0x0  }
0x13: {  	[tilespmem:s20], [sflag:$0x3] =	stream.linear.gather [hbm4b:s8+s0], $0x20, $0x38;
	[tilespmem:$0x98F0] =	vst v63  }
0x14: {  	_ =	swait.ge [sflag:s21], $0x20  }
0x15: {  	[sflag:s21] =	ssyncset.done $0x0  }
0x16: {  	s1 =	simm.s32 $0x0;
	s0 =	simm.s32 $0xC0;
	[sflag:s21] =	ssyncadd.s32 $0xFFFFFFE0  }
.LBB2_2:
0x17: {  	p0 =	sne.s32 s0, $0x3B40;
	[tilespmem:s1+$0x14C0] =	vst v0;
	s3 =	smov.u32 s0;
	s0 =	sadd.s32 $0xC0, s0  }
.Ltmp0:
0x18: {  	[tilespmem:s1+$0x14A0] =	vst v0;
	(pc) =	sbr.rel @p0 .LBB2_2-.Ltmp0, $2  }
0x19: {  	[tilespmem:s1+$0x14B0] =	vst v0;
	_ =	sdelay $0x2  }
0x1a: {  	s1 =	sshra.s32 s3, $0x2  }
0x1b: {  	[tilespmem:s1+$0x14C0] =	vst v0  }
0x1c: {  	[tilespmem:s1+$0x14A0] =	vst v0  }
0x1d: {  	[tilespmem:s1+$0x14B0] =	vst v0  }
0x1e: {  	[spmem:s9] =	stream.linear.scatter [tilespmem:s22], [sflag:$0x3], $0xF00, $0x38;
	[tilespmem:$0x98F0] =	vst v63  }
0x1f: {  	_ =	swait.ge [sflag:s21], $0xF00  }
0x20: {  	[sflag:s21] =	ssyncset.done $0x0  }
0x21: {  	[sflag:s21] =	ssyncadd.s32 $0xFFFFF100  }
0x22: {  	[spmem:s10] =	stream.linear.scatter [tilespmem:s22], [sflag:$0x3], $0xF00, $0x38;
	[tilespmem:$0x98F0] =	vst v63  }
0x23: {  	_ =	swait.ge [sflag:s21], $0xF00  }
0x24: {  	[sflag:s21] =	ssyncset.done $0x0  }
0x25: {  	[sflag:s21] =	ssyncadd.s32 $0xFFFFF100  }
0x26: {  	[spmem:s11] =	stream.linear.scatter [tilespmem:s22], [sflag:$0x3], $0xF00, $0x38;
	[tilespmem:$0x98F0] =	vst v63  }
0x27: {  	_ =	swait.ge [sflag:s21], $0xF00  }
0x28: {  	[sflag:s21] =	ssyncset.done $0x0  }
0x29: {  	[sflag:s21] =	ssyncadd.s32 $0xFFFFF100  }
0x2a: {  	[spmem:s12] =	stream.linear.scatter [tilespmem:s22], [sflag:$0x3], $0xF00, $0x38;
	[tilespmem:$0x98F0] =	vst v63  }
0x2b: {  	_ =	swait.ge [sflag:s21], $0xF00  }
0x2c: {  	[sflag:s21] =	ssyncset.done $0x0  }
0x2d: {  	[sflag:s21] =	ssyncadd.s32 $0xFFFFF100  }
0x2e: {  	[spmem:s13] =	stream.linear.scatter [tilespmem:s22], [sflag:$0x3], $0xF00, $0x38;
	[tilespmem:$0x98F0] =	vst v63  }
0x2f: {  	_ =	swait.ge [sflag:s21], $0xF00  }
0x30: {  	[sflag:s21] =	ssyncset.done $0x0  }
0x31: {  	[sflag:s21] =	ssyncadd.s32 $0xFFFFF100  }
0x32: {  	[spmem:s14] =	stream.linear.scatter [tilespmem:s22], [sflag:$0x3], $0xF00, $0x38;
	[tilespmem:$0x98F0] =	vst v63  }
0x33: {  	_ =	swait.ge [sflag:s21], $0xF00  }
0x34: {  	[sflag:s21] =	ssyncset.done $0x0  }
0x35: {  	[sflag:s21] =	ssyncadd.s32 $0xFFFFF100  }
0x36: {  	[spmem:s15] =	stream.linear.scatter [tilespmem:s22], [sflag:$0x3], $0xF00, $0x38;
	[tilespmem:$0x98F0] =	vst v63  }
0x37: {  	_ =	swait.ge [sflag:s21], $0xF00  }
0x38: {  	[sflag:s21] =	ssyncset.done $0x0  }
0x39: {  	[sflag:s21] =	ssyncadd.s32 $0xFFFFF100  }
0x3a: {  	[spmem:s16] =	stream.linear.scatter [tilespmem:s22], [sflag:$0x3], $0xC30, $0x38;
	[tilespmem:$0x98F0] =	vst v63  }
0x3b: {  	_ =	swait.ge [sflag:s21], $0xC30  }
0x3c: {  	[sflag:s21] =	ssyncset.done $0x0  }
0x3d: {  	[sflag:s21] =	ssyncadd.s32 $0xFFFFF3D0  }
0x3e: {  	[bflag:$0x0] =	sbarrier.arrive $0xFFFF  }
0x3f: {  	v1 =	vld [tilespmem:$0x23A0]  }
0x40: {  	s31 =	simm.s32 $0x0;
	v2 =	vld [tilespmem:$0x23B0]  }
.LBB2_4:
0x41: {  	s0 =	smul.u32 $0x50, s31;
	_ =	sdelay $0x1  }
0x42: {  	s0 =	sadd.s32 s17, s0  }
0x43: {  	s0 =	sshrl.u32 s0, $0x3  }
0x44: {  	s1 =	sadd.s32 s6, s0  }
0x45: {  	[tilespmem:s30], [sflag:$0x1] =	stream.linear.gather [hbm4b:s1+s30], $0x50, $0x38;
	[tilespmem:$0x98F0] =	vst v63  }
0x46: {  	s0 =	sadd.s32 s7, s0  }
0x47: {  	[tilespmem:s23], [sflag:$0x2] =	stream.linear.gather [hbm4b:s0+s30], $0x50, $0x38;
	[tilespmem:$0x98F0] =	vst v63  }
0x48: {  	_ =	swait.ge [sflag:s24], $0x50  }
0x49: {  	[sflag:s24] =	ssyncset.done $0x0  }
0x4a: {  	[sflag:s24] =	ssyncadd.s32 $0xFFFFFFB0  }
0x4b: {  	_ =	swait.ge [sflag:s25], $0x50  }
0x4c: {  	[sflag:s25] =	ssyncset.done $0x0  }
0x4d: {  	[sflag:s25] =	ssyncadd.s32 $0xFFFFFFB0  }
0x4e: {  	[tilespmem:s26], [sflag:$0x1] =	stream.indirect.gather [hbm4b:s4+s23], $0x20, s30, s23, $0xb8;
	[tilespmem:$0x98F0] =	vst v63  }
0x4f: {  	_ = 	snop  }
0x50: {  	[tilespmem:s28], [sflag:$0x2] =	stream.indirect.gather [hbm4b:s5+s23], $0x20, s23, s23, $0xb8;
	[tilespmem:$0x98F0] =	vst v63  }
0x51: {  	_ =	swait.ge [sflag:s24], $0xA00  }
0x52: {  	[sflag:s24] =	ssyncset.done $0x0  }
0x53: {  	[sflag:s24] =	ssyncadd.s32 $0xFFFFF600  }
0x54: {  	_ =	swait.ge [sflag:s25], $0xA00  }
0x55: {  	[sflag:s25] =	ssyncset.done $0x0  }
0x56: {  	s3 =	simm.s32 $0x0;
	[sflag:s25] =	ssyncadd.s32 $0xFFFFF600  }
0x57: {  	v3 =	vld [tilespmem:s3+$0xAA0]  }
0x58: {  	v4 =	vld [tilespmem:s3+$0xA0]  }
0x59: {  	v5 =	vld [tilespmem:s3+$0xB0]  }
0x5a: {  	v6 =	vld [tilespmem:s3+$0xAB0];
	_ =	sdelay $0x2  }
0x5b: {  	v3 =	vadd.f32 v3, v4;
	_ =	sdelay $0x1  }
0x5c: {  	v6 =	vadd.f32 v6, v5;
	v7 =	vmul.f32 $2.000000030e-01, v3;
	_ =	sdelay $0x1  }
0x5d: {  	v62 =	vmul.f32 $2.000000030e-01, v6;
	v3 =	vmax.f32 v3, v7  }
0x5e: {  	v3 =	vmul.f32 v3, v1  }
0x5f: {  	v6 =	vmax.f32 v6, v62  }
0x60: {  	v6 =	vmul.f32 v6, v2;
	v3 =	vadd.f32 $0.0e+00, v3;
	_ =	sdelay $0x1  }
0x61: {  	v3 =	vadd.f32 v6, v3;
	_ =	sdelay $0x1  }
0x62: {  	(xrf2) =	vadd.scan.msk.f32 $0xffff, v3;
	_ =	sdelay $0x9  }
0x63: {  	v3, _, _ =	vpop (xrf2)  }
0x64: {  	v3 =	vmul.f32 $1.442695020e+00, v3;
	_ =	sdelay $0x1  }
0x65: {  	v3 =	vbroadcast v3, $0xF;
	_ =	sdelay $0x1  }
0x66: {  	(erf) = vpow2.f32 v3;
	_ =	sdelay $0x8  }
0x67: {  	v3 =	vpop (erf)  }
0x68: {  	v5 =	vmul.f32 v3, v5  }
0x69: {  	s0 =	simm.s32 $0x14C0;
	v63 =	vnsel vm0, $0x0, v3;
	v3 =	vmul.f32 v3, v4  }
0x6a: {  	v6 =	vadd.f32 $0.0e+00, v63;
	[tilespmem:s0+$0xFFFFFFF0] =	vst v5  }
0x6b: {  	[tilespmem:s0+$0xFFFFFFE0] =	vst v3  }
0x6c: {  	s1 =	simm.s32 $0x20;
	[tilespmem:s0+$0x0] =	vst v6  }
0x6d: {  	s3 =	simm.s32 $0x100;
	v3 =	vld [tilespmem:s1+$0xAA0]  }
.LBB2_5:
0x6e: {  	p0 =	sne.s32 s3, $0x2780;
	v4 =	vld [tilespmem:s1+$0xA0]  }
0x6f: {  	v5 =	vld [tilespmem:s1+$0xB0]  }
0x70: {  	v6 =	vld [tilespmem:s1+$0xAB0];
	_ =	sdelay $0x2  }
0x71: {  	v3 =	vadd.f32 v3, v4;
	_ =	sdelay $0x1  }
0x72: {  	v7 =	vmul.f32 $2.000000030e-01, v3;
	v6 =	vadd.f32 v6, v5;
	_ =	sdelay $0x1  }
0x73: {  	v3 =	vmax.f32 v3, v7;
	v7 =	vmul.f32 $2.000000030e-01, v6  }
0x74: {  	v3 =	vmul.f32 v3, v1  }
0x75: {  	v6 =	vmax.f32 v6, v7  }
0x76: {  	v3 =	vadd.f32 $0.0e+00, v3;
	v6 =	vmul.f32 v6, v2;
	_ =	sdelay $0x1  }
0x77: {  	v3 =	vadd.f32 v6, v3;
	_ =	sdelay $0x1  }
0x78: {  	(xrf2) =	vadd.scan.msk.f32 $0xffff, v3;
	_ =	sdelay $0x9  }
0x79: {  	v3, _, _ =	vpop (xrf2)  }
0x7a: {  	v3 =	vmul.f32 $1.442695020e+00, v3;
	_ =	sdelay $0x1  }
0x7b: {  	v3 =	vbroadcast v3, $0xF;
	_ =	sdelay $0x1  }
0x7c: {  	(erf) = vpow2.f32 v3;
	_ =	sdelay $0x8  }
0x7d: {  	v3 =	vpop (erf)  }
0x7e: {  	v4 =	vmul.f32 v3, v4;
	v5 =	vmul.f32 v3, v5;
	v3 =	vnsel vm0, $0x0, v3  }
.Ltmp1:
0x7f: {  	s0 =	sadd.s32 $0x30, s0;
	v3 =	vadd.f32 $0.0e+00, v3;
	(pc) =	sbr.rel @p0 .LBB2_5-.Ltmp1, $4  }
0x80: {  	[tilespmem:s0+$0xFFFFFFF0] =	vst v5  }
0x81: {  	[tilespmem:s0+$0x0] =	vst v3  }
0x82: {  	s1 =	sshra.s32 s3, $0x2;
	[tilespmem:s0+$0xFFFFFFE0] =	vst v4  }
0x83: {  	s3 =	sadd.s32 $0x80, s3;
	v3 =	vld [tilespmem:s1+$0xAA0]  }
0x84: {  	v4 =	vld [tilespmem:s1+$0xA0]  }
0x85: {  	v5 =	vld [tilespmem:s1+$0xB0]  }
0x86: {  	v6 =	vld [tilespmem:s1+$0xAB0];
	_ =	sdelay $0x2  }
0x87: {  	v3 =	vadd.f32 v3, v4;
	_ =	sdelay $0x1  }
0x88: {  	v6 =	vadd.f32 v6, v5;
	v7 =	vmul.f32 $2.000000030e-01, v3;
	_ =	sdelay $0x1  }
0x89: {  	v62 =	vmul.f32 $2.000000030e-01, v6;
	v3 =	vmax.f32 v3, v7  }
0x8a: {  	v3 =	vmul.f32 v3, v1  }
0x8b: {  	v6 =	vmax.f32 v6, v62  }
0x8c: {  	v6 =	vmul.f32 v6, v2;
	v3 =	vadd.f32 $0.0e+00, v3;
	_ =	sdelay $0x1  }
0x8d: {  	v3 =	vadd.f32 v6, v3;
	_ =	sdelay $0x1  }
0x8e: {  	(xrf2) =	vadd.scan.msk.f32 $0xffff, v3;
	_ =	sdelay $0x9  }
0x8f: {  	v3, _, _ =	vpop (xrf2)  }
0x90: {  	v3 =	vmul.f32 $1.442695020e+00, v3;
	_ =	sdelay $0x1  }
0x91: {  	v3 =	vbroadcast v3, $0xF;
	_ =	sdelay $0x1  }
0x92: {  	(erf) = vpow2.f32 v3;
	_ =	sdelay $0x8  }
0x93: {  	v3 =	vpop (erf)  }
0x94: {  	v5 =	vmul.f32 v3, v5  }
0x95: {  	s0 =	sadd.s32 $0x30, s0;
	v63 =	vnsel vm0, $0x0, v3;
	v3 =	vmul.f32 v3, v4  }
0x96: {  	s31 =	sadd.s32 $0x1, s31;
	v6 =	vadd.f32 $0.0e+00, v63;
	[tilespmem:s0+$0xFFFFFFF0] =	vst v5  }
0x97: {  	p0 =	sne.s32 s31, $0x7D;
	[tilespmem:s0+$0xFFFFFFE0] =	vst v3  }
.Ltmp2:
0x98: {  	[tilespmem:s0+$0x0] =	vst v6;
	(pc) =	sbr.rel @p0 .LBB2_4-.Ltmp2, $4  }
0x99: {  	[spmem:s2] =	stream.indirect.scatter.add.f32 [tilespmem:s22], [sflag:$0x3], $0x30, s23, s23, $0xb8;
	[tilespmem:$0x98F0] =	vst v63  }
0x9a: {  	_ =	swait.ge [sflag:s21], $0xF00  }
0x9b: {  	[sflag:s21] =	ssyncset.done $0x0  }
0x9c: {  	[sflag:s21] =	ssyncadd.s32 $0xFFFFF100  }
0x9d: {  	s0 =	stileid.u32;
	s29 =	sadd.s32 $0x1, s29  }
0x9e: {  	[bflag:$0x0] =	sbarrier.arrive $0xFFFF;
	s0 =	sshll.u32 s0, $0x6;
	p0 =	sne.s32 s29, s19  }
.Ltmp3:
0x9f: {  	s1 =	sshrl.u32 s9, $0x3;
	s0 =	sor.u32 $0x1C03, s0;
	(pc) =	sbr.rel @p0 .LBB2_1-.Ltmp3, $4  }
0xa0: {  	[hbm:s18], [sflag:s0] =	dma.local [spmem:s1], $0xEA6  }
0xa1: {  	_ =	swait.ge [sflag:s21], $0xEA6  }
0xa2: {  	[sflag:s21] =	ssyncset.done $0x0  }
0xa3: {  	[sflag:s21] =	ssyncadd.s32 $0xFFFFF15A  }
0xa4: {  	_ =	sfence.sel $0x180000  }
0xa5: {  	[bflag:$0x0] =	sbarrier.arrive $0xFFFF  }
0xa6: {  	_ =	strace $0x90000050  }
0xa7: {  	s0 =	stileid.u32;
	[bflag:$0x2] =	sbarrier.arrive $0xFFFF  }
0xa8: {  	p0 =	sne.s32 s0, $0x0;
	s0 =	rddreg [dreg:$0x2]  }
0xa9: {  	s0 =	sadd.s32 @!p0 $0x100000, s0  }
0xaa: {  	[sflag:s0] =	ssyncadd.tile.s32 @!p0 $0x1;
	_ =	shalt  }
.Lfunc_end2:
_tile_overlayer_lowered:
.L_overlay_start_2:
0xab: {  	(tag) =	ssettag $0x2  }
0xac: {  	s0 =	rddreg [dreg:$0x0];
	s2 =	stileid.u32  }
0xad: {  	s1 =	rddreg [dreg:$0x1];
	p0 =	sne.s32 s2, $0x0  }
0xae: {  	s3 =	rddreg [dreg:$0x2];
	[bflag:$0x3] =	sbarrier.arrive $0xFFFF;
	s2 =	simm.s32 @!p0 $0x1C03  }
0xaf: {  	[timem:s3], [sflag:s2] =	dma.local @!p0 [hbm:s0], s1  }
0xb0: {  	s0 =	simm.s32 @!p0 $0x3  }
0xb1: {  	_ =	swait.ge @!p0 [sflag:s0], s1  }
0xb2: {  	s1 =	ssub.s32 @!p0 $0x0, s1;
	[sflag:s0] =	ssyncset.done @!p0 $0x0  }
0xb3: {  	[sflag:s0] =	ssyncadd.s32 @!p0 s1  }
0xb4: {  	[bflag:$0x3] =	sbarrier.arrive $0xFFFF  }
0xb5: {  	_ =	shalt  }

</sc_bundles>
